<compile_context>
chip_gen: v7x
topology: tpu7x:2x2x1
jax: 0.10.2.dev20260603
libtpu: 0.0.44.dev20260713+nightly
codegen_flags: <defaults>
</compile_context>

<pallas_src>
import functools

import jax
import jax.numpy as jnp
from jax import lax
from jax.experimental import pallas as pl
from jax.experimental.pallas import tpu as pltpu
from jax.experimental.pallas import tpu_sc as plsc


def _leaky(x):
    return jnp.where(x >= 0, x, 0.01 * x)


def _hq_body(h_ref, qw_ref, qb_ref, out_ref, *, hw):
    x = lax.dot_general(h_ref[...], qw_ref[...],
                        (((1,), (1,)), ((), ())),
                        preferred_element_type=jnp.float32)
    x = _leaky(x + qb_ref[...]).astype(jnp.bfloat16)
    xi = lax.bitcast_convert_type(x, jnp.uint16).astype(jnp.int32)
    out_ref[...] = xi[:, :hw] | (xi[:, hw:] << 16)


def _make_hq(h, Q_w, Q_b):
    n, in_f = h.shape
    hid = Q_w.shape[0]
    hw = hid // 2
    blk = 2000
    return pl.pallas_call(
        functools.partial(_hq_body, hw=hw),
        grid=(n // blk,),
        in_specs=[
            pl.BlockSpec((blk, in_f), lambda i: (i, 0)),
            pl.BlockSpec((hid, in_f), lambda i: (0, 0)),
            pl.BlockSpec((1, hid), lambda i: (0, 0)),
        ],
        out_specs=pl.BlockSpec((blk, hw), lambda i: (i, 0)),
        out_shape=jax.ShapeDtypeStruct((n, hw), jnp.int32),
    )(h, Q_w, Q_b.reshape(1, hid))


def _make_sc_agg(in_f, hid, bp, t, nw, nc):
    L = 16
    b_per_w = bp // nw
    C = 16
    G = (C * t) // 128
    n_j = hid // L
    nch = b_per_w // C
    ns_c = 160
    ns_rounds = b_per_w // ns_c

    mesh = plsc.VectorSubcoreMesh(core_axis_name="c", subcore_axis_name="s")

    @functools.partial(
        pl.kernel,
        mesh=mesh,
        compiler_params=pltpu.CompilerParams(use_tc_tiling_on_sc=False),
        out_type=[
            jax.ShapeDtypeStruct((bp, hid), jnp.float32),
            jax.ShapeDtypeStruct((bp, in_f), jnp.float32),
        ],
        scratch_types=[
            pltpu.VMEM((b_per_w * t,), jnp.int32),
            pltpu.VMEM((b_per_w * t,), jnp.float32),
            pltpu.VMEM((C * t, hid // 2), jnp.int32),
            pltpu.VMEM((C * t, hid // 2), jnp.int32),
            pltpu.VMEM((C, hid), jnp.float32),
            pltpu.VMEM((C, hid), jnp.float32),
            pltpu.VMEM((b_per_w,), jnp.int32),
            pltpu.VMEM((ns_c, in_f), jnp.float32),
            pltpu.SemaphoreType.DMA,
            pltpu.SemaphoreType.DMA,
            pltpu.SemaphoreType.DMA,
            pltpu.SemaphoreType.DMA,
            pltpu.SemaphoreType.DMA,
        ],
    )
    def sc_agg(hq_hbm, h_hbm, ns_hbm, nb_hbm, w_hbm, agg_out, hns_out,
               idx_all, w_all, rows_a, rows_b, agg_a, agg_b,
               nsidx_v, hrows_v, sem_a, sem_b, sem_oa, sem_ob, sem_ns):
        wid = lax.axis_index("s") * nc + lax.axis_index("c")
        base = wid * b_per_w

        pltpu.sync_copy(ns_hbm.at[pl.ds(base, b_per_w)], nsidx_v)

        def start_gathers(c, rows_v, sem):
            for k in range(G):
                pltpu.async_copy(
                    hq_hbm.at[idx_all.at[pl.ds(c * C * t + k * 128, 128)]],
                    rows_v.at[pl.ds(k * 128, 128)], sem)

        def wait_gathers(rows_v, sem):
            for k in range(G):
                pltpu.make_async_copy(
                    hq_hbm.at[idx_all.at[pl.ds(k * 128, 128)]],
                    rows_v.at[pl.ds(k * 128, 128)], sem).wait()

        def compute(c, rows_v, agg_v):
            def node(i, _):
                nb_off = (c * C + i) * t
                accs = [jnp.zeros((L,), jnp.float32) for _ in range(n_j)]
                wrow = [w_all[pl.ds(nb_off + g * L, L)]
                        for g in range(t // L)]
                for tt in range(t):
                    wspl = jnp.full((L,), wrow[tt // L][tt % L],
                                    dtype=jnp.float32)
                    for g in range(n_j // 2):
                        w32 = rows_v[i * t + tt, pl.ds(g * L, L)]
                        ua = lax.bitcast_convert_type(w32 << 16, jnp.float32)
                        ub = lax.bitcast_convert_type(
                            w32 & jnp.int32(-65536), jnp.float32)
                        accs[2 * g] = accs[2 * g] + wspl * ua
                        accs[2 * g + 1] = accs[2 * g + 1] + wspl * ub
                for j in range(n_j):
                    agg_v[i, pl.ds(j * L, L)] = accs[j]
                return 0

            lax.fori_loop(0, C, node, 0)

        def drain_out(agg_v, sem):
            pltpu.make_async_copy(agg_v, agg_out.at[pl.ds(0, C)], sem).wait()

        pltpu.sync_copy(nb_hbm.at[pl.ds(base * t, b_per_w * t)], idx_all)
        pltpu.sync_copy(w_hbm.at[pl.ds(base * t, b_per_w * t)], w_all)
        start_gathers(0, rows_a, sem_a)

        def pair(cp, _):
            c0 = 2 * cp
            c1 = c0 + 1
            start_gathers(c1, rows_b, sem_b)

            @pl.when(cp > 0)
            def _():
                drain_out(agg_a, sem_oa)
            wait_gathers(rows_a, sem_a)
            compute(c0, rows_a, agg_a)
            pltpu.async_copy(agg_a, agg_out.at[pl.ds(base + c0 * C, C)],
                             sem_oa)

            @pl.when(c1 + 1 < nch)
            def _():
                start_gathers(c1 + 1, rows_a, sem_a)

            @pl.when(cp > 0)
            def _():
                drain_out(agg_b, sem_ob)
            wait_gathers(rows_b, sem_b)
            compute(c1, rows_b, agg_b)
            pltpu.async_copy(agg_b, agg_out.at[pl.ds(base + c1 * C, C)],
                             sem_ob)
            return 0

        lax.fori_loop(0, nch // 2, pair, 0)
        drain_out(agg_a, sem_oa)
        drain_out(agg_b, sem_ob)

        for r in range(ns_rounds):
            cps = []
            for k in range((ns_c + 127) // 128):
                sz = min(128, ns_c - k * 128)
                cps.append(pltpu.async_copy(
                    h_hbm.at[nsidx_v.at[pl.ds(r * ns_c + k * 128, sz)]],
                    hrows_v.at[pl.ds(k * 128, sz)], sem_ns))
            for cp in cps:
                cp.wait()
            pltpu.sync_copy(hrows_v, hns_out.at[pl.ds(base + r * ns_c, ns_c)])

    return sc_agg


def _out_body(hns_ref, agg_ref, nbw_ref, w_ref, wb_ref, out_ref, *, in_f):
    ws = jnp.sum(nbw_ref[...], axis=1, keepdims=True)
    ws = jnp.where(ws == 0, 1.0, ws)
    agg = agg_ref[...] / ws
    w = w_ref[...]
    y = lax.dot_general(hns_ref[...], w[:, :in_f],
                        (((1,), (1,)), ((), ())),
                        preferred_element_type=jnp.float32)
    y = y + lax.dot_general(agg, w[:, in_f:],
                            (((1,), (1,)), ((), ())),
                            preferred_element_type=jnp.float32)
    y = _leaky(y + wb_ref[...])
    norm = jnp.sqrt(jnp.sum(y * y, axis=1, keepdims=True))
    norm = jnp.where(norm == 0, 1.0, norm)
    out_ref[...] = y / norm


def kernel(h, nodeset, nb_nodes, nb_weights, Q_w, Q_b, W_w, W_b):
    n_total, in_f = h.shape
    b, t = nb_nodes.shape
    hid = Q_w.shape[0]
    out_f = W_w.shape[0]

    info = plsc.get_sparse_core_info()
    nc, n_sub = info.num_cores, info.num_subcores
    nw = nc * n_sub

    chunk = 64 * nw
    bp = ((b + chunk - 1) // chunk) * chunk
    pad = bp - b
    ns_p = jnp.pad(nodeset.astype(jnp.int32), (0, pad))
    nb_p = jnp.pad(nb_nodes.astype(jnp.int32).reshape(-1), (0, pad * t))
    w_p = jnp.pad(nb_weights.reshape(-1), (0, pad * t))

    perm = []
    for g in range(hid // 32):
        perm.extend(range(32 * g, 32 * g + 16))
    for g in range(hid // 32):
        perm.extend(range(32 * g + 16, 32 * g + 32))
    perm = jnp.asarray(perm, dtype=jnp.int32)

    hq = _make_hq(h, Q_w[perm, :], Q_b[perm])
    hw = hid // 2
    hq = lax.optimization_barrier(hq.reshape(n_total // 4, 4 * hw))
    hq = hq.reshape(n_total, hw)
    agg, hns = _make_sc_agg(in_f, hid, bp, t, nw, nc)(hq, h, ns_p, nb_p, w_p)

    blk = 1000
    out = pl.pallas_call(
        functools.partial(_out_body, in_f=in_f),
        grid=(b // blk,),
        in_specs=[
            pl.BlockSpec((blk, in_f), lambda i: (i, 0)),
            pl.BlockSpec((blk, hid), lambda i: (i, 0)),
            pl.BlockSpec((blk, t), lambda i: (i, 0)),
            pl.BlockSpec((out_f, in_f + hid), lambda i: (0, 0)),
            pl.BlockSpec((1, out_f), lambda i: (0, 0)),
        ],
        out_specs=pl.BlockSpec((blk, out_f), lambda i: (i, 0)),
        out_shape=jax.ShapeDtypeStruct((b, out_f), jnp.float32),
    )(hns, agg, nb_weights, W_w, W_b.reshape(1, out_f))
    return out

# --- scband reference (transcript-rebuilt; emitter-appended) ---
"""Pipeline reference for scband-pin-sage-conv-24481313587344 (READ-ONLY COPY).

The authoritative reference and input builder live on the scoring server;
editing this copy changes nothing except your own understanding.
"""

import jax, jax.numpy as jnp
import numpy as np

IN_F, HID_F, OUT_F = 128, 64, 128
N_TOTAL, N_BATCH, T = 100000, 10000, 32


def setup_inputs(seed: int = 0) -> dict:
    key = jax.random.key(seed)
    k_h, k_ns, k_nb, k_w, k_q, k_W = jax.random.split(key, 6)
    h = jax.random.normal(k_h, (N_TOTAL, IN_F), dtype=jnp.float32)
    nodeset = jax.random.randint(k_ns, (N_BATCH,), 0, N_TOTAL, dtype=jnp.int64) if jax.config.jax_enable_x64 else jax.random.randint(k_ns, (N_BATCH,), 0, N_TOTAL, dtype=jnp.int32)
    nb_nodes = jax.random.randint(k_nb, (N_BATCH, T), 0, N_TOTAL, dtype=nodeset.dtype)
    nb_weights = jax.random.uniform(k_w, (N_BATCH, T), dtype=jnp.float32)
    # xavier_uniform with leaky_relu gain (negative_slope default 0.01 -> gain = sqrt(2/(1+0.01^2)))
    gain = float(np.sqrt(2.0 / (1.0 + 0.01 ** 2)))
    def xavier(k, shape):
        fan_out, fan_in = shape
        limit = gain * float(np.sqrt(6.0 / (fan_in + fan_out)))
        return jax.random.uniform(k, shape, minval=-limit, maxval=limit, dtype=jnp.float32)
    Q_w = xavier(k_q, (HID_F, IN_F))
    Q_b = jnp.zeros((HID_F,), dtype=jnp.float32)
    W_w = xavier(k_W, (OUT_F, IN_F + HID_F))
    W_b = jnp.zeros((OUT_F,), dtype=jnp.float32)
    return {"h": h, "nodeset": nodeset, "nb_nodes": nb_nodes, "nb_weights": nb_weights,
            "Q_w": Q_w, "Q_b": Q_b, "W_w": W_w, "W_b": W_b}


def _safediv(a, b):
    b = jnp.where(b == 0, jnp.ones_like(b), b)
    return a / b


def reference(h, nodeset, nb_nodes, nb_weights, Q_w, Q_b, W_w, W_b):
    n_nodes, T_ = nb_nodes.shape
    h_nodeset = jnp.take(h, nodeset, axis=0)
    h_neighbors = jnp.take(h, nb_nodes.reshape(-1), axis=0).reshape(n_nodes, T_, h.shape[1])
    h_neighbors = jax.nn.leaky_relu(jnp.einsum('ntf,hf->nth', h_neighbors, Q_w) + Q_b, negative_slope=0.01)
    h_agg = _safediv((nb_weights[:, :, None] * h_neighbors).sum(1), nb_weights.sum(1, keepdims=True))
    h_concat = jnp.concatenate([h_nodeset, h_agg], axis=1)
    h_new = jax.nn.leaky_relu(h_concat @ W_w.T + W_b, negative_slope=0.01)
    h_new = _safediv(h_new, jnp.linalg.norm(h_new, axis=1, keepdims=True))
    return h_new

if __name__ == "__main__":
    import jax
    _d = setup_inputs()
    print(jax.jit(kernel)(*tuple(_d.values())))

</pallas_src>

<mosaic_0001>
#map = affine_map<(d0, d1) -> (0, 0)>
#map1 = affine_map<(d0, d1) -> (0)>
module attributes {stable_mosaic.version = 14 : i64} {
  func.func @sc_agg(%arg0: i32, %arg1: i32, %arg2: memref<100000x32xi32, #tpu.memory_space<hbm>>, %arg3: memref<100000x128xf32, #tpu.memory_space<hbm>>, %arg4: memref<10240xi32, #tpu.memory_space<hbm>>, %arg5: memref<327680xi32, #tpu.memory_space<hbm>>, %arg6: memref<327680xf32, #tpu.memory_space<hbm>>, %arg7: memref<10240x64xf32, #tpu.memory_space<hbm>>, %arg8: memref<10240x128xf32, #tpu.memory_space<hbm>>, %arg9: memref<10240xi32, #tpu.memory_space<vmem>>, %arg10: memref<10240xf32, #tpu.memory_space<vmem>>, %arg11: memref<512x32xi32, #tpu.memory_space<vmem>>, %arg12: memref<512x32xi32, #tpu.memory_space<vmem>>, %arg13: memref<16x64xf32, #tpu.memory_space<vmem>>, %arg14: memref<16x64xf32, #tpu.memory_space<vmem>>, %arg15: memref<320xi32, #tpu.memory_space<vmem>>, %arg16: memref<160x128xf32, #tpu.memory_space<vmem>>, %arg17: memref<!tpu.dma_semaphore, #tpu.memory_space<semaphore_mem>>, %arg18: memref<!tpu.dma_semaphore, #tpu.memory_space<semaphore_mem>>, %arg19: memref<!tpu.dma_semaphore, #tpu.memory_space<semaphore_mem>>, %arg20: memref<!tpu.dma_semaphore, #tpu.memory_space<semaphore_mem>>, %arg21: memref<!tpu.dma_semaphore, #tpu.memory_space<semaphore_mem>>) attributes {dimension_semantics = [#tpu.dimension_semantics<core_parallel>, #tpu.dimension_semantics<subcore_parallel>], iteration_bounds = array<i64: 2, 16>, scalar_prefetch = 0 : i64, scratch_operands = 13 : i64, tpu.core_type = #tpu.core_type<sc_vector_subcore>, window_params = [{transform_indices = #map}, {transform_indices = #map}, {transform_indices = #map1}, {transform_indices = #map1}, {transform_indices = #map1}, {transform_indices = #map}, {transform_indices = #map}]} {
    %mul3A = arith.constant 2 : i32
    %mul3A_0 = arith.muli %arg1, %mul3A : i32
    %add3A = arith.addi %mul3A_0, %arg0 : i32
    %mul3A_1 = arith.constant 320 : i32
    %mul3A_2 = arith.muli %add3A, %mul3A_1 : i32
    "tpu.region"() ({
      %run_scoped3A = tpu.sem_alloc : memref<!tpu.dma_semaphore, #tpu.memory_space<semaphore_mem>>
      %dma_start3A_123 = tpu.memref_slice %arg4[%mul3A_2] : memref<10240xi32, #tpu.memory_space<hbm>> -> memref<320xi32, #tpu.memory_space<hbm>>
      %dma_start3A_124 = tpu.memref_slice %arg4[%mul3A_2] : memref<10240xi32, #tpu.memory_space<hbm>> -> memref<320xi32, #tpu.memory_space<hbm>>
      tpu.enqueue_dma source(%dma_start3A_124 : memref<320xi32, #tpu.memory_space<hbm>>) target(%arg15 : memref<320xi32, #tpu.memory_space<vmem>>) target_semaphore(%run_scoped3A : memref<!tpu.dma_semaphore, #tpu.memory_space<semaphore_mem>>)
      %dma_wait3A_125 = tpu.memref_slice %arg4[%mul3A_2] : memref<10240xi32, #tpu.memory_space<hbm>> -> memref<320xi32, #tpu.memory_space<hbm>>
      %dma_wait3A_126 = tpu.memref_slice %arg4[%mul3A_2] : memref<10240xi32, #tpu.memory_space<hbm>> -> memref<320xi32, #tpu.memory_space<hbm>>
      tpu.wait_dma2 semaphore(%run_scoped3A : memref<!tpu.dma_semaphore, #tpu.memory_space<semaphore_mem>>) src(%dma_wait3A_126 : memref<320xi32, #tpu.memory_space<hbm>>) dst(%arg15 : memref<320xi32, #tpu.memory_space<vmem>>)
      tpu.yield
    }) : () -> ()
    %mul3A_3 = arith.constant 32 : i32
    %mul3A_4 = arith.muli %mul3A_2, %mul3A_3 : i32
    "tpu.region"() ({
      %run_scoped3A = tpu.sem_alloc : memref<!tpu.dma_semaphore, #tpu.memory_space<semaphore_mem>>
      %dma_start3A_123 = tpu.memref_slice %arg5[%mul3A_4] : memref<327680xi32, #tpu.memory_space<hbm>> -> memref<10240xi32, #tpu.memory_space<hbm>>
      %dma_start3A_124 = tpu.memref_slice %arg5[%mul3A_4] : memref<327680xi32, #tpu.memory_space<hbm>> -> memref<10240xi32, #tpu.memory_space<hbm>>
      tpu.enqueue_dma source(%dma_start3A_124 : memref<10240xi32, #tpu.memory_space<hbm>>) target(%arg9 : memref<10240xi32, #tpu.memory_space<vmem>>) target_semaphore(%run_scoped3A : memref<!tpu.dma_semaphore, #tpu.memory_space<semaphore_mem>>)
      %dma_wait3A_125 = tpu.memref_slice %arg5[%mul3A_4] : memref<327680xi32, #tpu.memory_space<hbm>> -> memref<10240xi32, #tpu.memory_space<hbm>>
      %dma_wait3A_126 = tpu.memref_slice %arg5[%mul3A_4] : memref<327680xi32, #tpu.memory_space<hbm>> -> memref<10240xi32, #tpu.memory_space<hbm>>
      tpu.wait_dma2 semaphore(%run_scoped3A : memref<!tpu.dma_semaphore, #tpu.memory_space<semaphore_mem>>) src(%dma_wait3A_126 : memref<10240xi32, #tpu.memory_space<hbm>>) dst(%arg9 : memref<10240xi32, #tpu.memory_space<vmem>>)
      tpu.yield
    }) : () -> ()
    %mul3A_5 = arith.constant 32 : i32
    %mul3A_6 = arith.muli %mul3A_2, %mul3A_5 : i32
    "tpu.region"() ({
      %run_scoped3A = tpu.sem_alloc : memref<!tpu.dma_semaphore, #tpu.memory_space<semaphore_mem>>
      %dma_start3A_123 = tpu.memref_slice %arg6[%mul3A_6] : memref<327680xf32, #tpu.memory_space<hbm>> -> memref<10240xf32, #tpu.memory_space<hbm>>
      %dma_start3A_124 = tpu.memref_slice %arg6[%mul3A_6] : memref<327680xf32, #tpu.memory_space<hbm>> -> memref<10240xf32, #tpu.memory_space<hbm>>
      tpu.enqueue_dma source(%dma_start3A_124 : memref<10240xf32, #tpu.memory_space<hbm>>) target(%arg10 : memref<10240xf32, #tpu.memory_space<vmem>>) target_semaphore(%run_scoped3A : memref<!tpu.dma_semaphore, #tpu.memory_space<semaphore_mem>>)
      %dma_wait3A_125 = tpu.memref_slice %arg6[%mul3A_6] : memref<327680xf32, #tpu.memory_space<hbm>> -> memref<10240xf32, #tpu.memory_space<hbm>>
      %dma_wait3A_126 = tpu.memref_slice %arg6[%mul3A_6] : memref<327680xf32, #tpu.memory_space<hbm>> -> memref<10240xf32, #tpu.memory_space<hbm>>
      tpu.wait_dma2 semaphore(%run_scoped3A : memref<!tpu.dma_semaphore, #tpu.memory_space<semaphore_mem>>) src(%dma_wait3A_126 : memref<10240xf32, #tpu.memory_space<hbm>>) dst(%arg10 : memref<10240xf32, #tpu.memory_space<vmem>>)
      tpu.yield
    }) : () -> ()
    %dma_start3A = arith.constant 0 : i32
    %dma_start3A_7 = arith.constant 0 : i32
    %dma_start3A_8 = tpu.memref_slice %arg11[%dma_start3A, %dma_start3A_7] : memref<512x32xi32, #tpu.memory_space<vmem>> -> memref<128x32xi32, #tpu.memory_space<vmem>>
    %dma_start3A_9 = arith.constant 0 : i32
    %dma_start3A_10 = tpu.memref_slice %arg9[%dma_start3A_9] : memref<10240xi32, #tpu.memory_space<vmem>> -> memref<128xi32, #tpu.memory_space<vmem>>
    %dma_start3A_11 = arith.constant 0 : i32
    %dma_start3A_12 = arith.constant 0 : i32
    %dma_start3A_13 = tpu.memref_slice %arg2[%dma_start3A_11, %dma_start3A_12] : memref<100000x32xi32, #tpu.memory_space<hbm>> -> memref<100000x32xi32, #tpu.memory_space<hbm>>
    tpu.enqueue_indirect_dma source(%dma_start3A_13 : memref<100000x32xi32, #tpu.memory_space<hbm>>) target(%dma_start3A_8 : memref<128x32xi32, #tpu.memory_space<vmem>>) offsets(%dma_start3A_10 : memref<128xi32, #tpu.memory_space<vmem>>) semaphore(%arg17 : memref<!tpu.dma_semaphore, #tpu.memory_space<semaphore_mem>>)
    %dma_start3A_14 = arith.constant 128 : i32
    %dma_start3A_15 = arith.constant 0 : i32
    %dma_start3A_16 = tpu.memref_slice %arg11[%dma_start3A_14, %dma_start3A_15] : memref<512x32xi32, #tpu.memory_space<vmem>> -> memref<128x32xi32, #tpu.memory_space<vmem>>
    %dma_start3A_17 = arith.constant 128 : i32
    %dma_start3A_18 = tpu.memref_slice %arg9[%dma_start3A_17] : memref<10240xi32, #tpu.memory_space<vmem>> -> memref<128xi32, #tpu.memory_space<vmem>>
    %dma_start3A_19 = arith.constant 0 : i32
    %dma_start3A_20 = arith.constant 0 : i32
    %dma_start3A_21 = tpu.memref_slice %arg2[%dma_start3A_19, %dma_start3A_20] : memref<100000x32xi32, #tpu.memory_space<hbm>> -> memref<100000x32xi32, #tpu.memory_space<hbm>>
    tpu.enqueue_indirect_dma source(%dma_start3A_21 : memref<100000x32xi32, #tpu.memory_space<hbm>>) target(%dma_start3A_16 : memref<128x32xi32, #tpu.memory_space<vmem>>) offsets(%dma_start3A_18 : memref<128xi32, #tpu.memory_space<vmem>>) semaphore(%arg17 : memref<!tpu.dma_semaphore, #tpu.memory_space<semaphore_mem>>)
    %dma_start3A_22 = arith.constant 256 : i32
    %dma_start3A_23 = arith.constant 0 : i32
    %dma_start3A_24 = tpu.memref_slice %arg11[%dma_start3A_22, %dma_start3A_23] : memref<512x32xi32, #tpu.memory_space<vmem>> -> memref<128x32xi32, #tpu.memory_space<vmem>>
    %dma_start3A_25 = arith.constant 256 : i32
    %dma_start3A_26 = tpu.memref_slice %arg9[%dma_start3A_25] : memref<10240xi32, #tpu.memory_space<vmem>> -> memref<128xi32, #tpu.memory_space<vmem>>
    %dma_start3A_27 = arith.constant 0 : i32
    %dma_start3A_28 = arith.constant 0 : i32
    %dma_start3A_29 = tpu.memref_slice %arg2[%dma_start3A_27, %dma_start3A_28] : memref<100000x32xi32, #tpu.memory_space<hbm>> -> memref<100000x32xi32, #tpu.memory_space<hbm>>
    tpu.enqueue_indirect_dma source(%dma_start3A_29 : memref<100000x32xi32, #tpu.memory_space<hbm>>) target(%dma_start3A_24 : memref<128x32xi32, #tpu.memory_space<vmem>>) offsets(%dma_start3A_26 : memref<128xi32, #tpu.memory_space<vmem>>) semaphore(%arg17 : memref<!tpu.dma_semaphore, #tpu.memory_space<semaphore_mem>>)
    %dma_start3A_30 = arith.constant 384 : i32
    %dma_start3A_31 = arith.constant 0 : i32
    %dma_start3A_32 = tpu.memref_slice %arg11[%dma_start3A_30, %dma_start3A_31] : memref<512x32xi32, #tpu.memory_space<vmem>> -> memref<128x32xi32, #tpu.memory_space<vmem>>
    %dma_start3A_33 = arith.constant 384 : i32
    %dma_start3A_34 = tpu.memref_slice %arg9[%dma_start3A_33] : memref<10240xi32, #tpu.memory_space<vmem>> -> memref<128xi32, #tpu.memory_space<vmem>>
    %dma_start3A_35 = arith.constant 0 : i32
    %dma_start3A_36 = arith.constant 0 : i32
    %dma_start3A_37 = tpu.memref_slice %arg2[%dma_start3A_35, %dma_start3A_36] : memref<100000x32xi32, #tpu.memory_space<hbm>> -> memref<100000x32xi32, #tpu.memory_space<hbm>>
    tpu.enqueue_indirect_dma source(%dma_start3A_37 : memref<100000x32xi32, #tpu.memory_space<hbm>>) target(%dma_start3A_32 : memref<128x32xi32, #tpu.memory_space<vmem>>) offsets(%dma_start3A_34 : memref<128xi32, #tpu.memory_space<vmem>>) semaphore(%arg17 : memref<!tpu.dma_semaphore, #tpu.memory_space<semaphore_mem>>)
    %scan3A = arith.constant 0 : i32
    %scan3A_38 = arith.constant 0 : i32
    %scan3A_39 = arith.constant 10 : i32
    %scan3A_40 = arith.addi %scan3A_38, %scan3A_39 : i32
    %scan3A_41 = arith.constant 1 : i32
    %scan3A_42 = scf.for %scan3A_123 = %scan3A_38 to %scan3A_40 step %scan3A_41 iter_args(%scan3A_124 = %scan3A) -> (i32)  : i32 {
      %mul3A_125 = arith.constant 2 : i32
      %mul3A_126 = arith.muli %mul3A_125, %scan3A_123 : i32
      %add3A_127 = arith.constant 1 : i32
      %add3A_128 = arith.addi %mul3A_126, %add3A_127 : i32
      %mul3A_129 = arith.constant 16 : i32
      %mul3A_130 = arith.muli %add3A_128, %mul3A_129 : i32
      %mul3A_131 = arith.constant 32 : i32
      %mul3A_132 = arith.muli %mul3A_130, %mul3A_131 : i32
      %add3A_133 = arith.constant 0 : i32
      %add3A_134 = arith.addi %mul3A_132, %add3A_133 : i32
      %dma_start3A_135 = arith.constant 0 : i32
      %dma_start3A_136 = arith.constant 0 : i32
      %dma_start3A_137 = tpu.memref_slice %arg12[%dma_start3A_135, %dma_start3A_136] : memref<512x32xi32, #tpu.memory_space<vmem>> -> memref<128x32xi32, #tpu.memory_space<vmem>>
      %dma_start3A_138 = tpu.memref_slice %arg9[%add3A_134] : memref<10240xi32, #tpu.memory_space<vmem>> -> memref<128xi32, #tpu.memory_space<vmem>>
      %dma_start3A_139 = arith.constant 0 : i32
      %dma_start3A_140 = arith.constant 0 : i32
      %dma_start3A_141 = tpu.memref_slice %arg2[%dma_start3A_139, %dma_start3A_140] : memref<100000x32xi32, #tpu.memory_space<hbm>> -> memref<100000x32xi32, #tpu.memory_space<hbm>>
      tpu.enqueue_indirect_dma source(%dma_start3A_141 : memref<100000x32xi32, #tpu.memory_space<hbm>>) target(%dma_start3A_137 : memref<128x32xi32, #tpu.memory_space<vmem>>) offsets(%dma_start3A_138 : memref<128xi32, #tpu.memory_space<vmem>>) semaphore(%arg18 : memref<!tpu.dma_semaphore, #tpu.memory_space<semaphore_mem>>)
      %mul3A_142 = arith.constant 16 : i32
      %mul3A_143 = arith.muli %add3A_128, %mul3A_142 : i32
      %mul3A_144 = arith.constant 32 : i32
      %mul3A_145 = arith.muli %mul3A_143, %mul3A_144 : i32
      %add3A_146 = arith.constant 128 : i32
      %add3A_147 = arith.addi %mul3A_145, %add3A_146 : i32
      %dma_start3A_148 = arith.constant 128 : i32
      %dma_start3A_149 = arith.constant 0 : i32
      %dma_start3A_150 = tpu.memref_slice %arg12[%dma_start3A_148, %dma_start3A_149] : memref<512x32xi32, #tpu.memory_space<vmem>> -> memref<128x32xi32, #tpu.memory_space<vmem>>
      %dma_start3A_151 = tpu.memref_slice %arg9[%add3A_147] : memref<10240xi32, #tpu.memory_space<vmem>> -> memref<128xi32, #tpu.memory_space<vmem>>
      %dma_start3A_152 = arith.constant 0 : i32
      %dma_start3A_153 = arith.constant 0 : i32
      %dma_start3A_154 = tpu.memref_slice %arg2[%dma_start3A_152, %dma_start3A_153] : memref<100000x32xi32, #tpu.memory_space<hbm>> -> memref<100000x32xi32, #tpu.memory_space<hbm>>
      tpu.enqueue_indirect_dma source(%dma_start3A_154 : memref<100000x32xi32, #tpu.memory_space<hbm>>) target(%dma_start3A_150 : memref<128x32xi32, #tpu.memory_space<vmem>>) offsets(%dma_start3A_151 : memref<128xi32, #tpu.memory_space<vmem>>) semaphore(%arg18 : memref<!tpu.dma_semaphore, #tpu.memory_space<semaphore_mem>>)
      %mul3A_155 = arith.constant 16 : i32
      %mul3A_156 = arith.muli %add3A_128, %mul3A_155 : i32
      %mul3A_157 = arith.constant 32 : i32
      %mul3A_158 = arith.muli %mul3A_156, %mul3A_157 : i32
      %add3A_159 = arith.constant 256 : i32
      %add3A_160 = arith.addi %mul3A_158, %add3A_159 : i32
      %dma_start3A_161 = arith.constant 256 : i32
      %dma_start3A_162 = arith.constant 0 : i32
      %dma_start3A_163 = tpu.memref_slice %arg12[%dma_start3A_161, %dma_start3A_162] : memref<512x32xi32, #tpu.memory_space<vmem>> -> memref<128x32xi32, #tpu.memory_space<vmem>>
      %dma_start3A_164 = tpu.memref_slice %arg9[%add3A_160] : memref<10240xi32, #tpu.memory_space<vmem>> -> memref<128xi32, #tpu.memory_space<vmem>>
      %dma_start3A_165 = arith.constant 0 : i32
      %dma_start3A_166 = arith.constant 0 : i32
      %dma_start3A_167 = tpu.memref_slice %arg2[%dma_start3A_165, %dma_start3A_166] : memref<100000x32xi32, #tpu.memory_space<hbm>> -> memref<100000x32xi32, #tpu.memory_space<hbm>>
      tpu.enqueue_indirect_dma source(%dma_start3A_167 : memref<100000x32xi32, #tpu.memory_space<hbm>>) target(%dma_start3A_163 : memref<128x32xi32, #tpu.memory_space<vmem>>) offsets(%dma_start3A_164 : memref<128xi32, #tpu.memory_space<vmem>>) semaphore(%arg18 : memref<!tpu.dma_semaphore, #tpu.memory_space<semaphore_mem>>)
      %mul3A_168 = arith.constant 16 : i32
      %mul3A_169 = arith.muli %add3A_128, %mul3A_168 : i32
      %mul3A_170 = arith.constant 32 : i32
      %mul3A_171 = arith.muli %mul3A_169, %mul3A_170 : i32
      %add3A_172 = arith.constant 384 : i32
      %add3A_173 = arith.addi %mul3A_171, %add3A_172 : i32
      %dma_start3A_174 = arith.constant 384 : i32
      %dma_start3A_175 = arith.constant 0 : i32
      %dma_start3A_176 = tpu.memref_slice %arg12[%dma_start3A_174, %dma_start3A_175] : memref<512x32xi32, #tpu.memory_space<vmem>> -> memref<128x32xi32, #tpu.memory_space<vmem>>
      %dma_start3A_177 = tpu.memref_slice %arg9[%add3A_173] : memref<10240xi32, #tpu.memory_space<vmem>> -> memref<128xi32, #tpu.memory_space<vmem>>
      %dma_start3A_178 = arith.constant 0 : i32
      %dma_start3A_179 = arith.constant 0 : i32
      %dma_start3A_180 = tpu.memref_slice %arg2[%dma_start3A_178, %dma_start3A_179] : memref<100000x32xi32, #tpu.memory_space<hbm>> -> memref<100000x32xi32, #tpu.memory_space<hbm>>
      tpu.enqueue_indirect_dma source(%dma_start3A_180 : memref<100000x32xi32, #tpu.memory_space<hbm>>) target(%dma_start3A_176 : memref<128x32xi32, #tpu.memory_space<vmem>>) offsets(%dma_start3A_177 : memref<128xi32, #tpu.memory_space<vmem>>) semaphore(%arg18 : memref<!tpu.dma_semaphore, #tpu.memory_space<semaphore_mem>>)
      %gt3A = arith.constant 0 : i32
      %gt3A_181 = arith.cmpi sgt, %scan3A_123, %gt3A : i32
      %convert_element_type3A = arith.extui %gt3A_181 : i1 to i32
      %cond3A = arith.constant 0 : i32
      %cond3A_182 = arith.cmpi ne, %convert_element_type3A, %cond3A : i32
      scf.if %cond3A_182 {
        %dma_wait3A_287 = arith.constant 0 : i32
        %dma_wait3A_288 = arith.constant 0 : i32
        %dma_wait3A_289 = tpu.memref_slice %arg7[%dma_wait3A_287, %dma_wait3A_288] : memref<10240x64xf32, #tpu.memory_space<hbm>> -> memref<16x64xf32, #tpu.memory_space<hbm>>
        %dma_wait3A_290 = arith.constant 0 : i32
        %dma_wait3A_291 = arith.constant 0 : i32
        %dma_wait3A_292 = tpu.memref_slice %arg7[%dma_wait3A_290, %dma_wait3A_291] : memref<10240x64xf32, #tpu.memory_space<hbm>> -> memref<16x64xf32, #tpu.memory_space<hbm>>
        tpu.wait_dma2 semaphore(%arg19 : memref<!tpu.dma_semaphore, #tpu.memory_space<semaphore_mem>>) src(%arg13 : memref<16x64xf32, #tpu.memory_space<vmem>>) dst(%dma_wait3A_292 : memref<16x64xf32, #tpu.memory_space<hbm>>)
      } else {
      }
      %dma_wait3A_183 = arith.constant 0 : i32
      %dma_wait3A_184 = arith.constant 0 : i32
      %dma_wait3A_185 = tpu.memref_slice %arg11[%dma_wait3A_183, %dma_wait3A_184] : memref<512x32xi32, #tpu.memory_space<vmem>> -> memref<128x32xi32, #tpu.memory_space<vmem>>
      %dma_wait3A_186 = arith.constant 0 : i32
      %dma_wait3A_187 = tpu.memref_slice %arg9[%dma_wait3A_186] : memref<10240xi32, #tpu.memory_space<vmem>> -> memref<128xi32, #tpu.memory_space<vmem>>
      %dma_wait3A_188 = arith.constant 0 : i32
      %dma_wait3A_189 = arith.constant 0 : i32
      %dma_wait3A_190 = tpu.memref_slice %arg2[%dma_wait3A_188, %dma_wait3A_189] : memref<100000x32xi32, #tpu.memory_space<hbm>> -> memref<100000x32xi32, #tpu.memory_space<hbm>>
      tpu.wait_indirect_dma semaphore(%arg17 : memref<!tpu.dma_semaphore, #tpu.memory_space<semaphore_mem>>) src(%dma_wait3A_190 : memref<100000x32xi32, #tpu.memory_space<hbm>>) dst(%dma_wait3A_185 : memref<128x32xi32, #tpu.memory_space<vmem>>)
      %dma_wait3A_191 = arith.constant 128 : i32
      %dma_wait3A_192 = arith.constant 0 : i32
      %dma_wait3A_193 = tpu.memref_slice %arg11[%dma_wait3A_191, %dma_wait3A_192] : memref<512x32xi32, #tpu.memory_space<vmem>> -> memref<128x32xi32, #tpu.memory_space<vmem>>
      %dma_wait3A_194 = arith.constant 128 : i32
      %dma_wait3A_195 = tpu.memref_slice %arg9[%dma_wait3A_194] : memref<10240xi32, #tpu.memory_space<vmem>> -> memref<128xi32, #tpu.memory_space<vmem>>
      %dma_wait3A_196 = arith.constant 0 : i32
      %dma_wait3A_197 = arith.constant 0 : i32
      %dma_wait3A_198 = tpu.memref_slice %arg2[%dma_wait3A_196, %dma_wait3A_197] : memref<100000x32xi32, #tpu.memory_space<hbm>> -> memref<100000x32xi32, #tpu.memory_space<hbm>>
      tpu.wait_indirect_dma semaphore(%arg17 : memref<!tpu.dma_semaphore, #tpu.memory_space<semaphore_mem>>) src(%dma_wait3A_198 : memref<100000x32xi32, #tpu.memory_space<hbm>>) dst(%dma_wait3A_193 : memref<128x32xi32, #tpu.memory_space<vmem>>)
      %dma_wait3A_199 = arith.constant 256 : i32
      %dma_wait3A_200 = arith.constant 0 : i32
      %dma_wait3A_201 = tpu.memref_slice %arg11[%dma_wait3A_199, %dma_wait3A_200] : memref<512x32xi32, #tpu.memory_space<vmem>> -> memref<128x32xi32, #tpu.memory_space<vmem>>
      %dma_wait3A_202 = arith.constant 256 : i32
      %dma_wait3A_203 = tpu.memref_slice %arg9[%dma_wait3A_202] : memref<10240xi32, #tpu.memory_space<vmem>> -> memref<128xi32, #tpu.memory_space<vmem>>
      %dma_wait3A_204 = arith.constant 0 : i32
      %dma_wait3A_205 = arith.constant 0 : i32
      %dma_wait3A_206 = tpu.memref_slice %arg2[%dma_wait3A_204, %dma_wait3A_205] : memref<100000x32xi32, #tpu.memory_space<hbm>> -> memref<100000x32xi32, #tpu.memory_space<hbm>>
      tpu.wait_indirect_dma semaphore(%arg17 : memref<!tpu.dma_semaphore, #tpu.memory_space<semaphore_mem>>) src(%dma_wait3A_206 : memref<100000x32xi32, #tpu.memory_space<hbm>>) dst(%dma_wait3A_201 : memref<128x32xi32, #tpu.memory_space<vmem>>)
      %dma_wait3A_207 = arith.constant 384 : i32
      %dma_wait3A_208 = arith.constant 0 : i32
      %dma_wait3A_209 = tpu.memref_slice %arg11[%dma_wait3A_207, %dma_wait3A_208] : memref<512x32xi32, #tpu.memory_space<vmem>> -> memref<128x32xi32, #tpu.memory_space<vmem>>
      %dma_wait3A_210 = arith.constant 384 : i32
      %dma_wait3A_211 = tpu.memref_slice %arg9[%dma_wait3A_210] : memref<10240xi32, #tpu.memory_space<vmem>> -> memref<128xi32, #tpu.memory_space<vmem>>
      %dma_wait3A_212 = arith.constant 0 : i32
      %dma_wait3A_213 = arith.constant 0 : i32
      %dma_wait3A_214 = tpu.memref_slice %arg2[%dma_wait3A_212, %dma_wait3A_213] : memref<100000x32xi32, #tpu.memory_space<hbm>> -> memref<100000x32xi32, #tpu.memory_space<hbm>>
      tpu.wait_indirect_dma semaphore(%arg17 : memref<!tpu.dma_semaphore, #tpu.memory_space<semaphore_mem>>) src(%dma_wait3A_214 : memref<100000x32xi32, #tpu.memory_space<hbm>>) dst(%dma_wait3A_209 : memref<128x32xi32, #tpu.memory_space<vmem>>)
      %scan3A_215 = arith.constant 0 : i32
      %scan3A_216 = arith.constant 0 : i32
      %scan3A_217 = arith.constant 16 : i32
      %scan3A_218 = arith.addi %scan3A_216, %scan3A_217 : i32
      %scan3A_219 = arith.constant 1 : i32
      %scan3A_220 = scf.for %scan3A_287 = %scan3A_216 to %scan3A_218 step %scan3A_219 iter_args(%scan3A_288 = %scan3A_215) -> (i32)  : i32 {
        %mul3A_289 = arith.constant 16 : i32
        %mul3A_290 = arith.muli %mul3A_126, %mul3A_289 : i32
        %add3A_291 = arith.addi %mul3A_290, %scan3A_287 : i32
        %mul3A_292 = arith.constant 32 : i32
        %mul3A_293 = arith.muli %add3A_291, %mul3A_292 : i32
        %broadcast_in_dim3A = arith.constant 0.000000e+00 : f32
        %broadcast_in_dim3A_294 = vector.broadcast %broadcast_in_dim3A : f32 to vector<16xf32>
        %broadcast_in_dim3A_295 = arith.constant 0.000000e+00 : f32
        %broadcast_in_dim3A_296 = vector.broadcast %broadcast_in_dim3A_295 : f32 to vector<16xf32>
        %broadcast_in_dim3A_297 = arith.constant 0.000000e+00 : f32
        %broadcast_in_dim3A_298 = vector.broadcast %broadcast_in_dim3A_297 : f32 to vector<16xf32>
        %broadcast_in_dim3A_299 = arith.constant 0.000000e+00 : f32
        %broadcast_in_dim3A_300 = vector.broadcast %broadcast_in_dim3A_299 : f32 to vector<16xf32>
        %add3A_301 = arith.constant 0 : i32
        %add3A_302 = arith.addi %mul3A_293, %add3A_301 : i32
        %get3A = arith.index_cast %add3A_302 : i32 to index
        %get3A_303 = tpu.vector_load %arg10[%get3A] {strides = array<i32>} : memref<10240xf32, #tpu.memory_space<vmem>>, vector<16xf32>,
        %get3A_304 = vector.shape_cast %get3A_303 : vector<16xf32> to vector<16xf32>
        %add3A_305 = arith.constant 16 : i32
        %add3A_306 = arith.addi %mul3A_293, %add3A_305 : i32
        %get3A_307 = arith.index_cast %add3A_306 : i32 to index
        %get3A_308 = tpu.vector_load %arg10[%get3A_307] {strides = array<i32>} : memref<10240xf32, #tpu.memory_space<vmem>>, vector<16xf32>,
        %get3A_309 = vector.shape_cast %get3A_308 : vector<16xf32> to vector<16xf32>
        %slice3A = vector.extract_strided_slice %get3A_304 {offsets = [0], sizes = [1], strides = [1]} : vector<16xf32> to vector<1xf32>
        %squeeze3A = vector.extract %slice3A[0] : f32 from vector<1xf32>
        %broadcast_in_dim3A_310 = vector.broadcast %squeeze3A : f32 to vector<16xf32>
        %mul3A_311 = arith.constant 32 : i32
        %mul3A_312 = arith.muli %scan3A_287, %mul3A_311 : i32
        %add3A_313 = arith.constant 0 : i32
        %add3A_314 = arith.addi %mul3A_312, %add3A_313 : i32
        %get3A_315 = arith.index_cast %add3A_314 : i32 to index
        %get3A_316 = arith.constant 0 : index
        %get3A_317 = tpu.vector_load %arg11[%get3A_315, %get3A_316] {strides = array<i32>} : memref<512x32xi32, #tpu.memory_space<vmem>>, vector<1x16xi32>,
        %get3A_318 = vector.shape_cast %get3A_317 : vector<1x16xi32> to vector<16xi32>
        %shift_left3A = arith.constant 16 : i32
        %shift_left3A_319 = vector.broadcast %shift_left3A : i32 to vector<16xi32>
        %shift_left3A_320 = arith.shli %get3A_318, %shift_left3A_319 : vector<16xi32>
        %bitcast_convert_type3A = tpu.bitcast %shift_left3A_320 : vector<16xi32> -> vector<16xf32>
        %and3A = arith.constant -65536 : i32
        %and3A_321 = vector.broadcast %and3A : i32 to vector<16xi32>
        %and3A_322 = arith.andi %get3A_318, %and3A_321 : vector<16xi32>
        %bitcast_convert_type3A_323 = tpu.bitcast %and3A_322 : vector<16xi32> -> vector<16xf32>
        %mul3A_324 = arith.mulf %broadcast_in_dim3A_310, %bitcast_convert_type3A : vector<16xf32>
        %add3A_325 = arith.addf %broadcast_in_dim3A_294, %mul3A_324 : vector<16xf32>
        %mul3A_326 = arith.mulf %broadcast_in_dim3A_310, %bitcast_convert_type3A_323 : vector<16xf32>
        %add3A_327 = arith.addf %broadcast_in_dim3A_296, %mul3A_326 : vector<16xf32>
        %mul3A_328 = arith.constant 32 : i32
        %mul3A_329 = arith.muli %scan3A_287, %mul3A_328 : i32
        %add3A_330 = arith.constant 0 : i32
        %add3A_331 = arith.addi %mul3A_329, %add3A_330 : i32
        %get3A_332 = arith.index_cast %add3A_331 : i32 to index
        %get3A_333 = arith.constant 16 : index
        %get3A_334 = tpu.vector_load %arg11[%get3A_332, %get3A_333] {strides = array<i32>} : memref<512x32xi32, #tpu.memory_space<vmem>>, vector<1x16xi32>,
        %get3A_335 = vector.shape_cast %get3A_334 : vector<1x16xi32> to vector<16xi32>
        %shift_left3A_336 = arith.constant 16 : i32
        %shift_left3A_337 = vector.broadcast %shift_left3A_336 : i32 to vector<16xi32>
        %shift_left3A_338 = arith.shli %get3A_335, %shift_left3A_337 : vector<16xi32>
        %bitcast_convert_type3A_339 = tpu.bitcast %shift_left3A_338 : vector<16xi32> -> vector<16xf32>
        %and3A_340 = arith.constant -65536 : i32
        %and3A_341 = vector.broadcast %and3A_340 : i32 to vector<16xi32>
        %and3A_342 = arith.andi %get3A_335, %and3A_341 : vector<16xi32>
        %bitcast_convert_type3A_343 = tpu.bitcast %and3A_342 : vector<16xi32> -> vector<16xf32>
        %mul3A_344 = arith.mulf %broadcast_in_dim3A_310, %bitcast_convert_type3A_339 : vector<16xf32>
        %add3A_345 = arith.addf %broadcast_in_dim3A_298, %mul3A_344 : vector<16xf32>
        %mul3A_346 = arith.mulf %broadcast_in_dim3A_310, %bitcast_convert_type3A_343 : vector<16xf32>
        %add3A_347 = arith.addf %broadcast_in_dim3A_300, %mul3A_346 : vector<16xf32>
        %slice3A_348 = vector.extract_strided_slice %get3A_304 {offsets = [1], sizes = [1], strides = [1]} : vector<16xf32> to vector<1xf32>
        %squeeze3A_349 = vector.extract %slice3A_348[0] : f32 from vector<1xf32>
        %broadcast_in_dim3A_350 = vector.broadcast %squeeze3A_349 : f32 to vector<16xf32>
        %mul3A_351 = arith.constant 32 : i32
        %mul3A_352 = arith.muli %scan3A_287, %mul3A_351 : i32
        %add3A_353 = arith.constant 1 : i32
        %add3A_354 = arith.addi %mul3A_352, %add3A_353 : i32
        %get3A_355 = arith.index_cast %add3A_354 : i32 to index
        %get3A_356 = arith.constant 0 : index
        %get3A_357 = tpu.vector_load %arg11[%get3A_355, %get3A_356] {strides = array<i32>} : memref<512x32xi32, #tpu.memory_space<vmem>>, vector<1x16xi32>,
        %get3A_358 = vector.shape_cast %get3A_357 : vector<1x16xi32> to vector<16xi32>
        %shift_left3A_359 = arith.constant 16 : i32
        %shift_left3A_360 = vector.broadcast %shift_left3A_359 : i32 to vector<16xi32>
        %shift_left3A_361 = arith.shli %get3A_358, %shift_left3A_360 : vector<16xi32>
        %bitcast_convert_type3A_362 = tpu.bitcast %shift_left3A_361 : vector<16xi32> -> vector<16xf32>
        %and3A_363 = arith.constant -65536 : i32
        %and3A_364 = vector.broadcast %and3A_363 : i32 to vector<16xi32>
        %and3A_365 = arith.andi %get3A_358, %and3A_364 : vector<16xi32>
        %bitcast_convert_type3A_366 = tpu.bitcast %and3A_365 : vector<16xi32> -> vector<16xf32>
        %mul3A_367 = arith.mulf %broadcast_in_dim3A_350, %bitcast_convert_type3A_362 : vector<16xf32>
        %add3A_368 = arith.addf %add3A_325, %mul3A_367 : vector<16xf32>
        %mul3A_369 = arith.mulf %broadcast_in_dim3A_350, %bitcast_convert_type3A_366 : vector<16xf32>
        %add3A_370 = arith.addf %add3A_327, %mul3A_369 : vector<16xf32>
        %mul3A_371 = arith.constant 32 : i32
        %mul3A_372 = arith.muli %scan3A_287, %mul3A_371 : i32
        %add3A_373 = arith.constant 1 : i32
        %add3A_374 = arith.addi %mul3A_372, %add3A_373 : i32
        %get3A_375 = arith.index_cast %add3A_374 : i32 to index
        %get3A_376 = arith.constant 16 : index
        %get3A_377 = tpu.vector_load %arg11[%get3A_375, %get3A_376] {strides = array<i32>} : memref<512x32xi32, #tpu.memory_space<vmem>>, vector<1x16xi32>,
        %get3A_378 = vector.shape_cast %get3A_377 : vector<1x16xi32> to vector<16xi32>
        %shift_left3A_379 = arith.constant 16 : i32
        %shift_left3A_380 = vector.broadcast %shift_left3A_379 : i32 to vector<16xi32>
        %shift_left3A_381 = arith.shli %get3A_378, %shift_left3A_380 : vector<16xi32>
        %bitcast_convert_type3A_382 = tpu.bitcast %shift_left3A_381 : vector<16xi32> -> vector<16xf32>
        %and3A_383 = arith.constant -65536 : i32
        %and3A_384 = vector.broadcast %and3A_383 : i32 to vector<16xi32>
        %and3A_385 = arith.andi %get3A_378, %and3A_384 : vector<16xi32>
        %bitcast_convert_type3A_386 = tpu.bitcast %and3A_385 : vector<16xi32> -> vector<16xf32>
        %mul3A_387 = arith.mulf %broadcast_in_dim3A_350, %bitcast_convert_type3A_382 : vector<16xf32>
        %add3A_388 = arith.addf %add3A_345, %mul3A_387 : vector<16xf32>
        %mul3A_389 = arith.mulf %broadcast_in_dim3A_350, %bitcast_convert_type3A_386 : vector<16xf32>
        %add3A_390 = arith.addf %add3A_347, %mul3A_389 : vector<16xf32>
        %slice3A_391 = vector.extract_strided_slice %get3A_304 {offsets = [2], sizes = [1], strides = [1]} : vector<16xf32> to vector<1xf32>
        %squeeze3A_392 = vector.extract %slice3A_391[0] : f32 from vector<1xf32>
        %broadcast_in_dim3A_393 = vector.broadcast %squeeze3A_392 : f32 to vector<16xf32>
        %mul3A_394 = arith.constant 32 : i32
        %mul3A_395 = arith.muli %scan3A_287, %mul3A_394 : i32
        %add3A_396 = arith.constant 2 : i32
        %add3A_397 = arith.addi %mul3A_395, %add3A_396 : i32
        %get3A_398 = arith.index_cast %add3A_397 : i32 to index
        %get3A_399 = arith.constant 0 : index
        %get3A_400 = tpu.vector_load %arg11[%get3A_398, %get3A_399] {strides = array<i32>} : memref<512x32xi32, #tpu.memory_space<vmem>>, vector<1x16xi32>,
        %get3A_401 = vector.shape_cast %get3A_400 : vector<1x16xi32> to vector<16xi32>
        %shift_left3A_402 = arith.constant 16 : i32
        %shift_left3A_403 = vector.broadcast %shift_left3A_402 : i32 to vector<16xi32>
        %shift_left3A_404 = arith.shli %get3A_401, %shift_left3A_403 : vector<16xi32>
        %bitcast_convert_type3A_405 = tpu.bitcast %shift_left3A_404 : vector<16xi32> -> vector<16xf32>
        %and3A_406 = arith.constant -65536 : i32
        %and3A_407 = vector.broadcast %and3A_406 : i32 to vector<16xi32>
        %and3A_408 = arith.andi %get3A_401, %and3A_407 : vector<16xi32>
        %bitcast_convert_type3A_409 = tpu.bitcast %and3A_408 : vector<16xi32> -> vector<16xf32>
        %mul3A_410 = arith.mulf %broadcast_in_dim3A_393, %bitcast_convert_type3A_405 : vector<16xf32>
        %add3A_411 = arith.addf %add3A_368, %mul3A_410 : vector<16xf32>
        %mul3A_412 = arith.mulf %broadcast_in_dim3A_393, %bitcast_convert_type3A_409 : vector<16xf32>
        %add3A_413 = arith.addf %add3A_370, %mul3A_412 : vector<16xf32>
        %mul3A_414 = arith.constant 32 : i32
        %mul3A_415 = arith.muli %scan3A_287, %mul3A_414 : i32
        %add3A_416 = arith.constant 2 : i32
        %add3A_417 = arith.addi %mul3A_415, %add3A_416 : i32
        %get3A_418 = arith.index_cast %add3A_417 : i32 to index
        %get3A_419 = arith.constant 16 : index
        %get3A_420 = tpu.vector_load %arg11[%get3A_418, %get3A_419] {strides = array<i32>} : memref<512x32xi32, #tpu.memory_space<vmem>>, vector<1x16xi32>,
        %get3A_421 = vector.shape_cast %get3A_420 : vector<1x16xi32> to vector<16xi32>
        %shift_left3A_422 = arith.constant 16 : i32
        %shift_left3A_423 = vector.broadcast %shift_left3A_422 : i32 to vector<16xi32>
        %shift_left3A_424 = arith.shli %get3A_421, %shift_left3A_423 : vector<16xi32>
        %bitcast_convert_type3A_425 = tpu.bitcast %shift_left3A_424 : vector<16xi32> -> vector<16xf32>
        %and3A_426 = arith.constant -65536 : i32
        %and3A_427 = vector.broadcast %and3A_426 : i32 to vector<16xi32>
        %and3A_428 = arith.andi %get3A_421, %and3A_427 : vector<16xi32>
        %bitcast_convert_type3A_429 = tpu.bitcast %and3A_428 : vector<16xi32> -> vector<16xf32>
        %mul3A_430 = arith.mulf %broadcast_in_dim3A_393, %bitcast_convert_type3A_425 : vector<16xf32>
        %add3A_431 = arith.addf %add3A_388, %mul3A_430 : vector<16xf32>
        %mul3A_432 = arith.mulf %broadcast_in_dim3A_393, %bitcast_convert_type3A_429 : vector<16xf32>
        %add3A_433 = arith.addf %add3A_390, %mul3A_432 : vector<16xf32>
        %slice3A_434 = vector.extract_strided_slice %get3A_304 {offsets = [3], sizes = [1], strides = [1]} : vector<16xf32> to vector<1xf32>
        %squeeze3A_435 = vector.extract %slice3A_434[0] : f32 from vector<1xf32>
        %broadcast_in_dim3A_436 = vector.broadcast %squeeze3A_435 : f32 to vector<16xf32>
        %mul3A_437 = arith.constant 32 : i32
        %mul3A_438 = arith.muli %scan3A_287, %mul3A_437 : i32
        %add3A_439 = arith.constant 3 : i32
        %add3A_440 = arith.addi %mul3A_438, %add3A_439 : i32
        %get3A_441 = arith.index_cast %add3A_440 : i32 to index
        %get3A_442 = arith.constant 0 : index
        %get3A_443 = tpu.vector_load %arg11[%get3A_441, %get3A_442] {strides = array<i32>} : memref<512x32xi32, #tpu.memory_space<vmem>>, vector<1x16xi32>,
        %get3A_444 = vector.shape_cast %get3A_443 : vector<1x16xi32> to vector<16xi32>
        %shift_left3A_445 = arith.constant 16 : i32
        %shift_left3A_446 = vector.broadcast %shift_left3A_445 : i32 to vector<16xi32>
        %shift_left3A_447 = arith.shli %get3A_444, %shift_left3A_446 : vector<16xi32>
        %bitcast_convert_type3A_448 = tpu.bitcast %shift_left3A_447 : vector<16xi32> -> vector<16xf32>
        %and3A_449 = arith.constant -65536 : i32
        %and3A_450 = vector.broadcast %and3A_449 : i32 to vector<16xi32>
        %and3A_451 = arith.andi %get3A_444, %and3A_450 : vector<16xi32>
        %bitcast_convert_type3A_452 = tpu.bitcast %and3A_451 : vector<16xi32> -> vector<16xf32>
        %mul3A_453 = arith.mulf %broadcast_in_dim3A_436, %bitcast_convert_type3A_448 : vector<16xf32>
        %add3A_454 = arith.addf %add3A_411, %mul3A_453 : vector<16xf32>
        %mul3A_455 = arith.mulf %broadcast_in_dim3A_436, %bitcast_convert_type3A_452 : vector<16xf32>
        %add3A_456 = arith.addf %add3A_413, %mul3A_455 : vector<16xf32>
        %mul3A_457 = arith.constant 32 : i32
        %mul3A_458 = arith.muli %scan3A_287, %mul3A_457 : i32
        %add3A_459 = arith.constant 3 : i32
        %add3A_460 = arith.addi %mul3A_458, %add3A_459 : i32
        %get3A_461 = arith.index_cast %add3A_460 : i32 to index
        %get3A_462 = arith.constant 16 : index
        %get3A_463 = tpu.vector_load %arg11[%get3A_461, %get3A_462] {strides = array<i32>} : memref<512x32xi32, #tpu.memory_space<vmem>>, vector<1x16xi32>,
        %get3A_464 = vector.shape_cast %get3A_463 : vector<1x16xi32> to vector<16xi32>
        %shift_left3A_465 = arith.constant 16 : i32
        %shift_left3A_466 = vector.broadcast %shift_left3A_465 : i32 to vector<16xi32>
        %shift_left3A_467 = arith.shli %get3A_464, %shift_left3A_466 : vector<16xi32>
        %bitcast_convert_type3A_468 = tpu.bitcast %shift_left3A_467 : vector<16xi32> -> vector<16xf32>
        %and3A_469 = arith.constant -65536 : i32
        %and3A_470 = vector.broadcast %and3A_469 : i32 to vector<16xi32>
        %and3A_471 = arith.andi %get3A_464, %and3A_470 : vector<16xi32>
        %bitcast_convert_type3A_472 = tpu.bitcast %and3A_471 : vector<16xi32> -> vector<16xf32>
        %mul3A_473 = arith.mulf %broadcast_in_dim3A_436, %bitcast_convert_type3A_468 : vector<16xf32>
        %add3A_474 = arith.addf %add3A_431, %mul3A_473 : vector<16xf32>
        %mul3A_475 = arith.mulf %broadcast_in_dim3A_436, %bitcast_convert_type3A_472 : vector<16xf32>
        %add3A_476 = arith.addf %add3A_433, %mul3A_475 : vector<16xf32>
        %slice3A_477 = vector.extract_strided_slice %get3A_304 {offsets = [4], sizes = [1], strides = [1]} : vector<16xf32> to vector<1xf32>
        %squeeze3A_478 = vector.extract %slice3A_477[0] : f32 from vector<1xf32>
        %broadcast_in_dim3A_479 = vector.broadcast %squeeze3A_478 : f32 to vector<16xf32>
        %mul3A_480 = arith.constant 32 : i32
        %mul3A_481 = arith.muli %scan3A_287, %mul3A_480 : i32
        %add3A_482 = arith.constant 4 : i32
        %add3A_483 = arith.addi %mul3A_481, %add3A_482 : i32
        %get3A_484 = arith.index_cast %add3A_483 : i32 to index
        %get3A_485 = arith.constant 0 : index
        %get3A_486 = tpu.vector_load %arg11[%get3A_484, %get3A_485] {strides = array<i32>} : memref<512x32xi32, #tpu.memory_space<vmem>>, vector<1x16xi32>,
        %get3A_487 = vector.shape_cast %get3A_486 : vector<1x16xi32> to vector<16xi32>
        %shift_left3A_488 = arith.constant 16 : i32
        %shift_left3A_489 = vector.broadcast %shift_left3A_488 : i32 to vector<16xi32>
        %shift_left3A_490 = arith.shli %get3A_487, %shift_left3A_489 : vector<16xi32>
        %bitcast_convert_type3A_491 = tpu.bitcast %shift_left3A_490 : vector<16xi32> -> vector<16xf32>
        %and3A_492 = arith.constant -65536 : i32
        %and3A_493 = vector.broadcast %and3A_492 : i32 to vector<16xi32>
        %and3A_494 = arith.andi %get3A_487, %and3A_493 : vector<16xi32>
        %bitcast_convert_type3A_495 = tpu.bitcast %and3A_494 : vector<16xi32> -> vector<16xf32>
        %mul3A_496 = arith.mulf %broadcast_in_dim3A_479, %bitcast_convert_type3A_491 : vector<16xf32>
        %add3A_497 = arith.addf %add3A_454, %mul3A_496 : vector<16xf32>
        %mul3A_498 = arith.mulf %broadcast_in_dim3A_479, %bitcast_convert_type3A_495 : vector<16xf32>
        %add3A_499 = arith.addf %add3A_456, %mul3A_498 : vector<16xf32>
        %mul3A_500 = arith.constant 32 : i32
        %mul3A_501 = arith.muli %scan3A_287, %mul3A_500 : i32
        %add3A_502 = arith.constant 4 : i32
        %add3A_503 = arith.addi %mul3A_501, %add3A_502 : i32
        %get3A_504 = arith.index_cast %add3A_503 : i32 to index
        %get3A_505 = arith.constant 16 : index
        %get3A_506 = tpu.vector_load %arg11[%get3A_504, %get3A_505] {strides = array<i32>} : memref<512x32xi32, #tpu.memory_space<vmem>>, vector<1x16xi32>,
        %get3A_507 = vector.shape_cast %get3A_506 : vector<1x16xi32> to vector<16xi32>
        %shift_left3A_508 = arith.constant 16 : i32
        %shift_left3A_509 = vector.broadcast %shift_left3A_508 : i32 to vector<16xi32>
        %shift_left3A_510 = arith.shli %get3A_507, %shift_left3A_509 : vector<16xi32>
        %bitcast_convert_type3A_511 = tpu.bitcast %shift_left3A_510 : vector<16xi32> -> vector<16xf32>
        %and3A_512 = arith.constant -65536 : i32
        %and3A_513 = vector.broadcast %and3A_512 : i32 to vector<16xi32>
        %and3A_514 = arith.andi %get3A_507, %and3A_513 : vector<16xi32>
        %bitcast_convert_type3A_515 = tpu.bitcast %and3A_514 : vector<16xi32> -> vector<16xf32>
        %mul3A_516 = arith.mulf %broadcast_in_dim3A_479, %bitcast_convert_type3A_511 : vector<16xf32>
        %add3A_517 = arith.addf %add3A_474, %mul3A_516 : vector<16xf32>
        %mul3A_518 = arith.mulf %broadcast_in_dim3A_479, %bitcast_convert_type3A_515 : vector<16xf32>
        %add3A_519 = arith.addf %add3A_476, %mul3A_518 : vector<16xf32>
        %slice3A_520 = vector.extract_strided_slice %get3A_304 {offsets = [5], sizes = [1], strides = [1]} : vector<16xf32> to vector<1xf32>
        %squeeze3A_521 = vector.extract %slice3A_520[0] : f32 from vector<1xf32>
        %broadcast_in_dim3A_522 = vector.broadcast %squeeze3A_521 : f32 to vector<16xf32>
        %mul3A_523 = arith.constant 32 : i32
        %mul3A_524 = arith.muli %scan3A_287, %mul3A_523 : i32
        %add3A_525 = arith.constant 5 : i32
        %add3A_526 = arith.addi %mul3A_524, %add3A_525 : i32
        %get3A_527 = arith.index_cast %add3A_526 : i32 to index
        %get3A_528 = arith.constant 0 : index
        %get3A_529 = tpu.vector_load %arg11[%get3A_527, %get3A_528] {strides = array<i32>} : memref<512x32xi32, #tpu.memory_space<vmem>>, vector<1x16xi32>,
        %get3A_530 = vector.shape_cast %get3A_529 : vector<1x16xi32> to vector<16xi32>
        %shift_left3A_531 = arith.constant 16 : i32
        %shift_left3A_532 = vector.broadcast %shift_left3A_531 : i32 to vector<16xi32>
        %shift_left3A_533 = arith.shli %get3A_530, %shift_left3A_532 : vector<16xi32>
        %bitcast_convert_type3A_534 = tpu.bitcast %shift_left3A_533 : vector<16xi32> -> vector<16xf32>
        %and3A_535 = arith.constant -65536 : i32
        %and3A_536 = vector.broadcast %and3A_535 : i32 to vector<16xi32>
        %and3A_537 = arith.andi %get3A_530, %and3A_536 : vector<16xi32>
        %bitcast_convert_type3A_538 = tpu.bitcast %and3A_537 : vector<16xi32> -> vector<16xf32>
        %mul3A_539 = arith.mulf %broadcast_in_dim3A_522, %bitcast_convert_type3A_534 : vector<16xf32>
        %add3A_540 = arith.addf %add3A_497, %mul3A_539 : vector<16xf32>
        %mul3A_541 = arith.mulf %broadcast_in_dim3A_522, %bitcast_convert_type3A_538 : vector<16xf32>
        %add3A_542 = arith.addf %add3A_499, %mul3A_541 : vector<16xf32>
        %mul3A_543 = arith.constant 32 : i32
        %mul3A_544 = arith.muli %scan3A_287, %mul3A_543 : i32
        %add3A_545 = arith.constant 5 : i32
        %add3A_546 = arith.addi %mul3A_544, %add3A_545 : i32
        %get3A_547 = arith.index_cast %add3A_546 : i32 to index
        %get3A_548 = arith.constant 16 : index
        %get3A_549 = tpu.vector_load %arg11[%get3A_547, %get3A_548] {strides = array<i32>} : memref<512x32xi32, #tpu.memory_space<vmem>>, vector<1x16xi32>,
        %get3A_550 = vector.shape_cast %get3A_549 : vector<1x16xi32> to vector<16xi32>
        %shift_left3A_551 = arith.constant 16 : i32
        %shift_left3A_552 = vector.broadcast %shift_left3A_551 : i32 to vector<16xi32>
        %shift_left3A_553 = arith.shli %get3A_550, %shift_left3A_552 : vector<16xi32>
        %bitcast_convert_type3A_554 = tpu.bitcast %shift_left3A_553 : vector<16xi32> -> vector<16xf32>
        %and3A_555 = arith.constant -65536 : i32
        %and3A_556 = vector.broadcast %and3A_555 : i32 to vector<16xi32>
        %and3A_557 = arith.andi %get3A_550, %and3A_556 : vector<16xi32>
        %bitcast_convert_type3A_558 = tpu.bitcast %and3A_557 : vector<16xi32> -> vector<16xf32>
        %mul3A_559 = arith.mulf %broadcast_in_dim3A_522, %bitcast_convert_type3A_554 : vector<16xf32>
        %add3A_560 = arith.addf %add3A_517, %mul3A_559 : vector<16xf32>
        %mul3A_561 = arith.mulf %broadcast_in_dim3A_522, %bitcast_convert_type3A_558 : vector<16xf32>
        %add3A_562 = arith.addf %add3A_519, %mul3A_561 : vector<16xf32>
        %slice3A_563 = vector.extract_strided_slice %get3A_304 {offsets = [6], sizes = [1], strides = [1]} : vector<16xf32> to vector<1xf32>
        %squeeze3A_564 = vector.extract %slice3A_563[0] : f32 from vector<1xf32>
        %broadcast_in_dim3A_565 = vector.broadcast %squeeze3A_564 : f32 to vector<16xf32>
        %mul3A_566 = arith.constant 32 : i32
        %mul3A_567 = arith.muli %scan3A_287, %mul3A_566 : i32
        %add3A_568 = arith.constant 6 : i32
        %add3A_569 = arith.addi %mul3A_567, %add3A_568 : i32
        %get3A_570 = arith.index_cast %add3A_569 : i32 to index
        %get3A_571 = arith.constant 0 : index
        %get3A_572 = tpu.vector_load %arg11[%get3A_570, %get3A_571] {strides = array<i32>} : memref<512x32xi32, #tpu.memory_space<vmem>>, vector<1x16xi32>,
        %get3A_573 = vector.shape_cast %get3A_572 : vector<1x16xi32> to vector<16xi32>
        %shift_left3A_574 = arith.constant 16 : i32
        %shift_left3A_575 = vector.broadcast %shift_left3A_574 : i32 to vector<16xi32>
        %shift_left3A_576 = arith.shli %get3A_573, %shift_left3A_575 : vector<16xi32>
        %bitcast_convert_type3A_577 = tpu.bitcast %shift_left3A_576 : vector<16xi32> -> vector<16xf32>
        %and3A_578 = arith.constant -65536 : i32
        %and3A_579 = vector.broadcast %and3A_578 : i32 to vector<16xi32>
        %and3A_580 = arith.andi %get3A_573, %and3A_579 : vector<16xi32>
        %bitcast_convert_type3A_581 = tpu.bitcast %and3A_580 : vector<16xi32> -> vector<16xf32>
        %mul3A_582 = arith.mulf %broadcast_in_dim3A_565, %bitcast_convert_type3A_577 : vector<16xf32>
        %add3A_583 = arith.addf %add3A_540, %mul3A_582 : vector<16xf32>
        %mul3A_584 = arith.mulf %broadcast_in_dim3A_565, %bitcast_convert_type3A_581 : vector<16xf32>
        %add3A_585 = arith.addf %add3A_542, %mul3A_584 : vector<16xf32>
        %mul3A_586 = arith.constant 32 : i32
        %mul3A_587 = arith.muli %scan3A_287, %mul3A_586 : i32
        %add3A_588 = arith.constant 6 : i32
        %add3A_589 = arith.addi %mul3A_587, %add3A_588 : i32
        %get3A_590 = arith.index_cast %add3A_589 : i32 to index
        %get3A_591 = arith.constant 16 : index
        %get3A_592 = tpu.vector_load %arg11[%get3A_590, %get3A_591] {strides = array<i32>} : memref<512x32xi32, #tpu.memory_space<vmem>>, vector<1x16xi32>,
        %get3A_593 = vector.shape_cast %get3A_592 : vector<1x16xi32> to vector<16xi32>
        %shift_left3A_594 = arith.constant 16 : i32
        %shift_left3A_595 = vector.broadcast %shift_left3A_594 : i32 to vector<16xi32>
        %shift_left3A_596 = arith.shli %get3A_593, %shift_left3A_595 : vector<16xi32>
        %bitcast_convert_type3A_597 = tpu.bitcast %shift_left3A_596 : vector<16xi32> -> vector<16xf32>
        %and3A_598 = arith.constant -65536 : i32
        %and3A_599 = vector.broadcast %and3A_598 : i32 to vector<16xi32>
        %and3A_600 = arith.andi %get3A_593, %and3A_599 : vector<16xi32>
        %bitcast_convert_type3A_601 = tpu.bitcast %and3A_600 : vector<16xi32> -> vector<16xf32>
        %mul3A_602 = arith.mulf %broadcast_in_dim3A_565, %bitcast_convert_type3A_597 : vector<16xf32>
        %add3A_603 = arith.addf %add3A_560, %mul3A_602 : vector<16xf32>
        %mul3A_604 = arith.mulf %broadcast_in_dim3A_565, %bitcast_convert_type3A_601 : vector<16xf32>
        %add3A_605 = arith.addf %add3A_562, %mul3A_604 : vector<16xf32>
        %slice3A_606 = vector.extract_strided_slice %get3A_304 {offsets = [7], sizes = [1], strides = [1]} : vector<16xf32> to vector<1xf32>
        %squeeze3A_607 = vector.extract %slice3A_606[0] : f32 from vector<1xf32>
        %broadcast_in_dim3A_608 = vector.broadcast %squeeze3A_607 : f32 to vector<16xf32>
        %mul3A_609 = arith.constant 32 : i32
        %mul3A_610 = arith.muli %scan3A_287, %mul3A_609 : i32
        %add3A_611 = arith.constant 7 : i32
        %add3A_612 = arith.addi %mul3A_610, %add3A_611 : i32
        %get3A_613 = arith.index_cast %add3A_612 : i32 to index
        %get3A_614 = arith.constant 0 : index
        %get3A_615 = tpu.vector_load %arg11[%get3A_613, %get3A_614] {strides = array<i32>} : memref<512x32xi32, #tpu.memory_space<vmem>>, vector<1x16xi32>,
        %get3A_616 = vector.shape_cast %get3A_615 : vector<1x16xi32> to vector<16xi32>
        %shift_left3A_617 = arith.constant 16 : i32
        %shift_left3A_618 = vector.broadcast %shift_left3A_617 : i32 to vector<16xi32>
        %shift_left3A_619 = arith.shli %get3A_616, %shift_left3A_618 : vector<16xi32>
        %bitcast_convert_type3A_620 = tpu.bitcast %shift_left3A_619 : vector<16xi32> -> vector<16xf32>
        %and3A_621 = arith.constant -65536 : i32
        %and3A_622 = vector.broadcast %and3A_621 : i32 to vector<16xi32>
        %and3A_623 = arith.andi %get3A_616, %and3A_622 : vector<16xi32>
        %bitcast_convert_type3A_624 = tpu.bitcast %and3A_623 : vector<16xi32> -> vector<16xf32>
        %mul3A_625 = arith.mulf %broadcast_in_dim3A_608, %bitcast_convert_type3A_620 : vector<16xf32>
        %add3A_626 = arith.addf %add3A_583, %mul3A_625 : vector<16xf32>
        %mul3A_627 = arith.mulf %broadcast_in_dim3A_608, %bitcast_convert_type3A_624 : vector<16xf32>
        %add3A_628 = arith.addf %add3A_585, %mul3A_627 : vector<16xf32>
        %mul3A_629 = arith.constant 32 : i32
        %mul3A_630 = arith.muli %scan3A_287, %mul3A_629 : i32
        %add3A_631 = arith.constant 7 : i32
        %add3A_632 = arith.addi %mul3A_630, %add3A_631 : i32
        %get3A_633 = arith.index_cast %add3A_632 : i32 to index
        %get3A_634 = arith.constant 16 : index
        %get3A_635 = tpu.vector_load %arg11[%get3A_633, %get3A_634] {strides = array<i32>} : memref<512x32xi32, #tpu.memory_space<vmem>>, vector<1x16xi32>,
        %get3A_636 = vector.shape_cast %get3A_635 : vector<1x16xi32> to vector<16xi32>
        %shift_left3A_637 = arith.constant 16 : i32
        %shift_left3A_638 = vector.broadcast %shift_left3A_637 : i32 to vector<16xi32>
        %shift_left3A_639 = arith.shli %get3A_636, %shift_left3A_638 : vector<16xi32>
        %bitcast_convert_type3A_640 = tpu.bitcast %shift_left3A_639 : vector<16xi32> -> vector<16xf32>
        %and3A_641 = arith.constant -65536 : i32
        %and3A_642 = vector.broadcast %and3A_641 : i32 to vector<16xi32>
        %and3A_643 = arith.andi %get3A_636, %and3A_642 : vector<16xi32>
        %bitcast_convert_type3A_644 = tpu.bitcast %and3A_643 : vector<16xi32> -> vector<16xf32>
        %mul3A_645 = arith.mulf %broadcast_in_dim3A_608, %bitcast_convert_type3A_640 : vector<16xf32>
        %add3A_646 = arith.addf %add3A_603, %mul3A_645 : vector<16xf32>
        %mul3A_647 = arith.mulf %broadcast_in_dim3A_608, %bitcast_convert_type3A_644 : vector<16xf32>
        %add3A_648 = arith.addf %add3A_605, %mul3A_647 : vector<16xf32>
        %slice3A_649 = vector.extract_strided_slice %get3A_304 {offsets = [8], sizes = [1], strides = [1]} : vector<16xf32> to vector<1xf32>
        %squeeze3A_650 = vector.extract %slice3A_649[0] : f32 from vector<1xf32>
        %broadcast_in_dim3A_651 = vector.broadcast %squeeze3A_650 : f32 to vector<16xf32>
        %mul3A_652 = arith.constant 32 : i32
        %mul3A_653 = arith.muli %scan3A_287, %mul3A_652 : i32
        %add3A_654 = arith.constant 8 : i32
        %add3A_655 = arith.addi %mul3A_653, %add3A_654 : i32
        %get3A_656 = arith.index_cast %add3A_655 : i32 to index
        %get3A_657 = arith.constant 0 : index
        %get3A_658 = tpu.vector_load %arg11[%get3A_656, %get3A_657] {strides = array<i32>} : memref<512x32xi32, #tpu.memory_space<vmem>>, vector<1x16xi32>,
        %get3A_659 = vector.shape_cast %get3A_658 : vector<1x16xi32> to vector<16xi32>
        %shift_left3A_660 = arith.constant 16 : i32
        %shift_left3A_661 = vector.broadcast %shift_left3A_660 : i32 to vector<16xi32>
        %shift_left3A_662 = arith.shli %get3A_659, %shift_left3A_661 : vector<16xi32>
        %bitcast_convert_type3A_663 = tpu.bitcast %shift_left3A_662 : vector<16xi32> -> vector<16xf32>
        %and3A_664 = arith.constant -65536 : i32
        %and3A_665 = vector.broadcast %and3A_664 : i32 to vector<16xi32>
        %and3A_666 = arith.andi %get3A_659, %and3A_665 : vector<16xi32>
        %bitcast_convert_type3A_667 = tpu.bitcast %and3A_666 : vector<16xi32> -> vector<16xf32>
        %mul3A_668 = arith.mulf %broadcast_in_dim3A_651, %bitcast_convert_type3A_663 : vector<16xf32>
        %add3A_669 = arith.addf %add3A_626, %mul3A_668 : vector<16xf32>
        %mul3A_670 = arith.mulf %broadcast_in_dim3A_651, %bitcast_convert_type3A_667 : vector<16xf32>
        %add3A_671 = arith.addf %add3A_628, %mul3A_670 : vector<16xf32>
        %mul3A_672 = arith.constant 32 : i32
        %mul3A_673 = arith.muli %scan3A_287, %mul3A_672 : i32
        %add3A_674 = arith.constant 8 : i32
        %add3A_675 = arith.addi %mul3A_673, %add3A_674 : i32
        %get3A_676 = arith.index_cast %add3A_675 : i32 to index
        %get3A_677 = arith.constant 16 : index
        %get3A_678 = tpu.vector_load %arg11[%get3A_676, %get3A_677] {strides = array<i32>} : memref<512x32xi32, #tpu.memory_space<vmem>>, vector<1x16xi32>,
        %get3A_679 = vector.shape_cast %get3A_678 : vector<1x16xi32> to vector<16xi32>
        %shift_left3A_680 = arith.constant 16 : i32
        %shift_left3A_681 = vector.broadcast %shift_left3A_680 : i32 to vector<16xi32>
        %shift_left3A_682 = arith.shli %get3A_679, %shift_left3A_681 : vector<16xi32>
        %bitcast_convert_type3A_683 = tpu.bitcast %shift_left3A_682 : vector<16xi32> -> vector<16xf32>
        %and3A_684 = arith.constant -65536 : i32
        %and3A_685 = vector.broadcast %and3A_684 : i32 to vector<16xi32>
        %and3A_686 = arith.andi %get3A_679, %and3A_685 : vector<16xi32>
        %bitcast_convert_type3A_687 = tpu.bitcast %and3A_686 : vector<16xi32> -> vector<16xf32>
        %mul3A_688 = arith.mulf %broadcast_in_dim3A_651, %bitcast_convert_type3A_683 : vector<16xf32>
        %add3A_689 = arith.addf %add3A_646, %mul3A_688 : vector<16xf32>
        %mul3A_690 = arith.mulf %broadcast_in_dim3A_651, %bitcast_convert_type3A_687 : vector<16xf32>
        %add3A_691 = arith.addf %add3A_648, %mul3A_690 : vector<16xf32>
        %slice3A_692 = vector.extract_strided_slice %get3A_304 {offsets = [9], sizes = [1], strides = [1]} : vector<16xf32> to vector<1xf32>
        %squeeze3A_693 = vector.extract %slice3A_692[0] : f32 from vector<1xf32>
        %broadcast_in_dim3A_694 = vector.broadcast %squeeze3A_693 : f32 to vector<16xf32>
        %mul3A_695 = arith.constant 32 : i32
        %mul3A_696 = arith.muli %scan3A_287, %mul3A_695 : i32
        %add3A_697 = arith.constant 9 : i32
        %add3A_698 = arith.addi %mul3A_696, %add3A_697 : i32
        %get3A_699 = arith.index_cast %add3A_698 : i32 to index
        %get3A_700 = arith.constant 0 : index
        %get3A_701 = tpu.vector_load %arg11[%get3A_699, %get3A_700] {strides = array<i32>} : memref<512x32xi32, #tpu.memory_space<vmem>>, vector<1x16xi32>,
        %get3A_702 = vector.shape_cast %get3A_701 : vector<1x16xi32> to vector<16xi32>
        %shift_left3A_703 = arith.constant 16 : i32
        %shift_left3A_704 = vector.broadcast %shift_left3A_703 : i32 to vector<16xi32>
        %shift_left3A_705 = arith.shli %get3A_702, %shift_left3A_704 : vector<16xi32>
        %bitcast_convert_type3A_706 = tpu.bitcast %shift_left3A_705 : vector<16xi32> -> vector<16xf32>
        %and3A_707 = arith.constant -65536 : i32
        %and3A_708 = vector.broadcast %and3A_707 : i32 to vector<16xi32>
        %and3A_709 = arith.andi %get3A_702, %and3A_708 : vector<16xi32>
        %bitcast_convert_type3A_710 = tpu.bitcast %and3A_709 : vector<16xi32> -> vector<16xf32>
        %mul3A_711 = arith.mulf %broadcast_in_dim3A_694, %bitcast_convert_type3A_706 : vector<16xf32>
        %add3A_712 = arith.addf %add3A_669, %mul3A_711 : vector<16xf32>
        %mul3A_713 = arith.mulf %broadcast_in_dim3A_694, %bitcast_convert_type3A_710 : vector<16xf32>
        %add3A_714 = arith.addf %add3A_671, %mul3A_713 : vector<16xf32>
        %mul3A_715 = arith.constant 32 : i32
        %mul3A_716 = arith.muli %scan3A_287, %mul3A_715 : i32
        %add3A_717 = arith.constant 9 : i32
        %add3A_718 = arith.addi %mul3A_716, %add3A_717 : i32
        %get3A_719 = arith.index_cast %add3A_718 : i32 to index
        %get3A_720 = arith.constant 16 : index
        %get3A_721 = tpu.vector_load %arg11[%get3A_719, %get3A_720] {strides = array<i32>} : memref<512x32xi32, #tpu.memory_space<vmem>>, vector<1x16xi32>,
        %get3A_722 = vector.shape_cast %get3A_721 : vector<1x16xi32> to vector<16xi32>
        %shift_left3A_723 = arith.constant 16 : i32
        %shift_left3A_724 = vector.broadcast %shift_left3A_723 : i32 to vector<16xi32>
        %shift_left3A_725 = arith.shli %get3A_722, %shift_left3A_724 : vector<16xi32>
        %bitcast_convert_type3A_726 = tpu.bitcast %shift_left3A_725 : vector<16xi32> -> vector<16xf32>
        %and3A_727 = arith.constant -65536 : i32
        %and3A_728 = vector.broadcast %and3A_727 : i32 to vector<16xi32>
        %and3A_729 = arith.andi %get3A_722, %and3A_728 : vector<16xi32>
        %bitcast_convert_type3A_730 = tpu.bitcast %and3A_729 : vector<16xi32> -> vector<16xf32>
        %mul3A_731 = arith.mulf %broadcast_in_dim3A_694, %bitcast_convert_type3A_726 : vector<16xf32>
        %add3A_732 = arith.addf %add3A_689, %mul3A_731 : vector<16xf32>
        %mul3A_733 = arith.mulf %broadcast_in_dim3A_694, %bitcast_convert_type3A_730 : vector<16xf32>
        %add3A_734 = arith.addf %add3A_691, %mul3A_733 : vector<16xf32>
        %slice3A_735 = vector.extract_strided_slice %get3A_304 {offsets = [10], sizes = [1], strides = [1]} : vector<16xf32> to vector<1xf32>
        %squeeze3A_736 = vector.extract %slice3A_735[0] : f32 from vector<1xf32>
        %broadcast_in_dim3A_737 = vector.broadcast %squeeze3A_736 : f32 to vector<16xf32>
        %mul3A_738 = arith.constant 32 : i32
        %mul3A_739 = arith.muli %scan3A_287, %mul3A_738 : i32
        %add3A_740 = arith.constant 10 : i32
        %add3A_741 = arith.addi %mul3A_739, %add3A_740 : i32
        %get3A_742 = arith.index_cast %add3A_741 : i32 to index
        %get3A_743 = arith.constant 0 : index
        %get3A_744 = tpu.vector_load %arg11[%get3A_742, %get3A_743] {strides = array<i32>} : memref<512x32xi32, #tpu.memory_space<vmem>>, vector<1x16xi32>,
        %get3A_745 = vector.shape_cast %get3A_744 : vector<1x16xi32> to vector<16xi32>
        %shift_left3A_746 = arith.constant 16 : i32
        %shift_left3A_747 = vector.broadcast %shift_left3A_746 : i32 to vector<16xi32>
        %shift_left3A_748 = arith.shli %get3A_745, %shift_left3A_747 : vector<16xi32>
        %bitcast_convert_type3A_749 = tpu.bitcast %shift_left3A_748 : vector<16xi32> -> vector<16xf32>
        %and3A_750 = arith.constant -65536 : i32
        %and3A_751 = vector.broadcast %and3A_750 : i32 to vector<16xi32>
        %and3A_752 = arith.andi %get3A_745, %and3A_751 : vector<16xi32>
        %bitcast_convert_type3A_753 = tpu.bitcast %and3A_752 : vector<16xi32> -> vector<16xf32>
        %mul3A_754 = arith.mulf %broadcast_in_dim3A_737, %bitcast_convert_type3A_749 : vector<16xf32>
        %add3A_755 = arith.addf %add3A_712, %mul3A_754 : vector<16xf32>
        %mul3A_756 = arith.mulf %broadcast_in_dim3A_737, %bitcast_convert_type3A_753 : vector<16xf32>
        %add3A_757 = arith.addf %add3A_714, %mul3A_756 : vector<16xf32>
        %mul3A_758 = arith.constant 32 : i32
        %mul3A_759 = arith.muli %scan3A_287, %mul3A_758 : i32
        %add3A_760 = arith.constant 10 : i32
        %add3A_761 = arith.addi %mul3A_759, %add3A_760 : i32
        %get3A_762 = arith.index_cast %add3A_761 : i32 to index
        %get3A_763 = arith.constant 16 : index
        %get3A_764 = tpu.vector_load %arg11[%get3A_762, %get3A_763] {strides = array<i32>} : memref<512x32xi32, #tpu.memory_space<vmem>>, vector<1x16xi32>,
        %get3A_765 = vector.shape_cast %get3A_764 : vector<1x16xi32> to vector<16xi32>
        %shift_left3A_766 = arith.constant 16 : i32
        %shift_left3A_767 = vector.broadcast %shift_left3A_766 : i32 to vector<16xi32>
        %shift_left3A_768 = arith.shli %get3A_765, %shift_left3A_767 : vector<16xi32>
        %bitcast_convert_type3A_769 = tpu.bitcast %shift_left3A_768 : vector<16xi32> -> vector<16xf32>
        %and3A_770 = arith.constant -65536 : i32
        %and3A_771 = vector.broadcast %and3A_770 : i32 to vector<16xi32>
        %and3A_772 = arith.andi %get3A_765, %and3A_771 : vector<16xi32>
        %bitcast_convert_type3A_773 = tpu.bitcast %and3A_772 : vector<16xi32> -> vector<16xf32>
        %mul3A_774 = arith.mulf %broadcast_in_dim3A_737, %bitcast_convert_type3A_769 : vector<16xf32>
        %add3A_775 = arith.addf %add3A_732, %mul3A_774 : vector<16xf32>
        %mul3A_776 = arith.mulf %broadcast_in_dim3A_737, %bitcast_convert_type3A_773 : vector<16xf32>
        %add3A_777 = arith.addf %add3A_734, %mul3A_776 : vector<16xf32>
        %slice3A_778 = vector.extract_strided_slice %get3A_304 {offsets = [11], sizes = [1], strides = [1]} : vector<16xf32> to vector<1xf32>
        %squeeze3A_779 = vector.extract %slice3A_778[0] : f32 from vector<1xf32>
        %broadcast_in_dim3A_780 = vector.broadcast %squeeze3A_779 : f32 to vector<16xf32>
        %mul3A_781 = arith.constant 32 : i32
        %mul3A_782 = arith.muli %scan3A_287, %mul3A_781 : i32
        %add3A_783 = arith.constant 11 : i32
        %add3A_784 = arith.addi %mul3A_782, %add3A_783 : i32
        %get3A_785 = arith.index_cast %add3A_784 : i32 to index
        %get3A_786 = arith.constant 0 : index
        %get3A_787 = tpu.vector_load %arg11[%get3A_785, %get3A_786] {strides = array<i32>} : memref<512x32xi32, #tpu.memory_space<vmem>>, vector<1x16xi32>,
        %get3A_788 = vector.shape_cast %get3A_787 : vector<1x16xi32> to vector<16xi32>
        %shift_left3A_789 = arith.constant 16 : i32
        %shift_left3A_790 = vector.broadcast %shift_left3A_789 : i32 to vector<16xi32>
        %shift_left3A_791 = arith.shli %get3A_788, %shift_left3A_790 : vector<16xi32>
        %bitcast_convert_type3A_792 = tpu.bitcast %shift_left3A_791 : vector<16xi32> -> vector<16xf32>
        %and3A_793 = arith.constant -65536 : i32
        %and3A_794 = vector.broadcast %and3A_793 : i32 to vector<16xi32>
        %and3A_795 = arith.andi %get3A_788, %and3A_794 : vector<16xi32>
        %bitcast_convert_type3A_796 = tpu.bitcast %and3A_795 : vector<16xi32> -> vector<16xf32>
        %mul3A_797 = arith.mulf %broadcast_in_dim3A_780, %bitcast_convert_type3A_792 : vector<16xf32>
        %add3A_798 = arith.addf %add3A_755, %mul3A_797 : vector<16xf32>
        %mul3A_799 = arith.mulf %broadcast_in_dim3A_780, %bitcast_convert_type3A_796 : vector<16xf32>
        %add3A_800 = arith.addf %add3A_757, %mul3A_799 : vector<16xf32>
        %mul3A_801 = arith.constant 32 : i32
        %mul3A_802 = arith.muli %scan3A_287, %mul3A_801 : i32
        %add3A_803 = arith.constant 11 : i32
        %add3A_804 = arith.addi %mul3A_802, %add3A_803 : i32
        %get3A_805 = arith.index_cast %add3A_804 : i32 to index
        %get3A_806 = arith.constant 16 : index
        %get3A_807 = tpu.vector_load %arg11[%get3A_805, %get3A_806] {strides = array<i32>} : memref<512x32xi32, #tpu.memory_space<vmem>>, vector<1x16xi32>,
        %get3A_808 = vector.shape_cast %get3A_807 : vector<1x16xi32> to vector<16xi32>
        %shift_left3A_809 = arith.constant 16 : i32
        %shift_left3A_810 = vector.broadcast %shift_left3A_809 : i32 to vector<16xi32>
        %shift_left3A_811 = arith.shli %get3A_808, %shift_left3A_810 : vector<16xi32>
        %bitcast_convert_type3A_812 = tpu.bitcast %shift_left3A_811 : vector<16xi32> -> vector<16xf32>
        %and3A_813 = arith.constant -65536 : i32
        %and3A_814 = vector.broadcast %and3A_813 : i32 to vector<16xi32>
        %and3A_815 = arith.andi %get3A_808, %and3A_814 : vector<16xi32>
        %bitcast_convert_type3A_816 = tpu.bitcast %and3A_815 : vector<16xi32> -> vector<16xf32>
        %mul3A_817 = arith.mulf %broadcast_in_dim3A_780, %bitcast_convert_type3A_812 : vector<16xf32>
        %add3A_818 = arith.addf %add3A_775, %mul3A_817 : vector<16xf32>
        %mul3A_819 = arith.mulf %broadcast_in_dim3A_780, %bitcast_convert_type3A_816 : vector<16xf32>
        %add3A_820 = arith.addf %add3A_777, %mul3A_819 : vector<16xf32>
        %slice3A_821 = vector.extract_strided_slice %get3A_304 {offsets = [12], sizes = [1], strides = [1]} : vector<16xf32> to vector<1xf32>
        %squeeze3A_822 = vector.extract %slice3A_821[0] : f32 from vector<1xf32>
        %broadcast_in_dim3A_823 = vector.broadcast %squeeze3A_822 : f32 to vector<16xf32>
        %mul3A_824 = arith.constant 32 : i32
        %mul3A_825 = arith.muli %scan3A_287, %mul3A_824 : i32
        %add3A_826 = arith.constant 12 : i32
        %add3A_827 = arith.addi %mul3A_825, %add3A_826 : i32
        %get3A_828 = arith.index_cast %add3A_827 : i32 to index
        %get3A_829 = arith.constant 0 : index
        %get3A_830 = tpu.vector_load %arg11[%get3A_828, %get3A_829] {strides = array<i32>} : memref<512x32xi32, #tpu.memory_space<vmem>>, vector<1x16xi32>,
        %get3A_831 = vector.shape_cast %get3A_830 : vector<1x16xi32> to vector<16xi32>
        %shift_left3A_832 = arith.constant 16 : i32
        %shift_left3A_833 = vector.broadcast %shift_left3A_832 : i32 to vector<16xi32>
        %shift_left3A_834 = arith.shli %get3A_831, %shift_left3A_833 : vector<16xi32>
        %bitcast_convert_type3A_835 = tpu.bitcast %shift_left3A_834 : vector<16xi32> -> vector<16xf32>
        %and3A_836 = arith.constant -65536 : i32
        %and3A_837 = vector.broadcast %and3A_836 : i32 to vector<16xi32>
        %and3A_838 = arith.andi %get3A_831, %and3A_837 : vector<16xi32>
        %bitcast_convert_type3A_839 = tpu.bitcast %and3A_838 : vector<16xi32> -> vector<16xf32>
        %mul3A_840 = arith.mulf %broadcast_in_dim3A_823, %bitcast_convert_type3A_835 : vector<16xf32>
        %add3A_841 = arith.addf %add3A_798, %mul3A_840 : vector<16xf32>
        %mul3A_842 = arith.mulf %broadcast_in_dim3A_823, %bitcast_convert_type3A_839 : vector<16xf32>
        %add3A_843 = arith.addf %add3A_800, %mul3A_842 : vector<16xf32>
        %mul3A_844 = arith.constant 32 : i32
        %mul3A_845 = arith.muli %scan3A_287, %mul3A_844 : i32
        %add3A_846 = arith.constant 12 : i32
        %add3A_847 = arith.addi %mul3A_845, %add3A_846 : i32
        %get3A_848 = arith.index_cast %add3A_847 : i32 to index
        %get3A_849 = arith.constant 16 : index
        %get3A_850 = tpu.vector_load %arg11[%get3A_848, %get3A_849] {strides = array<i32>} : memref<512x32xi32, #tpu.memory_space<vmem>>, vector<1x16xi32>,
        %get3A_851 = vector.shape_cast %get3A_850 : vector<1x16xi32> to vector<16xi32>
        %shift_left3A_852 = arith.constant 16 : i32
        %shift_left3A_853 = vector.broadcast %shift_left3A_852 : i32 to vector<16xi32>
        %shift_left3A_854 = arith.shli %get3A_851, %shift_left3A_853 : vector<16xi32>
        %bitcast_convert_type3A_855 = tpu.bitcast %shift_left3A_854 : vector<16xi32> -> vector<16xf32>
        %and3A_856 = arith.constant -65536 : i32
        %and3A_857 = vector.broadcast %and3A_856 : i32 to vector<16xi32>
        %and3A_858 = arith.andi %get3A_851, %and3A_857 : vector<16xi32>
        %bitcast_convert_type3A_859 = tpu.bitcast %and3A_858 : vector<16xi32> -> vector<16xf32>
        %mul3A_860 = arith.mulf %broadcast_in_dim3A_823, %bitcast_convert_type3A_855 : vector<16xf32>
        %add3A_861 = arith.addf %add3A_818, %mul3A_860 : vector<16xf32>
        %mul3A_862 = arith.mulf %broadcast_in_dim3A_823, %bitcast_convert_type3A_859 : vector<16xf32>
        %add3A_863 = arith.addf %add3A_820, %mul3A_862 : vector<16xf32>
        %slice3A_864 = vector.extract_strided_slice %get3A_304 {offsets = [13], sizes = [1], strides = [1]} : vector<16xf32> to vector<1xf32>
        %squeeze3A_865 = vector.extract %slice3A_864[0] : f32 from vector<1xf32>
        %broadcast_in_dim3A_866 = vector.broadcast %squeeze3A_865 : f32 to vector<16xf32>
        %mul3A_867 = arith.constant 32 : i32
        %mul3A_868 = arith.muli %scan3A_287, %mul3A_867 : i32
        %add3A_869 = arith.constant 13 : i32
        %add3A_870 = arith.addi %mul3A_868, %add3A_869 : i32
        %get3A_871 = arith.index_cast %add3A_870 : i32 to index
        %get3A_872 = arith.constant 0 : index
        %get3A_873 = tpu.vector_load %arg11[%get3A_871, %get3A_872] {strides = array<i32>} : memref<512x32xi32, #tpu.memory_space<vmem>>, vector<1x16xi32>,
        %get3A_874 = vector.shape_cast %get3A_873 : vector<1x16xi32> to vector<16xi32>
        %shift_left3A_875 = arith.constant 16 : i32
        %shift_left3A_876 = vector.broadcast %shift_left3A_875 : i32 to vector<16xi32>
        %shift_left3A_877 = arith.shli %get3A_874, %shift_left3A_876 : vector<16xi32>
        %bitcast_convert_type3A_878 = tpu.bitcast %shift_left3A_877 : vector<16xi32> -> vector<16xf32>
        %and3A_879 = arith.constant -65536 : i32
        %and3A_880 = vector.broadcast %and3A_879 : i32 to vector<16xi32>
        %and3A_881 = arith.andi %get3A_874, %and3A_880 : vector<16xi32>
        %bitcast_convert_type3A_882 = tpu.bitcast %and3A_881 : vector<16xi32> -> vector<16xf32>
        %mul3A_883 = arith.mulf %broadcast_in_dim3A_866, %bitcast_convert_type3A_878 : vector<16xf32>
        %add3A_884 = arith.addf %add3A_841, %mul3A_883 : vector<16xf32>
        %mul3A_885 = arith.mulf %broadcast_in_dim3A_866, %bitcast_convert_type3A_882 : vector<16xf32>
        %add3A_886 = arith.addf %add3A_843, %mul3A_885 : vector<16xf32>
        %mul3A_887 = arith.constant 32 : i32
        %mul3A_888 = arith.muli %scan3A_287, %mul3A_887 : i32
        %add3A_889 = arith.constant 13 : i32
        %add3A_890 = arith.addi %mul3A_888, %add3A_889 : i32
        %get3A_891 = arith.index_cast %add3A_890 : i32 to index
        %get3A_892 = arith.constant 16 : index
        %get3A_893 = tpu.vector_load %arg11[%get3A_891, %get3A_892] {strides = array<i32>} : memref<512x32xi32, #tpu.memory_space<vmem>>, vector<1x16xi32>,
        %get3A_894 = vector.shape_cast %get3A_893 : vector<1x16xi32> to vector<16xi32>
        %shift_left3A_895 = arith.constant 16 : i32
        %shift_left3A_896 = vector.broadcast %shift_left3A_895 : i32 to vector<16xi32>
        %shift_left3A_897 = arith.shli %get3A_894, %shift_left3A_896 : vector<16xi32>
        %bitcast_convert_type3A_898 = tpu.bitcast %shift_left3A_897 : vector<16xi32> -> vector<16xf32>
        %and3A_899 = arith.constant -65536 : i32
        %and3A_900 = vector.broadcast %and3A_899 : i32 to vector<16xi32>
        %and3A_901 = arith.andi %get3A_894, %and3A_900 : vector<16xi32>
        %bitcast_convert_type3A_902 = tpu.bitcast %and3A_901 : vector<16xi32> -> vector<16xf32>
        %mul3A_903 = arith.mulf %broadcast_in_dim3A_866, %bitcast_convert_type3A_898 : vector<16xf32>
        %add3A_904 = arith.addf %add3A_861, %mul3A_903 : vector<16xf32>
        %mul3A_905 = arith.mulf %broadcast_in_dim3A_866, %bitcast_convert_type3A_902 : vector<16xf32>
        %add3A_906 = arith.addf %add3A_863, %mul3A_905 : vector<16xf32>
        %slice3A_907 = vector.extract_strided_slice %get3A_304 {offsets = [14], sizes = [1], strides = [1]} : vector<16xf32> to vector<1xf32>
        %squeeze3A_908 = vector.extract %slice3A_907[0] : f32 from vector<1xf32>
        %broadcast_in_dim3A_909 = vector.broadcast %squeeze3A_908 : f32 to vector<16xf32>
        %mul3A_910 = arith.constant 32 : i32
        %mul3A_911 = arith.muli %scan3A_287, %mul3A_910 : i32
        %add3A_912 = arith.constant 14 : i32
        %add3A_913 = arith.addi %mul3A_911, %add3A_912 : i32
        %get3A_914 = arith.index_cast %add3A_913 : i32 to index
        %get3A_915 = arith.constant 0 : index
        %get3A_916 = tpu.vector_load %arg11[%get3A_914, %get3A_915] {strides = array<i32>} : memref<512x32xi32, #tpu.memory_space<vmem>>, vector<1x16xi32>,
        %get3A_917 = vector.shape_cast %get3A_916 : vector<1x16xi32> to vector<16xi32>
        %shift_left3A_918 = arith.constant 16 : i32
        %shift_left3A_919 = vector.broadcast %shift_left3A_918 : i32 to vector<16xi32>
        %shift_left3A_920 = arith.shli %get3A_917, %shift_left3A_919 : vector<16xi32>
        %bitcast_convert_type3A_921 = tpu.bitcast %shift_left3A_920 : vector<16xi32> -> vector<16xf32>
        %and3A_922 = arith.constant -65536 : i32
        %and3A_923 = vector.broadcast %and3A_922 : i32 to vector<16xi32>
        %and3A_924 = arith.andi %get3A_917, %and3A_923 : vector<16xi32>
        %bitcast_convert_type3A_925 = tpu.bitcast %and3A_924 : vector<16xi32> -> vector<16xf32>
        %mul3A_926 = arith.mulf %broadcast_in_dim3A_909, %bitcast_convert_type3A_921 : vector<16xf32>
        %add3A_927 = arith.addf %add3A_884, %mul3A_926 : vector<16xf32>
        %mul3A_928 = arith.mulf %broadcast_in_dim3A_909, %bitcast_convert_type3A_925 : vector<16xf32>
        %add3A_929 = arith.addf %add3A_886, %mul3A_928 : vector<16xf32>
        %mul3A_930 = arith.constant 32 : i32
        %mul3A_931 = arith.muli %scan3A_287, %mul3A_930 : i32
        %add3A_932 = arith.constant 14 : i32
        %add3A_933 = arith.addi %mul3A_931, %add3A_932 : i32
        %get3A_934 = arith.index_cast %add3A_933 : i32 to index
        %get3A_935 = arith.constant 16 : index
        %get3A_936 = tpu.vector_load %arg11[%get3A_934, %get3A_935] {strides = array<i32>} : memref<512x32xi32, #tpu.memory_space<vmem>>, vector<1x16xi32>,
        %get3A_937 = vector.shape_cast %get3A_936 : vector<1x16xi32> to vector<16xi32>
        %shift_left3A_938 = arith.constant 16 : i32
        %shift_left3A_939 = vector.broadcast %shift_left3A_938 : i32 to vector<16xi32>
        %shift_left3A_940 = arith.shli %get3A_937, %shift_left3A_939 : vector<16xi32>
        %bitcast_convert_type3A_941 = tpu.bitcast %shift_left3A_940 : vector<16xi32> -> vector<16xf32>
        %and3A_942 = arith.constant -65536 : i32
        %and3A_943 = vector.broadcast %and3A_942 : i32 to vector<16xi32>
        %and3A_944 = arith.andi %get3A_937, %and3A_943 : vector<16xi32>
        %bitcast_convert_type3A_945 = tpu.bitcast %and3A_944 : vector<16xi32> -> vector<16xf32>
        %mul3A_946 = arith.mulf %broadcast_in_dim3A_909, %bitcast_convert_type3A_941 : vector<16xf32>
        %add3A_947 = arith.addf %add3A_904, %mul3A_946 : vector<16xf32>
        %mul3A_948 = arith.mulf %broadcast_in_dim3A_909, %bitcast_convert_type3A_945 : vector<16xf32>
        %add3A_949 = arith.addf %add3A_906, %mul3A_948 : vector<16xf32>
        %slice3A_950 = vector.extract_strided_slice %get3A_304 {offsets = [15], sizes = [1], strides = [1]} : vector<16xf32> to vector<1xf32>
        %squeeze3A_951 = vector.extract %slice3A_950[0] : f32 from vector<1xf32>
        %broadcast_in_dim3A_952 = vector.broadcast %squeeze3A_951 : f32 to vector<16xf32>
        %mul3A_953 = arith.constant 32 : i32
        %mul3A_954 = arith.muli %scan3A_287, %mul3A_953 : i32
        %add3A_955 = arith.constant 15 : i32
        %add3A_956 = arith.addi %mul3A_954, %add3A_955 : i32
        %get3A_957 = arith.index_cast %add3A_956 : i32 to index
        %get3A_958 = arith.constant 0 : index
        %get3A_959 = tpu.vector_load %arg11[%get3A_957, %get3A_958] {strides = array<i32>} : memref<512x32xi32, #tpu.memory_space<vmem>>, vector<1x16xi32>,
        %get3A_960 = vector.shape_cast %get3A_959 : vector<1x16xi32> to vector<16xi32>
        %shift_left3A_961 = arith.constant 16 : i32
        %shift_left3A_962 = vector.broadcast %shift_left3A_961 : i32 to vector<16xi32>
        %shift_left3A_963 = arith.shli %get3A_960, %shift_left3A_962 : vector<16xi32>
        %bitcast_convert_type3A_964 = tpu.bitcast %shift_left3A_963 : vector<16xi32> -> vector<16xf32>
        %and3A_965 = arith.constant -65536 : i32
        %and3A_966 = vector.broadcast %and3A_965 : i32 to vector<16xi32>
        %and3A_967 = arith.andi %get3A_960, %and3A_966 : vector<16xi32>
        %bitcast_convert_type3A_968 = tpu.bitcast %and3A_967 : vector<16xi32> -> vector<16xf32>
        %mul3A_969 = arith.mulf %broadcast_in_dim3A_952, %bitcast_convert_type3A_964 : vector<16xf32>
        %add3A_970 = arith.addf %add3A_927, %mul3A_969 : vector<16xf32>
        %mul3A_971 = arith.mulf %broadcast_in_dim3A_952, %bitcast_convert_type3A_968 : vector<16xf32>
        %add3A_972 = arith.addf %add3A_929, %mul3A_971 : vector<16xf32>
        %mul3A_973 = arith.constant 32 : i32
        %mul3A_974 = arith.muli %scan3A_287, %mul3A_973 : i32
        %add3A_975 = arith.constant 15 : i32
        %add3A_976 = arith.addi %mul3A_974, %add3A_975 : i32
        %get3A_977 = arith.index_cast %add3A_976 : i32 to index
        %get3A_978 = arith.constant 16 : index
        %get3A_979 = tpu.vector_load %arg11[%get3A_977, %get3A_978] {strides = array<i32>} : memref<512x32xi32, #tpu.memory_space<vmem>>, vector<1x16xi32>,
        %get3A_980 = vector.shape_cast %get3A_979 : vector<1x16xi32> to vector<16xi32>
        %shift_left3A_981 = arith.constant 16 : i32
        %shift_left3A_982 = vector.broadcast %shift_left3A_981 : i32 to vector<16xi32>
        %shift_left3A_983 = arith.shli %get3A_980, %shift_left3A_982 : vector<16xi32>
        %bitcast_convert_type3A_984 = tpu.bitcast %shift_left3A_983 : vector<16xi32> -> vector<16xf32>
        %and3A_985 = arith.constant -65536 : i32
        %and3A_986 = vector.broadcast %and3A_985 : i32 to vector<16xi32>
        %and3A_987 = arith.andi %get3A_980, %and3A_986 : vector<16xi32>
        %bitcast_convert_type3A_988 = tpu.bitcast %and3A_987 : vector<16xi32> -> vector<16xf32>
        %mul3A_989 = arith.mulf %broadcast_in_dim3A_952, %bitcast_convert_type3A_984 : vector<16xf32>
        %add3A_990 = arith.addf %add3A_947, %mul3A_989 : vector<16xf32>
        %mul3A_991 = arith.mulf %broadcast_in_dim3A_952, %bitcast_convert_type3A_988 : vector<16xf32>
        %add3A_992 = arith.addf %add3A_949, %mul3A_991 : vector<16xf32>
        %slice3A_993 = vector.extract_strided_slice %get3A_309 {offsets = [0], sizes = [1], strides = [1]} : vector<16xf32> to vector<1xf32>
        %squeeze3A_994 = vector.extract %slice3A_993[0] : f32 from vector<1xf32>
        %broadcast_in_dim3A_995 = vector.broadcast %squeeze3A_994 : f32 to vector<16xf32>
        %mul3A_996 = arith.constant 32 : i32
        %mul3A_997 = arith.muli %scan3A_287, %mul3A_996 : i32
        %add3A_998 = arith.constant 16 : i32
        %add3A_999 = arith.addi %mul3A_997, %add3A_998 : i32
        %get3A_1000 = arith.index_cast %add3A_999 : i32 to index
        %get3A_1001 = arith.constant 0 : index
        %get3A_1002 = tpu.vector_load %arg11[%get3A_1000, %get3A_1001] {strides = array<i32>} : memref<512x32xi32, #tpu.memory_space<vmem>>, vector<1x16xi32>,
        %get3A_1003 = vector.shape_cast %get3A_1002 : vector<1x16xi32> to vector<16xi32>
        %shift_left3A_1004 = arith.constant 16 : i32
        %shift_left3A_1005 = vector.broadcast %shift_left3A_1004 : i32 to vector<16xi32>
        %shift_left3A_1006 = arith.shli %get3A_1003, %shift_left3A_1005 : vector<16xi32>
        %bitcast_convert_type3A_1007 = tpu.bitcast %shift_left3A_1006 : vector<16xi32> -> vector<16xf32>
        %and3A_1008 = arith.constant -65536 : i32
        %and3A_1009 = vector.broadcast %and3A_1008 : i32 to vector<16xi32>
        %and3A_1010 = arith.andi %get3A_1003, %and3A_1009 : vector<16xi32>
        %bitcast_convert_type3A_1011 = tpu.bitcast %and3A_1010 : vector<16xi32> -> vector<16xf32>
        %mul3A_1012 = arith.mulf %broadcast_in_dim3A_995, %bitcast_convert_type3A_1007 : vector<16xf32>
        %add3A_1013 = arith.addf %add3A_970, %mul3A_1012 : vector<16xf32>
        %mul3A_1014 = arith.mulf %broadcast_in_dim3A_995, %bitcast_convert_type3A_1011 : vector<16xf32>
        %add3A_1015 = arith.addf %add3A_972, %mul3A_1014 : vector<16xf32>
        %mul3A_1016 = arith.constant 32 : i32
        %mul3A_1017 = arith.muli %scan3A_287, %mul3A_1016 : i32
        %add3A_1018 = arith.constant 16 : i32
        %add3A_1019 = arith.addi %mul3A_1017, %add3A_1018 : i32
        %get3A_1020 = arith.index_cast %add3A_1019 : i32 to index
        %get3A_1021 = arith.constant 16 : index
        %get3A_1022 = tpu.vector_load %arg11[%get3A_1020, %get3A_1021] {strides = array<i32>} : memref<512x32xi32, #tpu.memory_space<vmem>>, vector<1x16xi32>,
        %get3A_1023 = vector.shape_cast %get3A_1022 : vector<1x16xi32> to vector<16xi32>
        %shift_left3A_1024 = arith.constant 16 : i32
        %shift_left3A_1025 = vector.broadcast %shift_left3A_1024 : i32 to vector<16xi32>
        %shift_left3A_1026 = arith.shli %get3A_1023, %shift_left3A_1025 : vector<16xi32>
        %bitcast_convert_type3A_1027 = tpu.bitcast %shift_left3A_1026 : vector<16xi32> -> vector<16xf32>
        %and3A_1028 = arith.constant -65536 : i32
        %and3A_1029 = vector.broadcast %and3A_1028 : i32 to vector<16xi32>
        %and3A_1030 = arith.andi %get3A_1023, %and3A_1029 : vector<16xi32>
        %bitcast_convert_type3A_1031 = tpu.bitcast %and3A_1030 : vector<16xi32> -> vector<16xf32>
        %mul3A_1032 = arith.mulf %broadcast_in_dim3A_995, %bitcast_convert_type3A_1027 : vector<16xf32>
        %add3A_1033 = arith.addf %add3A_990, %mul3A_1032 : vector<16xf32>
        %mul3A_1034 = arith.mulf %broadcast_in_dim3A_995, %bitcast_convert_type3A_1031 : vector<16xf32>
        %add3A_1035 = arith.addf %add3A_992, %mul3A_1034 : vector<16xf32>
        %slice3A_1036 = vector.extract_strided_slice %get3A_309 {offsets = [1], sizes = [1], strides = [1]} : vector<16xf32> to vector<1xf32>
        %squeeze3A_1037 = vector.extract %slice3A_1036[0] : f32 from vector<1xf32>
        %broadcast_in_dim3A_1038 = vector.broadcast %squeeze3A_1037 : f32 to vector<16xf32>
        %mul3A_1039 = arith.constant 32 : i32
        %mul3A_1040 = arith.muli %scan3A_287, %mul3A_1039 : i32
        %add3A_1041 = arith.constant 17 : i32
        %add3A_1042 = arith.addi %mul3A_1040, %add3A_1041 : i32
        %get3A_1043 = arith.index_cast %add3A_1042 : i32 to index
        %get3A_1044 = arith.constant 0 : index
        %get3A_1045 = tpu.vector_load %arg11[%get3A_1043, %get3A_1044] {strides = array<i32>} : memref<512x32xi32, #tpu.memory_space<vmem>>, vector<1x16xi32>,
        %get3A_1046 = vector.shape_cast %get3A_1045 : vector<1x16xi32> to vector<16xi32>
        %shift_left3A_1047 = arith.constant 16 : i32
        %shift_left3A_1048 = vector.broadcast %shift_left3A_1047 : i32 to vector<16xi32>
        %shift_left3A_1049 = arith.shli %get3A_1046, %shift_left3A_1048 : vector<16xi32>
        %bitcast_convert_type3A_1050 = tpu.bitcast %shift_left3A_1049 : vector<16xi32> -> vector<16xf32>
        %and3A_1051 = arith.constant -65536 : i32
        %and3A_1052 = vector.broadcast %and3A_1051 : i32 to vector<16xi32>
        %and3A_1053 = arith.andi %get3A_1046, %and3A_1052 : vector<16xi32>
        %bitcast_convert_type3A_1054 = tpu.bitcast %and3A_1053 : vector<16xi32> -> vector<16xf32>
        %mul3A_1055 = arith.mulf %broadcast_in_dim3A_1038, %bitcast_convert_type3A_1050 : vector<16xf32>
        %add3A_1056 = arith.addf %add3A_1013, %mul3A_1055 : vector<16xf32>
        %mul3A_1057 = arith.mulf %broadcast_in_dim3A_1038, %bitcast_convert_type3A_1054 : vector<16xf32>
        %add3A_1058 = arith.addf %add3A_1015, %mul3A_1057 : vector<16xf32>
        %mul3A_1059 = arith.constant 32 : i32
        %mul3A_1060 = arith.muli %scan3A_287, %mul3A_1059 : i32
        %add3A_1061 = arith.constant 17 : i32
        %add3A_1062 = arith.addi %mul3A_1060, %add3A_1061 : i32
        %get3A_1063 = arith.index_cast %add3A_1062 : i32 to index
        %get3A_1064 = arith.constant 16 : index
        %get3A_1065 = tpu.vector_load %arg11[%get3A_1063, %get3A_1064] {strides = array<i32>} : memref<512x32xi32, #tpu.memory_space<vmem>>, vector<1x16xi32>,
        %get3A_1066 = vector.shape_cast %get3A_1065 : vector<1x16xi32> to vector<16xi32>
        %shift_left3A_1067 = arith.constant 16 : i32
        %shift_left3A_1068 = vector.broadcast %shift_left3A_1067 : i32 to vector<16xi32>
        %shift_left3A_1069 = arith.shli %get3A_1066, %shift_left3A_1068 : vector<16xi32>
        %bitcast_convert_type3A_1070 = tpu.bitcast %shift_left3A_1069 : vector<16xi32> -> vector<16xf32>
        %and3A_1071 = arith.constant -65536 : i32
        %and3A_1072 = vector.broadcast %and3A_1071 : i32 to vector<16xi32>
        %and3A_1073 = arith.andi %get3A_1066, %and3A_1072 : vector<16xi32>
        %bitcast_convert_type3A_1074 = tpu.bitcast %and3A_1073 : vector<16xi32> -> vector<16xf32>
        %mul3A_1075 = arith.mulf %broadcast_in_dim3A_1038, %bitcast_convert_type3A_1070 : vector<16xf32>
        %add3A_1076 = arith.addf %add3A_1033, %mul3A_1075 : vector<16xf32>
        %mul3A_1077 = arith.mulf %broadcast_in_dim3A_1038, %bitcast_convert_type3A_1074 : vector<16xf32>
        %add3A_1078 = arith.addf %add3A_1035, %mul3A_1077 : vector<16xf32>
        %slice3A_1079 = vector.extract_strided_slice %get3A_309 {offsets = [2], sizes = [1], strides = [1]} : vector<16xf32> to vector<1xf32>
        %squeeze3A_1080 = vector.extract %slice3A_1079[0] : f32 from vector<1xf32>
        %broadcast_in_dim3A_1081 = vector.broadcast %squeeze3A_1080 : f32 to vector<16xf32>
        %mul3A_1082 = arith.constant 32 : i32
        %mul3A_1083 = arith.muli %scan3A_287, %mul3A_1082 : i32
        %add3A_1084 = arith.constant 18 : i32
        %add3A_1085 = arith.addi %mul3A_1083, %add3A_1084 : i32
        %get3A_1086 = arith.index_cast %add3A_1085 : i32 to index
        %get3A_1087 = arith.constant 0 : index
        %get3A_1088 = tpu.vector_load %arg11[%get3A_1086, %get3A_1087] {strides = array<i32>} : memref<512x32xi32, #tpu.memory_space<vmem>>, vector<1x16xi32>,
        %get3A_1089 = vector.shape_cast %get3A_1088 : vector<1x16xi32> to vector<16xi32>
        %shift_left3A_1090 = arith.constant 16 : i32
        %shift_left3A_1091 = vector.broadcast %shift_left3A_1090 : i32 to vector<16xi32>
        %shift_left3A_1092 = arith.shli %get3A_1089, %shift_left3A_1091 : vector<16xi32>
        %bitcast_convert_type3A_1093 = tpu.bitcast %shift_left3A_1092 : vector<16xi32> -> vector<16xf32>
        %and3A_1094 = arith.constant -65536 : i32
        %and3A_1095 = vector.broadcast %and3A_1094 : i32 to vector<16xi32>
        %and3A_1096 = arith.andi %get3A_1089, %and3A_1095 : vector<16xi32>
        %bitcast_convert_type3A_1097 = tpu.bitcast %and3A_1096 : vector<16xi32> -> vector<16xf32>
        %mul3A_1098 = arith.mulf %broadcast_in_dim3A_1081, %bitcast_convert_type3A_1093 : vector<16xf32>
        %add3A_1099 = arith.addf %add3A_1056, %mul3A_1098 : vector<16xf32>
        %mul3A_1100 = arith.mulf %broadcast_in_dim3A_1081, %bitcast_convert_type3A_1097 : vector<16xf32>
        %add3A_1101 = arith.addf %add3A_1058, %mul3A_1100 : vector<16xf32>
        %mul3A_1102 = arith.constant 32 : i32
        %mul3A_1103 = arith.muli %scan3A_287, %mul3A_1102 : i32
        %add3A_1104 = arith.constant 18 : i32
        %add3A_1105 = arith.addi %mul3A_1103, %add3A_1104 : i32
        %get3A_1106 = arith.index_cast %add3A_1105 : i32 to index
        %get3A_1107 = arith.constant 16 : index
        %get3A_1108 = tpu.vector_load %arg11[%get3A_1106, %get3A_1107] {strides = array<i32>} : memref<512x32xi32, #tpu.memory_space<vmem>>, vector<1x16xi32>,
        %get3A_1109 = vector.shape_cast %get3A_1108 : vector<1x16xi32> to vector<16xi32>
        %shift_left3A_1110 = arith.constant 16 : i32
        %shift_left3A_1111 = vector.broadcast %shift_left3A_1110 : i32 to vector<16xi32>
        %shift_left3A_1112 = arith.shli %get3A_1109, %shift_left3A_1111 : vector<16xi32>
        %bitcast_convert_type3A_1113 = tpu.bitcast %shift_left3A_1112 : vector<16xi32> -> vector<16xf32>
        %and3A_1114 = arith.constant -65536 : i32
        %and3A_1115 = vector.broadcast %and3A_1114 : i32 to vector<16xi32>
        %and3A_1116 = arith.andi %get3A_1109, %and3A_1115 : vector<16xi32>
        %bitcast_convert_type3A_1117 = tpu.bitcast %and3A_1116 : vector<16xi32> -> vector<16xf32>
        %mul3A_1118 = arith.mulf %broadcast_in_dim3A_1081, %bitcast_convert_type3A_1113 : vector<16xf32>
        %add3A_1119 = arith.addf %add3A_1076, %mul3A_1118 : vector<16xf32>
        %mul3A_1120 = arith.mulf %broadcast_in_dim3A_1081, %bitcast_convert_type3A_1117 : vector<16xf32>
        %add3A_1121 = arith.addf %add3A_1078, %mul3A_1120 : vector<16xf32>
        %slice3A_1122 = vector.extract_strided_slice %get3A_309 {offsets = [3], sizes = [1], strides = [1]} : vector<16xf32> to vector<1xf32>
        %squeeze3A_1123 = vector.extract %slice3A_1122[0] : f32 from vector<1xf32>
        %broadcast_in_dim3A_1124 = vector.broadcast %squeeze3A_1123 : f32 to vector<16xf32>
        %mul3A_1125 = arith.constant 32 : i32
        %mul3A_1126 = arith.muli %scan3A_287, %mul3A_1125 : i32
        %add3A_1127 = arith.constant 19 : i32
        %add3A_1128 = arith.addi %mul3A_1126, %add3A_1127 : i32
        %get3A_1129 = arith.index_cast %add3A_1128 : i32 to index
        %get3A_1130 = arith.constant 0 : index
        %get3A_1131 = tpu.vector_load %arg11[%get3A_1129, %get3A_1130] {strides = array<i32>} : memref<512x32xi32, #tpu.memory_space<vmem>>, vector<1x16xi32>,
        %get3A_1132 = vector.shape_cast %get3A_1131 : vector<1x16xi32> to vector<16xi32>
        %shift_left3A_1133 = arith.constant 16 : i32
        %shift_left3A_1134 = vector.broadcast %shift_left3A_1133 : i32 to vector<16xi32>
        %shift_left3A_1135 = arith.shli %get3A_1132, %shift_left3A_1134 : vector<16xi32>
        %bitcast_convert_type3A_1136 = tpu.bitcast %shift_left3A_1135 : vector<16xi32> -> vector<16xf32>
        %and3A_1137 = arith.constant -65536 : i32
        %and3A_1138 = vector.broadcast %and3A_1137 : i32 to vector<16xi32>
        %and3A_1139 = arith.andi %get3A_1132, %and3A_1138 : vector<16xi32>
        %bitcast_convert_type3A_1140 = tpu.bitcast %and3A_1139 : vector<16xi32> -> vector<16xf32>
        %mul3A_1141 = arith.mulf %broadcast_in_dim3A_1124, %bitcast_convert_type3A_1136 : vector<16xf32>
        %add3A_1142 = arith.addf %add3A_1099, %mul3A_1141 : vector<16xf32>
        %mul3A_1143 = arith.mulf %broadcast_in_dim3A_1124, %bitcast_convert_type3A_1140 : vector<16xf32>
        %add3A_1144 = arith.addf %add3A_1101, %mul3A_1143 : vector<16xf32>
        %mul3A_1145 = arith.constant 32 : i32
        %mul3A_1146 = arith.muli %scan3A_287, %mul3A_1145 : i32
        %add3A_1147 = arith.constant 19 : i32
        %add3A_1148 = arith.addi %mul3A_1146, %add3A_1147 : i32
        %get3A_1149 = arith.index_cast %add3A_1148 : i32 to index
        %get3A_1150 = arith.constant 16 : index
        %get3A_1151 = tpu.vector_load %arg11[%get3A_1149, %get3A_1150] {strides = array<i32>} : memref<512x32xi32, #tpu.memory_space<vmem>>, vector<1x16xi32>,
        %get3A_1152 = vector.shape_cast %get3A_1151 : vector<1x16xi32> to vector<16xi32>
        %shift_left3A_1153 = arith.constant 16 : i32
        %shift_left3A_1154 = vector.broadcast %shift_left3A_1153 : i32 to vector<16xi32>
        %shift_left3A_1155 = arith.shli %get3A_1152, %shift_left3A_1154 : vector<16xi32>
        %bitcast_convert_type3A_1156 = tpu.bitcast %shift_left3A_1155 : vector<16xi32> -> vector<16xf32>
        %and3A_1157 = arith.constant -65536 : i32
        %and3A_1158 = vector.broadcast %and3A_1157 : i32 to vector<16xi32>
        %and3A_1159 = arith.andi %get3A_1152, %and3A_1158 : vector<16xi32>
        %bitcast_convert_type3A_1160 = tpu.bitcast %and3A_1159 : vector<16xi32> -> vector<16xf32>
        %mul3A_1161 = arith.mulf %broadcast_in_dim3A_1124, %bitcast_convert_type3A_1156 : vector<16xf32>
        %add3A_1162 = arith.addf %add3A_1119, %mul3A_1161 : vector<16xf32>
        %mul3A_1163 = arith.mulf %broadcast_in_dim3A_1124, %bitcast_convert_type3A_1160 : vector<16xf32>
        %add3A_1164 = arith.addf %add3A_1121, %mul3A_1163 : vector<16xf32>
        %slice3A_1165 = vector.extract_strided_slice %get3A_309 {offsets = [4], sizes = [1], strides = [1]} : vector<16xf32> to vector<1xf32>
        %squeeze3A_1166 = vector.extract %slice3A_1165[0] : f32 from vector<1xf32>
        %broadcast_in_dim3A_1167 = vector.broadcast %squeeze3A_1166 : f32 to vector<16xf32>
        %mul3A_1168 = arith.constant 32 : i32
        %mul3A_1169 = arith.muli %scan3A_287, %mul3A_1168 : i32
        %add3A_1170 = arith.constant 20 : i32
        %add3A_1171 = arith.addi %mul3A_1169, %add3A_1170 : i32
        %get3A_1172 = arith.index_cast %add3A_1171 : i32 to index
        %get3A_1173 = arith.constant 0 : index
        %get3A_1174 = tpu.vector_load %arg11[%get3A_1172, %get3A_1173] {strides = array<i32>} : memref<512x32xi32, #tpu.memory_space<vmem>>, vector<1x16xi32>,
        %get3A_1175 = vector.shape_cast %get3A_1174 : vector<1x16xi32> to vector<16xi32>
        %shift_left3A_1176 = arith.constant 16 : i32
        %shift_left3A_1177 = vector.broadcast %shift_left3A_1176 : i32 to vector<16xi32>
        %shift_left3A_1178 = arith.shli %get3A_1175, %shift_left3A_1177 : vector<16xi32>
        %bitcast_convert_type3A_1179 = tpu.bitcast %shift_left3A_1178 : vector<16xi32> -> vector<16xf32>
        %and3A_1180 = arith.constant -65536 : i32
        %and3A_1181 = vector.broadcast %and3A_1180 : i32 to vector<16xi32>
        %and3A_1182 = arith.andi %get3A_1175, %and3A_1181 : vector<16xi32>
        %bitcast_convert_type3A_1183 = tpu.bitcast %and3A_1182 : vector<16xi32> -> vector<16xf32>
        %mul3A_1184 = arith.mulf %broadcast_in_dim3A_1167, %bitcast_convert_type3A_1179 : vector<16xf32>
        %add3A_1185 = arith.addf %add3A_1142, %mul3A_1184 : vector<16xf32>
        %mul3A_1186 = arith.mulf %broadcast_in_dim3A_1167, %bitcast_convert_type3A_1183 : vector<16xf32>
        %add3A_1187 = arith.addf %add3A_1144, %mul3A_1186 : vector<16xf32>
        %mul3A_1188 = arith.constant 32 : i32
        %mul3A_1189 = arith.muli %scan3A_287, %mul3A_1188 : i32
        %add3A_1190 = arith.constant 20 : i32
        %add3A_1191 = arith.addi %mul3A_1189, %add3A_1190 : i32
        %get3A_1192 = arith.index_cast %add3A_1191 : i32 to index
        %get3A_1193 = arith.constant 16 : index
        %get3A_1194 = tpu.vector_load %arg11[%get3A_1192, %get3A_1193] {strides = array<i32>} : memref<512x32xi32, #tpu.memory_space<vmem>>, vector<1x16xi32>,
        %get3A_1195 = vector.shape_cast %get3A_1194 : vector<1x16xi32> to vector<16xi32>
        %shift_left3A_1196 = arith.constant 16 : i32
        %shift_left3A_1197 = vector.broadcast %shift_left3A_1196 : i32 to vector<16xi32>
        %shift_left3A_1198 = arith.shli %get3A_1195, %shift_left3A_1197 : vector<16xi32>
        %bitcast_convert_type3A_1199 = tpu.bitcast %shift_left3A_1198 : vector<16xi32> -> vector<16xf32>
        %and3A_1200 = arith.constant -65536 : i32
        %and3A_1201 = vector.broadcast %and3A_1200 : i32 to vector<16xi32>
        %and3A_1202 = arith.andi %get3A_1195, %and3A_1201 : vector<16xi32>
        %bitcast_convert_type3A_1203 = tpu.bitcast %and3A_1202 : vector<16xi32> -> vector<16xf32>
        %mul3A_1204 = arith.mulf %broadcast_in_dim3A_1167, %bitcast_convert_type3A_1199 : vector<16xf32>
        %add3A_1205 = arith.addf %add3A_1162, %mul3A_1204 : vector<16xf32>
        %mul3A_1206 = arith.mulf %broadcast_in_dim3A_1167, %bitcast_convert_type3A_1203 : vector<16xf32>
        %add3A_1207 = arith.addf %add3A_1164, %mul3A_1206 : vector<16xf32>
        %slice3A_1208 = vector.extract_strided_slice %get3A_309 {offsets = [5], sizes = [1], strides = [1]} : vector<16xf32> to vector<1xf32>
        %squeeze3A_1209 = vector.extract %slice3A_1208[0] : f32 from vector<1xf32>
        %broadcast_in_dim3A_1210 = vector.broadcast %squeeze3A_1209 : f32 to vector<16xf32>
        %mul3A_1211 = arith.constant 32 : i32
        %mul3A_1212 = arith.muli %scan3A_287, %mul3A_1211 : i32
        %add3A_1213 = arith.constant 21 : i32
        %add3A_1214 = arith.addi %mul3A_1212, %add3A_1213 : i32
        %get3A_1215 = arith.index_cast %add3A_1214 : i32 to index
        %get3A_1216 = arith.constant 0 : index
        %get3A_1217 = tpu.vector_load %arg11[%get3A_1215, %get3A_1216] {strides = array<i32>} : memref<512x32xi32, #tpu.memory_space<vmem>>, vector<1x16xi32>,
        %get3A_1218 = vector.shape_cast %get3A_1217 : vector<1x16xi32> to vector<16xi32>
        %shift_left3A_1219 = arith.constant 16 : i32
        %shift_left3A_1220 = vector.broadcast %shift_left3A_1219 : i32 to vector<16xi32>
        %shift_left3A_1221 = arith.shli %get3A_1218, %shift_left3A_1220 : vector<16xi32>
        %bitcast_convert_type3A_1222 = tpu.bitcast %shift_left3A_1221 : vector<16xi32> -> vector<16xf32>
        %and3A_1223 = arith.constant -65536 : i32
        %and3A_1224 = vector.broadcast %and3A_1223 : i32 to vector<16xi32>
        %and3A_1225 = arith.andi %get3A_1218, %and3A_1224 : vector<16xi32>
        %bitcast_convert_type3A_1226 = tpu.bitcast %and3A_1225 : vector<16xi32> -> vector<16xf32>
        %mul3A_1227 = arith.mulf %broadcast_in_dim3A_1210, %bitcast_convert_type3A_1222 : vector<16xf32>
        %add3A_1228 = arith.addf %add3A_1185, %mul3A_1227 : vector<16xf32>
        %mul3A_1229 = arith.mulf %broadcast_in_dim3A_1210, %bitcast_convert_type3A_1226 : vector<16xf32>
        %add3A_1230 = arith.addf %add3A_1187, %mul3A_1229 : vector<16xf32>
        %mul3A_1231 = arith.constant 32 : i32
        %mul3A_1232 = arith.muli %scan3A_287, %mul3A_1231 : i32
        %add3A_1233 = arith.constant 21 : i32
        %add3A_1234 = arith.addi %mul3A_1232, %add3A_1233 : i32
        %get3A_1235 = arith.index_cast %add3A_1234 : i32 to index
        %get3A_1236 = arith.constant 16 : index
        %get3A_1237 = tpu.vector_load %arg11[%get3A_1235, %get3A_1236] {strides = array<i32>} : memref<512x32xi32, #tpu.memory_space<vmem>>, vector<1x16xi32>,
        %get3A_1238 = vector.shape_cast %get3A_1237 : vector<1x16xi32> to vector<16xi32>
        %shift_left3A_1239 = arith.constant 16 : i32
        %shift_left3A_1240 = vector.broadcast %shift_left3A_1239 : i32 to vector<16xi32>
        %shift_left3A_1241 = arith.shli %get3A_1238, %shift_left3A_1240 : vector<16xi32>
        %bitcast_convert_type3A_1242 = tpu.bitcast %shift_left3A_1241 : vector<16xi32> -> vector<16xf32>
        %and3A_1243 = arith.constant -65536 : i32
        %and3A_1244 = vector.broadcast %and3A_1243 : i32 to vector<16xi32>
        %and3A_1245 = arith.andi %get3A_1238, %and3A_1244 : vector<16xi32>
        %bitcast_convert_type3A_1246 = tpu.bitcast %and3A_1245 : vector<16xi32> -> vector<16xf32>
        %mul3A_1247 = arith.mulf %broadcast_in_dim3A_1210, %bitcast_convert_type3A_1242 : vector<16xf32>
        %add3A_1248 = arith.addf %add3A_1205, %mul3A_1247 : vector<16xf32>
        %mul3A_1249 = arith.mulf %broadcast_in_dim3A_1210, %bitcast_convert_type3A_1246 : vector<16xf32>
        %add3A_1250 = arith.addf %add3A_1207, %mul3A_1249 : vector<16xf32>
        %slice3A_1251 = vector.extract_strided_slice %get3A_309 {offsets = [6], sizes = [1], strides = [1]} : vector<16xf32> to vector<1xf32>
        %squeeze3A_1252 = vector.extract %slice3A_1251[0] : f32 from vector<1xf32>
        %broadcast_in_dim3A_1253 = vector.broadcast %squeeze3A_1252 : f32 to vector<16xf32>
        %mul3A_1254 = arith.constant 32 : i32
        %mul3A_1255 = arith.muli %scan3A_287, %mul3A_1254 : i32
        %add3A_1256 = arith.constant 22 : i32
        %add3A_1257 = arith.addi %mul3A_1255, %add3A_1256 : i32
        %get3A_1258 = arith.index_cast %add3A_1257 : i32 to index
        %get3A_1259 = arith.constant 0 : index
        %get3A_1260 = tpu.vector_load %arg11[%get3A_1258, %get3A_1259] {strides = array<i32>} : memref<512x32xi32, #tpu.memory_space<vmem>>, vector<1x16xi32>,
        %get3A_1261 = vector.shape_cast %get3A_1260 : vector<1x16xi32> to vector<16xi32>
        %shift_left3A_1262 = arith.constant 16 : i32
        %shift_left3A_1263 = vector.broadcast %shift_left3A_1262 : i32 to vector<16xi32>
        %shift_left3A_1264 = arith.shli %get3A_1261, %shift_left3A_1263 : vector<16xi32>
        %bitcast_convert_type3A_1265 = tpu.bitcast %shift_left3A_1264 : vector<16xi32> -> vector<16xf32>
        %and3A_1266 = arith.constant -65536 : i32
        %and3A_1267 = vector.broadcast %and3A_1266 : i32 to vector<16xi32>
        %and3A_1268 = arith.andi %get3A_1261, %and3A_1267 : vector<16xi32>
        %bitcast_convert_type3A_1269 = tpu.bitcast %and3A_1268 : vector<16xi32> -> vector<16xf32>
        %mul3A_1270 = arith.mulf %broadcast_in_dim3A_1253, %bitcast_convert_type3A_1265 : vector<16xf32>
        %add3A_1271 = arith.addf %add3A_1228, %mul3A_1270 : vector<16xf32>
        %mul3A_1272 = arith.mulf %broadcast_in_dim3A_1253, %bitcast_convert_type3A_1269 : vector<16xf32>
        %add3A_1273 = arith.addf %add3A_1230, %mul3A_1272 : vector<16xf32>
        %mul3A_1274 = arith.constant 32 : i32
        %mul3A_1275 = arith.muli %scan3A_287, %mul3A_1274 : i32
        %add3A_1276 = arith.constant 22 : i32
        %add3A_1277 = arith.addi %mul3A_1275, %add3A_1276 : i32
        %get3A_1278 = arith.index_cast %add3A_1277 : i32 to index
        %get3A_1279 = arith.constant 16 : index
        %get3A_1280 = tpu.vector_load %arg11[%get3A_1278, %get3A_1279] {strides = array<i32>} : memref<512x32xi32, #tpu.memory_space<vmem>>, vector<1x16xi32>,
        %get3A_1281 = vector.shape_cast %get3A_1280 : vector<1x16xi32> to vector<16xi32>
        %shift_left3A_1282 = arith.constant 16 : i32
        %shift_left3A_1283 = vector.broadcast %shift_left3A_1282 : i32 to vector<16xi32>
        %shift_left3A_1284 = arith.shli %get3A_1281, %shift_left3A_1283 : vector<16xi32>
        %bitcast_convert_type3A_1285 = tpu.bitcast %shift_left3A_1284 : vector<16xi32> -> vector<16xf32>
        %and3A_1286 = arith.constant -65536 : i32
        %and3A_1287 = vector.broadcast %and3A_1286 : i32 to vector<16xi32>
        %and3A_1288 = arith.andi %get3A_1281, %and3A_1287 : vector<16xi32>
        %bitcast_convert_type3A_1289 = tpu.bitcast %and3A_1288 : vector<16xi32> -> vector<16xf32>
        %mul3A_1290 = arith.mulf %broadcast_in_dim3A_1253, %bitcast_convert_type3A_1285 : vector<16xf32>
        %add3A_1291 = arith.addf %add3A_1248, %mul3A_1290 : vector<16xf32>
        %mul3A_1292 = arith.mulf %broadcast_in_dim3A_1253, %bitcast_convert_type3A_1289 : vector<16xf32>
        %add3A_1293 = arith.addf %add3A_1250, %mul3A_1292 : vector<16xf32>
        %slice3A_1294 = vector.extract_strided_slice %get3A_309 {offsets = [7], sizes = [1], strides = [1]} : vector<16xf32> to vector<1xf32>
        %squeeze3A_1295 = vector.extract %slice3A_1294[0] : f32 from vector<1xf32>
        %broadcast_in_dim3A_1296 = vector.broadcast %squeeze3A_1295 : f32 to vector<16xf32>
        %mul3A_1297 = arith.constant 32 : i32
        %mul3A_1298 = arith.muli %scan3A_287, %mul3A_1297 : i32
        %add3A_1299 = arith.constant 23 : i32
        %add3A_1300 = arith.addi %mul3A_1298, %add3A_1299 : i32
        %get3A_1301 = arith.index_cast %add3A_1300 : i32 to index
        %get3A_1302 = arith.constant 0 : index
        %get3A_1303 = tpu.vector_load %arg11[%get3A_1301, %get3A_1302] {strides = array<i32>} : memref<512x32xi32, #tpu.memory_space<vmem>>, vector<1x16xi32>,
        %get3A_1304 = vector.shape_cast %get3A_1303 : vector<1x16xi32> to vector<16xi32>
        %shift_left3A_1305 = arith.constant 16 : i32
        %shift_left3A_1306 = vector.broadcast %shift_left3A_1305 : i32 to vector<16xi32>
        %shift_left3A_1307 = arith.shli %get3A_1304, %shift_left3A_1306 : vector<16xi32>
        %bitcast_convert_type3A_1308 = tpu.bitcast %shift_left3A_1307 : vector<16xi32> -> vector<16xf32>
        %and3A_1309 = arith.constant -65536 : i32
        %and3A_1310 = vector.broadcast %and3A_1309 : i32 to vector<16xi32>
        %and3A_1311 = arith.andi %get3A_1304, %and3A_1310 : vector<16xi32>
        %bitcast_convert_type3A_1312 = tpu.bitcast %and3A_1311 : vector<16xi32> -> vector<16xf32>
        %mul3A_1313 = arith.mulf %broadcast_in_dim3A_1296, %bitcast_convert_type3A_1308 : vector<16xf32>
        %add3A_1314 = arith.addf %add3A_1271, %mul3A_1313 : vector<16xf32>
        %mul3A_1315 = arith.mulf %broadcast_in_dim3A_1296, %bitcast_convert_type3A_1312 : vector<16xf32>
        %add3A_1316 = arith.addf %add3A_1273, %mul3A_1315 : vector<16xf32>
        %mul3A_1317 = arith.constant 32 : i32
        %mul3A_1318 = arith.muli %scan3A_287, %mul3A_1317 : i32
        %add3A_1319 = arith.constant 23 : i32
        %add3A_1320 = arith.addi %mul3A_1318, %add3A_1319 : i32
        %get3A_1321 = arith.index_cast %add3A_1320 : i32 to index
        %get3A_1322 = arith.constant 16 : index
        %get3A_1323 = tpu.vector_load %arg11[%get3A_1321, %get3A_1322] {strides = array<i32>} : memref<512x32xi32, #tpu.memory_space<vmem>>, vector<1x16xi32>,
        %get3A_1324 = vector.shape_cast %get3A_1323 : vector<1x16xi32> to vector<16xi32>
        %shift_left3A_1325 = arith.constant 16 : i32
        %shift_left3A_1326 = vector.broadcast %shift_left3A_1325 : i32 to vector<16xi32>
        %shift_left3A_1327 = arith.shli %get3A_1324, %shift_left3A_1326 : vector<16xi32>
        %bitcast_convert_type3A_1328 = tpu.bitcast %shift_left3A_1327 : vector<16xi32> -> vector<16xf32>
        %and3A_1329 = arith.constant -65536 : i32
        %and3A_1330 = vector.broadcast %and3A_1329 : i32 to vector<16xi32>
        %and3A_1331 = arith.andi %get3A_1324, %and3A_1330 : vector<16xi32>
        %bitcast_convert_type3A_1332 = tpu.bitcast %and3A_1331 : vector<16xi32> -> vector<16xf32>
        %mul3A_1333 = arith.mulf %broadcast_in_dim3A_1296, %bitcast_convert_type3A_1328 : vector<16xf32>
        %add3A_1334 = arith.addf %add3A_1291, %mul3A_1333 : vector<16xf32>
        %mul3A_1335 = arith.mulf %broadcast_in_dim3A_1296, %bitcast_convert_type3A_1332 : vector<16xf32>
        %add3A_1336 = arith.addf %add3A_1293, %mul3A_1335 : vector<16xf32>
        %slice3A_1337 = vector.extract_strided_slice %get3A_309 {offsets = [8], sizes = [1], strides = [1]} : vector<16xf32> to vector<1xf32>
        %squeeze3A_1338 = vector.extract %slice3A_1337[0] : f32 from vector<1xf32>
        %broadcast_in_dim3A_1339 = vector.broadcast %squeeze3A_1338 : f32 to vector<16xf32>
        %mul3A_1340 = arith.constant 32 : i32
        %mul3A_1341 = arith.muli %scan3A_287, %mul3A_1340 : i32
        %add3A_1342 = arith.constant 24 : i32
        %add3A_1343 = arith.addi %mul3A_1341, %add3A_1342 : i32
        %get3A_1344 = arith.index_cast %add3A_1343 : i32 to index
        %get3A_1345 = arith.constant 0 : index
        %get3A_1346 = tpu.vector_load %arg11[%get3A_1344, %get3A_1345] {strides = array<i32>} : memref<512x32xi32, #tpu.memory_space<vmem>>, vector<1x16xi32>,
        %get3A_1347 = vector.shape_cast %get3A_1346 : vector<1x16xi32> to vector<16xi32>
        %shift_left3A_1348 = arith.constant 16 : i32
        %shift_left3A_1349 = vector.broadcast %shift_left3A_1348 : i32 to vector<16xi32>
        %shift_left3A_1350 = arith.shli %get3A_1347, %shift_left3A_1349 : vector<16xi32>
        %bitcast_convert_type3A_1351 = tpu.bitcast %shift_left3A_1350 : vector<16xi32> -> vector<16xf32>
        %and3A_1352 = arith.constant -65536 : i32
        %and3A_1353 = vector.broadcast %and3A_1352 : i32 to vector<16xi32>
        %and3A_1354 = arith.andi %get3A_1347, %and3A_1353 : vector<16xi32>
        %bitcast_convert_type3A_1355 = tpu.bitcast %and3A_1354 : vector<16xi32> -> vector<16xf32>
        %mul3A_1356 = arith.mulf %broadcast_in_dim3A_1339, %bitcast_convert_type3A_1351 : vector<16xf32>
        %add3A_1357 = arith.addf %add3A_1314, %mul3A_1356 : vector<16xf32>
        %mul3A_1358 = arith.mulf %broadcast_in_dim3A_1339, %bitcast_convert_type3A_1355 : vector<16xf32>
        %add3A_1359 = arith.addf %add3A_1316, %mul3A_1358 : vector<16xf32>
        %mul3A_1360 = arith.constant 32 : i32
        %mul3A_1361 = arith.muli %scan3A_287, %mul3A_1360 : i32
        %add3A_1362 = arith.constant 24 : i32
        %add3A_1363 = arith.addi %mul3A_1361, %add3A_1362 : i32
        %get3A_1364 = arith.index_cast %add3A_1363 : i32 to index
        %get3A_1365 = arith.constant 16 : index
        %get3A_1366 = tpu.vector_load %arg11[%get3A_1364, %get3A_1365] {strides = array<i32>} : memref<512x32xi32, #tpu.memory_space<vmem>>, vector<1x16xi32>,
        %get3A_1367 = vector.shape_cast %get3A_1366 : vector<1x16xi32> to vector<16xi32>
        %shift_left3A_1368 = arith.constant 16 : i32
        %shift_left3A_1369 = vector.broadcast %shift_left3A_1368 : i32 to vector<16xi32>
        %shift_left3A_1370 = arith.shli %get3A_1367, %shift_left3A_1369 : vector<16xi32>
        %bitcast_convert_type3A_1371 = tpu.bitcast %shift_left3A_1370 : vector<16xi32> -> vector<16xf32>
        %and3A_1372 = arith.constant -65536 : i32
        %and3A_1373 = vector.broadcast %and3A_1372 : i32 to vector<16xi32>
        %and3A_1374 = arith.andi %get3A_1367, %and3A_1373 : vector<16xi32>
        %bitcast_convert_type3A_1375 = tpu.bitcast %and3A_1374 : vector<16xi32> -> vector<16xf32>
        %mul3A_1376 = arith.mulf %broadcast_in_dim3A_1339, %bitcast_convert_type3A_1371 : vector<16xf32>
        %add3A_1377 = arith.addf %add3A_1334, %mul3A_1376 : vector<16xf32>
        %mul3A_1378 = arith.mulf %broadcast_in_dim3A_1339, %bitcast_convert_type3A_1375 : vector<16xf32>
        %add3A_1379 = arith.addf %add3A_1336, %mul3A_1378 : vector<16xf32>
        %slice3A_1380 = vector.extract_strided_slice %get3A_309 {offsets = [9], sizes = [1], strides = [1]} : vector<16xf32> to vector<1xf32>
        %squeeze3A_1381 = vector.extract %slice3A_1380[0] : f32 from vector<1xf32>
        %broadcast_in_dim3A_1382 = vector.broadcast %squeeze3A_1381 : f32 to vector<16xf32>
        %mul3A_1383 = arith.constant 32 : i32
        %mul3A_1384 = arith.muli %scan3A_287, %mul3A_1383 : i32
        %add3A_1385 = arith.constant 25 : i32
        %add3A_1386 = arith.addi %mul3A_1384, %add3A_1385 : i32
        %get3A_1387 = arith.index_cast %add3A_1386 : i32 to index
        %get3A_1388 = arith.constant 0 : index
        %get3A_1389 = tpu.vector_load %arg11[%get3A_1387, %get3A_1388] {strides = array<i32>} : memref<512x32xi32, #tpu.memory_space<vmem>>, vector<1x16xi32>,
        %get3A_1390 = vector.shape_cast %get3A_1389 : vector<1x16xi32> to vector<16xi32>
        %shift_left3A_1391 = arith.constant 16 : i32
        %shift_left3A_1392 = vector.broadcast %shift_left3A_1391 : i32 to vector<16xi32>
        %shift_left3A_1393 = arith.shli %get3A_1390, %shift_left3A_1392 : vector<16xi32>
        %bitcast_convert_type3A_1394 = tpu.bitcast %shift_left3A_1393 : vector<16xi32> -> vector<16xf32>
        %and3A_1395 = arith.constant -65536 : i32
        %and3A_1396 = vector.broadcast %and3A_1395 : i32 to vector<16xi32>
        %and3A_1397 = arith.andi %get3A_1390, %and3A_1396 : vector<16xi32>
        %bitcast_convert_type3A_1398 = tpu.bitcast %and3A_1397 : vector<16xi32> -> vector<16xf32>
        %mul3A_1399 = arith.mulf %broadcast_in_dim3A_1382, %bitcast_convert_type3A_1394 : vector<16xf32>
        %add3A_1400 = arith.addf %add3A_1357, %mul3A_1399 : vector<16xf32>
        %mul3A_1401 = arith.mulf %broadcast_in_dim3A_1382, %bitcast_convert_type3A_1398 : vector<16xf32>
        %add3A_1402 = arith.addf %add3A_1359, %mul3A_1401 : vector<16xf32>
        %mul3A_1403 = arith.constant 32 : i32
        %mul3A_1404 = arith.muli %scan3A_287, %mul3A_1403 : i32
        %add3A_1405 = arith.constant 25 : i32
        %add3A_1406 = arith.addi %mul3A_1404, %add3A_1405 : i32
        %get3A_1407 = arith.index_cast %add3A_1406 : i32 to index
        %get3A_1408 = arith.constant 16 : index
        %get3A_1409 = tpu.vector_load %arg11[%get3A_1407, %get3A_1408] {strides = array<i32>} : memref<512x32xi32, #tpu.memory_space<vmem>>, vector<1x16xi32>,
        %get3A_1410 = vector.shape_cast %get3A_1409 : vector<1x16xi32> to vector<16xi32>
        %shift_left3A_1411 = arith.constant 16 : i32
        %shift_left3A_1412 = vector.broadcast %shift_left3A_1411 : i32 to vector<16xi32>
        %shift_left3A_1413 = arith.shli %get3A_1410, %shift_left3A_1412 : vector<16xi32>
        %bitcast_convert_type3A_1414 = tpu.bitcast %shift_left3A_1413 : vector<16xi32> -> vector<16xf32>
        %and3A_1415 = arith.constant -65536 : i32
        %and3A_1416 = vector.broadcast %and3A_1415 : i32 to vector<16xi32>
        %and3A_1417 = arith.andi %get3A_1410, %and3A_1416 : vector<16xi32>
        %bitcast_convert_type3A_1418 = tpu.bitcast %and3A_1417 : vector<16xi32> -> vector<16xf32>
        %mul3A_1419 = arith.mulf %broadcast_in_dim3A_1382, %bitcast_convert_type3A_1414 : vector<16xf32>
        %add3A_1420 = arith.addf %add3A_1377, %mul3A_1419 : vector<16xf32>
        %mul3A_1421 = arith.mulf %broadcast_in_dim3A_1382, %bitcast_convert_type3A_1418 : vector<16xf32>
        %add3A_1422 = arith.addf %add3A_1379, %mul3A_1421 : vector<16xf32>
        %slice3A_1423 = vector.extract_strided_slice %get3A_309 {offsets = [10], sizes = [1], strides = [1]} : vector<16xf32> to vector<1xf32>
        %squeeze3A_1424 = vector.extract %slice3A_1423[0] : f32 from vector<1xf32>
        %broadcast_in_dim3A_1425 = vector.broadcast %squeeze3A_1424 : f32 to vector<16xf32>
        %mul3A_1426 = arith.constant 32 : i32
        %mul3A_1427 = arith.muli %scan3A_287, %mul3A_1426 : i32
        %add3A_1428 = arith.constant 26 : i32
        %add3A_1429 = arith.addi %mul3A_1427, %add3A_1428 : i32
        %get3A_1430 = arith.index_cast %add3A_1429 : i32 to index
        %get3A_1431 = arith.constant 0 : index
        %get3A_1432 = tpu.vector_load %arg11[%get3A_1430, %get3A_1431] {strides = array<i32>} : memref<512x32xi32, #tpu.memory_space<vmem>>, vector<1x16xi32>,
        %get3A_1433 = vector.shape_cast %get3A_1432 : vector<1x16xi32> to vector<16xi32>
        %shift_left3A_1434 = arith.constant 16 : i32
        %shift_left3A_1435 = vector.broadcast %shift_left3A_1434 : i32 to vector<16xi32>
        %shift_left3A_1436 = arith.shli %get3A_1433, %shift_left3A_1435 : vector<16xi32>
        %bitcast_convert_type3A_1437 = tpu.bitcast %shift_left3A_1436 : vector<16xi32> -> vector<16xf32>
        %and3A_1438 = arith.constant -65536 : i32
        %and3A_1439 = vector.broadcast %and3A_1438 : i32 to vector<16xi32>
        %and3A_1440 = arith.andi %get3A_1433, %and3A_1439 : vector<16xi32>
        %bitcast_convert_type3A_1441 = tpu.bitcast %and3A_1440 : vector<16xi32> -> vector<16xf32>
        %mul3A_1442 = arith.mulf %broadcast_in_dim3A_1425, %bitcast_convert_type3A_1437 : vector<16xf32>
        %add3A_1443 = arith.addf %add3A_1400, %mul3A_1442 : vector<16xf32>
        %mul3A_1444 = arith.mulf %broadcast_in_dim3A_1425, %bitcast_convert_type3A_1441 : vector<16xf32>
        %add3A_1445 = arith.addf %add3A_1402, %mul3A_1444 : vector<16xf32>
        %mul3A_1446 = arith.constant 32 : i32
        %mul3A_1447 = arith.muli %scan3A_287, %mul3A_1446 : i32
        %add3A_1448 = arith.constant 26 : i32
        %add3A_1449 = arith.addi %mul3A_1447, %add3A_1448 : i32
        %get3A_1450 = arith.index_cast %add3A_1449 : i32 to index
        %get3A_1451 = arith.constant 16 : index
        %get3A_1452 = tpu.vector_load %arg11[%get3A_1450, %get3A_1451] {strides = array<i32>} : memref<512x32xi32, #tpu.memory_space<vmem>>, vector<1x16xi32>,
        %get3A_1453 = vector.shape_cast %get3A_1452 : vector<1x16xi32> to vector<16xi32>
        %shift_left3A_1454 = arith.constant 16 : i32
        %shift_left3A_1455 = vector.broadcast %shift_left3A_1454 : i32 to vector<16xi32>
        %shift_left3A_1456 = arith.shli %get3A_1453, %shift_left3A_1455 : vector<16xi32>
        %bitcast_convert_type3A_1457 = tpu.bitcast %shift_left3A_1456 : vector<16xi32> -> vector<16xf32>
        %and3A_1458 = arith.constant -65536 : i32
        %and3A_1459 = vector.broadcast %and3A_1458 : i32 to vector<16xi32>
        %and3A_1460 = arith.andi %get3A_1453, %and3A_1459 : vector<16xi32>
        %bitcast_convert_type3A_1461 = tpu.bitcast %and3A_1460 : vector<16xi32> -> vector<16xf32>
        %mul3A_1462 = arith.mulf %broadcast_in_dim3A_1425, %bitcast_convert_type3A_1457 : vector<16xf32>
        %add3A_1463 = arith.addf %add3A_1420, %mul3A_1462 : vector<16xf32>
        %mul3A_1464 = arith.mulf %broadcast_in_dim3A_1425, %bitcast_convert_type3A_1461 : vector<16xf32>
        %add3A_1465 = arith.addf %add3A_1422, %mul3A_1464 : vector<16xf32>
        %slice3A_1466 = vector.extract_strided_slice %get3A_309 {offsets = [11], sizes = [1], strides = [1]} : vector<16xf32> to vector<1xf32>
        %squeeze3A_1467 = vector.extract %slice3A_1466[0] : f32 from vector<1xf32>
        %broadcast_in_dim3A_1468 = vector.broadcast %squeeze3A_1467 : f32 to vector<16xf32>
        %mul3A_1469 = arith.constant 32 : i32
        %mul3A_1470 = arith.muli %scan3A_287, %mul3A_1469 : i32
        %add3A_1471 = arith.constant 27 : i32
        %add3A_1472 = arith.addi %mul3A_1470, %add3A_1471 : i32
        %get3A_1473 = arith.index_cast %add3A_1472 : i32 to index
        %get3A_1474 = arith.constant 0 : index
        %get3A_1475 = tpu.vector_load %arg11[%get3A_1473, %get3A_1474] {strides = array<i32>} : memref<512x32xi32, #tpu.memory_space<vmem>>, vector<1x16xi32>,
        %get3A_1476 = vector.shape_cast %get3A_1475 : vector<1x16xi32> to vector<16xi32>
        %shift_left3A_1477 = arith.constant 16 : i32
        %shift_left3A_1478 = vector.broadcast %shift_left3A_1477 : i32 to vector<16xi32>
        %shift_left3A_1479 = arith.shli %get3A_1476, %shift_left3A_1478 : vector<16xi32>
        %bitcast_convert_type3A_1480 = tpu.bitcast %shift_left3A_1479 : vector<16xi32> -> vector<16xf32>
        %and3A_1481 = arith.constant -65536 : i32
        %and3A_1482 = vector.broadcast %and3A_1481 : i32 to vector<16xi32>
        %and3A_1483 = arith.andi %get3A_1476, %and3A_1482 : vector<16xi32>
        %bitcast_convert_type3A_1484 = tpu.bitcast %and3A_1483 : vector<16xi32> -> vector<16xf32>
        %mul3A_1485 = arith.mulf %broadcast_in_dim3A_1468, %bitcast_convert_type3A_1480 : vector<16xf32>
        %add3A_1486 = arith.addf %add3A_1443, %mul3A_1485 : vector<16xf32>
        %mul3A_1487 = arith.mulf %broadcast_in_dim3A_1468, %bitcast_convert_type3A_1484 : vector<16xf32>
        %add3A_1488 = arith.addf %add3A_1445, %mul3A_1487 : vector<16xf32>
        %mul3A_1489 = arith.constant 32 : i32
        %mul3A_1490 = arith.muli %scan3A_287, %mul3A_1489 : i32
        %add3A_1491 = arith.constant 27 : i32
        %add3A_1492 = arith.addi %mul3A_1490, %add3A_1491 : i32
        %get3A_1493 = arith.index_cast %add3A_1492 : i32 to index
        %get3A_1494 = arith.constant 16 : index
        %get3A_1495 = tpu.vector_load %arg11[%get3A_1493, %get3A_1494] {strides = array<i32>} : memref<512x32xi32, #tpu.memory_space<vmem>>, vector<1x16xi32>,
        %get3A_1496 = vector.shape_cast %get3A_1495 : vector<1x16xi32> to vector<16xi32>
        %shift_left3A_1497 = arith.constant 16 : i32
        %shift_left3A_1498 = vector.broadcast %shift_left3A_1497 : i32 to vector<16xi32>
        %shift_left3A_1499 = arith.shli %get3A_1496, %shift_left3A_1498 : vector<16xi32>
        %bitcast_convert_type3A_1500 = tpu.bitcast %shift_left3A_1499 : vector<16xi32> -> vector<16xf32>
        %and3A_1501 = arith.constant -65536 : i32
        %and3A_1502 = vector.broadcast %and3A_1501 : i32 to vector<16xi32>
        %and3A_1503 = arith.andi %get3A_1496, %and3A_1502 : vector<16xi32>
        %bitcast_convert_type3A_1504 = tpu.bitcast %and3A_1503 : vector<16xi32> -> vector<16xf32>
        %mul3A_1505 = arith.mulf %broadcast_in_dim3A_1468, %bitcast_convert_type3A_1500 : vector<16xf32>
        %add3A_1506 = arith.addf %add3A_1463, %mul3A_1505 : vector<16xf32>
        %mul3A_1507 = arith.mulf %broadcast_in_dim3A_1468, %bitcast_convert_type3A_1504 : vector<16xf32>
        %add3A_1508 = arith.addf %add3A_1465, %mul3A_1507 : vector<16xf32>
        %slice3A_1509 = vector.extract_strided_slice %get3A_309 {offsets = [12], sizes = [1], strides = [1]} : vector<16xf32> to vector<1xf32>
        %squeeze3A_1510 = vector.extract %slice3A_1509[0] : f32 from vector<1xf32>
        %broadcast_in_dim3A_1511 = vector.broadcast %squeeze3A_1510 : f32 to vector<16xf32>
        %mul3A_1512 = arith.constant 32 : i32
        %mul3A_1513 = arith.muli %scan3A_287, %mul3A_1512 : i32
        %add3A_1514 = arith.constant 28 : i32
        %add3A_1515 = arith.addi %mul3A_1513, %add3A_1514 : i32
        %get3A_1516 = arith.index_cast %add3A_1515 : i32 to index
        %get3A_1517 = arith.constant 0 : index
        %get3A_1518 = tpu.vector_load %arg11[%get3A_1516, %get3A_1517] {strides = array<i32>} : memref<512x32xi32, #tpu.memory_space<vmem>>, vector<1x16xi32>,
        %get3A_1519 = vector.shape_cast %get3A_1518 : vector<1x16xi32> to vector<16xi32>
        %shift_left3A_1520 = arith.constant 16 : i32
        %shift_left3A_1521 = vector.broadcast %shift_left3A_1520 : i32 to vector<16xi32>
        %shift_left3A_1522 = arith.shli %get3A_1519, %shift_left3A_1521 : vector<16xi32>
        %bitcast_convert_type3A_1523 = tpu.bitcast %shift_left3A_1522 : vector<16xi32> -> vector<16xf32>
        %and3A_1524 = arith.constant -65536 : i32
        %and3A_1525 = vector.broadcast %and3A_1524 : i32 to vector<16xi32>
        %and3A_1526 = arith.andi %get3A_1519, %and3A_1525 : vector<16xi32>
        %bitcast_convert_type3A_1527 = tpu.bitcast %and3A_1526 : vector<16xi32> -> vector<16xf32>
        %mul3A_1528 = arith.mulf %broadcast_in_dim3A_1511, %bitcast_convert_type3A_1523 : vector<16xf32>
        %add3A_1529 = arith.addf %add3A_1486, %mul3A_1528 : vector<16xf32>
        %mul3A_1530 = arith.mulf %broadcast_in_dim3A_1511, %bitcast_convert_type3A_1527 : vector<16xf32>
        %add3A_1531 = arith.addf %add3A_1488, %mul3A_1530 : vector<16xf32>
        %mul3A_1532 = arith.constant 32 : i32
        %mul3A_1533 = arith.muli %scan3A_287, %mul3A_1532 : i32
        %add3A_1534 = arith.constant 28 : i32
        %add3A_1535 = arith.addi %mul3A_1533, %add3A_1534 : i32
        %get3A_1536 = arith.index_cast %add3A_1535 : i32 to index
        %get3A_1537 = arith.constant 16 : index
        %get3A_1538 = tpu.vector_load %arg11[%get3A_1536, %get3A_1537] {strides = array<i32>} : memref<512x32xi32, #tpu.memory_space<vmem>>, vector<1x16xi32>,
        %get3A_1539 = vector.shape_cast %get3A_1538 : vector<1x16xi32> to vector<16xi32>
        %shift_left3A_1540 = arith.constant 16 : i32
        %shift_left3A_1541 = vector.broadcast %shift_left3A_1540 : i32 to vector<16xi32>
        %shift_left3A_1542 = arith.shli %get3A_1539, %shift_left3A_1541 : vector<16xi32>
        %bitcast_convert_type3A_1543 = tpu.bitcast %shift_left3A_1542 : vector<16xi32> -> vector<16xf32>
        %and3A_1544 = arith.constant -65536 : i32
        %and3A_1545 = vector.broadcast %and3A_1544 : i32 to vector<16xi32>
        %and3A_1546 = arith.andi %get3A_1539, %and3A_1545 : vector<16xi32>
        %bitcast_convert_type3A_1547 = tpu.bitcast %and3A_1546 : vector<16xi32> -> vector<16xf32>
        %mul3A_1548 = arith.mulf %broadcast_in_dim3A_1511, %bitcast_convert_type3A_1543 : vector<16xf32>
        %add3A_1549 = arith.addf %add3A_1506, %mul3A_1548 : vector<16xf32>
        %mul3A_1550 = arith.mulf %broadcast_in_dim3A_1511, %bitcast_convert_type3A_1547 : vector<16xf32>
        %add3A_1551 = arith.addf %add3A_1508, %mul3A_1550 : vector<16xf32>
        %slice3A_1552 = vector.extract_strided_slice %get3A_309 {offsets = [13], sizes = [1], strides = [1]} : vector<16xf32> to vector<1xf32>
        %squeeze3A_1553 = vector.extract %slice3A_1552[0] : f32 from vector<1xf32>
        %broadcast_in_dim3A_1554 = vector.broadcast %squeeze3A_1553 : f32 to vector<16xf32>
        %mul3A_1555 = arith.constant 32 : i32
        %mul3A_1556 = arith.muli %scan3A_287, %mul3A_1555 : i32
        %add3A_1557 = arith.constant 29 : i32
        %add3A_1558 = arith.addi %mul3A_1556, %add3A_1557 : i32
        %get3A_1559 = arith.index_cast %add3A_1558 : i32 to index
        %get3A_1560 = arith.constant 0 : index
        %get3A_1561 = tpu.vector_load %arg11[%get3A_1559, %get3A_1560] {strides = array<i32>} : memref<512x32xi32, #tpu.memory_space<vmem>>, vector<1x16xi32>,
        %get3A_1562 = vector.shape_cast %get3A_1561 : vector<1x16xi32> to vector<16xi32>
        %shift_left3A_1563 = arith.constant 16 : i32
        %shift_left3A_1564 = vector.broadcast %shift_left3A_1563 : i32 to vector<16xi32>
        %shift_left3A_1565 = arith.shli %get3A_1562, %shift_left3A_1564 : vector<16xi32>
        %bitcast_convert_type3A_1566 = tpu.bitcast %shift_left3A_1565 : vector<16xi32> -> vector<16xf32>
        %and3A_1567 = arith.constant -65536 : i32
        %and3A_1568 = vector.broadcast %and3A_1567 : i32 to vector<16xi32>
        %and3A_1569 = arith.andi %get3A_1562, %and3A_1568 : vector<16xi32>
        %bitcast_convert_type3A_1570 = tpu.bitcast %and3A_1569 : vector<16xi32> -> vector<16xf32>
        %mul3A_1571 = arith.mulf %broadcast_in_dim3A_1554, %bitcast_convert_type3A_1566 : vector<16xf32>
        %add3A_1572 = arith.addf %add3A_1529, %mul3A_1571 : vector<16xf32>
        %mul3A_1573 = arith.mulf %broadcast_in_dim3A_1554, %bitcast_convert_type3A_1570 : vector<16xf32>
        %add3A_1574 = arith.addf %add3A_1531, %mul3A_1573 : vector<16xf32>
        %mul3A_1575 = arith.constant 32 : i32
        %mul3A_1576 = arith.muli %scan3A_287, %mul3A_1575 : i32
        %add3A_1577 = arith.constant 29 : i32
        %add3A_1578 = arith.addi %mul3A_1576, %add3A_1577 : i32
        %get3A_1579 = arith.index_cast %add3A_1578 : i32 to index
        %get3A_1580 = arith.constant 16 : index
        %get3A_1581 = tpu.vector_load %arg11[%get3A_1579, %get3A_1580] {strides = array<i32>} : memref<512x32xi32, #tpu.memory_space<vmem>>, vector<1x16xi32>,
        %get3A_1582 = vector.shape_cast %get3A_1581 : vector<1x16xi32> to vector<16xi32>
        %shift_left3A_1583 = arith.constant 16 : i32
        %shift_left3A_1584 = vector.broadcast %shift_left3A_1583 : i32 to vector<16xi32>
        %shift_left3A_1585 = arith.shli %get3A_1582, %shift_left3A_1584 : vector<16xi32>
        %bitcast_convert_type3A_1586 = tpu.bitcast %shift_left3A_1585 : vector<16xi32> -> vector<16xf32>
        %and3A_1587 = arith.constant -65536 : i32
        %and3A_1588 = vector.broadcast %and3A_1587 : i32 to vector<16xi32>
        %and3A_1589 = arith.andi %get3A_1582, %and3A_1588 : vector<16xi32>
        %bitcast_convert_type3A_1590 = tpu.bitcast %and3A_1589 : vector<16xi32> -> vector<16xf32>
        %mul3A_1591 = arith.mulf %broadcast_in_dim3A_1554, %bitcast_convert_type3A_1586 : vector<16xf32>
        %add3A_1592 = arith.addf %add3A_1549, %mul3A_1591 : vector<16xf32>
        %mul3A_1593 = arith.mulf %broadcast_in_dim3A_1554, %bitcast_convert_type3A_1590 : vector<16xf32>
        %add3A_1594 = arith.addf %add3A_1551, %mul3A_1593 : vector<16xf32>
        %slice3A_1595 = vector.extract_strided_slice %get3A_309 {offsets = [14], sizes = [1], strides = [1]} : vector<16xf32> to vector<1xf32>
        %squeeze3A_1596 = vector.extract %slice3A_1595[0] : f32 from vector<1xf32>
        %broadcast_in_dim3A_1597 = vector.broadcast %squeeze3A_1596 : f32 to vector<16xf32>
        %mul3A_1598 = arith.constant 32 : i32
        %mul3A_1599 = arith.muli %scan3A_287, %mul3A_1598 : i32
        %add3A_1600 = arith.constant 30 : i32
        %add3A_1601 = arith.addi %mul3A_1599, %add3A_1600 : i32
        %get3A_1602 = arith.index_cast %add3A_1601 : i32 to index
        %get3A_1603 = arith.constant 0 : index
        %get3A_1604 = tpu.vector_load %arg11[%get3A_1602, %get3A_1603] {strides = array<i32>} : memref<512x32xi32, #tpu.memory_space<vmem>>, vector<1x16xi32>,
        %get3A_1605 = vector.shape_cast %get3A_1604 : vector<1x16xi32> to vector<16xi32>
        %shift_left3A_1606 = arith.constant 16 : i32
        %shift_left3A_1607 = vector.broadcast %shift_left3A_1606 : i32 to vector<16xi32>
        %shift_left3A_1608 = arith.shli %get3A_1605, %shift_left3A_1607 : vector<16xi32>
        %bitcast_convert_type3A_1609 = tpu.bitcast %shift_left3A_1608 : vector<16xi32> -> vector<16xf32>
        %and3A_1610 = arith.constant -65536 : i32
        %and3A_1611 = vector.broadcast %and3A_1610 : i32 to vector<16xi32>
        %and3A_1612 = arith.andi %get3A_1605, %and3A_1611 : vector<16xi32>
        %bitcast_convert_type3A_1613 = tpu.bitcast %and3A_1612 : vector<16xi32> -> vector<16xf32>
        %mul3A_1614 = arith.mulf %broadcast_in_dim3A_1597, %bitcast_convert_type3A_1609 : vector<16xf32>
        %add3A_1615 = arith.addf %add3A_1572, %mul3A_1614 : vector<16xf32>
        %mul3A_1616 = arith.mulf %broadcast_in_dim3A_1597, %bitcast_convert_type3A_1613 : vector<16xf32>
        %add3A_1617 = arith.addf %add3A_1574, %mul3A_1616 : vector<16xf32>
        %mul3A_1618 = arith.constant 32 : i32
        %mul3A_1619 = arith.muli %scan3A_287, %mul3A_1618 : i32
        %add3A_1620 = arith.constant 30 : i32
        %add3A_1621 = arith.addi %mul3A_1619, %add3A_1620 : i32
        %get3A_1622 = arith.index_cast %add3A_1621 : i32 to index
        %get3A_1623 = arith.constant 16 : index
        %get3A_1624 = tpu.vector_load %arg11[%get3A_1622, %get3A_1623] {strides = array<i32>} : memref<512x32xi32, #tpu.memory_space<vmem>>, vector<1x16xi32>,
        %get3A_1625 = vector.shape_cast %get3A_1624 : vector<1x16xi32> to vector<16xi32>
        %shift_left3A_1626 = arith.constant 16 : i32
        %shift_left3A_1627 = vector.broadcast %shift_left3A_1626 : i32 to vector<16xi32>
        %shift_left3A_1628 = arith.shli %get3A_1625, %shift_left3A_1627 : vector<16xi32>
        %bitcast_convert_type3A_1629 = tpu.bitcast %shift_left3A_1628 : vector<16xi32> -> vector<16xf32>
        %and3A_1630 = arith.constant -65536 : i32
        %and3A_1631 = vector.broadcast %and3A_1630 : i32 to vector<16xi32>
        %and3A_1632 = arith.andi %get3A_1625, %and3A_1631 : vector<16xi32>
        %bitcast_convert_type3A_1633 = tpu.bitcast %and3A_1632 : vector<16xi32> -> vector<16xf32>
        %mul3A_1634 = arith.mulf %broadcast_in_dim3A_1597, %bitcast_convert_type3A_1629 : vector<16xf32>
        %add3A_1635 = arith.addf %add3A_1592, %mul3A_1634 : vector<16xf32>
        %mul3A_1636 = arith.mulf %broadcast_in_dim3A_1597, %bitcast_convert_type3A_1633 : vector<16xf32>
        %add3A_1637 = arith.addf %add3A_1594, %mul3A_1636 : vector<16xf32>
        %slice3A_1638 = vector.extract_strided_slice %get3A_309 {offsets = [15], sizes = [1], strides = [1]} : vector<16xf32> to vector<1xf32>
        %squeeze3A_1639 = vector.extract %slice3A_1638[0] : f32 from vector<1xf32>
        %broadcast_in_dim3A_1640 = vector.broadcast %squeeze3A_1639 : f32 to vector<16xf32>
        %mul3A_1641 = arith.constant 32 : i32
        %mul3A_1642 = arith.muli %scan3A_287, %mul3A_1641 : i32
        %add3A_1643 = arith.constant 31 : i32
        %add3A_1644 = arith.addi %mul3A_1642, %add3A_1643 : i32
        %get3A_1645 = arith.index_cast %add3A_1644 : i32 to index
        %get3A_1646 = arith.constant 0 : index
        %get3A_1647 = tpu.vector_load %arg11[%get3A_1645, %get3A_1646] {strides = array<i32>} : memref<512x32xi32, #tpu.memory_space<vmem>>, vector<1x16xi32>,
        %get3A_1648 = vector.shape_cast %get3A_1647 : vector<1x16xi32> to vector<16xi32>
        %shift_left3A_1649 = arith.constant 16 : i32
        %shift_left3A_1650 = vector.broadcast %shift_left3A_1649 : i32 to vector<16xi32>
        %shift_left3A_1651 = arith.shli %get3A_1648, %shift_left3A_1650 : vector<16xi32>
        %bitcast_convert_type3A_1652 = tpu.bitcast %shift_left3A_1651 : vector<16xi32> -> vector<16xf32>
        %and3A_1653 = arith.constant -65536 : i32
        %and3A_1654 = vector.broadcast %and3A_1653 : i32 to vector<16xi32>
        %and3A_1655 = arith.andi %get3A_1648, %and3A_1654 : vector<16xi32>
        %bitcast_convert_type3A_1656 = tpu.bitcast %and3A_1655 : vector<16xi32> -> vector<16xf32>
        %mul3A_1657 = arith.mulf %broadcast_in_dim3A_1640, %bitcast_convert_type3A_1652 : vector<16xf32>
        %add3A_1658 = arith.addf %add3A_1615, %mul3A_1657 : vector<16xf32>
        %mul3A_1659 = arith.mulf %broadcast_in_dim3A_1640, %bitcast_convert_type3A_1656 : vector<16xf32>
        %add3A_1660 = arith.addf %add3A_1617, %mul3A_1659 : vector<16xf32>
        %mul3A_1661 = arith.constant 32 : i32
        %mul3A_1662 = arith.muli %scan3A_287, %mul3A_1661 : i32
        %add3A_1663 = arith.constant 31 : i32
        %add3A_1664 = arith.addi %mul3A_1662, %add3A_1663 : i32
        %get3A_1665 = arith.index_cast %add3A_1664 : i32 to index
        %get3A_1666 = arith.constant 16 : index
        %get3A_1667 = tpu.vector_load %arg11[%get3A_1665, %get3A_1666] {strides = array<i32>} : memref<512x32xi32, #tpu.memory_space<vmem>>, vector<1x16xi32>,
        %get3A_1668 = vector.shape_cast %get3A_1667 : vector<1x16xi32> to vector<16xi32>
        %shift_left3A_1669 = arith.constant 16 : i32
        %shift_left3A_1670 = vector.broadcast %shift_left3A_1669 : i32 to vector<16xi32>
        %shift_left3A_1671 = arith.shli %get3A_1668, %shift_left3A_1670 : vector<16xi32>
        %bitcast_convert_type3A_1672 = tpu.bitcast %shift_left3A_1671 : vector<16xi32> -> vector<16xf32>
        %and3A_1673 = arith.constant -65536 : i32
        %and3A_1674 = vector.broadcast %and3A_1673 : i32 to vector<16xi32>
        %and3A_1675 = arith.andi %get3A_1668, %and3A_1674 : vector<16xi32>
        %bitcast_convert_type3A_1676 = tpu.bitcast %and3A_1675 : vector<16xi32> -> vector<16xf32>
        %mul3A_1677 = arith.mulf %broadcast_in_dim3A_1640, %bitcast_convert_type3A_1672 : vector<16xf32>
        %add3A_1678 = arith.addf %add3A_1635, %mul3A_1677 : vector<16xf32>
        %mul3A_1679 = arith.mulf %broadcast_in_dim3A_1640, %bitcast_convert_type3A_1676 : vector<16xf32>
        %add3A_1680 = arith.addf %add3A_1637, %mul3A_1679 : vector<16xf32>
        %swap3A = arith.index_cast %scan3A_287 : i32 to index
        %swap3A_1681 = arith.constant 0 : index
        %swap3A_1682 = tpu.vector_load %arg13[%swap3A, %swap3A_1681] {strides = array<i32>} : memref<16x64xf32, #tpu.memory_space<vmem>>, vector<1x16xf32>,
        %swap3A_1683 = vector.shape_cast %swap3A_1682 : vector<1x16xf32> to vector<16xf32>
        %swap3A_1684 = vector.shape_cast %add3A_1658 : vector<16xf32> to vector<1x16xf32>
        tpu.vector_store %arg13[%swap3A, %swap3A_1681], %swap3A_1684 {strides = array<i32>} : memref<16x64xf32, #tpu.memory_space<vmem>>, vector<1x16xf32>,
        %swap3A_1685 = arith.index_cast %scan3A_287 : i32 to index
        %swap3A_1686 = arith.constant 16 : index
        %swap3A_1687 = tpu.vector_load %arg13[%swap3A_1685, %swap3A_1686] {strides = array<i32>} : memref<16x64xf32, #tpu.memory_space<vmem>>, vector<1x16xf32>,
        %swap3A_1688 = vector.shape_cast %swap3A_1687 : vector<1x16xf32> to vector<16xf32>
        %swap3A_1689 = vector.shape_cast %add3A_1660 : vector<16xf32> to vector<1x16xf32>
        tpu.vector_store %arg13[%swap3A_1685, %swap3A_1686], %swap3A_1689 {strides = array<i32>} : memref<16x64xf32, #tpu.memory_space<vmem>>, vector<1x16xf32>,
        %swap3A_1690 = arith.index_cast %scan3A_287 : i32 to index
        %swap3A_1691 = arith.constant 32 : index
        %swap3A_1692 = tpu.vector_load %arg13[%swap3A_1690, %swap3A_1691] {strides = array<i32>} : memref<16x64xf32, #tpu.memory_space<vmem>>, vector<1x16xf32>,
        %swap3A_1693 = vector.shape_cast %swap3A_1692 : vector<1x16xf32> to vector<16xf32>
        %swap3A_1694 = vector.shape_cast %add3A_1678 : vector<16xf32> to vector<1x16xf32>
        tpu.vector_store %arg13[%swap3A_1690, %swap3A_1691], %swap3A_1694 {strides = array<i32>} : memref<16x64xf32, #tpu.memory_space<vmem>>, vector<1x16xf32>,
        %swap3A_1695 = arith.index_cast %scan3A_287 : i32 to index
        %swap3A_1696 = arith.constant 48 : index
        %swap3A_1697 = tpu.vector_load %arg13[%swap3A_1695, %swap3A_1696] {strides = array<i32>} : memref<16x64xf32, #tpu.memory_space<vmem>>, vector<1x16xf32>,
        %swap3A_1698 = vector.shape_cast %swap3A_1697 : vector<1x16xf32> to vector<16xf32>
        %swap3A_1699 = vector.shape_cast %add3A_1680 : vector<16xf32> to vector<1x16xf32>
        tpu.vector_store %arg13[%swap3A_1695, %swap3A_1696], %swap3A_1699 {strides = array<i32>} : memref<16x64xf32, #tpu.memory_space<vmem>>, vector<1x16xf32>,
        %scan3A_1700 = arith.constant 0 : i32
        scf.yield %scan3A_1700 : i32
      }
      %scan3A_221 = arith.constant 16 : i32
      %mul3A_222 = arith.constant 16 : i32
      %mul3A_223 = arith.muli %mul3A_126, %mul3A_222 : i32
      %add3A_224 = arith.addi %mul3A_2, %mul3A_223 : i32
      %dma_start3A_225 = arith.constant 0 : i32
      %dma_start3A_226 = tpu.memref_slice %arg7[%add3A_224, %dma_start3A_225] : memref<10240x64xf32, #tpu.memory_space<hbm>> -> memref<16x64xf32, #tpu.memory_space<hbm>>
      %dma_start3A_227 = arith.constant 0 : i32
      %dma_start3A_228 = tpu.memref_slice %arg7[%add3A_224, %dma_start3A_227] : memref<10240x64xf32, #tpu.memory_space<hbm>> -> memref<16x64xf32, #tpu.memory_space<hbm>>
      tpu.enqueue_dma source(%arg13 : memref<16x64xf32, #tpu.memory_space<vmem>>) target(%dma_start3A_228 : memref<16x64xf32, #tpu.memory_space<hbm>>) target_semaphore(%arg19 : memref<!tpu.dma_semaphore, #tpu.memory_space<semaphore_mem>>)
      %add3A_229 = arith.constant 1 : i32
      %add3A_230 = arith.addi %add3A_128, %add3A_229 : i32
      %lt3A = arith.constant 20 : i32
      %lt3A_231 = arith.cmpi slt, %add3A_230, %lt3A : i32
      %convert_element_type3A_232 = arith.extui %lt3A_231 : i1 to i32
      %cond3A_233 = arith.constant 0 : i32
      %cond3A_234 = arith.cmpi ne, %convert_element_type3A_232, %cond3A_233 : i32
      scf.if %cond3A_234 {
        %add3A_287 = arith.constant 1 : i32
        %add3A_288 = arith.addi %add3A_128, %add3A_287 : i32
        %mul3A_289 = arith.constant 16 : i32
        %mul3A_290 = arith.muli %add3A_288, %mul3A_289 : i32
        %mul3A_291 = arith.constant 32 : i32
        %mul3A_292 = arith.muli %mul3A_290, %mul3A_291 : i32
        %add3A_293 = arith.constant 0 : i32
        %add3A_294 = arith.addi %mul3A_292, %add3A_293 : i32
        %dma_start3A_295 = arith.constant 0 : i32
        %dma_start3A_296 = arith.constant 0 : i32
        %dma_start3A_297 = tpu.memref_slice %arg11[%dma_start3A_295, %dma_start3A_296] : memref<512x32xi32, #tpu.memory_space<vmem>> -> memref<128x32xi32, #tpu.memory_space<vmem>>
        %dma_start3A_298 = tpu.memref_slice %arg9[%add3A_294] : memref<10240xi32, #tpu.memory_space<vmem>> -> memref<128xi32, #tpu.memory_space<vmem>>
        %dma_start3A_299 = arith.constant 0 : i32
        %dma_start3A_300 = arith.constant 0 : i32
        %dma_start3A_301 = tpu.memref_slice %arg2[%dma_start3A_299, %dma_start3A_300] : memref<100000x32xi32, #tpu.memory_space<hbm>> -> memref<100000x32xi32, #tpu.memory_space<hbm>>
        tpu.enqueue_indirect_dma source(%dma_start3A_301 : memref<100000x32xi32, #tpu.memory_space<hbm>>) target(%dma_start3A_297 : memref<128x32xi32, #tpu.memory_space<vmem>>) offsets(%dma_start3A_298 : memref<128xi32, #tpu.memory_space<vmem>>) semaphore(%arg17 : memref<!tpu.dma_semaphore, #tpu.memory_space<semaphore_mem>>)
        %mul3A_302 = arith.constant 16 : i32
        %mul3A_303 = arith.muli %add3A_288, %mul3A_302 : i32
        %mul3A_304 = arith.constant 32 : i32
        %mul3A_305 = arith.muli %mul3A_303, %mul3A_304 : i32
        %add3A_306 = arith.constant 128 : i32
        %add3A_307 = arith.addi %mul3A_305, %add3A_306 : i32
        %dma_start3A_308 = arith.constant 128 : i32
        %dma_start3A_309 = arith.constant 0 : i32
        %dma_start3A_310 = tpu.memref_slice %arg11[%dma_start3A_308, %dma_start3A_309] : memref<512x32xi32, #tpu.memory_space<vmem>> -> memref<128x32xi32, #tpu.memory_space<vmem>>
        %dma_start3A_311 = tpu.memref_slice %arg9[%add3A_307] : memref<10240xi32, #tpu.memory_space<vmem>> -> memref<128xi32, #tpu.memory_space<vmem>>
        %dma_start3A_312 = arith.constant 0 : i32
        %dma_start3A_313 = arith.constant 0 : i32
        %dma_start3A_314 = tpu.memref_slice %arg2[%dma_start3A_312, %dma_start3A_313] : memref<100000x32xi32, #tpu.memory_space<hbm>> -> memref<100000x32xi32, #tpu.memory_space<hbm>>
        tpu.enqueue_indirect_dma source(%dma_start3A_314 : memref<100000x32xi32, #tpu.memory_space<hbm>>) target(%dma_start3A_310 : memref<128x32xi32, #tpu.memory_space<vmem>>) offsets(%dma_start3A_311 : memref<128xi32, #tpu.memory_space<vmem>>) semaphore(%arg17 : memref<!tpu.dma_semaphore, #tpu.memory_space<semaphore_mem>>)
        %mul3A_315 = arith.constant 16 : i32
        %mul3A_316 = arith.muli %add3A_288, %mul3A_315 : i32
        %mul3A_317 = arith.constant 32 : i32
        %mul3A_318 = arith.muli %mul3A_316, %mul3A_317 : i32
        %add3A_319 = arith.constant 256 : i32
        %add3A_320 = arith.addi %mul3A_318, %add3A_319 : i32
        %dma_start3A_321 = arith.constant 256 : i32
        %dma_start3A_322 = arith.constant 0 : i32
        %dma_start3A_323 = tpu.memref_slice %arg11[%dma_start3A_321, %dma_start3A_322] : memref<512x32xi32, #tpu.memory_space<vmem>> -> memref<128x32xi32, #tpu.memory_space<vmem>>
        %dma_start3A_324 = tpu.memref_slice %arg9[%add3A_320] : memref<10240xi32, #tpu.memory_space<vmem>> -> memref<128xi32, #tpu.memory_space<vmem>>
        %dma_start3A_325 = arith.constant 0 : i32
        %dma_start3A_326 = arith.constant 0 : i32
        %dma_start3A_327 = tpu.memref_slice %arg2[%dma_start3A_325, %dma_start3A_326] : memref<100000x32xi32, #tpu.memory_space<hbm>> -> memref<100000x32xi32, #tpu.memory_space<hbm>>
        tpu.enqueue_indirect_dma source(%dma_start3A_327 : memref<100000x32xi32, #tpu.memory_space<hbm>>) target(%dma_start3A_323 : memref<128x32xi32, #tpu.memory_space<vmem>>) offsets(%dma_start3A_324 : memref<128xi32, #tpu.memory_space<vmem>>) semaphore(%arg17 : memref<!tpu.dma_semaphore, #tpu.memory_space<semaphore_mem>>)
        %mul3A_328 = arith.constant 16 : i32
        %mul3A_329 = arith.muli %add3A_288, %mul3A_328 : i32
        %mul3A_330 = arith.constant 32 : i32
        %mul3A_331 = arith.muli %mul3A_329, %mul3A_330 : i32
        %add3A_332 = arith.constant 384 : i32
        %add3A_333 = arith.addi %mul3A_331, %add3A_332 : i32
        %dma_start3A_334 = arith.constant 384 : i32
        %dma_start3A_335 = arith.constant 0 : i32
        %dma_start3A_336 = tpu.memref_slice %arg11[%dma_start3A_334, %dma_start3A_335] : memref<512x32xi32, #tpu.memory_space<vmem>> -> memref<128x32xi32, #tpu.memory_space<vmem>>
        %dma_start3A_337 = tpu.memref_slice %arg9[%add3A_333] : memref<10240xi32, #tpu.memory_space<vmem>> -> memref<128xi32, #tpu.memory_space<vmem>>
        %dma_start3A_338 = arith.constant 0 : i32
        %dma_start3A_339 = arith.constant 0 : i32
        %dma_start3A_340 = tpu.memref_slice %arg2[%dma_start3A_338, %dma_start3A_339] : memref<100000x32xi32, #tpu.memory_space<hbm>> -> memref<100000x32xi32, #tpu.memory_space<hbm>>
        tpu.enqueue_indirect_dma source(%dma_start3A_340 : memref<100000x32xi32, #tpu.memory_space<hbm>>) target(%dma_start3A_336 : memref<128x32xi32, #tpu.memory_space<vmem>>) offsets(%dma_start3A_337 : memref<128xi32, #tpu.memory_space<vmem>>) semaphore(%arg17 : memref<!tpu.dma_semaphore, #tpu.memory_space<semaphore_mem>>)
      } else {
      }
      %gt3A_235 = arith.constant 0 : i32
      %gt3A_236 = arith.cmpi sgt, %scan3A_123, %gt3A_235 : i32
      %convert_element_type3A_237 = arith.extui %gt3A_236 : i1 to i32
      %cond3A_238 = arith.constant 0 : i32
      %cond3A_239 = arith.cmpi ne, %convert_element_type3A_237, %cond3A_238 : i32
      scf.if %cond3A_239 {
        %dma_wait3A_287 = arith.constant 0 : i32
        %dma_wait3A_288 = arith.constant 0 : i32
        %dma_wait3A_289 = tpu.memref_slice %arg7[%dma_wait3A_287, %dma_wait3A_288] : memref<10240x64xf32, #tpu.memory_space<hbm>> -> memref<16x64xf32, #tpu.memory_space<hbm>>
        %dma_wait3A_290 = arith.constant 0 : i32
        %dma_wait3A_291 = arith.constant 0 : i32
        %dma_wait3A_292 = tpu.memref_slice %arg7[%dma_wait3A_290, %dma_wait3A_291] : memref<10240x64xf32, #tpu.memory_space<hbm>> -> memref<16x64xf32, #tpu.memory_space<hbm>>
        tpu.wait_dma2 semaphore(%arg20 : memref<!tpu.dma_semaphore, #tpu.memory_space<semaphore_mem>>) src(%arg14 : memref<16x64xf32, #tpu.memory_space<vmem>>) dst(%dma_wait3A_292 : memref<16x64xf32, #tpu.memory_space<hbm>>)
      } else {
      }
      %dma_wait3A_240 = arith.constant 0 : i32
      %dma_wait3A_241 = arith.constant 0 : i32
      %dma_wait3A_242 = tpu.memref_slice %arg12[%dma_wait3A_240, %dma_wait3A_241] : memref<512x32xi32, #tpu.memory_space<vmem>> -> memref<128x32xi32, #tpu.memory_space<vmem>>
      %dma_wait3A_243 = arith.constant 0 : i32
      %dma_wait3A_244 = tpu.memref_slice %arg9[%dma_wait3A_243] : memref<10240xi32, #tpu.memory_space<vmem>> -> memref<128xi32, #tpu.memory_space<vmem>>
      %dma_wait3A_245 = arith.constant 0 : i32
      %dma_wait3A_246 = arith.constant 0 : i32
      %dma_wait3A_247 = tpu.memref_slice %arg2[%dma_wait3A_245, %dma_wait3A_246] : memref<100000x32xi32, #tpu.memory_space<hbm>> -> memref<100000x32xi32, #tpu.memory_space<hbm>>
      tpu.wait_indirect_dma semaphore(%arg18 : memref<!tpu.dma_semaphore, #tpu.memory_space<semaphore_mem>>) src(%dma_wait3A_247 : memref<100000x32xi32, #tpu.memory_space<hbm>>) dst(%dma_wait3A_242 : memref<128x32xi32, #tpu.memory_space<vmem>>)
      %dma_wait3A_248 = arith.constant 128 : i32
      %dma_wait3A_249 = arith.constant 0 : i32
      %dma_wait3A_250 = tpu.memref_slice %arg12[%dma_wait3A_248, %dma_wait3A_249] : memref<512x32xi32, #tpu.memory_space<vmem>> -> memref<128x32xi32, #tpu.memory_space<vmem>>
      %dma_wait3A_251 = arith.constant 128 : i32
      %dma_wait3A_252 = tpu.memref_slice %arg9[%dma_wait3A_251] : memref<10240xi32, #tpu.memory_space<vmem>> -> memref<128xi32, #tpu.memory_space<vmem>>
      %dma_wait3A_253 = arith.constant 0 : i32
      %dma_wait3A_254 = arith.constant 0 : i32
      %dma_wait3A_255 = tpu.memref_slice %arg2[%dma_wait3A_253, %dma_wait3A_254] : memref<100000x32xi32, #tpu.memory_space<hbm>> -> memref<100000x32xi32, #tpu.memory_space<hbm>>
      tpu.wait_indirect_dma semaphore(%arg18 : memref<!tpu.dma_semaphore, #tpu.memory_space<semaphore_mem>>) src(%dma_wait3A_255 : memref<100000x32xi32, #tpu.memory_space<hbm>>) dst(%dma_wait3A_250 : memref<128x32xi32, #tpu.memory_space<vmem>>)
      %dma_wait3A_256 = arith.constant 256 : i32
      %dma_wait3A_257 = arith.constant 0 : i32
      %dma_wait3A_258 = tpu.memref_slice %arg12[%dma_wait3A_256, %dma_wait3A_257] : memref<512x32xi32, #tpu.memory_space<vmem>> -> memref<128x32xi32, #tpu.memory_space<vmem>>
      %dma_wait3A_259 = arith.constant 256 : i32
      %dma_wait3A_260 = tpu.memref_slice %arg9[%dma_wait3A_259] : memref<10240xi32, #tpu.memory_space<vmem>> -> memref<128xi32, #tpu.memory_space<vmem>>
      %dma_wait3A_261 = arith.constant 0 : i32
      %dma_wait3A_262 = arith.constant 0 : i32
      %dma_wait3A_263 = tpu.memref_slice %arg2[%dma_wait3A_261, %dma_wait3A_262] : memref<100000x32xi32, #tpu.memory_space<hbm>> -> memref<100000x32xi32, #tpu.memory_space<hbm>>
      tpu.wait_indirect_dma semaphore(%arg18 : memref<!tpu.dma_semaphore, #tpu.memory_space<semaphore_mem>>) src(%dma_wait3A_263 : memref<100000x32xi32, #tpu.memory_space<hbm>>) dst(%dma_wait3A_258 : memref<128x32xi32, #tpu.memory_space<vmem>>)
      %dma_wait3A_264 = arith.constant 384 : i32
      %dma_wait3A_265 = arith.constant 0 : i32
      %dma_wait3A_266 = tpu.memref_slice %arg12[%dma_wait3A_264, %dma_wait3A_265] : memref<512x32xi32, #tpu.memory_space<vmem>> -> memref<128x32xi32, #tpu.memory_space<vmem>>
      %dma_wait3A_267 = arith.constant 384 : i32
      %dma_wait3A_268 = tpu.memref_slice %arg9[%dma_wait3A_267] : memref<10240xi32, #tpu.memory_space<vmem>> -> memref<128xi32, #tpu.memory_space<vmem>>
      %dma_wait3A_269 = arith.constant 0 : i32
      %dma_wait3A_270 = arith.constant 0 : i32
      %dma_wait3A_271 = tpu.memref_slice %arg2[%dma_wait3A_269, %dma_wait3A_270] : memref<100000x32xi32, #tpu.memory_space<hbm>> -> memref<100000x32xi32, #tpu.memory_space<hbm>>
      tpu.wait_indirect_dma semaphore(%arg18 : memref<!tpu.dma_semaphore, #tpu.memory_space<semaphore_mem>>) src(%dma_wait3A_271 : memref<100000x32xi32, #tpu.memory_space<hbm>>) dst(%dma_wait3A_266 : memref<128x32xi32, #tpu.memory_space<vmem>>)
      %scan3A_272 = arith.constant 0 : i32
      %scan3A_273 = arith.constant 0 : i32
      %scan3A_274 = arith.constant 16 : i32
      %scan3A_275 = arith.addi %scan3A_273, %scan3A_274 : i32
      %scan3A_276 = arith.constant 1 : i32
      %scan3A_277 = scf.for %scan3A_287 = %scan3A_273 to %scan3A_275 step %scan3A_276 iter_args(%scan3A_288 = %scan3A_272) -> (i32)  : i32 {
        %mul3A_289 = arith.constant 16 : i32
        %mul3A_290 = arith.muli %add3A_128, %mul3A_289 : i32
        %add3A_291 = arith.addi %mul3A_290, %scan3A_287 : i32
        %mul3A_292 = arith.constant 32 : i32
        %mul3A_293 = arith.muli %add3A_291, %mul3A_292 : i32
        %broadcast_in_dim3A = arith.constant 0.000000e+00 : f32
        %broadcast_in_dim3A_294 = vector.broadcast %broadcast_in_dim3A : f32 to vector<16xf32>
        %broadcast_in_dim3A_295 = arith.constant 0.000000e+00 : f32
        %broadcast_in_dim3A_296 = vector.broadcast %broadcast_in_dim3A_295 : f32 to vector<16xf32>
        %broadcast_in_dim3A_297 = arith.constant 0.000000e+00 : f32
        %broadcast_in_dim3A_298 = vector.broadcast %broadcast_in_dim3A_297 : f32 to vector<16xf32>
        %broadcast_in_dim3A_299 = arith.constant 0.000000e+00 : f32
        %broadcast_in_dim3A_300 = vector.broadcast %broadcast_in_dim3A_299 : f32 to vector<16xf32>
        %add3A_301 = arith.constant 0 : i32
        %add3A_302 = arith.addi %mul3A_293, %add3A_301 : i32
        %get3A = arith.index_cast %add3A_302 : i32 to index
        %get3A_303 = tpu.vector_load %arg10[%get3A] {strides = array<i32>} : memref<10240xf32, #tpu.memory_space<vmem>>, vector<16xf32>,
        %get3A_304 = vector.shape_cast %get3A_303 : vector<16xf32> to vector<16xf32>
        %add3A_305 = arith.constant 16 : i32
        %add3A_306 = arith.addi %mul3A_293, %add3A_305 : i32
        %get3A_307 = arith.index_cast %add3A_306 : i32 to index
        %get3A_308 = tpu.vector_load %arg10[%get3A_307] {strides = array<i32>} : memref<10240xf32, #tpu.memory_space<vmem>>, vector<16xf32>,
        %get3A_309 = vector.shape_cast %get3A_308 : vector<16xf32> to vector<16xf32>
        %slice3A = vector.extract_strided_slice %get3A_304 {offsets = [0], sizes = [1], strides = [1]} : vector<16xf32> to vector<1xf32>
        %squeeze3A = vector.extract %slice3A[0] : f32 from vector<1xf32>
        %broadcast_in_dim3A_310 = vector.broadcast %squeeze3A : f32 to vector<16xf32>
        %mul3A_311 = arith.constant 32 : i32
        %mul3A_312 = arith.muli %scan3A_287, %mul3A_311 : i32
        %add3A_313 = arith.constant 0 : i32
        %add3A_314 = arith.addi %mul3A_312, %add3A_313 : i32
        %get3A_315 = arith.index_cast %add3A_314 : i32 to index
        %get3A_316 = arith.constant 0 : index
        %get3A_317 = tpu.vector_load %arg12[%get3A_315, %get3A_316] {strides = array<i32>} : memref<512x32xi32, #tpu.memory_space<vmem>>, vector<1x16xi32>,
        %get3A_318 = vector.shape_cast %get3A_317 : vector<1x16xi32> to vector<16xi32>
        %shift_left3A = arith.constant 16 : i32
        %shift_left3A_319 = vector.broadcast %shift_left3A : i32 to vector<16xi32>
        %shift_left3A_320 = arith.shli %get3A_318, %shift_left3A_319 : vector<16xi32>
        %bitcast_convert_type3A = tpu.bitcast %shift_left3A_320 : vector<16xi32> -> vector<16xf32>
        %and3A = arith.constant -65536 : i32
        %and3A_321 = vector.broadcast %and3A : i32 to vector<16xi32>
        %and3A_322 = arith.andi %get3A_318, %and3A_321 : vector<16xi32>
        %bitcast_convert_type3A_323 = tpu.bitcast %and3A_322 : vector<16xi32> -> vector<16xf32>
        %mul3A_324 = arith.mulf %broadcast_in_dim3A_310, %bitcast_convert_type3A : vector<16xf32>
        %add3A_325 = arith.addf %broadcast_in_dim3A_294, %mul3A_324 : vector<16xf32>
        %mul3A_326 = arith.mulf %broadcast_in_dim3A_310, %bitcast_convert_type3A_323 : vector<16xf32>
        %add3A_327 = arith.addf %broadcast_in_dim3A_296, %mul3A_326 : vector<16xf32>
        %mul3A_328 = arith.constant 32 : i32
        %mul3A_329 = arith.muli %scan3A_287, %mul3A_328 : i32
        %add3A_330 = arith.constant 0 : i32
        %add3A_331 = arith.addi %mul3A_329, %add3A_330 : i32
        %get3A_332 = arith.index_cast %add3A_331 : i32 to index
        %get3A_333 = arith.constant 16 : index
        %get3A_334 = tpu.vector_load %arg12[%get3A_332, %get3A_333] {strides = array<i32>} : memref<512x32xi32, #tpu.memory_space<vmem>>, vector<1x16xi32>,
        %get3A_335 = vector.shape_cast %get3A_334 : vector<1x16xi32> to vector<16xi32>
        %shift_left3A_336 = arith.constant 16 : i32
        %shift_left3A_337 = vector.broadcast %shift_left3A_336 : i32 to vector<16xi32>
        %shift_left3A_338 = arith.shli %get3A_335, %shift_left3A_337 : vector<16xi32>
        %bitcast_convert_type3A_339 = tpu.bitcast %shift_left3A_338 : vector<16xi32> -> vector<16xf32>
        %and3A_340 = arith.constant -65536 : i32
        %and3A_341 = vector.broadcast %and3A_340 : i32 to vector<16xi32>
        %and3A_342 = arith.andi %get3A_335, %and3A_341 : vector<16xi32>
        %bitcast_convert_type3A_343 = tpu.bitcast %and3A_342 : vector<16xi32> -> vector<16xf32>
        %mul3A_344 = arith.mulf %broadcast_in_dim3A_310, %bitcast_convert_type3A_339 : vector<16xf32>
        %add3A_345 = arith.addf %broadcast_in_dim3A_298, %mul3A_344 : vector<16xf32>
        %mul3A_346 = arith.mulf %broadcast_in_dim3A_310, %bitcast_convert_type3A_343 : vector<16xf32>
        %add3A_347 = arith.addf %broadcast_in_dim3A_300, %mul3A_346 : vector<16xf32>
        %slice3A_348 = vector.extract_strided_slice %get3A_304 {offsets = [1], sizes = [1], strides = [1]} : vector<16xf32> to vector<1xf32>
        %squeeze3A_349 = vector.extract %slice3A_348[0] : f32 from vector<1xf32>
        %broadcast_in_dim3A_350 = vector.broadcast %squeeze3A_349 : f32 to vector<16xf32>
        %mul3A_351 = arith.constant 32 : i32
        %mul3A_352 = arith.muli %scan3A_287, %mul3A_351 : i32
        %add3A_353 = arith.constant 1 : i32
        %add3A_354 = arith.addi %mul3A_352, %add3A_353 : i32
        %get3A_355 = arith.index_cast %add3A_354 : i32 to index
        %get3A_356 = arith.constant 0 : index
        %get3A_357 = tpu.vector_load %arg12[%get3A_355, %get3A_356] {strides = array<i32>} : memref<512x32xi32, #tpu.memory_space<vmem>>, vector<1x16xi32>,
        %get3A_358 = vector.shape_cast %get3A_357 : vector<1x16xi32> to vector<16xi32>
        %shift_left3A_359 = arith.constant 16 : i32
        %shift_left3A_360 = vector.broadcast %shift_left3A_359 : i32 to vector<16xi32>
        %shift_left3A_361 = arith.shli %get3A_358, %shift_left3A_360 : vector<16xi32>
        %bitcast_convert_type3A_362 = tpu.bitcast %shift_left3A_361 : vector<16xi32> -> vector<16xf32>
        %and3A_363 = arith.constant -65536 : i32
        %and3A_364 = vector.broadcast %and3A_363 : i32 to vector<16xi32>
        %and3A_365 = arith.andi %get3A_358, %and3A_364 : vector<16xi32>
        %bitcast_convert_type3A_366 = tpu.bitcast %and3A_365 : vector<16xi32> -> vector<16xf32>
        %mul3A_367 = arith.mulf %broadcast_in_dim3A_350, %bitcast_convert_type3A_362 : vector<16xf32>
        %add3A_368 = arith.addf %add3A_325, %mul3A_367 : vector<16xf32>
        %mul3A_369 = arith.mulf %broadcast_in_dim3A_350, %bitcast_convert_type3A_366 : vector<16xf32>
        %add3A_370 = arith.addf %add3A_327, %mul3A_369 : vector<16xf32>
        %mul3A_371 = arith.constant 32 : i32
        %mul3A_372 = arith.muli %scan3A_287, %mul3A_371 : i32
        %add3A_373 = arith.constant 1 : i32
        %add3A_374 = arith.addi %mul3A_372, %add3A_373 : i32
        %get3A_375 = arith.index_cast %add3A_374 : i32 to index
        %get3A_376 = arith.constant 16 : index
        %get3A_377 = tpu.vector_load %arg12[%get3A_375, %get3A_376] {strides = array<i32>} : memref<512x32xi32, #tpu.memory_space<vmem>>, vector<1x16xi32>,
        %get3A_378 = vector.shape_cast %get3A_377 : vector<1x16xi32> to vector<16xi32>
        %shift_left3A_379 = arith.constant 16 : i32
        %shift_left3A_380 = vector.broadcast %shift_left3A_379 : i32 to vector<16xi32>
        %shift_left3A_381 = arith.shli %get3A_378, %shift_left3A_380 : vector<16xi32>
        %bitcast_convert_type3A_382 = tpu.bitcast %shift_left3A_381 : vector<16xi32> -> vector<16xf32>
        %and3A_383 = arith.constant -65536 : i32
        %and3A_384 = vector.broadcast %and3A_383 : i32 to vector<16xi32>
        %and3A_385 = arith.andi %get3A_378, %and3A_384 : vector<16xi32>
        %bitcast_convert_type3A_386 = tpu.bitcast %and3A_385 : vector<16xi32> -> vector<16xf32>
        %mul3A_387 = arith.mulf %broadcast_in_dim3A_350, %bitcast_convert_type3A_382 : vector<16xf32>
        %add3A_388 = arith.addf %add3A_345, %mul3A_387 : vector<16xf32>
        %mul3A_389 = arith.mulf %broadcast_in_dim3A_350, %bitcast_convert_type3A_386 : vector<16xf32>
        %add3A_390 = arith.addf %add3A_347, %mul3A_389 : vector<16xf32>
        %slice3A_391 = vector.extract_strided_slice %get3A_304 {offsets = [2], sizes = [1], strides = [1]} : vector<16xf32> to vector<1xf32>
        %squeeze3A_392 = vector.extract %slice3A_391[0] : f32 from vector<1xf32>
        %broadcast_in_dim3A_393 = vector.broadcast %squeeze3A_392 : f32 to vector<16xf32>
        %mul3A_394 = arith.constant 32 : i32
        %mul3A_395 = arith.muli %scan3A_287, %mul3A_394 : i32
        %add3A_396 = arith.constant 2 : i32
        %add3A_397 = arith.addi %mul3A_395, %add3A_396 : i32
        %get3A_398 = arith.index_cast %add3A_397 : i32 to index
        %get3A_399 = arith.constant 0 : index
        %get3A_400 = tpu.vector_load %arg12[%get3A_398, %get3A_399] {strides = array<i32>} : memref<512x32xi32, #tpu.memory_space<vmem>>, vector<1x16xi32>,
        %get3A_401 = vector.shape_cast %get3A_400 : vector<1x16xi32> to vector<16xi32>
        %shift_left3A_402 = arith.constant 16 : i32
        %shift_left3A_403 = vector.broadcast %shift_left3A_402 : i32 to vector<16xi32>
        %shift_left3A_404 = arith.shli %get3A_401, %shift_left3A_403 : vector<16xi32>
        %bitcast_convert_type3A_405 = tpu.bitcast %shift_left3A_404 : vector<16xi32> -> vector<16xf32>
        %and3A_406 = arith.constant -65536 : i32
        %and3A_407 = vector.broadcast %and3A_406 : i32 to vector<16xi32>
        %and3A_408 = arith.andi %get3A_401, %and3A_407 : vector<16xi32>
        %bitcast_convert_type3A_409 = tpu.bitcast %and3A_408 : vector<16xi32> -> vector<16xf32>
        %mul3A_410 = arith.mulf %broadcast_in_dim3A_393, %bitcast_convert_type3A_405 : vector<16xf32>
        %add3A_411 = arith.addf %add3A_368, %mul3A_410 : vector<16xf32>
        %mul3A_412 = arith.mulf %broadcast_in_dim3A_393, %bitcast_convert_type3A_409 : vector<16xf32>
        %add3A_413 = arith.addf %add3A_370, %mul3A_412 : vector<16xf32>
        %mul3A_414 = arith.constant 32 : i32
        %mul3A_415 = arith.muli %scan3A_287, %mul3A_414 : i32
        %add3A_416 = arith.constant 2 : i32
        %add3A_417 = arith.addi %mul3A_415, %add3A_416 : i32
        %get3A_418 = arith.index_cast %add3A_417 : i32 to index
        %get3A_419 = arith.constant 16 : index
        %get3A_420 = tpu.vector_load %arg12[%get3A_418, %get3A_419] {strides = array<i32>} : memref<512x32xi32, #tpu.memory_space<vmem>>, vector<1x16xi32>,
        %get3A_421 = vector.shape_cast %get3A_420 : vector<1x16xi32> to vector<16xi32>
        %shift_left3A_422 = arith.constant 16 : i32
        %shift_left3A_423 = vector.broadcast %shift_left3A_422 : i32 to vector<16xi32>
        %shift_left3A_424 = arith.shli %get3A_421, %shift_left3A_423 : vector<16xi32>
        %bitcast_convert_type3A_425 = tpu.bitcast %shift_left3A_424 : vector<16xi32> -> vector<16xf32>
        %and3A_426 = arith.constant -65536 : i32
        %and3A_427 = vector.broadcast %and3A_426 : i32 to vector<16xi32>
        %and3A_428 = arith.andi %get3A_421, %and3A_427 : vector<16xi32>
        %bitcast_convert_type3A_429 = tpu.bitcast %and3A_428 : vector<16xi32> -> vector<16xf32>
        %mul3A_430 = arith.mulf %broadcast_in_dim3A_393, %bitcast_convert_type3A_425 : vector<16xf32>
        %add3A_431 = arith.addf %add3A_388, %mul3A_430 : vector<16xf32>
        %mul3A_432 = arith.mulf %broadcast_in_dim3A_393, %bitcast_convert_type3A_429 : vector<16xf32>
        %add3A_433 = arith.addf %add3A_390, %mul3A_432 : vector<16xf32>
        %slice3A_434 = vector.extract_strided_slice %get3A_304 {offsets = [3], sizes = [1], strides = [1]} : vector<16xf32> to vector<1xf32>
        %squeeze3A_435 = vector.extract %slice3A_434[0] : f32 from vector<1xf32>
        %broadcast_in_dim3A_436 = vector.broadcast %squeeze3A_435 : f32 to vector<16xf32>
        %mul3A_437 = arith.constant 32 : i32
        %mul3A_438 = arith.muli %scan3A_287, %mul3A_437 : i32
        %add3A_439 = arith.constant 3 : i32
        %add3A_440 = arith.addi %mul3A_438, %add3A_439 : i32
        %get3A_441 = arith.index_cast %add3A_440 : i32 to index
        %get3A_442 = arith.constant 0 : index
        %get3A_443 = tpu.vector_load %arg12[%get3A_441, %get3A_442] {strides = array<i32>} : memref<512x32xi32, #tpu.memory_space<vmem>>, vector<1x16xi32>,
        %get3A_444 = vector.shape_cast %get3A_443 : vector<1x16xi32> to vector<16xi32>
        %shift_left3A_445 = arith.constant 16 : i32
        %shift_left3A_446 = vector.broadcast %shift_left3A_445 : i32 to vector<16xi32>
        %shift_left3A_447 = arith.shli %get3A_444, %shift_left3A_446 : vector<16xi32>
        %bitcast_convert_type3A_448 = tpu.bitcast %shift_left3A_447 : vector<16xi32> -> vector<16xf32>
        %and3A_449 = arith.constant -65536 : i32
        %and3A_450 = vector.broadcast %and3A_449 : i32 to vector<16xi32>
        %and3A_451 = arith.andi %get3A_444, %and3A_450 : vector<16xi32>
        %bitcast_convert_type3A_452 = tpu.bitcast %and3A_451 : vector<16xi32> -> vector<16xf32>
        %mul3A_453 = arith.mulf %broadcast_in_dim3A_436, %bitcast_convert_type3A_448 : vector<16xf32>
        %add3A_454 = arith.addf %add3A_411, %mul3A_453 : vector<16xf32>
        %mul3A_455 = arith.mulf %broadcast_in_dim3A_436, %bitcast_convert_type3A_452 : vector<16xf32>
        %add3A_456 = arith.addf %add3A_413, %mul3A_455 : vector<16xf32>
        %mul3A_457 = arith.constant 32 : i32
        %mul3A_458 = arith.muli %scan3A_287, %mul3A_457 : i32
        %add3A_459 = arith.constant 3 : i32
        %add3A_460 = arith.addi %mul3A_458, %add3A_459 : i32
        %get3A_461 = arith.index_cast %add3A_460 : i32 to index
        %get3A_462 = arith.constant 16 : index
        %get3A_463 = tpu.vector_load %arg12[%get3A_461, %get3A_462] {strides = array<i32>} : memref<512x32xi32, #tpu.memory_space<vmem>>, vector<1x16xi32>,
        %get3A_464 = vector.shape_cast %get3A_463 : vector<1x16xi32> to vector<16xi32>
        %shift_left3A_465 = arith.constant 16 : i32
        %shift_left3A_466 = vector.broadcast %shift_left3A_465 : i32 to vector<16xi32>
        %shift_left3A_467 = arith.shli %get3A_464, %shift_left3A_466 : vector<16xi32>
        %bitcast_convert_type3A_468 = tpu.bitcast %shift_left3A_467 : vector<16xi32> -> vector<16xf32>
        %and3A_469 = arith.constant -65536 : i32
        %and3A_470 = vector.broadcast %and3A_469 : i32 to vector<16xi32>
        %and3A_471 = arith.andi %get3A_464, %and3A_470 : vector<16xi32>
        %bitcast_convert_type3A_472 = tpu.bitcast %and3A_471 : vector<16xi32> -> vector<16xf32>
        %mul3A_473 = arith.mulf %broadcast_in_dim3A_436, %bitcast_convert_type3A_468 : vector<16xf32>
        %add3A_474 = arith.addf %add3A_431, %mul3A_473 : vector<16xf32>
        %mul3A_475 = arith.mulf %broadcast_in_dim3A_436, %bitcast_convert_type3A_472 : vector<16xf32>
        %add3A_476 = arith.addf %add3A_433, %mul3A_475 : vector<16xf32>
        %slice3A_477 = vector.extract_strided_slice %get3A_304 {offsets = [4], sizes = [1], strides = [1]} : vector<16xf32> to vector<1xf32>
        %squeeze3A_478 = vector.extract %slice3A_477[0] : f32 from vector<1xf32>
        %broadcast_in_dim3A_479 = vector.broadcast %squeeze3A_478 : f32 to vector<16xf32>
        %mul3A_480 = arith.constant 32 : i32
        %mul3A_481 = arith.muli %scan3A_287, %mul3A_480 : i32
        %add3A_482 = arith.constant 4 : i32
        %add3A_483 = arith.addi %mul3A_481, %add3A_482 : i32
        %get3A_484 = arith.index_cast %add3A_483 : i32 to index
        %get3A_485 = arith.constant 0 : index
        %get3A_486 = tpu.vector_load %arg12[%get3A_484, %get3A_485] {strides = array<i32>} : memref<512x32xi32, #tpu.memory_space<vmem>>, vector<1x16xi32>,
        %get3A_487 = vector.shape_cast %get3A_486 : vector<1x16xi32> to vector<16xi32>
        %shift_left3A_488 = arith.constant 16 : i32
        %shift_left3A_489 = vector.broadcast %shift_left3A_488 : i32 to vector<16xi32>
        %shift_left3A_490 = arith.shli %get3A_487, %shift_left3A_489 : vector<16xi32>
        %bitcast_convert_type3A_491 = tpu.bitcast %shift_left3A_490 : vector<16xi32> -> vector<16xf32>
        %and3A_492 = arith.constant -65536 : i32
        %and3A_493 = vector.broadcast %and3A_492 : i32 to vector<16xi32>
        %and3A_494 = arith.andi %get3A_487, %and3A_493 : vector<16xi32>
        %bitcast_convert_type3A_495 = tpu.bitcast %and3A_494 : vector<16xi32> -> vector<16xf32>
        %mul3A_496 = arith.mulf %broadcast_in_dim3A_479, %bitcast_convert_type3A_491 : vector<16xf32>
        %add3A_497 = arith.addf %add3A_454, %mul3A_496 : vector<16xf32>
        %mul3A_498 = arith.mulf %broadcast_in_dim3A_479, %bitcast_convert_type3A_495 : vector<16xf32>
        %add3A_499 = arith.addf %add3A_456, %mul3A_498 : vector<16xf32>
        %mul3A_500 = arith.constant 32 : i32
        %mul3A_501 = arith.muli %scan3A_287, %mul3A_500 : i32
        %add3A_502 = arith.constant 4 : i32
        %add3A_503 = arith.addi %mul3A_501, %add3A_502 : i32
        %get3A_504 = arith.index_cast %add3A_503 : i32 to index
        %get3A_505 = arith.constant 16 : index
        %get3A_506 = tpu.vector_load %arg12[%get3A_504, %get3A_505] {strides = array<i32>} : memref<512x32xi32, #tpu.memory_space<vmem>>, vector<1x16xi32>,
        %get3A_507 = vector.shape_cast %get3A_506 : vector<1x16xi32> to vector<16xi32>
        %shift_left3A_508 = arith.constant 16 : i32
        %shift_left3A_509 = vector.broadcast %shift_left3A_508 : i32 to vector<16xi32>
        %shift_left3A_510 = arith.shli %get3A_507, %shift_left3A_509 : vector<16xi32>
        %bitcast_convert_type3A_511 = tpu.bitcast %shift_left3A_510 : vector<16xi32> -> vector<16xf32>
        %and3A_512 = arith.constant -65536 : i32
        %and3A_513 = vector.broadcast %and3A_512 : i32 to vector<16xi32>
        %and3A_514 = arith.andi %get3A_507, %and3A_513 : vector<16xi32>
        %bitcast_convert_type3A_515 = tpu.bitcast %and3A_514 : vector<16xi32> -> vector<16xf32>
        %mul3A_516 = arith.mulf %broadcast_in_dim3A_479, %bitcast_convert_type3A_511 : vector<16xf32>
        %add3A_517 = arith.addf %add3A_474, %mul3A_516 : vector<16xf32>
        %mul3A_518 = arith.mulf %broadcast_in_dim3A_479, %bitcast_convert_type3A_515 : vector<16xf32>
        %add3A_519 = arith.addf %add3A_476, %mul3A_518 : vector<16xf32>
        %slice3A_520 = vector.extract_strided_slice %get3A_304 {offsets = [5], sizes = [1], strides = [1]} : vector<16xf32> to vector<1xf32>
        %squeeze3A_521 = vector.extract %slice3A_520[0] : f32 from vector<1xf32>
        %broadcast_in_dim3A_522 = vector.broadcast %squeeze3A_521 : f32 to vector<16xf32>
        %mul3A_523 = arith.constant 32 : i32
        %mul3A_524 = arith.muli %scan3A_287, %mul3A_523 : i32
        %add3A_525 = arith.constant 5 : i32
        %add3A_526 = arith.addi %mul3A_524, %add3A_525 : i32
        %get3A_527 = arith.index_cast %add3A_526 : i32 to index
        %get3A_528 = arith.constant 0 : index
        %get3A_529 = tpu.vector_load %arg12[%get3A_527, %get3A_528] {strides = array<i32>} : memref<512x32xi32, #tpu.memory_space<vmem>>, vector<1x16xi32>,
        %get3A_530 = vector.shape_cast %get3A_529 : vector<1x16xi32> to vector<16xi32>
        %shift_left3A_531 = arith.constant 16 : i32
        %shift_left3A_532 = vector.broadcast %shift_left3A_531 : i32 to vector<16xi32>
        %shift_left3A_533 = arith.shli %get3A_530, %shift_left3A_532 : vector<16xi32>
        %bitcast_convert_type3A_534 = tpu.bitcast %shift_left3A_533 : vector<16xi32> -> vector<16xf32>
        %and3A_535 = arith.constant -65536 : i32
        %and3A_536 = vector.broadcast %and3A_535 : i32 to vector<16xi32>
        %and3A_537 = arith.andi %get3A_530, %and3A_536 : vector<16xi32>
        %bitcast_convert_type3A_538 = tpu.bitcast %and3A_537 : vector<16xi32> -> vector<16xf32>
        %mul3A_539 = arith.mulf %broadcast_in_dim3A_522, %bitcast_convert_type3A_534 : vector<16xf32>
        %add3A_540 = arith.addf %add3A_497, %mul3A_539 : vector<16xf32>
        %mul3A_541 = arith.mulf %broadcast_in_dim3A_522, %bitcast_convert_type3A_538 : vector<16xf32>
        %add3A_542 = arith.addf %add3A_499, %mul3A_541 : vector<16xf32>
        %mul3A_543 = arith.constant 32 : i32
        %mul3A_544 = arith.muli %scan3A_287, %mul3A_543 : i32
        %add3A_545 = arith.constant 5 : i32
        %add3A_546 = arith.addi %mul3A_544, %add3A_545 : i32
        %get3A_547 = arith.index_cast %add3A_546 : i32 to index
        %get3A_548 = arith.constant 16 : index
        %get3A_549 = tpu.vector_load %arg12[%get3A_547, %get3A_548] {strides = array<i32>} : memref<512x32xi32, #tpu.memory_space<vmem>>, vector<1x16xi32>,
        %get3A_550 = vector.shape_cast %get3A_549 : vector<1x16xi32> to vector<16xi32>
        %shift_left3A_551 = arith.constant 16 : i32
        %shift_left3A_552 = vector.broadcast %shift_left3A_551 : i32 to vector<16xi32>
        %shift_left3A_553 = arith.shli %get3A_550, %shift_left3A_552 : vector<16xi32>
        %bitcast_convert_type3A_554 = tpu.bitcast %shift_left3A_553 : vector<16xi32> -> vector<16xf32>
        %and3A_555 = arith.constant -65536 : i32
        %and3A_556 = vector.broadcast %and3A_555 : i32 to vector<16xi32>
        %and3A_557 = arith.andi %get3A_550, %and3A_556 : vector<16xi32>
        %bitcast_convert_type3A_558 = tpu.bitcast %and3A_557 : vector<16xi32> -> vector<16xf32>
        %mul3A_559 = arith.mulf %broadcast_in_dim3A_522, %bitcast_convert_type3A_554 : vector<16xf32>
        %add3A_560 = arith.addf %add3A_517, %mul3A_559 : vector<16xf32>
        %mul3A_561 = arith.mulf %broadcast_in_dim3A_522, %bitcast_convert_type3A_558 : vector<16xf32>
        %add3A_562 = arith.addf %add3A_519, %mul3A_561 : vector<16xf32>
        %slice3A_563 = vector.extract_strided_slice %get3A_304 {offsets = [6], sizes = [1], strides = [1]} : vector<16xf32> to vector<1xf32>
        %squeeze3A_564 = vector.extract %slice3A_563[0] : f32 from vector<1xf32>
        %broadcast_in_dim3A_565 = vector.broadcast %squeeze3A_564 : f32 to vector<16xf32>
        %mul3A_566 = arith.constant 32 : i32
        %mul3A_567 = arith.muli %scan3A_287, %mul3A_566 : i32
        %add3A_568 = arith.constant 6 : i32
        %add3A_569 = arith.addi %mul3A_567, %add3A_568 : i32
        %get3A_570 = arith.index_cast %add3A_569 : i32 to index
        %get3A_571 = arith.constant 0 : index
        %get3A_572 = tpu.vector_load %arg12[%get3A_570, %get3A_571] {strides = array<i32>} : memref<512x32xi32, #tpu.memory_space<vmem>>, vector<1x16xi32>,
        %get3A_573 = vector.shape_cast %get3A_572 : vector<1x16xi32> to vector<16xi32>
        %shift_left3A_574 = arith.constant 16 : i32
        %shift_left3A_575 = vector.broadcast %shift_left3A_574 : i32 to vector<16xi32>
        %shift_left3A_576 = arith.shli %get3A_573, %shift_left3A_575 : vector<16xi32>
        %bitcast_convert_type3A_577 = tpu.bitcast %shift_left3A_576 : vector<16xi32> -> vector<16xf32>
        %and3A_578 = arith.constant -65536 : i32
        %and3A_579 = vector.broadcast %and3A_578 : i32 to vector<16xi32>
        %and3A_580 = arith.andi %get3A_573, %and3A_579 : vector<16xi32>
        %bitcast_convert_type3A_581 = tpu.bitcast %and3A_580 : vector<16xi32> -> vector<16xf32>
        %mul3A_582 = arith.mulf %broadcast_in_dim3A_565, %bitcast_convert_type3A_577 : vector<16xf32>
        %add3A_583 = arith.addf %add3A_540, %mul3A_582 : vector<16xf32>
        %mul3A_584 = arith.mulf %broadcast_in_dim3A_565, %bitcast_convert_type3A_581 : vector<16xf32>
        %add3A_585 = arith.addf %add3A_542, %mul3A_584 : vector<16xf32>
        %mul3A_586 = arith.constant 32 : i32
        %mul3A_587 = arith.muli %scan3A_287, %mul3A_586 : i32
        %add3A_588 = arith.constant 6 : i32
        %add3A_589 = arith.addi %mul3A_587, %add3A_588 : i32
        %get3A_590 = arith.index_cast %add3A_589 : i32 to index
        %get3A_591 = arith.constant 16 : index
        %get3A_592 = tpu.vector_load %arg12[%get3A_590, %get3A_591] {strides = array<i32>} : memref<512x32xi32, #tpu.memory_space<vmem>>, vector<1x16xi32>,
        %get3A_593 = vector.shape_cast %get3A_592 : vector<1x16xi32> to vector<16xi32>
        %shift_left3A_594 = arith.constant 16 : i32
        %shift_left3A_595 = vector.broadcast %shift_left3A_594 : i32 to vector<16xi32>
        %shift_left3A_596 = arith.shli %get3A_593, %shift_left3A_595 : vector<16xi32>
        %bitcast_convert_type3A_597 = tpu.bitcast %shift_left3A_596 : vector<16xi32> -> vector<16xf32>
        %and3A_598 = arith.constant -65536 : i32
        %and3A_599 = vector.broadcast %and3A_598 : i32 to vector<16xi32>
        %and3A_600 = arith.andi %get3A_593, %and3A_599 : vector<16xi32>
        %bitcast_convert_type3A_601 = tpu.bitcast %and3A_600 : vector<16xi32> -> vector<16xf32>
        %mul3A_602 = arith.mulf %broadcast_in_dim3A_565, %bitcast_convert_type3A_597 : vector<16xf32>
        %add3A_603 = arith.addf %add3A_560, %mul3A_602 : vector<16xf32>
        %mul3A_604 = arith.mulf %broadcast_in_dim3A_565, %bitcast_convert_type3A_601 : vector<16xf32>
        %add3A_605 = arith.addf %add3A_562, %mul3A_604 : vector<16xf32>
        %slice3A_606 = vector.extract_strided_slice %get3A_304 {offsets = [7], sizes = [1], strides = [1]} : vector<16xf32> to vector<1xf32>
        %squeeze3A_607 = vector.extract %slice3A_606[0] : f32 from vector<1xf32>
        %broadcast_in_dim3A_608 = vector.broadcast %squeeze3A_607 : f32 to vector<16xf32>
        %mul3A_609 = arith.constant 32 : i32
        %mul3A_610 = arith.muli %scan3A_287, %mul3A_609 : i32
        %add3A_611 = arith.constant 7 : i32
        %add3A_612 = arith.addi %mul3A_610, %add3A_611 : i32
        %get3A_613 = arith.index_cast %add3A_612 : i32 to index
        %get3A_614 = arith.constant 0 : index
        %get3A_615 = tpu.vector_load %arg12[%get3A_613, %get3A_614] {strides = array<i32>} : memref<512x32xi32, #tpu.memory_space<vmem>>, vector<1x16xi32>,
        %get3A_616 = vector.shape_cast %get3A_615 : vector<1x16xi32> to vector<16xi32>
        %shift_left3A_617 = arith.constant 16 : i32
        %shift_left3A_618 = vector.broadcast %shift_left3A_617 : i32 to vector<16xi32>
        %shift_left3A_619 = arith.shli %get3A_616, %shift_left3A_618 : vector<16xi32>
        %bitcast_convert_type3A_620 = tpu.bitcast %shift_left3A_619 : vector<16xi32> -> vector<16xf32>
        %and3A_621 = arith.constant -65536 : i32
        %and3A_622 = vector.broadcast %and3A_621 : i32 to vector<16xi32>
        %and3A_623 = arith.andi %get3A_616, %and3A_622 : vector<16xi32>
        %bitcast_convert_type3A_624 = tpu.bitcast %and3A_623 : vector<16xi32> -> vector<16xf32>
        %mul3A_625 = arith.mulf %broadcast_in_dim3A_608, %bitcast_convert_type3A_620 : vector<16xf32>
        %add3A_626 = arith.addf %add3A_583, %mul3A_625 : vector<16xf32>
        %mul3A_627 = arith.mulf %broadcast_in_dim3A_608, %bitcast_convert_type3A_624 : vector<16xf32>
        %add3A_628 = arith.addf %add3A_585, %mul3A_627 : vector<16xf32>
        %mul3A_629 = arith.constant 32 : i32
        %mul3A_630 = arith.muli %scan3A_287, %mul3A_629 : i32
        %add3A_631 = arith.constant 7 : i32
        %add3A_632 = arith.addi %mul3A_630, %add3A_631 : i32
        %get3A_633 = arith.index_cast %add3A_632 : i32 to index
        %get3A_634 = arith.constant 16 : index
        %get3A_635 = tpu.vector_load %arg12[%get3A_633, %get3A_634] {strides = array<i32>} : memref<512x32xi32, #tpu.memory_space<vmem>>, vector<1x16xi32>,
        %get3A_636 = vector.shape_cast %get3A_635 : vector<1x16xi32> to vector<16xi32>
        %shift_left3A_637 = arith.constant 16 : i32
        %shift_left3A_638 = vector.broadcast %shift_left3A_637 : i32 to vector<16xi32>
        %shift_left3A_639 = arith.shli %get3A_636, %shift_left3A_638 : vector<16xi32>
        %bitcast_convert_type3A_640 = tpu.bitcast %shift_left3A_639 : vector<16xi32> -> vector<16xf32>
        %and3A_641 = arith.constant -65536 : i32
        %and3A_642 = vector.broadcast %and3A_641 : i32 to vector<16xi32>
        %and3A_643 = arith.andi %get3A_636, %and3A_642 : vector<16xi32>
        %bitcast_convert_type3A_644 = tpu.bitcast %and3A_643 : vector<16xi32> -> vector<16xf32>
        %mul3A_645 = arith.mulf %broadcast_in_dim3A_608, %bitcast_convert_type3A_640 : vector<16xf32>
        %add3A_646 = arith.addf %add3A_603, %mul3A_645 : vector<16xf32>
        %mul3A_647 = arith.mulf %broadcast_in_dim3A_608, %bitcast_convert_type3A_644 : vector<16xf32>
        %add3A_648 = arith.addf %add3A_605, %mul3A_647 : vector<16xf32>
        %slice3A_649 = vector.extract_strided_slice %get3A_304 {offsets = [8], sizes = [1], strides = [1]} : vector<16xf32> to vector<1xf32>
        %squeeze3A_650 = vector.extract %slice3A_649[0] : f32 from vector<1xf32>
        %broadcast_in_dim3A_651 = vector.broadcast %squeeze3A_650 : f32 to vector<16xf32>
        %mul3A_652 = arith.constant 32 : i32
        %mul3A_653 = arith.muli %scan3A_287, %mul3A_652 : i32
        %add3A_654 = arith.constant 8 : i32
        %add3A_655 = arith.addi %mul3A_653, %add3A_654 : i32
        %get3A_656 = arith.index_cast %add3A_655 : i32 to index
        %get3A_657 = arith.constant 0 : index
        %get3A_658 = tpu.vector_load %arg12[%get3A_656, %get3A_657] {strides = array<i32>} : memref<512x32xi32, #tpu.memory_space<vmem>>, vector<1x16xi32>,
        %get3A_659 = vector.shape_cast %get3A_658 : vector<1x16xi32> to vector<16xi32>
        %shift_left3A_660 = arith.constant 16 : i32
        %shift_left3A_661 = vector.broadcast %shift_left3A_660 : i32 to vector<16xi32>
        %shift_left3A_662 = arith.shli %get3A_659, %shift_left3A_661 : vector<16xi32>
        %bitcast_convert_type3A_663 = tpu.bitcast %shift_left3A_662 : vector<16xi32> -> vector<16xf32>
        %and3A_664 = arith.constant -65536 : i32
        %and3A_665 = vector.broadcast %and3A_664 : i32 to vector<16xi32>
        %and3A_666 = arith.andi %get3A_659, %and3A_665 : vector<16xi32>
        %bitcast_convert_type3A_667 = tpu.bitcast %and3A_666 : vector<16xi32> -> vector<16xf32>
        %mul3A_668 = arith.mulf %broadcast_in_dim3A_651, %bitcast_convert_type3A_663 : vector<16xf32>
        %add3A_669 = arith.addf %add3A_626, %mul3A_668 : vector<16xf32>
        %mul3A_670 = arith.mulf %broadcast_in_dim3A_651, %bitcast_convert_type3A_667 : vector<16xf32>
        %add3A_671 = arith.addf %add3A_628, %mul3A_670 : vector<16xf32>
        %mul3A_672 = arith.constant 32 : i32
        %mul3A_673 = arith.muli %scan3A_287, %mul3A_672 : i32
        %add3A_674 = arith.constant 8 : i32
        %add3A_675 = arith.addi %mul3A_673, %add3A_674 : i32
        %get3A_676 = arith.index_cast %add3A_675 : i32 to index
        %get3A_677 = arith.constant 16 : index
        %get3A_678 = tpu.vector_load %arg12[%get3A_676, %get3A_677] {strides = array<i32>} : memref<512x32xi32, #tpu.memory_space<vmem>>, vector<1x16xi32>,
        %get3A_679 = vector.shape_cast %get3A_678 : vector<1x16xi32> to vector<16xi32>
        %shift_left3A_680 = arith.constant 16 : i32
        %shift_left3A_681 = vector.broadcast %shift_left3A_680 : i32 to vector<16xi32>
        %shift_left3A_682 = arith.shli %get3A_679, %shift_left3A_681 : vector<16xi32>
        %bitcast_convert_type3A_683 = tpu.bitcast %shift_left3A_682 : vector<16xi32> -> vector<16xf32>
        %and3A_684 = arith.constant -65536 : i32
        %and3A_685 = vector.broadcast %and3A_684 : i32 to vector<16xi32>
        %and3A_686 = arith.andi %get3A_679, %and3A_685 : vector<16xi32>
        %bitcast_convert_type3A_687 = tpu.bitcast %and3A_686 : vector<16xi32> -> vector<16xf32>
        %mul3A_688 = arith.mulf %broadcast_in_dim3A_651, %bitcast_convert_type3A_683 : vector<16xf32>
        %add3A_689 = arith.addf %add3A_646, %mul3A_688 : vector<16xf32>
        %mul3A_690 = arith.mulf %broadcast_in_dim3A_651, %bitcast_convert_type3A_687 : vector<16xf32>
        %add3A_691 = arith.addf %add3A_648, %mul3A_690 : vector<16xf32>
        %slice3A_692 = vector.extract_strided_slice %get3A_304 {offsets = [9], sizes = [1], strides = [1]} : vector<16xf32> to vector<1xf32>
        %squeeze3A_693 = vector.extract %slice3A_692[0] : f32 from vector<1xf32>
        %broadcast_in_dim3A_694 = vector.broadcast %squeeze3A_693 : f32 to vector<16xf32>
        %mul3A_695 = arith.constant 32 : i32
        %mul3A_696 = arith.muli %scan3A_287, %mul3A_695 : i32
        %add3A_697 = arith.constant 9 : i32
        %add3A_698 = arith.addi %mul3A_696, %add3A_697 : i32
        %get3A_699 = arith.index_cast %add3A_698 : i32 to index
        %get3A_700 = arith.constant 0 : index
        %get3A_701 = tpu.vector_load %arg12[%get3A_699, %get3A_700] {strides = array<i32>} : memref<512x32xi32, #tpu.memory_space<vmem>>, vector<1x16xi32>,
        %get3A_702 = vector.shape_cast %get3A_701 : vector<1x16xi32> to vector<16xi32>
        %shift_left3A_703 = arith.constant 16 : i32
        %shift_left3A_704 = vector.broadcast %shift_left3A_703 : i32 to vector<16xi32>
        %shift_left3A_705 = arith.shli %get3A_702, %shift_left3A_704 : vector<16xi32>
        %bitcast_convert_type3A_706 = tpu.bitcast %shift_left3A_705 : vector<16xi32> -> vector<16xf32>
        %and3A_707 = arith.constant -65536 : i32
        %and3A_708 = vector.broadcast %and3A_707 : i32 to vector<16xi32>
        %and3A_709 = arith.andi %get3A_702, %and3A_708 : vector<16xi32>
        %bitcast_convert_type3A_710 = tpu.bitcast %and3A_709 : vector<16xi32> -> vector<16xf32>
        %mul3A_711 = arith.mulf %broadcast_in_dim3A_694, %bitcast_convert_type3A_706 : vector<16xf32>
        %add3A_712 = arith.addf %add3A_669, %mul3A_711 : vector<16xf32>
        %mul3A_713 = arith.mulf %broadcast_in_dim3A_694, %bitcast_convert_type3A_710 : vector<16xf32>
        %add3A_714 = arith.addf %add3A_671, %mul3A_713 : vector<16xf32>
        %mul3A_715 = arith.constant 32 : i32
        %mul3A_716 = arith.muli %scan3A_287, %mul3A_715 : i32
        %add3A_717 = arith.constant 9 : i32
        %add3A_718 = arith.addi %mul3A_716, %add3A_717 : i32
        %get3A_719 = arith.index_cast %add3A_718 : i32 to index
        %get3A_720 = arith.constant 16 : index
        %get3A_721 = tpu.vector_load %arg12[%get3A_719, %get3A_720] {strides = array<i32>} : memref<512x32xi32, #tpu.memory_space<vmem>>, vector<1x16xi32>,
        %get3A_722 = vector.shape_cast %get3A_721 : vector<1x16xi32> to vector<16xi32>
        %shift_left3A_723 = arith.constant 16 : i32
        %shift_left3A_724 = vector.broadcast %shift_left3A_723 : i32 to vector<16xi32>
        %shift_left3A_725 = arith.shli %get3A_722, %shift_left3A_724 : vector<16xi32>
        %bitcast_convert_type3A_726 = tpu.bitcast %shift_left3A_725 : vector<16xi32> -> vector<16xf32>
        %and3A_727 = arith.constant -65536 : i32
        %and3A_728 = vector.broadcast %and3A_727 : i32 to vector<16xi32>
        %and3A_729 = arith.andi %get3A_722, %and3A_728 : vector<16xi32>
        %bitcast_convert_type3A_730 = tpu.bitcast %and3A_729 : vector<16xi32> -> vector<16xf32>
        %mul3A_731 = arith.mulf %broadcast_in_dim3A_694, %bitcast_convert_type3A_726 : vector<16xf32>
        %add3A_732 = arith.addf %add3A_689, %mul3A_731 : vector<16xf32>
        %mul3A_733 = arith.mulf %broadcast_in_dim3A_694, %bitcast_convert_type3A_730 : vector<16xf32>
        %add3A_734 = arith.addf %add3A_691, %mul3A_733 : vector<16xf32>
        %slice3A_735 = vector.extract_strided_slice %get3A_304 {offsets = [10], sizes = [1], strides = [1]} : vector<16xf32> to vector<1xf32>
        %squeeze3A_736 = vector.extract %slice3A_735[0] : f32 from vector<1xf32>
        %broadcast_in_dim3A_737 = vector.broadcast %squeeze3A_736 : f32 to vector<16xf32>
        %mul3A_738 = arith.constant 32 : i32
        %mul3A_739 = arith.muli %scan3A_287, %mul3A_738 : i32
        %add3A_740 = arith.constant 10 : i32
        %add3A_741 = arith.addi %mul3A_739, %add3A_740 : i32
        %get3A_742 = arith.index_cast %add3A_741 : i32 to index
        %get3A_743 = arith.constant 0 : index
        %get3A_744 = tpu.vector_load %arg12[%get3A_742, %get3A_743] {strides = array<i32>} : memref<512x32xi32, #tpu.memory_space<vmem>>, vector<1x16xi32>,
        %get3A_745 = vector.shape_cast %get3A_744 : vector<1x16xi32> to vector<16xi32>
        %shift_left3A_746 = arith.constant 16 : i32
        %shift_left3A_747 = vector.broadcast %shift_left3A_746 : i32 to vector<16xi32>
        %shift_left3A_748 = arith.shli %get3A_745, %shift_left3A_747 : vector<16xi32>
        %bitcast_convert_type3A_749 = tpu.bitcast %shift_left3A_748 : vector<16xi32> -> vector<16xf32>
        %and3A_750 = arith.constant -65536 : i32
        %and3A_751 = vector.broadcast %and3A_750 : i32 to vector<16xi32>
        %and3A_752 = arith.andi %get3A_745, %and3A_751 : vector<16xi32>
        %bitcast_convert_type3A_753 = tpu.bitcast %and3A_752 : vector<16xi32> -> vector<16xf32>
        %mul3A_754 = arith.mulf %broadcast_in_dim3A_737, %bitcast_convert_type3A_749 : vector<16xf32>
        %add3A_755 = arith.addf %add3A_712, %mul3A_754 : vector<16xf32>
        %mul3A_756 = arith.mulf %broadcast_in_dim3A_737, %bitcast_convert_type3A_753 : vector<16xf32>
        %add3A_757 = arith.addf %add3A_714, %mul3A_756 : vector<16xf32>
        %mul3A_758 = arith.constant 32 : i32
        %mul3A_759 = arith.muli %scan3A_287, %mul3A_758 : i32
        %add3A_760 = arith.constant 10 : i32
        %add3A_761 = arith.addi %mul3A_759, %add3A_760 : i32
        %get3A_762 = arith.index_cast %add3A_761 : i32 to index
        %get3A_763 = arith.constant 16 : index
        %get3A_764 = tpu.vector_load %arg12[%get3A_762, %get3A_763] {strides = array<i32>} : memref<512x32xi32, #tpu.memory_space<vmem>>, vector<1x16xi32>,
        %get3A_765 = vector.shape_cast %get3A_764 : vector<1x16xi32> to vector<16xi32>
        %shift_left3A_766 = arith.constant 16 : i32
        %shift_left3A_767 = vector.broadcast %shift_left3A_766 : i32 to vector<16xi32>
        %shift_left3A_768 = arith.shli %get3A_765, %shift_left3A_767 : vector<16xi32>
        %bitcast_convert_type3A_769 = tpu.bitcast %shift_left3A_768 : vector<16xi32> -> vector<16xf32>
        %and3A_770 = arith.constant -65536 : i32
        %and3A_771 = vector.broadcast %and3A_770 : i32 to vector<16xi32>
        %and3A_772 = arith.andi %get3A_765, %and3A_771 : vector<16xi32>
        %bitcast_convert_type3A_773 = tpu.bitcast %and3A_772 : vector<16xi32> -> vector<16xf32>
        %mul3A_774 = arith.mulf %broadcast_in_dim3A_737, %bitcast_convert_type3A_769 : vector<16xf32>
        %add3A_775 = arith.addf %add3A_732, %mul3A_774 : vector<16xf32>
        %mul3A_776 = arith.mulf %broadcast_in_dim3A_737, %bitcast_convert_type3A_773 : vector<16xf32>
        %add3A_777 = arith.addf %add3A_734, %mul3A_776 : vector<16xf32>
        %slice3A_778 = vector.extract_strided_slice %get3A_304 {offsets = [11], sizes = [1], strides = [1]} : vector<16xf32> to vector<1xf32>
        %squeeze3A_779 = vector.extract %slice3A_778[0] : f32 from vector<1xf32>
        %broadcast_in_dim3A_780 = vector.broadcast %squeeze3A_779 : f32 to vector<16xf32>
        %mul3A_781 = arith.constant 32 : i32
        %mul3A_782 = arith.muli %scan3A_287, %mul3A_781 : i32
        %add3A_783 = arith.constant 11 : i32
        %add3A_784 = arith.addi %mul3A_782, %add3A_783 : i32
        %get3A_785 = arith.index_cast %add3A_784 : i32 to index
        %get3A_786 = arith.constant 0 : index
        %get3A_787 = tpu.vector_load %arg12[%get3A_785, %get3A_786] {strides = array<i32>} : memref<512x32xi32, #tpu.memory_space<vmem>>, vector<1x16xi32>,
        %get3A_788 = vector.shape_cast %get3A_787 : vector<1x16xi32> to vector<16xi32>
        %shift_left3A_789 = arith.constant 16 : i32
        %shift_left3A_790 = vector.broadcast %shift_left3A_789 : i32 to vector<16xi32>
        %shift_left3A_791 = arith.shli %get3A_788, %shift_left3A_790 : vector<16xi32>
        %bitcast_convert_type3A_792 = tpu.bitcast %shift_left3A_791 : vector<16xi32> -> vector<16xf32>
        %and3A_793 = arith.constant -65536 : i32
        %and3A_794 = vector.broadcast %and3A_793 : i32 to vector<16xi32>
        %and3A_795 = arith.andi %get3A_788, %and3A_794 : vector<16xi32>
        %bitcast_convert_type3A_796 = tpu.bitcast %and3A_795 : vector<16xi32> -> vector<16xf32>
        %mul3A_797 = arith.mulf %broadcast_in_dim3A_780, %bitcast_convert_type3A_792 : vector<16xf32>
        %add3A_798 = arith.addf %add3A_755, %mul3A_797 : vector<16xf32>
        %mul3A_799 = arith.mulf %broadcast_in_dim3A_780, %bitcast_convert_type3A_796 : vector<16xf32>
        %add3A_800 = arith.addf %add3A_757, %mul3A_799 : vector<16xf32>
        %mul3A_801 = arith.constant 32 : i32
        %mul3A_802 = arith.muli %scan3A_287, %mul3A_801 : i32
        %add3A_803 = arith.constant 11 : i32
        %add3A_804 = arith.addi %mul3A_802, %add3A_803 : i32
        %get3A_805 = arith.index_cast %add3A_804 : i32 to index
        %get3A_806 = arith.constant 16 : index
        %get3A_807 = tpu.vector_load %arg12[%get3A_805, %get3A_806] {strides = array<i32>} : memref<512x32xi32, #tpu.memory_space<vmem>>, vector<1x16xi32>,
        %get3A_808 = vector.shape_cast %get3A_807 : vector<1x16xi32> to vector<16xi32>
        %shift_left3A_809 = arith.constant 16 : i32
        %shift_left3A_810 = vector.broadcast %shift_left3A_809 : i32 to vector<16xi32>
        %shift_left3A_811 = arith.shli %get3A_808, %shift_left3A_810 : vector<16xi32>
        %bitcast_convert_type3A_812 = tpu.bitcast %shift_left3A_811 : vector<16xi32> -> vector<16xf32>
        %and3A_813 = arith.constant -65536 : i32
        %and3A_814 = vector.broadcast %and3A_813 : i32 to vector<16xi32>
        %and3A_815 = arith.andi %get3A_808, %and3A_814 : vector<16xi32>
        %bitcast_convert_type3A_816 = tpu.bitcast %and3A_815 : vector<16xi32> -> vector<16xf32>
        %mul3A_817 = arith.mulf %broadcast_in_dim3A_780, %bitcast_convert_type3A_812 : vector<16xf32>
        %add3A_818 = arith.addf %add3A_775, %mul3A_817 : vector<16xf32>
        %mul3A_819 = arith.mulf %broadcast_in_dim3A_780, %bitcast_convert_type3A_816 : vector<16xf32>
        %add3A_820 = arith.addf %add3A_777, %mul3A_819 : vector<16xf32>
        %slice3A_821 = vector.extract_strided_slice %get3A_304 {offsets = [12], sizes = [1], strides = [1]} : vector<16xf32> to vector<1xf32>
        %squeeze3A_822 = vector.extract %slice3A_821[0] : f32 from vector<1xf32>
        %broadcast_in_dim3A_823 = vector.broadcast %squeeze3A_822 : f32 to vector<16xf32>
        %mul3A_824 = arith.constant 32 : i32
        %mul3A_825 = arith.muli %scan3A_287, %mul3A_824 : i32
        %add3A_826 = arith.constant 12 : i32
        %add3A_827 = arith.addi %mul3A_825, %add3A_826 : i32
        %get3A_828 = arith.index_cast %add3A_827 : i32 to index
        %get3A_829 = arith.constant 0 : index
        %get3A_830 = tpu.vector_load %arg12[%get3A_828, %get3A_829] {strides = array<i32>} : memref<512x32xi32, #tpu.memory_space<vmem>>, vector<1x16xi32>,
        %get3A_831 = vector.shape_cast %get3A_830 : vector<1x16xi32> to vector<16xi32>
        %shift_left3A_832 = arith.constant 16 : i32
        %shift_left3A_833 = vector.broadcast %shift_left3A_832 : i32 to vector<16xi32>
        %shift_left3A_834 = arith.shli %get3A_831, %shift_left3A_833 : vector<16xi32>
        %bitcast_convert_type3A_835 = tpu.bitcast %shift_left3A_834 : vector<16xi32> -> vector<16xf32>
        %and3A_836 = arith.constant -65536 : i32
        %and3A_837 = vector.broadcast %and3A_836 : i32 to vector<16xi32>
        %and3A_838 = arith.andi %get3A_831, %and3A_837 : vector<16xi32>
        %bitcast_convert_type3A_839 = tpu.bitcast %and3A_838 : vector<16xi32> -> vector<16xf32>
        %mul3A_840 = arith.mulf %broadcast_in_dim3A_823, %bitcast_convert_type3A_835 : vector<16xf32>
        %add3A_841 = arith.addf %add3A_798, %mul3A_840 : vector<16xf32>
        %mul3A_842 = arith.mulf %broadcast_in_dim3A_823, %bitcast_convert_type3A_839 : vector<16xf32>
        %add3A_843 = arith.addf %add3A_800, %mul3A_842 : vector<16xf32>
        %mul3A_844 = arith.constant 32 : i32
        %mul3A_845 = arith.muli %scan3A_287, %mul3A_844 : i32
        %add3A_846 = arith.constant 12 : i32
        %add3A_847 = arith.addi %mul3A_845, %add3A_846 : i32
        %get3A_848 = arith.index_cast %add3A_847 : i32 to index
        %get3A_849 = arith.constant 16 : index
        %get3A_850 = tpu.vector_load %arg12[%get3A_848, %get3A_849] {strides = array<i32>} : memref<512x32xi32, #tpu.memory_space<vmem>>, vector<1x16xi32>,
        %get3A_851 = vector.shape_cast %get3A_850 : vector<1x16xi32> to vector<16xi32>
        %shift_left3A_852 = arith.constant 16 : i32
        %shift_left3A_853 = vector.broadcast %shift_left3A_852 : i32 to vector<16xi32>
        %shift_left3A_854 = arith.shli %get3A_851, %shift_left3A_853 : vector<16xi32>
        %bitcast_convert_type3A_855 = tpu.bitcast %shift_left3A_854 : vector<16xi32> -> vector<16xf32>
        %and3A_856 = arith.constant -65536 : i32
        %and3A_857 = vector.broadcast %and3A_856 : i32 to vector<16xi32>
        %and3A_858 = arith.andi %get3A_851, %and3A_857 : vector<16xi32>
        %bitcast_convert_type3A_859 = tpu.bitcast %and3A_858 : vector<16xi32> -> vector<16xf32>
        %mul3A_860 = arith.mulf %broadcast_in_dim3A_823, %bitcast_convert_type3A_855 : vector<16xf32>
        %add3A_861 = arith.addf %add3A_818, %mul3A_860 : vector<16xf32>
        %mul3A_862 = arith.mulf %broadcast_in_dim3A_823, %bitcast_convert_type3A_859 : vector<16xf32>
        %add3A_863 = arith.addf %add3A_820, %mul3A_862 : vector<16xf32>
        %slice3A_864 = vector.extract_strided_slice %get3A_304 {offsets = [13], sizes = [1], strides = [1]} : vector<16xf32> to vector<1xf32>
        %squeeze3A_865 = vector.extract %slice3A_864[0] : f32 from vector<1xf32>
        %broadcast_in_dim3A_866 = vector.broadcast %squeeze3A_865 : f32 to vector<16xf32>
        %mul3A_867 = arith.constant 32 : i32
        %mul3A_868 = arith.muli %scan3A_287, %mul3A_867 : i32
        %add3A_869 = arith.constant 13 : i32
        %add3A_870 = arith.addi %mul3A_868, %add3A_869 : i32
        %get3A_871 = arith.index_cast %add3A_870 : i32 to index
        %get3A_872 = arith.constant 0 : index
        %get3A_873 = tpu.vector_load %arg12[%get3A_871, %get3A_872] {strides = array<i32>} : memref<512x32xi32, #tpu.memory_space<vmem>>, vector<1x16xi32>,
        %get3A_874 = vector.shape_cast %get3A_873 : vector<1x16xi32> to vector<16xi32>
        %shift_left3A_875 = arith.constant 16 : i32
        %shift_left3A_876 = vector.broadcast %shift_left3A_875 : i32 to vector<16xi32>
        %shift_left3A_877 = arith.shli %get3A_874, %shift_left3A_876 : vector<16xi32>
        %bitcast_convert_type3A_878 = tpu.bitcast %shift_left3A_877 : vector<16xi32> -> vector<16xf32>
        %and3A_879 = arith.constant -65536 : i32
        %and3A_880 = vector.broadcast %and3A_879 : i32 to vector<16xi32>
        %and3A_881 = arith.andi %get3A_874, %and3A_880 : vector<16xi32>
        %bitcast_convert_type3A_882 = tpu.bitcast %and3A_881 : vector<16xi32> -> vector<16xf32>
        %mul3A_883 = arith.mulf %broadcast_in_dim3A_866, %bitcast_convert_type3A_878 : vector<16xf32>
        %add3A_884 = arith.addf %add3A_841, %mul3A_883 : vector<16xf32>
        %mul3A_885 = arith.mulf %broadcast_in_dim3A_866, %bitcast_convert_type3A_882 : vector<16xf32>
        %add3A_886 = arith.addf %add3A_843, %mul3A_885 : vector<16xf32>
        %mul3A_887 = arith.constant 32 : i32
        %mul3A_888 = arith.muli %scan3A_287, %mul3A_887 : i32
        %add3A_889 = arith.constant 13 : i32
        %add3A_890 = arith.addi %mul3A_888, %add3A_889 : i32
        %get3A_891 = arith.index_cast %add3A_890 : i32 to index
        %get3A_892 = arith.constant 16 : index
        %get3A_893 = tpu.vector_load %arg12[%get3A_891, %get3A_892] {strides = array<i32>} : memref<512x32xi32, #tpu.memory_space<vmem>>, vector<1x16xi32>,
        %get3A_894 = vector.shape_cast %get3A_893 : vector<1x16xi32> to vector<16xi32>
        %shift_left3A_895 = arith.constant 16 : i32
        %shift_left3A_896 = vector.broadcast %shift_left3A_895 : i32 to vector<16xi32>
        %shift_left3A_897 = arith.shli %get3A_894, %shift_left3A_896 : vector<16xi32>
        %bitcast_convert_type3A_898 = tpu.bitcast %shift_left3A_897 : vector<16xi32> -> vector<16xf32>
        %and3A_899 = arith.constant -65536 : i32
        %and3A_900 = vector.broadcast %and3A_899 : i32 to vector<16xi32>
        %and3A_901 = arith.andi %get3A_894, %and3A_900 : vector<16xi32>
        %bitcast_convert_type3A_902 = tpu.bitcast %and3A_901 : vector<16xi32> -> vector<16xf32>
        %mul3A_903 = arith.mulf %broadcast_in_dim3A_866, %bitcast_convert_type3A_898 : vector<16xf32>
        %add3A_904 = arith.addf %add3A_861, %mul3A_903 : vector<16xf32>
        %mul3A_905 = arith.mulf %broadcast_in_dim3A_866, %bitcast_convert_type3A_902 : vector<16xf32>
        %add3A_906 = arith.addf %add3A_863, %mul3A_905 : vector<16xf32>
        %slice3A_907 = vector.extract_strided_slice %get3A_304 {offsets = [14], sizes = [1], strides = [1]} : vector<16xf32> to vector<1xf32>
        %squeeze3A_908 = vector.extract %slice3A_907[0] : f32 from vector<1xf32>
        %broadcast_in_dim3A_909 = vector.broadcast %squeeze3A_908 : f32 to vector<16xf32>
        %mul3A_910 = arith.constant 32 : i32
        %mul3A_911 = arith.muli %scan3A_287, %mul3A_910 : i32
        %add3A_912 = arith.constant 14 : i32
        %add3A_913 = arith.addi %mul3A_911, %add3A_912 : i32
        %get3A_914 = arith.index_cast %add3A_913 : i32 to index
        %get3A_915 = arith.constant 0 : index
        %get3A_916 = tpu.vector_load %arg12[%get3A_914, %get3A_915] {strides = array<i32>} : memref<512x32xi32, #tpu.memory_space<vmem>>, vector<1x16xi32>,
        %get3A_917 = vector.shape_cast %get3A_916 : vector<1x16xi32> to vector<16xi32>
        %shift_left3A_918 = arith.constant 16 : i32
        %shift_left3A_919 = vector.broadcast %shift_left3A_918 : i32 to vector<16xi32>
        %shift_left3A_920 = arith.shli %get3A_917, %shift_left3A_919 : vector<16xi32>
        %bitcast_convert_type3A_921 = tpu.bitcast %shift_left3A_920 : vector<16xi32> -> vector<16xf32>
        %and3A_922 = arith.constant -65536 : i32
        %and3A_923 = vector.broadcast %and3A_922 : i32 to vector<16xi32>
        %and3A_924 = arith.andi %get3A_917, %and3A_923 : vector<16xi32>
        %bitcast_convert_type3A_925 = tpu.bitcast %and3A_924 : vector<16xi32> -> vector<16xf32>
        %mul3A_926 = arith.mulf %broadcast_in_dim3A_909, %bitcast_convert_type3A_921 : vector<16xf32>
        %add3A_927 = arith.addf %add3A_884, %mul3A_926 : vector<16xf32>
        %mul3A_928 = arith.mulf %broadcast_in_dim3A_909, %bitcast_convert_type3A_925 : vector<16xf32>
        %add3A_929 = arith.addf %add3A_886, %mul3A_928 : vector<16xf32>
        %mul3A_930 = arith.constant 32 : i32
        %mul3A_931 = arith.muli %scan3A_287, %mul3A_930 : i32
        %add3A_932 = arith.constant 14 : i32
        %add3A_933 = arith.addi %mul3A_931, %add3A_932 : i32
        %get3A_934 = arith.index_cast %add3A_933 : i32 to index
        %get3A_935 = arith.constant 16 : index
        %get3A_936 = tpu.vector_load %arg12[%get3A_934, %get3A_935] {strides = array<i32>} : memref<512x32xi32, #tpu.memory_space<vmem>>, vector<1x16xi32>,
        %get3A_937 = vector.shape_cast %get3A_936 : vector<1x16xi32> to vector<16xi32>
        %shift_left3A_938 = arith.constant 16 : i32
        %shift_left3A_939 = vector.broadcast %shift_left3A_938 : i32 to vector<16xi32>
        %shift_left3A_940 = arith.shli %get3A_937, %shift_left3A_939 : vector<16xi32>
        %bitcast_convert_type3A_941 = tpu.bitcast %shift_left3A_940 : vector<16xi32> -> vector<16xf32>
        %and3A_942 = arith.constant -65536 : i32
        %and3A_943 = vector.broadcast %and3A_942 : i32 to vector<16xi32>
        %and3A_944 = arith.andi %get3A_937, %and3A_943 : vector<16xi32>
        %bitcast_convert_type3A_945 = tpu.bitcast %and3A_944 : vector<16xi32> -> vector<16xf32>
        %mul3A_946 = arith.mulf %broadcast_in_dim3A_909, %bitcast_convert_type3A_941 : vector<16xf32>
        %add3A_947 = arith.addf %add3A_904, %mul3A_946 : vector<16xf32>
        %mul3A_948 = arith.mulf %broadcast_in_dim3A_909, %bitcast_convert_type3A_945 : vector<16xf32>
        %add3A_949 = arith.addf %add3A_906, %mul3A_948 : vector<16xf32>
        %slice3A_950 = vector.extract_strided_slice %get3A_304 {offsets = [15], sizes = [1], strides = [1]} : vector<16xf32> to vector<1xf32>
        %squeeze3A_951 = vector.extract %slice3A_950[0] : f32 from vector<1xf32>
        %broadcast_in_dim3A_952 = vector.broadcast %squeeze3A_951 : f32 to vector<16xf32>
        %mul3A_953 = arith.constant 32 : i32
        %mul3A_954 = arith.muli %scan3A_287, %mul3A_953 : i32
        %add3A_955 = arith.constant 15 : i32
        %add3A_956 = arith.addi %mul3A_954, %add3A_955 : i32
        %get3A_957 = arith.index_cast %add3A_956 : i32 to index
        %get3A_958 = arith.constant 0 : index
        %get3A_959 = tpu.vector_load %arg12[%get3A_957, %get3A_958] {strides = array<i32>} : memref<512x32xi32, #tpu.memory_space<vmem>>, vector<1x16xi32>,
        %get3A_960 = vector.shape_cast %get3A_959 : vector<1x16xi32> to vector<16xi32>
        %shift_left3A_961 = arith.constant 16 : i32
        %shift_left3A_962 = vector.broadcast %shift_left3A_961 : i32 to vector<16xi32>
        %shift_left3A_963 = arith.shli %get3A_960, %shift_left3A_962 : vector<16xi32>
        %bitcast_convert_type3A_964 = tpu.bitcast %shift_left3A_963 : vector<16xi32> -> vector<16xf32>
        %and3A_965 = arith.constant -65536 : i32
        %and3A_966 = vector.broadcast %and3A_965 : i32 to vector<16xi32>
        %and3A_967 = arith.andi %get3A_960, %and3A_966 : vector<16xi32>
        %bitcast_convert_type3A_968 = tpu.bitcast %and3A_967 : vector<16xi32> -> vector<16xf32>
        %mul3A_969 = arith.mulf %broadcast_in_dim3A_952, %bitcast_convert_type3A_964 : vector<16xf32>
        %add3A_970 = arith.addf %add3A_927, %mul3A_969 : vector<16xf32>
        %mul3A_971 = arith.mulf %broadcast_in_dim3A_952, %bitcast_convert_type3A_968 : vector<16xf32>
        %add3A_972 = arith.addf %add3A_929, %mul3A_971 : vector<16xf32>
        %mul3A_973 = arith.constant 32 : i32
        %mul3A_974 = arith.muli %scan3A_287, %mul3A_973 : i32
        %add3A_975 = arith.constant 15 : i32
        %add3A_976 = arith.addi %mul3A_974, %add3A_975 : i32
        %get3A_977 = arith.index_cast %add3A_976 : i32 to index
        %get3A_978 = arith.constant 16 : index
        %get3A_979 = tpu.vector_load %arg12[%get3A_977, %get3A_978] {strides = array<i32>} : memref<512x32xi32, #tpu.memory_space<vmem>>, vector<1x16xi32>,
        %get3A_980 = vector.shape_cast %get3A_979 : vector<1x16xi32> to vector<16xi32>
        %shift_left3A_981 = arith.constant 16 : i32
        %shift_left3A_982 = vector.broadcast %shift_left3A_981 : i32 to vector<16xi32>
        %shift_left3A_983 = arith.shli %get3A_980, %shift_left3A_982 : vector<16xi32>
        %bitcast_convert_type3A_984 = tpu.bitcast %shift_left3A_983 : vector<16xi32> -> vector<16xf32>
        %and3A_985 = arith.constant -65536 : i32
        %and3A_986 = vector.broadcast %and3A_985 : i32 to vector<16xi32>
        %and3A_987 = arith.andi %get3A_980, %and3A_986 : vector<16xi32>
        %bitcast_convert_type3A_988 = tpu.bitcast %and3A_987 : vector<16xi32> -> vector<16xf32>
        %mul3A_989 = arith.mulf %broadcast_in_dim3A_952, %bitcast_convert_type3A_984 : vector<16xf32>
        %add3A_990 = arith.addf %add3A_947, %mul3A_989 : vector<16xf32>
        %mul3A_991 = arith.mulf %broadcast_in_dim3A_952, %bitcast_convert_type3A_988 : vector<16xf32>
        %add3A_992 = arith.addf %add3A_949, %mul3A_991 : vector<16xf32>
        %slice3A_993 = vector.extract_strided_slice %get3A_309 {offsets = [0], sizes = [1], strides = [1]} : vector<16xf32> to vector<1xf32>
        %squeeze3A_994 = vector.extract %slice3A_993[0] : f32 from vector<1xf32>
        %broadcast_in_dim3A_995 = vector.broadcast %squeeze3A_994 : f32 to vector<16xf32>
        %mul3A_996 = arith.constant 32 : i32
        %mul3A_997 = arith.muli %scan3A_287, %mul3A_996 : i32
        %add3A_998 = arith.constant 16 : i32
        %add3A_999 = arith.addi %mul3A_997, %add3A_998 : i32
        %get3A_1000 = arith.index_cast %add3A_999 : i32 to index
        %get3A_1001 = arith.constant 0 : index
        %get3A_1002 = tpu.vector_load %arg12[%get3A_1000, %get3A_1001] {strides = array<i32>} : memref<512x32xi32, #tpu.memory_space<vmem>>, vector<1x16xi32>,
        %get3A_1003 = vector.shape_cast %get3A_1002 : vector<1x16xi32> to vector<16xi32>
        %shift_left3A_1004 = arith.constant 16 : i32
        %shift_left3A_1005 = vector.broadcast %shift_left3A_1004 : i32 to vector<16xi32>
        %shift_left3A_1006 = arith.shli %get3A_1003, %shift_left3A_1005 : vector<16xi32>
        %bitcast_convert_type3A_1007 = tpu.bitcast %shift_left3A_1006 : vector<16xi32> -> vector<16xf32>
        %and3A_1008 = arith.constant -65536 : i32
        %and3A_1009 = vector.broadcast %and3A_1008 : i32 to vector<16xi32>
        %and3A_1010 = arith.andi %get3A_1003, %and3A_1009 : vector<16xi32>
        %bitcast_convert_type3A_1011 = tpu.bitcast %and3A_1010 : vector<16xi32> -> vector<16xf32>
        %mul3A_1012 = arith.mulf %broadcast_in_dim3A_995, %bitcast_convert_type3A_1007 : vector<16xf32>
        %add3A_1013 = arith.addf %add3A_970, %mul3A_1012 : vector<16xf32>
        %mul3A_1014 = arith.mulf %broadcast_in_dim3A_995, %bitcast_convert_type3A_1011 : vector<16xf32>
        %add3A_1015 = arith.addf %add3A_972, %mul3A_1014 : vector<16xf32>
        %mul3A_1016 = arith.constant 32 : i32
        %mul3A_1017 = arith.muli %scan3A_287, %mul3A_1016 : i32
        %add3A_1018 = arith.constant 16 : i32
        %add3A_1019 = arith.addi %mul3A_1017, %add3A_1018 : i32
        %get3A_1020 = arith.index_cast %add3A_1019 : i32 to index
        %get3A_1021 = arith.constant 16 : index
        %get3A_1022 = tpu.vector_load %arg12[%get3A_1020, %get3A_1021] {strides = array<i32>} : memref<512x32xi32, #tpu.memory_space<vmem>>, vector<1x16xi32>,
        %get3A_1023 = vector.shape_cast %get3A_1022 : vector<1x16xi32> to vector<16xi32>
        %shift_left3A_1024 = arith.constant 16 : i32
        %shift_left3A_1025 = vector.broadcast %shift_left3A_1024 : i32 to vector<16xi32>
        %shift_left3A_1026 = arith.shli %get3A_1023, %shift_left3A_1025 : vector<16xi32>
        %bitcast_convert_type3A_1027 = tpu.bitcast %shift_left3A_1026 : vector<16xi32> -> vector<16xf32>
        %and3A_1028 = arith.constant -65536 : i32
        %and3A_1029 = vector.broadcast %and3A_1028 : i32 to vector<16xi32>
        %and3A_1030 = arith.andi %get3A_1023, %and3A_1029 : vector<16xi32>
        %bitcast_convert_type3A_1031 = tpu.bitcast %and3A_1030 : vector<16xi32> -> vector<16xf32>
        %mul3A_1032 = arith.mulf %broadcast_in_dim3A_995, %bitcast_convert_type3A_1027 : vector<16xf32>
        %add3A_1033 = arith.addf %add3A_990, %mul3A_1032 : vector<16xf32>
        %mul3A_1034 = arith.mulf %broadcast_in_dim3A_995, %bitcast_convert_type3A_1031 : vector<16xf32>
        %add3A_1035 = arith.addf %add3A_992, %mul3A_1034 : vector<16xf32>
        %slice3A_1036 = vector.extract_strided_slice %get3A_309 {offsets = [1], sizes = [1], strides = [1]} : vector<16xf32> to vector<1xf32>
        %squeeze3A_1037 = vector.extract %slice3A_1036[0] : f32 from vector<1xf32>
        %broadcast_in_dim3A_1038 = vector.broadcast %squeeze3A_1037 : f32 to vector<16xf32>
        %mul3A_1039 = arith.constant 32 : i32
        %mul3A_1040 = arith.muli %scan3A_287, %mul3A_1039 : i32
        %add3A_1041 = arith.constant 17 : i32
        %add3A_1042 = arith.addi %mul3A_1040, %add3A_1041 : i32
        %get3A_1043 = arith.index_cast %add3A_1042 : i32 to index
        %get3A_1044 = arith.constant 0 : index
        %get3A_1045 = tpu.vector_load %arg12[%get3A_1043, %get3A_1044] {strides = array<i32>} : memref<512x32xi32, #tpu.memory_space<vmem>>, vector<1x16xi32>,
        %get3A_1046 = vector.shape_cast %get3A_1045 : vector<1x16xi32> to vector<16xi32>
        %shift_left3A_1047 = arith.constant 16 : i32
        %shift_left3A_1048 = vector.broadcast %shift_left3A_1047 : i32 to vector<16xi32>
        %shift_left3A_1049 = arith.shli %get3A_1046, %shift_left3A_1048 : vector<16xi32>
        %bitcast_convert_type3A_1050 = tpu.bitcast %shift_left3A_1049 : vector<16xi32> -> vector<16xf32>
        %and3A_1051 = arith.constant -65536 : i32
        %and3A_1052 = vector.broadcast %and3A_1051 : i32 to vector<16xi32>
        %and3A_1053 = arith.andi %get3A_1046, %and3A_1052 : vector<16xi32>
        %bitcast_convert_type3A_1054 = tpu.bitcast %and3A_1053 : vector<16xi32> -> vector<16xf32>
        %mul3A_1055 = arith.mulf %broadcast_in_dim3A_1038, %bitcast_convert_type3A_1050 : vector<16xf32>
        %add3A_1056 = arith.addf %add3A_1013, %mul3A_1055 : vector<16xf32>
        %mul3A_1057 = arith.mulf %broadcast_in_dim3A_1038, %bitcast_convert_type3A_1054 : vector<16xf32>
        %add3A_1058 = arith.addf %add3A_1015, %mul3A_1057 : vector<16xf32>
        %mul3A_1059 = arith.constant 32 : i32
        %mul3A_1060 = arith.muli %scan3A_287, %mul3A_1059 : i32
        %add3A_1061 = arith.constant 17 : i32
        %add3A_1062 = arith.addi %mul3A_1060, %add3A_1061 : i32
        %get3A_1063 = arith.index_cast %add3A_1062 : i32 to index
        %get3A_1064 = arith.constant 16 : index
        %get3A_1065 = tpu.vector_load %arg12[%get3A_1063, %get3A_1064] {strides = array<i32>} : memref<512x32xi32, #tpu.memory_space<vmem>>, vector<1x16xi32>,
        %get3A_1066 = vector.shape_cast %get3A_1065 : vector<1x16xi32> to vector<16xi32>
        %shift_left3A_1067 = arith.constant 16 : i32
        %shift_left3A_1068 = vector.broadcast %shift_left3A_1067 : i32 to vector<16xi32>
        %shift_left3A_1069 = arith.shli %get3A_1066, %shift_left3A_1068 : vector<16xi32>
        %bitcast_convert_type3A_1070 = tpu.bitcast %shift_left3A_1069 : vector<16xi32> -> vector<16xf32>
        %and3A_1071 = arith.constant -65536 : i32
        %and3A_1072 = vector.broadcast %and3A_1071 : i32 to vector<16xi32>
        %and3A_1073 = arith.andi %get3A_1066, %and3A_1072 : vector<16xi32>
        %bitcast_convert_type3A_1074 = tpu.bitcast %and3A_1073 : vector<16xi32> -> vector<16xf32>
        %mul3A_1075 = arith.mulf %broadcast_in_dim3A_1038, %bitcast_convert_type3A_1070 : vector<16xf32>
        %add3A_1076 = arith.addf %add3A_1033, %mul3A_1075 : vector<16xf32>
        %mul3A_1077 = arith.mulf %broadcast_in_dim3A_1038, %bitcast_convert_type3A_1074 : vector<16xf32>
        %add3A_1078 = arith.addf %add3A_1035, %mul3A_1077 : vector<16xf32>
        %slice3A_1079 = vector.extract_strided_slice %get3A_309 {offsets = [2], sizes = [1], strides = [1]} : vector<16xf32> to vector<1xf32>
        %squeeze3A_1080 = vector.extract %slice3A_1079[0] : f32 from vector<1xf32>
        %broadcast_in_dim3A_1081 = vector.broadcast %squeeze3A_1080 : f32 to vector<16xf32>
        %mul3A_1082 = arith.constant 32 : i32
        %mul3A_1083 = arith.muli %scan3A_287, %mul3A_1082 : i32
        %add3A_1084 = arith.constant 18 : i32
        %add3A_1085 = arith.addi %mul3A_1083, %add3A_1084 : i32
        %get3A_1086 = arith.index_cast %add3A_1085 : i32 to index
        %get3A_1087 = arith.constant 0 : index
        %get3A_1088 = tpu.vector_load %arg12[%get3A_1086, %get3A_1087] {strides = array<i32>} : memref<512x32xi32, #tpu.memory_space<vmem>>, vector<1x16xi32>,
        %get3A_1089 = vector.shape_cast %get3A_1088 : vector<1x16xi32> to vector<16xi32>
        %shift_left3A_1090 = arith.constant 16 : i32
        %shift_left3A_1091 = vector.broadcast %shift_left3A_1090 : i32 to vector<16xi32>
        %shift_left3A_1092 = arith.shli %get3A_1089, %shift_left3A_1091 : vector<16xi32>
        %bitcast_convert_type3A_1093 = tpu.bitcast %shift_left3A_1092 : vector<16xi32> -> vector<16xf32>
        %and3A_1094 = arith.constant -65536 : i32
        %and3A_1095 = vector.broadcast %and3A_1094 : i32 to vector<16xi32>
        %and3A_1096 = arith.andi %get3A_1089, %and3A_1095 : vector<16xi32>
        %bitcast_convert_type3A_1097 = tpu.bitcast %and3A_1096 : vector<16xi32> -> vector<16xf32>
        %mul3A_1098 = arith.mulf %broadcast_in_dim3A_1081, %bitcast_convert_type3A_1093 : vector<16xf32>
        %add3A_1099 = arith.addf %add3A_1056, %mul3A_1098 : vector<16xf32>
        %mul3A_1100 = arith.mulf %broadcast_in_dim3A_1081, %bitcast_convert_type3A_1097 : vector<16xf32>
        %add3A_1101 = arith.addf %add3A_1058, %mul3A_1100 : vector<16xf32>
        %mul3A_1102 = arith.constant 32 : i32
        %mul3A_1103 = arith.muli %scan3A_287, %mul3A_1102 : i32
        %add3A_1104 = arith.constant 18 : i32
        %add3A_1105 = arith.addi %mul3A_1103, %add3A_1104 : i32
        %get3A_1106 = arith.index_cast %add3A_1105 : i32 to index
        %get3A_1107 = arith.constant 16 : index
        %get3A_1108 = tpu.vector_load %arg12[%get3A_1106, %get3A_1107] {strides = array<i32>} : memref<512x32xi32, #tpu.memory_space<vmem>>, vector<1x16xi32>,
        %get3A_1109 = vector.shape_cast %get3A_1108 : vector<1x16xi32> to vector<16xi32>
        %shift_left3A_1110 = arith.constant 16 : i32
        %shift_left3A_1111 = vector.broadcast %shift_left3A_1110 : i32 to vector<16xi32>
        %shift_left3A_1112 = arith.shli %get3A_1109, %shift_left3A_1111 : vector<16xi32>
        %bitcast_convert_type3A_1113 = tpu.bitcast %shift_left3A_1112 : vector<16xi32> -> vector<16xf32>
        %and3A_1114 = arith.constant -65536 : i32
        %and3A_1115 = vector.broadcast %and3A_1114 : i32 to vector<16xi32>
        %and3A_1116 = arith.andi %get3A_1109, %and3A_1115 : vector<16xi32>
        %bitcast_convert_type3A_1117 = tpu.bitcast %and3A_1116 : vector<16xi32> -> vector<16xf32>
        %mul3A_1118 = arith.mulf %broadcast_in_dim3A_1081, %bitcast_convert_type3A_1113 : vector<16xf32>
        %add3A_1119 = arith.addf %add3A_1076, %mul3A_1118 : vector<16xf32>
        %mul3A_1120 = arith.mulf %broadcast_in_dim3A_1081, %bitcast_convert_type3A_1117 : vector<16xf32>
        %add3A_1121 = arith.addf %add3A_1078, %mul3A_1120 : vector<16xf32>
        %slice3A_1122 = vector.extract_strided_slice %get3A_309 {offsets = [3], sizes = [1], strides = [1]} : vector<16xf32> to vector<1xf32>
        %squeeze3A_1123 = vector.extract %slice3A_1122[0] : f32 from vector<1xf32>
        %broadcast_in_dim3A_1124 = vector.broadcast %squeeze3A_1123 : f32 to vector<16xf32>
        %mul3A_1125 = arith.constant 32 : i32
        %mul3A_1126 = arith.muli %scan3A_287, %mul3A_1125 : i32
        %add3A_1127 = arith.constant 19 : i32
        %add3A_1128 = arith.addi %mul3A_1126, %add3A_1127 : i32
        %get3A_1129 = arith.index_cast %add3A_1128 : i32 to index
        %get3A_1130 = arith.constant 0 : index
        %get3A_1131 = tpu.vector_load %arg12[%get3A_1129, %get3A_1130] {strides = array<i32>} : memref<512x32xi32, #tpu.memory_space<vmem>>, vector<1x16xi32>,
        %get3A_1132 = vector.shape_cast %get3A_1131 : vector<1x16xi32> to vector<16xi32>
        %shift_left3A_1133 = arith.constant 16 : i32
        %shift_left3A_1134 = vector.broadcast %shift_left3A_1133 : i32 to vector<16xi32>
        %shift_left3A_1135 = arith.shli %get3A_1132, %shift_left3A_1134 : vector<16xi32>
        %bitcast_convert_type3A_1136 = tpu.bitcast %shift_left3A_1135 : vector<16xi32> -> vector<16xf32>
        %and3A_1137 = arith.constant -65536 : i32
        %and3A_1138 = vector.broadcast %and3A_1137 : i32 to vector<16xi32>
        %and3A_1139 = arith.andi %get3A_1132, %and3A_1138 : vector<16xi32>
        %bitcast_convert_type3A_1140 = tpu.bitcast %and3A_1139 : vector<16xi32> -> vector<16xf32>
        %mul3A_1141 = arith.mulf %broadcast_in_dim3A_1124, %bitcast_convert_type3A_1136 : vector<16xf32>
        %add3A_1142 = arith.addf %add3A_1099, %mul3A_1141 : vector<16xf32>
        %mul3A_1143 = arith.mulf %broadcast_in_dim3A_1124, %bitcast_convert_type3A_1140 : vector<16xf32>
        %add3A_1144 = arith.addf %add3A_1101, %mul3A_1143 : vector<16xf32>
        %mul3A_1145 = arith.constant 32 : i32
        %mul3A_1146 = arith.muli %scan3A_287, %mul3A_1145 : i32
        %add3A_1147 = arith.constant 19 : i32
        %add3A_1148 = arith.addi %mul3A_1146, %add3A_1147 : i32
        %get3A_1149 = arith.index_cast %add3A_1148 : i32 to index
        %get3A_1150 = arith.constant 16 : index
        %get3A_1151 = tpu.vector_load %arg12[%get3A_1149, %get3A_1150] {strides = array<i32>} : memref<512x32xi32, #tpu.memory_space<vmem>>, vector<1x16xi32>,
        %get3A_1152 = vector.shape_cast %get3A_1151 : vector<1x16xi32> to vector<16xi32>
        %shift_left3A_1153 = arith.constant 16 : i32
        %shift_left3A_1154 = vector.broadcast %shift_left3A_1153 : i32 to vector<16xi32>
        %shift_left3A_1155 = arith.shli %get3A_1152, %shift_left3A_1154 : vector<16xi32>
        %bitcast_convert_type3A_1156 = tpu.bitcast %shift_left3A_1155 : vector<16xi32> -> vector<16xf32>
        %and3A_1157 = arith.constant -65536 : i32
        %and3A_1158 = vector.broadcast %and3A_1157 : i32 to vector<16xi32>
        %and3A_1159 = arith.andi %get3A_1152, %and3A_1158 : vector<16xi32>
        %bitcast_convert_type3A_1160 = tpu.bitcast %and3A_1159 : vector<16xi32> -> vector<16xf32>
        %mul3A_1161 = arith.mulf %broadcast_in_dim3A_1124, %bitcast_convert_type3A_1156 : vector<16xf32>
        %add3A_1162 = arith.addf %add3A_1119, %mul3A_1161 : vector<16xf32>
        %mul3A_1163 = arith.mulf %broadcast_in_dim3A_1124, %bitcast_convert_type3A_1160 : vector<16xf32>
        %add3A_1164 = arith.addf %add3A_1121, %mul3A_1163 : vector<16xf32>
        %slice3A_1165 = vector.extract_strided_slice %get3A_309 {offsets = [4], sizes = [1], strides = [1]} : vector<16xf32> to vector<1xf32>
        %squeeze3A_1166 = vector.extract %slice3A_1165[0] : f32 from vector<1xf32>
        %broadcast_in_dim3A_1167 = vector.broadcast %squeeze3A_1166 : f32 to vector<16xf32>
        %mul3A_1168 = arith.constant 32 : i32
        %mul3A_1169 = arith.muli %scan3A_287, %mul3A_1168 : i32
        %add3A_1170 = arith.constant 20 : i32
        %add3A_1171 = arith.addi %mul3A_1169, %add3A_1170 : i32
        %get3A_1172 = arith.index_cast %add3A_1171 : i32 to index
        %get3A_1173 = arith.constant 0 : index
        %get3A_1174 = tpu.vector_load %arg12[%get3A_1172, %get3A_1173] {strides = array<i32>} : memref<512x32xi32, #tpu.memory_space<vmem>>, vector<1x16xi32>,
        %get3A_1175 = vector.shape_cast %get3A_1174 : vector<1x16xi32> to vector<16xi32>
        %shift_left3A_1176 = arith.constant 16 : i32
        %shift_left3A_1177 = vector.broadcast %shift_left3A_1176 : i32 to vector<16xi32>
        %shift_left3A_1178 = arith.shli %get3A_1175, %shift_left3A_1177 : vector<16xi32>
        %bitcast_convert_type3A_1179 = tpu.bitcast %shift_left3A_1178 : vector<16xi32> -> vector<16xf32>
        %and3A_1180 = arith.constant -65536 : i32
        %and3A_1181 = vector.broadcast %and3A_1180 : i32 to vector<16xi32>
        %and3A_1182 = arith.andi %get3A_1175, %and3A_1181 : vector<16xi32>
        %bitcast_convert_type3A_1183 = tpu.bitcast %and3A_1182 : vector<16xi32> -> vector<16xf32>
        %mul3A_1184 = arith.mulf %broadcast_in_dim3A_1167, %bitcast_convert_type3A_1179 : vector<16xf32>
        %add3A_1185 = arith.addf %add3A_1142, %mul3A_1184 : vector<16xf32>
        %mul3A_1186 = arith.mulf %broadcast_in_dim3A_1167, %bitcast_convert_type3A_1183 : vector<16xf32>
        %add3A_1187 = arith.addf %add3A_1144, %mul3A_1186 : vector<16xf32>
        %mul3A_1188 = arith.constant 32 : i32
        %mul3A_1189 = arith.muli %scan3A_287, %mul3A_1188 : i32
        %add3A_1190 = arith.constant 20 : i32
        %add3A_1191 = arith.addi %mul3A_1189, %add3A_1190 : i32
        %get3A_1192 = arith.index_cast %add3A_1191 : i32 to index
        %get3A_1193 = arith.constant 16 : index
        %get3A_1194 = tpu.vector_load %arg12[%get3A_1192, %get3A_1193] {strides = array<i32>} : memref<512x32xi32, #tpu.memory_space<vmem>>, vector<1x16xi32>,
        %get3A_1195 = vector.shape_cast %get3A_1194 : vector<1x16xi32> to vector<16xi32>
        %shift_left3A_1196 = arith.constant 16 : i32
        %shift_left3A_1197 = vector.broadcast %shift_left3A_1196 : i32 to vector<16xi32>
        %shift_left3A_1198 = arith.shli %get3A_1195, %shift_left3A_1197 : vector<16xi32>
        %bitcast_convert_type3A_1199 = tpu.bitcast %shift_left3A_1198 : vector<16xi32> -> vector<16xf32>
        %and3A_1200 = arith.constant -65536 : i32
        %and3A_1201 = vector.broadcast %and3A_1200 : i32 to vector<16xi32>
        %and3A_1202 = arith.andi %get3A_1195, %and3A_1201 : vector<16xi32>
        %bitcast_convert_type3A_1203 = tpu.bitcast %and3A_1202 : vector<16xi32> -> vector<16xf32>
        %mul3A_1204 = arith.mulf %broadcast_in_dim3A_1167, %bitcast_convert_type3A_1199 : vector<16xf32>
        %add3A_1205 = arith.addf %add3A_1162, %mul3A_1204 : vector<16xf32>
        %mul3A_1206 = arith.mulf %broadcast_in_dim3A_1167, %bitcast_convert_type3A_1203 : vector<16xf32>
        %add3A_1207 = arith.addf %add3A_1164, %mul3A_1206 : vector<16xf32>
        %slice3A_1208 = vector.extract_strided_slice %get3A_309 {offsets = [5], sizes = [1], strides = [1]} : vector<16xf32> to vector<1xf32>
        %squeeze3A_1209 = vector.extract %slice3A_1208[0] : f32 from vector<1xf32>
        %broadcast_in_dim3A_1210 = vector.broadcast %squeeze3A_1209 : f32 to vector<16xf32>
        %mul3A_1211 = arith.constant 32 : i32
        %mul3A_1212 = arith.muli %scan3A_287, %mul3A_1211 : i32
        %add3A_1213 = arith.constant 21 : i32
        %add3A_1214 = arith.addi %mul3A_1212, %add3A_1213 : i32
        %get3A_1215 = arith.index_cast %add3A_1214 : i32 to index
        %get3A_1216 = arith.constant 0 : index
        %get3A_1217 = tpu.vector_load %arg12[%get3A_1215, %get3A_1216] {strides = array<i32>} : memref<512x32xi32, #tpu.memory_space<vmem>>, vector<1x16xi32>,
        %get3A_1218 = vector.shape_cast %get3A_1217 : vector<1x16xi32> to vector<16xi32>
        %shift_left3A_1219 = arith.constant 16 : i32
        %shift_left3A_1220 = vector.broadcast %shift_left3A_1219 : i32 to vector<16xi32>
        %shift_left3A_1221 = arith.shli %get3A_1218, %shift_left3A_1220 : vector<16xi32>
        %bitcast_convert_type3A_1222 = tpu.bitcast %shift_left3A_1221 : vector<16xi32> -> vector<16xf32>
        %and3A_1223 = arith.constant -65536 : i32
        %and3A_1224 = vector.broadcast %and3A_1223 : i32 to vector<16xi32>
        %and3A_1225 = arith.andi %get3A_1218, %and3A_1224 : vector<16xi32>
        %bitcast_convert_type3A_1226 = tpu.bitcast %and3A_1225 : vector<16xi32> -> vector<16xf32>
        %mul3A_1227 = arith.mulf %broadcast_in_dim3A_1210, %bitcast_convert_type3A_1222 : vector<16xf32>
        %add3A_1228 = arith.addf %add3A_1185, %mul3A_1227 : vector<16xf32>
        %mul3A_1229 = arith.mulf %broadcast_in_dim3A_1210, %bitcast_convert_type3A_1226 : vector<16xf32>
        %add3A_1230 = arith.addf %add3A_1187, %mul3A_1229 : vector<16xf32>
        %mul3A_1231 = arith.constant 32 : i32
        %mul3A_1232 = arith.muli %scan3A_287, %mul3A_1231 : i32
        %add3A_1233 = arith.constant 21 : i32
        %add3A_1234 = arith.addi %mul3A_1232, %add3A_1233 : i32
        %get3A_1235 = arith.index_cast %add3A_1234 : i32 to index
        %get3A_1236 = arith.constant 16 : index
        %get3A_1237 = tpu.vector_load %arg12[%get3A_1235, %get3A_1236] {strides = array<i32>} : memref<512x32xi32, #tpu.memory_space<vmem>>, vector<1x16xi32>,
        %get3A_1238 = vector.shape_cast %get3A_1237 : vector<1x16xi32> to vector<16xi32>
        %shift_left3A_1239 = arith.constant 16 : i32
        %shift_left3A_1240 = vector.broadcast %shift_left3A_1239 : i32 to vector<16xi32>
        %shift_left3A_1241 = arith.shli %get3A_1238, %shift_left3A_1240 : vector<16xi32>
        %bitcast_convert_type3A_1242 = tpu.bitcast %shift_left3A_1241 : vector<16xi32> -> vector<16xf32>
        %and3A_1243 = arith.constant -65536 : i32
        %and3A_1244 = vector.broadcast %and3A_1243 : i32 to vector<16xi32>
        %and3A_1245 = arith.andi %get3A_1238, %and3A_1244 : vector<16xi32>
        %bitcast_convert_type3A_1246 = tpu.bitcast %and3A_1245 : vector<16xi32> -> vector<16xf32>
        %mul3A_1247 = arith.mulf %broadcast_in_dim3A_1210, %bitcast_convert_type3A_1242 : vector<16xf32>
        %add3A_1248 = arith.addf %add3A_1205, %mul3A_1247 : vector<16xf32>
        %mul3A_1249 = arith.mulf %broadcast_in_dim3A_1210, %bitcast_convert_type3A_1246 : vector<16xf32>
        %add3A_1250 = arith.addf %add3A_1207, %mul3A_1249 : vector<16xf32>
        %slice3A_1251 = vector.extract_strided_slice %get3A_309 {offsets = [6], sizes = [1], strides = [1]} : vector<16xf32> to vector<1xf32>
        %squeeze3A_1252 = vector.extract %slice3A_1251[0] : f32 from vector<1xf32>
        %broadcast_in_dim3A_1253 = vector.broadcast %squeeze3A_1252 : f32 to vector<16xf32>
        %mul3A_1254 = arith.constant 32 : i32
        %mul3A_1255 = arith.muli %scan3A_287, %mul3A_1254 : i32
        %add3A_1256 = arith.constant 22 : i32
        %add3A_1257 = arith.addi %mul3A_1255, %add3A_1256 : i32
        %get3A_1258 = arith.index_cast %add3A_1257 : i32 to index
        %get3A_1259 = arith.constant 0 : index
        %get3A_1260 = tpu.vector_load %arg12[%get3A_1258, %get3A_1259] {strides = array<i32>} : memref<512x32xi32, #tpu.memory_space<vmem>>, vector<1x16xi32>,
        %get3A_1261 = vector.shape_cast %get3A_1260 : vector<1x16xi32> to vector<16xi32>
        %shift_left3A_1262 = arith.constant 16 : i32
        %shift_left3A_1263 = vector.broadcast %shift_left3A_1262 : i32 to vector<16xi32>
        %shift_left3A_1264 = arith.shli %get3A_1261, %shift_left3A_1263 : vector<16xi32>
        %bitcast_convert_type3A_1265 = tpu.bitcast %shift_left3A_1264 : vector<16xi32> -> vector<16xf32>
        %and3A_1266 = arith.constant -65536 : i32
        %and3A_1267 = vector.broadcast %and3A_1266 : i32 to vector<16xi32>
        %and3A_1268 = arith.andi %get3A_1261, %and3A_1267 : vector<16xi32>
        %bitcast_convert_type3A_1269 = tpu.bitcast %and3A_1268 : vector<16xi32> -> vector<16xf32>
        %mul3A_1270 = arith.mulf %broadcast_in_dim3A_1253, %bitcast_convert_type3A_1265 : vector<16xf32>
        %add3A_1271 = arith.addf %add3A_1228, %mul3A_1270 : vector<16xf32>
        %mul3A_1272 = arith.mulf %broadcast_in_dim3A_1253, %bitcast_convert_type3A_1269 : vector<16xf32>
        %add3A_1273 = arith.addf %add3A_1230, %mul3A_1272 : vector<16xf32>
        %mul3A_1274 = arith.constant 32 : i32
        %mul3A_1275 = arith.muli %scan3A_287, %mul3A_1274 : i32
        %add3A_1276 = arith.constant 22 : i32
        %add3A_1277 = arith.addi %mul3A_1275, %add3A_1276 : i32
        %get3A_1278 = arith.index_cast %add3A_1277 : i32 to index
        %get3A_1279 = arith.constant 16 : index
        %get3A_1280 = tpu.vector_load %arg12[%get3A_1278, %get3A_1279] {strides = array<i32>} : memref<512x32xi32, #tpu.memory_space<vmem>>, vector<1x16xi32>,
        %get3A_1281 = vector.shape_cast %get3A_1280 : vector<1x16xi32> to vector<16xi32>
        %shift_left3A_1282 = arith.constant 16 : i32
        %shift_left3A_1283 = vector.broadcast %shift_left3A_1282 : i32 to vector<16xi32>
        %shift_left3A_1284 = arith.shli %get3A_1281, %shift_left3A_1283 : vector<16xi32>
        %bitcast_convert_type3A_1285 = tpu.bitcast %shift_left3A_1284 : vector<16xi32> -> vector<16xf32>
        %and3A_1286 = arith.constant -65536 : i32
        %and3A_1287 = vector.broadcast %and3A_1286 : i32 to vector<16xi32>
        %and3A_1288 = arith.andi %get3A_1281, %and3A_1287 : vector<16xi32>
        %bitcast_convert_type3A_1289 = tpu.bitcast %and3A_1288 : vector<16xi32> -> vector<16xf32>
        %mul3A_1290 = arith.mulf %broadcast_in_dim3A_1253, %bitcast_convert_type3A_1285 : vector<16xf32>
        %add3A_1291 = arith.addf %add3A_1248, %mul3A_1290 : vector<16xf32>
        %mul3A_1292 = arith.mulf %broadcast_in_dim3A_1253, %bitcast_convert_type3A_1289 : vector<16xf32>
        %add3A_1293 = arith.addf %add3A_1250, %mul3A_1292 : vector<16xf32>
        %slice3A_1294 = vector.extract_strided_slice %get3A_309 {offsets = [7], sizes = [1], strides = [1]} : vector<16xf32> to vector<1xf32>
        %squeeze3A_1295 = vector.extract %slice3A_1294[0] : f32 from vector<1xf32>
        %broadcast_in_dim3A_1296 = vector.broadcast %squeeze3A_1295 : f32 to vector<16xf32>
        %mul3A_1297 = arith.constant 32 : i32
        %mul3A_1298 = arith.muli %scan3A_287, %mul3A_1297 : i32
        %add3A_1299 = arith.constant 23 : i32
        %add3A_1300 = arith.addi %mul3A_1298, %add3A_1299 : i32
        %get3A_1301 = arith.index_cast %add3A_1300 : i32 to index
        %get3A_1302 = arith.constant 0 : index
        %get3A_1303 = tpu.vector_load %arg12[%get3A_1301, %get3A_1302] {strides = array<i32>} : memref<512x32xi32, #tpu.memory_space<vmem>>, vector<1x16xi32>,
        %get3A_1304 = vector.shape_cast %get3A_1303 : vector<1x16xi32> to vector<16xi32>
        %shift_left3A_1305 = arith.constant 16 : i32
        %shift_left3A_1306 = vector.broadcast %shift_left3A_1305 : i32 to vector<16xi32>
        %shift_left3A_1307 = arith.shli %get3A_1304, %shift_left3A_1306 : vector<16xi32>
        %bitcast_convert_type3A_1308 = tpu.bitcast %shift_left3A_1307 : vector<16xi32> -> vector<16xf32>
        %and3A_1309 = arith.constant -65536 : i32
        %and3A_1310 = vector.broadcast %and3A_1309 : i32 to vector<16xi32>
        %and3A_1311 = arith.andi %get3A_1304, %and3A_1310 : vector<16xi32>
        %bitcast_convert_type3A_1312 = tpu.bitcast %and3A_1311 : vector<16xi32> -> vector<16xf32>
        %mul3A_1313 = arith.mulf %broadcast_in_dim3A_1296, %bitcast_convert_type3A_1308 : vector<16xf32>
        %add3A_1314 = arith.addf %add3A_1271, %mul3A_1313 : vector<16xf32>
        %mul3A_1315 = arith.mulf %broadcast_in_dim3A_1296, %bitcast_convert_type3A_1312 : vector<16xf32>
        %add3A_1316 = arith.addf %add3A_1273, %mul3A_1315 : vector<16xf32>
        %mul3A_1317 = arith.constant 32 : i32
        %mul3A_1318 = arith.muli %scan3A_287, %mul3A_1317 : i32
        %add3A_1319 = arith.constant 23 : i32
        %add3A_1320 = arith.addi %mul3A_1318, %add3A_1319 : i32
        %get3A_1321 = arith.index_cast %add3A_1320 : i32 to index
        %get3A_1322 = arith.constant 16 : index
        %get3A_1323 = tpu.vector_load %arg12[%get3A_1321, %get3A_1322] {strides = array<i32>} : memref<512x32xi32, #tpu.memory_space<vmem>>, vector<1x16xi32>,
        %get3A_1324 = vector.shape_cast %get3A_1323 : vector<1x16xi32> to vector<16xi32>
        %shift_left3A_1325 = arith.constant 16 : i32
        %shift_left3A_1326 = vector.broadcast %shift_left3A_1325 : i32 to vector<16xi32>
        %shift_left3A_1327 = arith.shli %get3A_1324, %shift_left3A_1326 : vector<16xi32>
        %bitcast_convert_type3A_1328 = tpu.bitcast %shift_left3A_1327 : vector<16xi32> -> vector<16xf32>
        %and3A_1329 = arith.constant -65536 : i32
        %and3A_1330 = vector.broadcast %and3A_1329 : i32 to vector<16xi32>
        %and3A_1331 = arith.andi %get3A_1324, %and3A_1330 : vector<16xi32>
        %bitcast_convert_type3A_1332 = tpu.bitcast %and3A_1331 : vector<16xi32> -> vector<16xf32>
        %mul3A_1333 = arith.mulf %broadcast_in_dim3A_1296, %bitcast_convert_type3A_1328 : vector<16xf32>
        %add3A_1334 = arith.addf %add3A_1291, %mul3A_1333 : vector<16xf32>
        %mul3A_1335 = arith.mulf %broadcast_in_dim3A_1296, %bitcast_convert_type3A_1332 : vector<16xf32>
        %add3A_1336 = arith.addf %add3A_1293, %mul3A_1335 : vector<16xf32>
        %slice3A_1337 = vector.extract_strided_slice %get3A_309 {offsets = [8], sizes = [1], strides = [1]} : vector<16xf32> to vector<1xf32>
        %squeeze3A_1338 = vector.extract %slice3A_1337[0] : f32 from vector<1xf32>
        %broadcast_in_dim3A_1339 = vector.broadcast %squeeze3A_1338 : f32 to vector<16xf32>
        %mul3A_1340 = arith.constant 32 : i32
        %mul3A_1341 = arith.muli %scan3A_287, %mul3A_1340 : i32
        %add3A_1342 = arith.constant 24 : i32
        %add3A_1343 = arith.addi %mul3A_1341, %add3A_1342 : i32
        %get3A_1344 = arith.index_cast %add3A_1343 : i32 to index
        %get3A_1345 = arith.constant 0 : index
        %get3A_1346 = tpu.vector_load %arg12[%get3A_1344, %get3A_1345] {strides = array<i32>} : memref<512x32xi32, #tpu.memory_space<vmem>>, vector<1x16xi32>,
        %get3A_1347 = vector.shape_cast %get3A_1346 : vector<1x16xi32> to vector<16xi32>
        %shift_left3A_1348 = arith.constant 16 : i32
        %shift_left3A_1349 = vector.broadcast %shift_left3A_1348 : i32 to vector<16xi32>
        %shift_left3A_1350 = arith.shli %get3A_1347, %shift_left3A_1349 : vector<16xi32>
        %bitcast_convert_type3A_1351 = tpu.bitcast %shift_left3A_1350 : vector<16xi32> -> vector<16xf32>
        %and3A_1352 = arith.constant -65536 : i32
        %and3A_1353 = vector.broadcast %and3A_1352 : i32 to vector<16xi32>
        %and3A_1354 = arith.andi %get3A_1347, %and3A_1353 : vector<16xi32>
        %bitcast_convert_type3A_1355 = tpu.bitcast %and3A_1354 : vector<16xi32> -> vector<16xf32>
        %mul3A_1356 = arith.mulf %broadcast_in_dim3A_1339, %bitcast_convert_type3A_1351 : vector<16xf32>
        %add3A_1357 = arith.addf %add3A_1314, %mul3A_1356 : vector<16xf32>
        %mul3A_1358 = arith.mulf %broadcast_in_dim3A_1339, %bitcast_convert_type3A_1355 : vector<16xf32>
        %add3A_1359 = arith.addf %add3A_1316, %mul3A_1358 : vector<16xf32>
        %mul3A_1360 = arith.constant 32 : i32
        %mul3A_1361 = arith.muli %scan3A_287, %mul3A_1360 : i32
        %add3A_1362 = arith.constant 24 : i32
        %add3A_1363 = arith.addi %mul3A_1361, %add3A_1362 : i32
        %get3A_1364 = arith.index_cast %add3A_1363 : i32 to index
        %get3A_1365 = arith.constant 16 : index
        %get3A_1366 = tpu.vector_load %arg12[%get3A_1364, %get3A_1365] {strides = array<i32>} : memref<512x32xi32, #tpu.memory_space<vmem>>, vector<1x16xi32>,
        %get3A_1367 = vector.shape_cast %get3A_1366 : vector<1x16xi32> to vector<16xi32>
        %shift_left3A_1368 = arith.constant 16 : i32
        %shift_left3A_1369 = vector.broadcast %shift_left3A_1368 : i32 to vector<16xi32>
        %shift_left3A_1370 = arith.shli %get3A_1367, %shift_left3A_1369 : vector<16xi32>
        %bitcast_convert_type3A_1371 = tpu.bitcast %shift_left3A_1370 : vector<16xi32> -> vector<16xf32>
        %and3A_1372 = arith.constant -65536 : i32
        %and3A_1373 = vector.broadcast %and3A_1372 : i32 to vector<16xi32>
        %and3A_1374 = arith.andi %get3A_1367, %and3A_1373 : vector<16xi32>
        %bitcast_convert_type3A_1375 = tpu.bitcast %and3A_1374 : vector<16xi32> -> vector<16xf32>
        %mul3A_1376 = arith.mulf %broadcast_in_dim3A_1339, %bitcast_convert_type3A_1371 : vector<16xf32>
        %add3A_1377 = arith.addf %add3A_1334, %mul3A_1376 : vector<16xf32>
        %mul3A_1378 = arith.mulf %broadcast_in_dim3A_1339, %bitcast_convert_type3A_1375 : vector<16xf32>
        %add3A_1379 = arith.addf %add3A_1336, %mul3A_1378 : vector<16xf32>
        %slice3A_1380 = vector.extract_strided_slice %get3A_309 {offsets = [9], sizes = [1], strides = [1]} : vector<16xf32> to vector<1xf32>
        %squeeze3A_1381 = vector.extract %slice3A_1380[0] : f32 from vector<1xf32>
        %broadcast_in_dim3A_1382 = vector.broadcast %squeeze3A_1381 : f32 to vector<16xf32>
        %mul3A_1383 = arith.constant 32 : i32
        %mul3A_1384 = arith.muli %scan3A_287, %mul3A_1383 : i32
        %add3A_1385 = arith.constant 25 : i32
        %add3A_1386 = arith.addi %mul3A_1384, %add3A_1385 : i32
        %get3A_1387 = arith.index_cast %add3A_1386 : i32 to index
        %get3A_1388 = arith.constant 0 : index
        %get3A_1389 = tpu.vector_load %arg12[%get3A_1387, %get3A_1388] {strides = array<i32>} : memref<512x32xi32, #tpu.memory_space<vmem>>, vector<1x16xi32>,
        %get3A_1390 = vector.shape_cast %get3A_1389 : vector<1x16xi32> to vector<16xi32>
        %shift_left3A_1391 = arith.constant 16 : i32
        %shift_left3A_1392 = vector.broadcast %shift_left3A_1391 : i32 to vector<16xi32>
        %shift_left3A_1393 = arith.shli %get3A_1390, %shift_left3A_1392 : vector<16xi32>
        %bitcast_convert_type3A_1394 = tpu.bitcast %shift_left3A_1393 : vector<16xi32> -> vector<16xf32>
        %and3A_1395 = arith.constant -65536 : i32
        %and3A_1396 = vector.broadcast %and3A_1395 : i32 to vector<16xi32>
        %and3A_1397 = arith.andi %get3A_1390, %and3A_1396 : vector<16xi32>
        %bitcast_convert_type3A_1398 = tpu.bitcast %and3A_1397 : vector<16xi32> -> vector<16xf32>
        %mul3A_1399 = arith.mulf %broadcast_in_dim3A_1382, %bitcast_convert_type3A_1394 : vector<16xf32>
        %add3A_1400 = arith.addf %add3A_1357, %mul3A_1399 : vector<16xf32>
        %mul3A_1401 = arith.mulf %broadcast_in_dim3A_1382, %bitcast_convert_type3A_1398 : vector<16xf32>
        %add3A_1402 = arith.addf %add3A_1359, %mul3A_1401 : vector<16xf32>
        %mul3A_1403 = arith.constant 32 : i32
        %mul3A_1404 = arith.muli %scan3A_287, %mul3A_1403 : i32
        %add3A_1405 = arith.constant 25 : i32
        %add3A_1406 = arith.addi %mul3A_1404, %add3A_1405 : i32
        %get3A_1407 = arith.index_cast %add3A_1406 : i32 to index
        %get3A_1408 = arith.constant 16 : index
        %get3A_1409 = tpu.vector_load %arg12[%get3A_1407, %get3A_1408] {strides = array<i32>} : memref<512x32xi32, #tpu.memory_space<vmem>>, vector<1x16xi32>,
        %get3A_1410 = vector.shape_cast %get3A_1409 : vector<1x16xi32> to vector<16xi32>
        %shift_left3A_1411 = arith.constant 16 : i32
        %shift_left3A_1412 = vector.broadcast %shift_left3A_1411 : i32 to vector<16xi32>
        %shift_left3A_1413 = arith.shli %get3A_1410, %shift_left3A_1412 : vector<16xi32>
        %bitcast_convert_type3A_1414 = tpu.bitcast %shift_left3A_1413 : vector<16xi32> -> vector<16xf32>
        %and3A_1415 = arith.constant -65536 : i32
        %and3A_1416 = vector.broadcast %and3A_1415 : i32 to vector<16xi32>
        %and3A_1417 = arith.andi %get3A_1410, %and3A_1416 : vector<16xi32>
        %bitcast_convert_type3A_1418 = tpu.bitcast %and3A_1417 : vector<16xi32> -> vector<16xf32>
        %mul3A_1419 = arith.mulf %broadcast_in_dim3A_1382, %bitcast_convert_type3A_1414 : vector<16xf32>
        %add3A_1420 = arith.addf %add3A_1377, %mul3A_1419 : vector<16xf32>
        %mul3A_1421 = arith.mulf %broadcast_in_dim3A_1382, %bitcast_convert_type3A_1418 : vector<16xf32>
        %add3A_1422 = arith.addf %add3A_1379, %mul3A_1421 : vector<16xf32>
        %slice3A_1423 = vector.extract_strided_slice %get3A_309 {offsets = [10], sizes = [1], strides = [1]} : vector<16xf32> to vector<1xf32>
        %squeeze3A_1424 = vector.extract %slice3A_1423[0] : f32 from vector<1xf32>
        %broadcast_in_dim3A_1425 = vector.broadcast %squeeze3A_1424 : f32 to vector<16xf32>
        %mul3A_1426 = arith.constant 32 : i32
        %mul3A_1427 = arith.muli %scan3A_287, %mul3A_1426 : i32
        %add3A_1428 = arith.constant 26 : i32
        %add3A_1429 = arith.addi %mul3A_1427, %add3A_1428 : i32
        %get3A_1430 = arith.index_cast %add3A_1429 : i32 to index
        %get3A_1431 = arith.constant 0 : index
        %get3A_1432 = tpu.vector_load %arg12[%get3A_1430, %get3A_1431] {strides = array<i32>} : memref<512x32xi32, #tpu.memory_space<vmem>>, vector<1x16xi32>,
        %get3A_1433 = vector.shape_cast %get3A_1432 : vector<1x16xi32> to vector<16xi32>
        %shift_left3A_1434 = arith.constant 16 : i32
        %shift_left3A_1435 = vector.broadcast %shift_left3A_1434 : i32 to vector<16xi32>
        %shift_left3A_1436 = arith.shli %get3A_1433, %shift_left3A_1435 : vector<16xi32>
        %bitcast_convert_type3A_1437 = tpu.bitcast %shift_left3A_1436 : vector<16xi32> -> vector<16xf32>
        %and3A_1438 = arith.constant -65536 : i32
        %and3A_1439 = vector.broadcast %and3A_1438 : i32 to vector<16xi32>
        %and3A_1440 = arith.andi %get3A_1433, %and3A_1439 : vector<16xi32>
        %bitcast_convert_type3A_1441 = tpu.bitcast %and3A_1440 : vector<16xi32> -> vector<16xf32>
        %mul3A_1442 = arith.mulf %broadcast_in_dim3A_1425, %bitcast_convert_type3A_1437 : vector<16xf32>
        %add3A_1443 = arith.addf %add3A_1400, %mul3A_1442 : vector<16xf32>
        %mul3A_1444 = arith.mulf %broadcast_in_dim3A_1425, %bitcast_convert_type3A_1441 : vector<16xf32>
        %add3A_1445 = arith.addf %add3A_1402, %mul3A_1444 : vector<16xf32>
        %mul3A_1446 = arith.constant 32 : i32
        %mul3A_1447 = arith.muli %scan3A_287, %mul3A_1446 : i32
        %add3A_1448 = arith.constant 26 : i32
        %add3A_1449 = arith.addi %mul3A_1447, %add3A_1448 : i32
        %get3A_1450 = arith.index_cast %add3A_1449 : i32 to index
        %get3A_1451 = arith.constant 16 : index
        %get3A_1452 = tpu.vector_load %arg12[%get3A_1450, %get3A_1451] {strides = array<i32>} : memref<512x32xi32, #tpu.memory_space<vmem>>, vector<1x16xi32>,
        %get3A_1453 = vector.shape_cast %get3A_1452 : vector<1x16xi32> to vector<16xi32>
        %shift_left3A_1454 = arith.constant 16 : i32
        %shift_left3A_1455 = vector.broadcast %shift_left3A_1454 : i32 to vector<16xi32>
        %shift_left3A_1456 = arith.shli %get3A_1453, %shift_left3A_1455 : vector<16xi32>
        %bitcast_convert_type3A_1457 = tpu.bitcast %shift_left3A_1456 : vector<16xi32> -> vector<16xf32>
        %and3A_1458 = arith.constant -65536 : i32
        %and3A_1459 = vector.broadcast %and3A_1458 : i32 to vector<16xi32>
        %and3A_1460 = arith.andi %get3A_1453, %and3A_1459 : vector<16xi32>
        %bitcast_convert_type3A_1461 = tpu.bitcast %and3A_1460 : vector<16xi32> -> vector<16xf32>
        %mul3A_1462 = arith.mulf %broadcast_in_dim3A_1425, %bitcast_convert_type3A_1457 : vector<16xf32>
        %add3A_1463 = arith.addf %add3A_1420, %mul3A_1462 : vector<16xf32>
        %mul3A_1464 = arith.mulf %broadcast_in_dim3A_1425, %bitcast_convert_type3A_1461 : vector<16xf32>
        %add3A_1465 = arith.addf %add3A_1422, %mul3A_1464 : vector<16xf32>
        %slice3A_1466 = vector.extract_strided_slice %get3A_309 {offsets = [11], sizes = [1], strides = [1]} : vector<16xf32> to vector<1xf32>
        %squeeze3A_1467 = vector.extract %slice3A_1466[0] : f32 from vector<1xf32>
        %broadcast_in_dim3A_1468 = vector.broadcast %squeeze3A_1467 : f32 to vector<16xf32>
        %mul3A_1469 = arith.constant 32 : i32
        %mul3A_1470 = arith.muli %scan3A_287, %mul3A_1469 : i32
        %add3A_1471 = arith.constant 27 : i32
        %add3A_1472 = arith.addi %mul3A_1470, %add3A_1471 : i32
        %get3A_1473 = arith.index_cast %add3A_1472 : i32 to index
        %get3A_1474 = arith.constant 0 : index
        %get3A_1475 = tpu.vector_load %arg12[%get3A_1473, %get3A_1474] {strides = array<i32>} : memref<512x32xi32, #tpu.memory_space<vmem>>, vector<1x16xi32>,
        %get3A_1476 = vector.shape_cast %get3A_1475 : vector<1x16xi32> to vector<16xi32>
        %shift_left3A_1477 = arith.constant 16 : i32
        %shift_left3A_1478 = vector.broadcast %shift_left3A_1477 : i32 to vector<16xi32>
        %shift_left3A_1479 = arith.shli %get3A_1476, %shift_left3A_1478 : vector<16xi32>
        %bitcast_convert_type3A_1480 = tpu.bitcast %shift_left3A_1479 : vector<16xi32> -> vector<16xf32>
        %and3A_1481 = arith.constant -65536 : i32
        %and3A_1482 = vector.broadcast %and3A_1481 : i32 to vector<16xi32>
        %and3A_1483 = arith.andi %get3A_1476, %and3A_1482 : vector<16xi32>
        %bitcast_convert_type3A_1484 = tpu.bitcast %and3A_1483 : vector<16xi32> -> vector<16xf32>
        %mul3A_1485 = arith.mulf %broadcast_in_dim3A_1468, %bitcast_convert_type3A_1480 : vector<16xf32>
        %add3A_1486 = arith.addf %add3A_1443, %mul3A_1485 : vector<16xf32>
        %mul3A_1487 = arith.mulf %broadcast_in_dim3A_1468, %bitcast_convert_type3A_1484 : vector<16xf32>
        %add3A_1488 = arith.addf %add3A_1445, %mul3A_1487 : vector<16xf32>
        %mul3A_1489 = arith.constant 32 : i32
        %mul3A_1490 = arith.muli %scan3A_287, %mul3A_1489 : i32
        %add3A_1491 = arith.constant 27 : i32
        %add3A_1492 = arith.addi %mul3A_1490, %add3A_1491 : i32
        %get3A_1493 = arith.index_cast %add3A_1492 : i32 to index
        %get3A_1494 = arith.constant 16 : index
        %get3A_1495 = tpu.vector_load %arg12[%get3A_1493, %get3A_1494] {strides = array<i32>} : memref<512x32xi32, #tpu.memory_space<vmem>>, vector<1x16xi32>,
        %get3A_1496 = vector.shape_cast %get3A_1495 : vector<1x16xi32> to vector<16xi32>
        %shift_left3A_1497 = arith.constant 16 : i32
        %shift_left3A_1498 = vector.broadcast %shift_left3A_1497 : i32 to vector<16xi32>
        %shift_left3A_1499 = arith.shli %get3A_1496, %shift_left3A_1498 : vector<16xi32>
        %bitcast_convert_type3A_1500 = tpu.bitcast %shift_left3A_1499 : vector<16xi32> -> vector<16xf32>
        %and3A_1501 = arith.constant -65536 : i32
        %and3A_1502 = vector.broadcast %and3A_1501 : i32 to vector<16xi32>
        %and3A_1503 = arith.andi %get3A_1496, %and3A_1502 : vector<16xi32>
        %bitcast_convert_type3A_1504 = tpu.bitcast %and3A_1503 : vector<16xi32> -> vector<16xf32>
        %mul3A_1505 = arith.mulf %broadcast_in_dim3A_1468, %bitcast_convert_type3A_1500 : vector<16xf32>
        %add3A_1506 = arith.addf %add3A_1463, %mul3A_1505 : vector<16xf32>
        %mul3A_1507 = arith.mulf %broadcast_in_dim3A_1468, %bitcast_convert_type3A_1504 : vector<16xf32>
        %add3A_1508 = arith.addf %add3A_1465, %mul3A_1507 : vector<16xf32>
        %slice3A_1509 = vector.extract_strided_slice %get3A_309 {offsets = [12], sizes = [1], strides = [1]} : vector<16xf32> to vector<1xf32>
        %squeeze3A_1510 = vector.extract %slice3A_1509[0] : f32 from vector<1xf32>
        %broadcast_in_dim3A_1511 = vector.broadcast %squeeze3A_1510 : f32 to vector<16xf32>
        %mul3A_1512 = arith.constant 32 : i32
        %mul3A_1513 = arith.muli %scan3A_287, %mul3A_1512 : i32
        %add3A_1514 = arith.constant 28 : i32
        %add3A_1515 = arith.addi %mul3A_1513, %add3A_1514 : i32
        %get3A_1516 = arith.index_cast %add3A_1515 : i32 to index
        %get3A_1517 = arith.constant 0 : index
        %get3A_1518 = tpu.vector_load %arg12[%get3A_1516, %get3A_1517] {strides = array<i32>} : memref<512x32xi32, #tpu.memory_space<vmem>>, vector<1x16xi32>,
        %get3A_1519 = vector.shape_cast %get3A_1518 : vector<1x16xi32> to vector<16xi32>
        %shift_left3A_1520 = arith.constant 16 : i32
        %shift_left3A_1521 = vector.broadcast %shift_left3A_1520 : i32 to vector<16xi32>
        %shift_left3A_1522 = arith.shli %get3A_1519, %shift_left3A_1521 : vector<16xi32>
        %bitcast_convert_type3A_1523 = tpu.bitcast %shift_left3A_1522 : vector<16xi32> -> vector<16xf32>
        %and3A_1524 = arith.constant -65536 : i32
        %and3A_1525 = vector.broadcast %and3A_1524 : i32 to vector<16xi32>
        %and3A_1526 = arith.andi %get3A_1519, %and3A_1525 : vector<16xi32>
        %bitcast_convert_type3A_1527 = tpu.bitcast %and3A_1526 : vector<16xi32> -> vector<16xf32>
        %mul3A_1528 = arith.mulf %broadcast_in_dim3A_1511, %bitcast_convert_type3A_1523 : vector<16xf32>
        %add3A_1529 = arith.addf %add3A_1486, %mul3A_1528 : vector<16xf32>
        %mul3A_1530 = arith.mulf %broadcast_in_dim3A_1511, %bitcast_convert_type3A_1527 : vector<16xf32>
        %add3A_1531 = arith.addf %add3A_1488, %mul3A_1530 : vector<16xf32>
        %mul3A_1532 = arith.constant 32 : i32
        %mul3A_1533 = arith.muli %scan3A_287, %mul3A_1532 : i32
        %add3A_1534 = arith.constant 28 : i32
        %add3A_1535 = arith.addi %mul3A_1533, %add3A_1534 : i32
        %get3A_1536 = arith.index_cast %add3A_1535 : i32 to index
        %get3A_1537 = arith.constant 16 : index
        %get3A_1538 = tpu.vector_load %arg12[%get3A_1536, %get3A_1537] {strides = array<i32>} : memref<512x32xi32, #tpu.memory_space<vmem>>, vector<1x16xi32>,
        %get3A_1539 = vector.shape_cast %get3A_1538 : vector<1x16xi32> to vector<16xi32>
        %shift_left3A_1540 = arith.constant 16 : i32
        %shift_left3A_1541 = vector.broadcast %shift_left3A_1540 : i32 to vector<16xi32>
        %shift_left3A_1542 = arith.shli %get3A_1539, %shift_left3A_1541 : vector<16xi32>
        %bitcast_convert_type3A_1543 = tpu.bitcast %shift_left3A_1542 : vector<16xi32> -> vector<16xf32>
        %and3A_1544 = arith.constant -65536 : i32
        %and3A_1545 = vector.broadcast %and3A_1544 : i32 to vector<16xi32>
        %and3A_1546 = arith.andi %get3A_1539, %and3A_1545 : vector<16xi32>
        %bitcast_convert_type3A_1547 = tpu.bitcast %and3A_1546 : vector<16xi32> -> vector<16xf32>
        %mul3A_1548 = arith.mulf %broadcast_in_dim3A_1511, %bitcast_convert_type3A_1543 : vector<16xf32>
        %add3A_1549 = arith.addf %add3A_1506, %mul3A_1548 : vector<16xf32>
        %mul3A_1550 = arith.mulf %broadcast_in_dim3A_1511, %bitcast_convert_type3A_1547 : vector<16xf32>
        %add3A_1551 = arith.addf %add3A_1508, %mul3A_1550 : vector<16xf32>
        %slice3A_1552 = vector.extract_strided_slice %get3A_309 {offsets = [13], sizes = [1], strides = [1]} : vector<16xf32> to vector<1xf32>
        %squeeze3A_1553 = vector.extract %slice3A_1552[0] : f32 from vector<1xf32>
        %broadcast_in_dim3A_1554 = vector.broadcast %squeeze3A_1553 : f32 to vector<16xf32>
        %mul3A_1555 = arith.constant 32 : i32
        %mul3A_1556 = arith.muli %scan3A_287, %mul3A_1555 : i32
        %add3A_1557 = arith.constant 29 : i32
        %add3A_1558 = arith.addi %mul3A_1556, %add3A_1557 : i32
        %get3A_1559 = arith.index_cast %add3A_1558 : i32 to index
        %get3A_1560 = arith.constant 0 : index
        %get3A_1561 = tpu.vector_load %arg12[%get3A_1559, %get3A_1560] {strides = array<i32>} : memref<512x32xi32, #tpu.memory_space<vmem>>, vector<1x16xi32>,
        %get3A_1562 = vector.shape_cast %get3A_1561 : vector<1x16xi32> to vector<16xi32>
        %shift_left3A_1563 = arith.constant 16 : i32
        %shift_left3A_1564 = vector.broadcast %shift_left3A_1563 : i32 to vector<16xi32>
        %shift_left3A_1565 = arith.shli %get3A_1562, %shift_left3A_1564 : vector<16xi32>
        %bitcast_convert_type3A_1566 = tpu.bitcast %shift_left3A_1565 : vector<16xi32> -> vector<16xf32>
        %and3A_1567 = arith.constant -65536 : i32
        %and3A_1568 = vector.broadcast %and3A_1567 : i32 to vector<16xi32>
        %and3A_1569 = arith.andi %get3A_1562, %and3A_1568 : vector<16xi32>
        %bitcast_convert_type3A_1570 = tpu.bitcast %and3A_1569 : vector<16xi32> -> vector<16xf32>
        %mul3A_1571 = arith.mulf %broadcast_in_dim3A_1554, %bitcast_convert_type3A_1566 : vector<16xf32>
        %add3A_1572 = arith.addf %add3A_1529, %mul3A_1571 : vector<16xf32>
        %mul3A_1573 = arith.mulf %broadcast_in_dim3A_1554, %bitcast_convert_type3A_1570 : vector<16xf32>
        %add3A_1574 = arith.addf %add3A_1531, %mul3A_1573 : vector<16xf32>
        %mul3A_1575 = arith.constant 32 : i32
        %mul3A_1576 = arith.muli %scan3A_287, %mul3A_1575 : i32
        %add3A_1577 = arith.constant 29 : i32
        %add3A_1578 = arith.addi %mul3A_1576, %add3A_1577 : i32
        %get3A_1579 = arith.index_cast %add3A_1578 : i32 to index
        %get3A_1580 = arith.constant 16 : index
        %get3A_1581 = tpu.vector_load %arg12[%get3A_1579, %get3A_1580] {strides = array<i32>} : memref<512x32xi32, #tpu.memory_space<vmem>>, vector<1x16xi32>,
        %get3A_1582 = vector.shape_cast %get3A_1581 : vector<1x16xi32> to vector<16xi32>
        %shift_left3A_1583 = arith.constant 16 : i32
        %shift_left3A_1584 = vector.broadcast %shift_left3A_1583 : i32 to vector<16xi32>
        %shift_left3A_1585 = arith.shli %get3A_1582, %shift_left3A_1584 : vector<16xi32>
        %bitcast_convert_type3A_1586 = tpu.bitcast %shift_left3A_1585 : vector<16xi32> -> vector<16xf32>
        %and3A_1587 = arith.constant -65536 : i32
        %and3A_1588 = vector.broadcast %and3A_1587 : i32 to vector<16xi32>
        %and3A_1589 = arith.andi %get3A_1582, %and3A_1588 : vector<16xi32>
        %bitcast_convert_type3A_1590 = tpu.bitcast %and3A_1589 : vector<16xi32> -> vector<16xf32>
        %mul3A_1591 = arith.mulf %broadcast_in_dim3A_1554, %bitcast_convert_type3A_1586 : vector<16xf32>
        %add3A_1592 = arith.addf %add3A_1549, %mul3A_1591 : vector<16xf32>
        %mul3A_1593 = arith.mulf %broadcast_in_dim3A_1554, %bitcast_convert_type3A_1590 : vector<16xf32>
        %add3A_1594 = arith.addf %add3A_1551, %mul3A_1593 : vector<16xf32>
        %slice3A_1595 = vector.extract_strided_slice %get3A_309 {offsets = [14], sizes = [1], strides = [1]} : vector<16xf32> to vector<1xf32>
        %squeeze3A_1596 = vector.extract %slice3A_1595[0] : f32 from vector<1xf32>
        %broadcast_in_dim3A_1597 = vector.broadcast %squeeze3A_1596 : f32 to vector<16xf32>
        %mul3A_1598 = arith.constant 32 : i32
        %mul3A_1599 = arith.muli %scan3A_287, %mul3A_1598 : i32
        %add3A_1600 = arith.constant 30 : i32
        %add3A_1601 = arith.addi %mul3A_1599, %add3A_1600 : i32
        %get3A_1602 = arith.index_cast %add3A_1601 : i32 to index
        %get3A_1603 = arith.constant 0 : index
        %get3A_1604 = tpu.vector_load %arg12[%get3A_1602, %get3A_1603] {strides = array<i32>} : memref<512x32xi32, #tpu.memory_space<vmem>>, vector<1x16xi32>,
        %get3A_1605 = vector.shape_cast %get3A_1604 : vector<1x16xi32> to vector<16xi32>
        %shift_left3A_1606 = arith.constant 16 : i32
        %shift_left3A_1607 = vector.broadcast %shift_left3A_1606 : i32 to vector<16xi32>
        %shift_left3A_1608 = arith.shli %get3A_1605, %shift_left3A_1607 : vector<16xi32>
        %bitcast_convert_type3A_1609 = tpu.bitcast %shift_left3A_1608 : vector<16xi32> -> vector<16xf32>
        %and3A_1610 = arith.constant -65536 : i32
        %and3A_1611 = vector.broadcast %and3A_1610 : i32 to vector<16xi32>
        %and3A_1612 = arith.andi %get3A_1605, %and3A_1611 : vector<16xi32>
        %bitcast_convert_type3A_1613 = tpu.bitcast %and3A_1612 : vector<16xi32> -> vector<16xf32>
        %mul3A_1614 = arith.mulf %broadcast_in_dim3A_1597, %bitcast_convert_type3A_1609 : vector<16xf32>
        %add3A_1615 = arith.addf %add3A_1572, %mul3A_1614 : vector<16xf32>
        %mul3A_1616 = arith.mulf %broadcast_in_dim3A_1597, %bitcast_convert_type3A_1613 : vector<16xf32>
        %add3A_1617 = arith.addf %add3A_1574, %mul3A_1616 : vector<16xf32>
        %mul3A_1618 = arith.constant 32 : i32
        %mul3A_1619 = arith.muli %scan3A_287, %mul3A_1618 : i32
        %add3A_1620 = arith.constant 30 : i32
        %add3A_1621 = arith.addi %mul3A_1619, %add3A_1620 : i32
        %get3A_1622 = arith.index_cast %add3A_1621 : i32 to index
        %get3A_1623 = arith.constant 16 : index
        %get3A_1624 = tpu.vector_load %arg12[%get3A_1622, %get3A_1623] {strides = array<i32>} : memref<512x32xi32, #tpu.memory_space<vmem>>, vector<1x16xi32>,
        %get3A_1625 = vector.shape_cast %get3A_1624 : vector<1x16xi32> to vector<16xi32>
        %shift_left3A_1626 = arith.constant 16 : i32
        %shift_left3A_1627 = vector.broadcast %shift_left3A_1626 : i32 to vector<16xi32>
        %shift_left3A_1628 = arith.shli %get3A_1625, %shift_left3A_1627 : vector<16xi32>
        %bitcast_convert_type3A_1629 = tpu.bitcast %shift_left3A_1628 : vector<16xi32> -> vector<16xf32>
        %and3A_1630 = arith.constant -65536 : i32
        %and3A_1631 = vector.broadcast %and3A_1630 : i32 to vector<16xi32>
        %and3A_1632 = arith.andi %get3A_1625, %and3A_1631 : vector<16xi32>
        %bitcast_convert_type3A_1633 = tpu.bitcast %and3A_1632 : vector<16xi32> -> vector<16xf32>
        %mul3A_1634 = arith.mulf %broadcast_in_dim3A_1597, %bitcast_convert_type3A_1629 : vector<16xf32>
        %add3A_1635 = arith.addf %add3A_1592, %mul3A_1634 : vector<16xf32>
        %mul3A_1636 = arith.mulf %broadcast_in_dim3A_1597, %bitcast_convert_type3A_1633 : vector<16xf32>
        %add3A_1637 = arith.addf %add3A_1594, %mul3A_1636 : vector<16xf32>
        %slice3A_1638 = vector.extract_strided_slice %get3A_309 {offsets = [15], sizes = [1], strides = [1]} : vector<16xf32> to vector<1xf32>
        %squeeze3A_1639 = vector.extract %slice3A_1638[0] : f32 from vector<1xf32>
        %broadcast_in_dim3A_1640 = vector.broadcast %squeeze3A_1639 : f32 to vector<16xf32>
        %mul3A_1641 = arith.constant 32 : i32
        %mul3A_1642 = arith.muli %scan3A_287, %mul3A_1641 : i32
        %add3A_1643 = arith.constant 31 : i32
        %add3A_1644 = arith.addi %mul3A_1642, %add3A_1643 : i32
        %get3A_1645 = arith.index_cast %add3A_1644 : i32 to index
        %get3A_1646 = arith.constant 0 : index
        %get3A_1647 = tpu.vector_load %arg12[%get3A_1645, %get3A_1646] {strides = array<i32>} : memref<512x32xi32, #tpu.memory_space<vmem>>, vector<1x16xi32>,
        %get3A_1648 = vector.shape_cast %get3A_1647 : vector<1x16xi32> to vector<16xi32>
        %shift_left3A_1649 = arith.constant 16 : i32
        %shift_left3A_1650 = vector.broadcast %shift_left3A_1649 : i32 to vector<16xi32>
        %shift_left3A_1651 = arith.shli %get3A_1648, %shift_left3A_1650 : vector<16xi32>
        %bitcast_convert_type3A_1652 = tpu.bitcast %shift_left3A_1651 : vector<16xi32> -> vector<16xf32>
        %and3A_1653 = arith.constant -65536 : i32
        %and3A_1654 = vector.broadcast %and3A_1653 : i32 to vector<16xi32>
        %and3A_1655 = arith.andi %get3A_1648, %and3A_1654 : vector<16xi32>
        %bitcast_convert_type3A_1656 = tpu.bitcast %and3A_1655 : vector<16xi32> -> vector<16xf32>
        %mul3A_1657 = arith.mulf %broadcast_in_dim3A_1640, %bitcast_convert_type3A_1652 : vector<16xf32>
        %add3A_1658 = arith.addf %add3A_1615, %mul3A_1657 : vector<16xf32>
        %mul3A_1659 = arith.mulf %broadcast_in_dim3A_1640, %bitcast_convert_type3A_1656 : vector<16xf32>
        %add3A_1660 = arith.addf %add3A_1617, %mul3A_1659 : vector<16xf32>
        %mul3A_1661 = arith.constant 32 : i32
        %mul3A_1662 = arith.muli %scan3A_287, %mul3A_1661 : i32
        %add3A_1663 = arith.constant 31 : i32
        %add3A_1664 = arith.addi %mul3A_1662, %add3A_1663 : i32
        %get3A_1665 = arith.index_cast %add3A_1664 : i32 to index
        %get3A_1666 = arith.constant 16 : index
        %get3A_1667 = tpu.vector_load %arg12[%get3A_1665, %get3A_1666] {strides = array<i32>} : memref<512x32xi32, #tpu.memory_space<vmem>>, vector<1x16xi32>,
        %get3A_1668 = vector.shape_cast %get3A_1667 : vector<1x16xi32> to vector<16xi32>
        %shift_left3A_1669 = arith.constant 16 : i32
        %shift_left3A_1670 = vector.broadcast %shift_left3A_1669 : i32 to vector<16xi32>
        %shift_left3A_1671 = arith.shli %get3A_1668, %shift_left3A_1670 : vector<16xi32>
        %bitcast_convert_type3A_1672 = tpu.bitcast %shift_left3A_1671 : vector<16xi32> -> vector<16xf32>
        %and3A_1673 = arith.constant -65536 : i32
        %and3A_1674 = vector.broadcast %and3A_1673 : i32 to vector<16xi32>
        %and3A_1675 = arith.andi %get3A_1668, %and3A_1674 : vector<16xi32>
        %bitcast_convert_type3A_1676 = tpu.bitcast %and3A_1675 : vector<16xi32> -> vector<16xf32>
        %mul3A_1677 = arith.mulf %broadcast_in_dim3A_1640, %bitcast_convert_type3A_1672 : vector<16xf32>
        %add3A_1678 = arith.addf %add3A_1635, %mul3A_1677 : vector<16xf32>
        %mul3A_1679 = arith.mulf %broadcast_in_dim3A_1640, %bitcast_convert_type3A_1676 : vector<16xf32>
        %add3A_1680 = arith.addf %add3A_1637, %mul3A_1679 : vector<16xf32>
        %swap3A = arith.index_cast %scan3A_287 : i32 to index
        %swap3A_1681 = arith.constant 0 : index
        %swap3A_1682 = tpu.vector_load %arg14[%swap3A, %swap3A_1681] {strides = array<i32>} : memref<16x64xf32, #tpu.memory_space<vmem>>, vector<1x16xf32>,
        %swap3A_1683 = vector.shape_cast %swap3A_1682 : vector<1x16xf32> to vector<16xf32>
        %swap3A_1684 = vector.shape_cast %add3A_1658 : vector<16xf32> to vector<1x16xf32>
        tpu.vector_store %arg14[%swap3A, %swap3A_1681], %swap3A_1684 {strides = array<i32>} : memref<16x64xf32, #tpu.memory_space<vmem>>, vector<1x16xf32>,
        %swap3A_1685 = arith.index_cast %scan3A_287 : i32 to index
        %swap3A_1686 = arith.constant 16 : index
        %swap3A_1687 = tpu.vector_load %arg14[%swap3A_1685, %swap3A_1686] {strides = array<i32>} : memref<16x64xf32, #tpu.memory_space<vmem>>, vector<1x16xf32>,
        %swap3A_1688 = vector.shape_cast %swap3A_1687 : vector<1x16xf32> to vector<16xf32>
        %swap3A_1689 = vector.shape_cast %add3A_1660 : vector<16xf32> to vector<1x16xf32>
        tpu.vector_store %arg14[%swap3A_1685, %swap3A_1686], %swap3A_1689 {strides = array<i32>} : memref<16x64xf32, #tpu.memory_space<vmem>>, vector<1x16xf32>,
        %swap3A_1690 = arith.index_cast %scan3A_287 : i32 to index
        %swap3A_1691 = arith.constant 32 : index
        %swap3A_1692 = tpu.vector_load %arg14[%swap3A_1690, %swap3A_1691] {strides = array<i32>} : memref<16x64xf32, #tpu.memory_space<vmem>>, vector<1x16xf32>,
        %swap3A_1693 = vector.shape_cast %swap3A_1692 : vector<1x16xf32> to vector<16xf32>
        %swap3A_1694 = vector.shape_cast %add3A_1678 : vector<16xf32> to vector<1x16xf32>
        tpu.vector_store %arg14[%swap3A_1690, %swap3A_1691], %swap3A_1694 {strides = array<i32>} : memref<16x64xf32, #tpu.memory_space<vmem>>, vector<1x16xf32>,
        %swap3A_1695 = arith.index_cast %scan3A_287 : i32 to index
        %swap3A_1696 = arith.constant 48 : index
        %swap3A_1697 = tpu.vector_load %arg14[%swap3A_1695, %swap3A_1696] {strides = array<i32>} : memref<16x64xf32, #tpu.memory_space<vmem>>, vector<1x16xf32>,
        %swap3A_1698 = vector.shape_cast %swap3A_1697 : vector<1x16xf32> to vector<16xf32>
        %swap3A_1699 = vector.shape_cast %add3A_1680 : vector<16xf32> to vector<1x16xf32>
        tpu.vector_store %arg14[%swap3A_1695, %swap3A_1696], %swap3A_1699 {strides = array<i32>} : memref<16x64xf32, #tpu.memory_space<vmem>>, vector<1x16xf32>,
        %scan3A_1700 = arith.constant 0 : i32
        scf.yield %scan3A_1700 : i32
      }
      %scan3A_278 = arith.constant 16 : i32
      %mul3A_279 = arith.constant 16 : i32
      %mul3A_280 = arith.muli %add3A_128, %mul3A_279 : i32
      %add3A_281 = arith.addi %mul3A_2, %mul3A_280 : i32
      %dma_start3A_282 = arith.constant 0 : i32
      %dma_start3A_283 = tpu.memref_slice %arg7[%add3A_281, %dma_start3A_282] : memref<10240x64xf32, #tpu.memory_space<hbm>> -> memref<16x64xf32, #tpu.memory_space<hbm>>
      %dma_start3A_284 = arith.constant 0 : i32
      %dma_start3A_285 = tpu.memref_slice %arg7[%add3A_281, %dma_start3A_284] : memref<10240x64xf32, #tpu.memory_space<hbm>> -> memref<16x64xf32, #tpu.memory_space<hbm>>
      tpu.enqueue_dma source(%arg14 : memref<16x64xf32, #tpu.memory_space<vmem>>) target(%dma_start3A_285 : memref<16x64xf32, #tpu.memory_space<hbm>>) target_semaphore(%arg20 : memref<!tpu.dma_semaphore, #tpu.memory_space<semaphore_mem>>)
      %scan3A_286 = arith.constant 0 : i32
      scf.yield %scan3A_286 : i32
    }
    %scan3A_43 = arith.constant 10 : i32
    %dma_wait3A = arith.constant 0 : i32
    %dma_wait3A_44 = arith.constant 0 : i32
    %dma_wait3A_45 = tpu.memref_slice %arg7[%dma_wait3A, %dma_wait3A_44] : memref<10240x64xf32, #tpu.memory_space<hbm>> -> memref<16x64xf32, #tpu.memory_space<hbm>>
    %dma_wait3A_46 = arith.constant 0 : i32
    %dma_wait3A_47 = arith.constant 0 : i32
    %dma_wait3A_48 = tpu.memref_slice %arg7[%dma_wait3A_46, %dma_wait3A_47] : memref<10240x64xf32, #tpu.memory_space<hbm>> -> memref<16x64xf32, #tpu.memory_space<hbm>>
    tpu.wait_dma2 semaphore(%arg19 : memref<!tpu.dma_semaphore, #tpu.memory_space<semaphore_mem>>) src(%arg13 : memref<16x64xf32, #tpu.memory_space<vmem>>) dst(%dma_wait3A_48 : memref<16x64xf32, #tpu.memory_space<hbm>>)
    %dma_wait3A_49 = arith.constant 0 : i32
    %dma_wait3A_50 = arith.constant 0 : i32
    %dma_wait3A_51 = tpu.memref_slice %arg7[%dma_wait3A_49, %dma_wait3A_50] : memref<10240x64xf32, #tpu.memory_space<hbm>> -> memref<16x64xf32, #tpu.memory_space<hbm>>
    %dma_wait3A_52 = arith.constant 0 : i32
    %dma_wait3A_53 = arith.constant 0 : i32
    %dma_wait3A_54 = tpu.memref_slice %arg7[%dma_wait3A_52, %dma_wait3A_53] : memref<10240x64xf32, #tpu.memory_space<hbm>> -> memref<16x64xf32, #tpu.memory_space<hbm>>
    tpu.wait_dma2 semaphore(%arg20 : memref<!tpu.dma_semaphore, #tpu.memory_space<semaphore_mem>>) src(%arg14 : memref<16x64xf32, #tpu.memory_space<vmem>>) dst(%dma_wait3A_54 : memref<16x64xf32, #tpu.memory_space<hbm>>)
    %dma_start3A_55 = arith.constant 0 : i32
    %dma_start3A_56 = arith.constant 0 : i32
    %dma_start3A_57 = tpu.memref_slice %arg16[%dma_start3A_55, %dma_start3A_56] : memref<160x128xf32, #tpu.memory_space<vmem>> -> memref<128x128xf32, #tpu.memory_space<vmem>>
    %dma_start3A_58 = arith.constant 0 : i32
    %dma_start3A_59 = tpu.memref_slice %arg15[%dma_start3A_58] : memref<320xi32, #tpu.memory_space<vmem>> -> memref<128xi32, #tpu.memory_space<vmem>>
    %dma_start3A_60 = arith.constant 0 : i32
    %dma_start3A_61 = arith.constant 0 : i32
    %dma_start3A_62 = tpu.memref_slice %arg3[%dma_start3A_60, %dma_start3A_61] : memref<100000x128xf32, #tpu.memory_space<hbm>> -> memref<100000x128xf32, #tpu.memory_space<hbm>>
    tpu.enqueue_indirect_dma source(%dma_start3A_62 : memref<100000x128xf32, #tpu.memory_space<hbm>>) target(%dma_start3A_57 : memref<128x128xf32, #tpu.memory_space<vmem>>) offsets(%dma_start3A_59 : memref<128xi32, #tpu.memory_space<vmem>>) semaphore(%arg21 : memref<!tpu.dma_semaphore, #tpu.memory_space<semaphore_mem>>)
    %dma_start3A_63 = arith.constant 128 : i32
    %dma_start3A_64 = arith.constant 0 : i32
    %dma_start3A_65 = tpu.memref_slice %arg16[%dma_start3A_63, %dma_start3A_64] : memref<160x128xf32, #tpu.memory_space<vmem>> -> memref<32x128xf32, #tpu.memory_space<vmem>>
    %dma_start3A_66 = arith.constant 128 : i32
    %dma_start3A_67 = tpu.memref_slice %arg15[%dma_start3A_66] : memref<320xi32, #tpu.memory_space<vmem>> -> memref<32xi32, #tpu.memory_space<vmem>>
    %dma_start3A_68 = arith.constant 0 : i32
    %dma_start3A_69 = arith.constant 0 : i32
    %dma_start3A_70 = tpu.memref_slice %arg3[%dma_start3A_68, %dma_start3A_69] : memref<100000x128xf32, #tpu.memory_space<hbm>> -> memref<100000x128xf32, #tpu.memory_space<hbm>>
    tpu.enqueue_indirect_dma source(%dma_start3A_70 : memref<100000x128xf32, #tpu.memory_space<hbm>>) target(%dma_start3A_65 : memref<32x128xf32, #tpu.memory_space<vmem>>) offsets(%dma_start3A_67 : memref<32xi32, #tpu.memory_space<vmem>>) semaphore(%arg21 : memref<!tpu.dma_semaphore, #tpu.memory_space<semaphore_mem>>)
    %dma_wait3A_71 = arith.constant 0 : i32
    %dma_wait3A_72 = arith.constant 0 : i32
    %dma_wait3A_73 = tpu.memref_slice %arg16[%dma_wait3A_71, %dma_wait3A_72] : memref<160x128xf32, #tpu.memory_space<vmem>> -> memref<128x128xf32, #tpu.memory_space<vmem>>
    %dma_wait3A_74 = arith.constant 0 : i32
    %dma_wait3A_75 = tpu.memref_slice %arg15[%dma_wait3A_74] : memref<320xi32, #tpu.memory_space<vmem>> -> memref<128xi32, #tpu.memory_space<vmem>>
    %dma_wait3A_76 = arith.constant 0 : i32
    %dma_wait3A_77 = arith.constant 0 : i32
    %dma_wait3A_78 = tpu.memref_slice %arg3[%dma_wait3A_76, %dma_wait3A_77] : memref<100000x128xf32, #tpu.memory_space<hbm>> -> memref<100000x128xf32, #tpu.memory_space<hbm>>
    tpu.wait_indirect_dma semaphore(%arg21 : memref<!tpu.dma_semaphore, #tpu.memory_space<semaphore_mem>>) src(%dma_wait3A_78 : memref<100000x128xf32, #tpu.memory_space<hbm>>) dst(%dma_wait3A_73 : memref<128x128xf32, #tpu.memory_space<vmem>>)
    %dma_wait3A_79 = arith.constant 128 : i32
    %dma_wait3A_80 = arith.constant 0 : i32
    %dma_wait3A_81 = tpu.memref_slice %arg16[%dma_wait3A_79, %dma_wait3A_80] : memref<160x128xf32, #tpu.memory_space<vmem>> -> memref<32x128xf32, #tpu.memory_space<vmem>>
    %dma_wait3A_82 = arith.constant 128 : i32
    %dma_wait3A_83 = tpu.memref_slice %arg15[%dma_wait3A_82] : memref<320xi32, #tpu.memory_space<vmem>> -> memref<32xi32, #tpu.memory_space<vmem>>
    %dma_wait3A_84 = arith.constant 0 : i32
    %dma_wait3A_85 = arith.constant 0 : i32
    %dma_wait3A_86 = tpu.memref_slice %arg3[%dma_wait3A_84, %dma_wait3A_85] : memref<100000x128xf32, #tpu.memory_space<hbm>> -> memref<100000x128xf32, #tpu.memory_space<hbm>>
    tpu.wait_indirect_dma semaphore(%arg21 : memref<!tpu.dma_semaphore, #tpu.memory_space<semaphore_mem>>) src(%dma_wait3A_86 : memref<100000x128xf32, #tpu.memory_space<hbm>>) dst(%dma_wait3A_81 : memref<32x128xf32, #tpu.memory_space<vmem>>)
    %add3A_87 = arith.constant 0 : i32
    %add3A_88 = arith.addi %mul3A_2, %add3A_87 : i32
    "tpu.region"() ({
      %run_scoped3A = tpu.sem_alloc : memref<!tpu.dma_semaphore, #tpu.memory_space<semaphore_mem>>
      %dma_start3A_123 = arith.constant 0 : i32
      %dma_start3A_124 = tpu.memref_slice %arg8[%add3A_88, %dma_start3A_123] : memref<10240x128xf32, #tpu.memory_space<hbm>> -> memref<160x128xf32, #tpu.memory_space<hbm>>
      %dma_start3A_125 = arith.constant 0 : i32
      %dma_start3A_126 = tpu.memref_slice %arg8[%add3A_88, %dma_start3A_125] : memref<10240x128xf32, #tpu.memory_space<hbm>> -> memref<160x128xf32, #tpu.memory_space<hbm>>
      tpu.enqueue_dma source(%arg16 : memref<160x128xf32, #tpu.memory_space<vmem>>) target(%dma_start3A_126 : memref<160x128xf32, #tpu.memory_space<hbm>>) target_semaphore(%run_scoped3A : memref<!tpu.dma_semaphore, #tpu.memory_space<semaphore_mem>>)
      %dma_wait3A_127 = arith.constant 0 : i32
      %dma_wait3A_128 = tpu.memref_slice %arg8[%add3A_88, %dma_wait3A_127] : memref<10240x128xf32, #tpu.memory_space<hbm>> -> memref<160x128xf32, #tpu.memory_space<hbm>>
      %dma_wait3A_129 = arith.constant 0 : i32
      %dma_wait3A_130 = tpu.memref_slice %arg8[%add3A_88, %dma_wait3A_129] : memref<10240x128xf32, #tpu.memory_space<hbm>> -> memref<160x128xf32, #tpu.memory_space<hbm>>
      tpu.wait_dma2 semaphore(%run_scoped3A : memref<!tpu.dma_semaphore, #tpu.memory_space<semaphore_mem>>) src(%arg16 : memref<160x128xf32, #tpu.memory_space<vmem>>) dst(%dma_wait3A_130 : memref<160x128xf32, #tpu.memory_space<hbm>>)
      tpu.yield
    }) : () -> ()
    %dma_start3A_89 = arith.constant 0 : i32
    %dma_start3A_90 = arith.constant 0 : i32
    %dma_start3A_91 = tpu.memref_slice %arg16[%dma_start3A_89, %dma_start3A_90] : memref<160x128xf32, #tpu.memory_space<vmem>> -> memref<128x128xf32, #tpu.memory_space<vmem>>
    %dma_start3A_92 = arith.constant 160 : i32
    %dma_start3A_93 = tpu.memref_slice %arg15[%dma_start3A_92] : memref<320xi32, #tpu.memory_space<vmem>> -> memref<128xi32, #tpu.memory_space<vmem>>
    %dma_start3A_94 = arith.constant 0 : i32
    %dma_start3A_95 = arith.constant 0 : i32
    %dma_start3A_96 = tpu.memref_slice %arg3[%dma_start3A_94, %dma_start3A_95] : memref<100000x128xf32, #tpu.memory_space<hbm>> -> memref<100000x128xf32, #tpu.memory_space<hbm>>
    tpu.enqueue_indirect_dma source(%dma_start3A_96 : memref<100000x128xf32, #tpu.memory_space<hbm>>) target(%dma_start3A_91 : memref<128x128xf32, #tpu.memory_space<vmem>>) offsets(%dma_start3A_93 : memref<128xi32, #tpu.memory_space<vmem>>) semaphore(%arg21 : memref<!tpu.dma_semaphore, #tpu.memory_space<semaphore_mem>>)
    %dma_start3A_97 = arith.constant 128 : i32
    %dma_start3A_98 = arith.constant 0 : i32
    %dma_start3A_99 = tpu.memref_slice %arg16[%dma_start3A_97, %dma_start3A_98] : memref<160x128xf32, #tpu.memory_space<vmem>> -> memref<32x128xf32, #tpu.memory_space<vmem>>
    %dma_start3A_100 = arith.constant 288 : i32
    %dma_start3A_101 = tpu.memref_slice %arg15[%dma_start3A_100] : memref<320xi32, #tpu.memory_space<vmem>> -> memref<32xi32, #tpu.memory_space<vmem>>
    %dma_start3A_102 = arith.constant 0 : i32
    %dma_start3A_103 = arith.constant 0 : i32
    %dma_start3A_104 = tpu.memref_slice %arg3[%dma_start3A_102, %dma_start3A_103] : memref<100000x128xf32, #tpu.memory_space<hbm>> -> memref<100000x128xf32, #tpu.memory_space<hbm>>
    tpu.enqueue_indirect_dma source(%dma_start3A_104 : memref<100000x128xf32, #tpu.memory_space<hbm>>) target(%dma_start3A_99 : memref<32x128xf32, #tpu.memory_space<vmem>>) offsets(%dma_start3A_101 : memref<32xi32, #tpu.memory_space<vmem>>) semaphore(%arg21 : memref<!tpu.dma_semaphore, #tpu.memory_space<semaphore_mem>>)
    %dma_wait3A_105 = arith.constant 0 : i32
    %dma_wait3A_106 = arith.constant 0 : i32
    %dma_wait3A_107 = tpu.memref_slice %arg16[%dma_wait3A_105, %dma_wait3A_106] : memref<160x128xf32, #tpu.memory_space<vmem>> -> memref<128x128xf32, #tpu.memory_space<vmem>>
    %dma_wait3A_108 = arith.constant 160 : i32
    %dma_wait3A_109 = tpu.memref_slice %arg15[%dma_wait3A_108] : memref<320xi32, #tpu.memory_space<vmem>> -> memref<128xi32, #tpu.memory_space<vmem>>
    %dma_wait3A_110 = arith.constant 0 : i32
    %dma_wait3A_111 = arith.constant 0 : i32
    %dma_wait3A_112 = tpu.memref_slice %arg3[%dma_wait3A_110, %dma_wait3A_111] : memref<100000x128xf32, #tpu.memory_space<hbm>> -> memref<100000x128xf32, #tpu.memory_space<hbm>>
    tpu.wait_indirect_dma semaphore(%arg21 : memref<!tpu.dma_semaphore, #tpu.memory_space<semaphore_mem>>) src(%dma_wait3A_112 : memref<100000x128xf32, #tpu.memory_space<hbm>>) dst(%dma_wait3A_107 : memref<128x128xf32, #tpu.memory_space<vmem>>)
    %dma_wait3A_113 = arith.constant 128 : i32
    %dma_wait3A_114 = arith.constant 0 : i32
    %dma_wait3A_115 = tpu.memref_slice %arg16[%dma_wait3A_113, %dma_wait3A_114] : memref<160x128xf32, #tpu.memory_space<vmem>> -> memref<32x128xf32, #tpu.memory_space<vmem>>
    %dma_wait3A_116 = arith.constant 288 : i32
    %dma_wait3A_117 = tpu.memref_slice %arg15[%dma_wait3A_116] : memref<320xi32, #tpu.memory_space<vmem>> -> memref<32xi32, #tpu.memory_space<vmem>>
    %dma_wait3A_118 = arith.constant 0 : i32
    %dma_wait3A_119 = arith.constant 0 : i32
    %dma_wait3A_120 = tpu.memref_slice %arg3[%dma_wait3A_118, %dma_wait3A_119] : memref<100000x128xf32, #tpu.memory_space<hbm>> -> memref<100000x128xf32, #tpu.memory_space<hbm>>
    tpu.wait_indirect_dma semaphore(%arg21 : memref<!tpu.dma_semaphore, #tpu.memory_space<semaphore_mem>>) src(%dma_wait3A_120 : memref<100000x128xf32, #tpu.memory_space<hbm>>) dst(%dma_wait3A_115 : memref<32x128xf32, #tpu.memory_space<vmem>>)
    %add3A_121 = arith.constant 160 : i32
    %add3A_122 = arith.addi %mul3A_2, %add3A_121 : i32
    "tpu.region"() ({
      %run_scoped3A = tpu.sem_alloc : memref<!tpu.dma_semaphore, #tpu.memory_space<semaphore_mem>>
      %dma_start3A_123 = arith.constant 0 : i32
      %dma_start3A_124 = tpu.memref_slice %arg8[%add3A_122, %dma_start3A_123] : memref<10240x128xf32, #tpu.memory_space<hbm>> -> memref<160x128xf32, #tpu.memory_space<hbm>>
      %dma_start3A_125 = arith.constant 0 : i32
      %dma_start3A_126 = tpu.memref_slice %arg8[%add3A_122, %dma_start3A_125] : memref<10240x128xf32, #tpu.memory_space<hbm>> -> memref<160x128xf32, #tpu.memory_space<hbm>>
      tpu.enqueue_dma source(%arg16 : memref<160x128xf32, #tpu.memory_space<vmem>>) target(%dma_start3A_126 : memref<160x128xf32, #tpu.memory_space<hbm>>) target_semaphore(%run_scoped3A : memref<!tpu.dma_semaphore, #tpu.memory_space<semaphore_mem>>)
      %dma_wait3A_127 = arith.constant 0 : i32
      %dma_wait3A_128 = tpu.memref_slice %arg8[%add3A_122, %dma_wait3A_127] : memref<10240x128xf32, #tpu.memory_space<hbm>> -> memref<160x128xf32, #tpu.memory_space<hbm>>
      %dma_wait3A_129 = arith.constant 0 : i32
      %dma_wait3A_130 = tpu.memref_slice %arg8[%add3A_122, %dma_wait3A_129] : memref<10240x128xf32, #tpu.memory_space<hbm>> -> memref<160x128xf32, #tpu.memory_space<hbm>>
      tpu.wait_dma2 semaphore(%run_scoped3A : memref<!tpu.dma_semaphore, #tpu.memory_space<semaphore_mem>>) src(%arg16 : memref<160x128xf32, #tpu.memory_space<vmem>>) dst(%dma_wait3A_130 : memref<160x128xf32, #tpu.memory_space<hbm>>)
      tpu.yield
    }) : () -> ()
    return
  }
}

module attributes {stable_mosaic.version = 14 : i64} {
  func.func @_hq_body(%arg0: i32, %arg1: memref<2000x128xf32, #tpu.memory_space<vmem>>, %arg2: memref<64x128xf32, #tpu.memory_space<vmem>>, %arg3: memref<1x64xf32, #tpu.memory_space<vmem>>, %arg4: memref<2000x32xi32, #tpu.memory_space<vmem>>) attributes {dimension_semantics = [#tpu.dimension_semantics<arbitrary>], iteration_bounds = array<i64: 50>, scalar_prefetch = 0 : i64, scratch_operands = 0 : i64, tpu.core_type = #tpu.core_type<tc>, window_params = [{transform_indices = @transform_0, window_bounds = array<i64: 2000, 128>}, {pipeline_mode = #tpu.pipeline_mode<synchronous>, transform_indices = @transform_1, window_bounds = array<i64: 64, 128>}, {pipeline_mode = #tpu.pipeline_mode<synchronous>, transform_indices = @transform_2, window_bounds = array<i64: 1, 64>}, {transform_indices = @transform_3, window_bounds = array<i64: 2000, 32>}]} {
    %get3A = arith.constant 0 : index
    %get3A_0 = arith.constant 0 : index
    %get3A_1 = vector.load %arg1[%get3A, %get3A_0] : memref<2000x128xf32, #tpu.memory_space<vmem>>, vector<2000x128xf32>
    %get3A_2 = arith.constant 0 : index
    %get3A_3 = arith.constant 0 : index
    %get3A_4 = vector.load %arg2[%get3A_2, %get3A_3] : memref<64x128xf32, #tpu.memory_space<vmem>>, vector<64x128xf32>
    %dot_general3A = arith.constant dense<0.000000e+00> : vector<2000x64xf32>
    %dot_general3A_5 = tpu.matmul %get3A_1, %get3A_4, %dot_general3A {dimension_numbers = #tpu.dot_dimension_numbers<[1], [1], [0], [0], [0, 0, 1, 0], [], []>, transpose_lhs_hint = false} : vector<2000x128xf32>, vector<64x128xf32>, vector<2000x64xf32> -> vector<2000x64xf32>
    %get3A_6 = arith.constant 0 : index
    %get3A_7 = arith.constant 0 : index
    %get3A_8 = vector.load %arg3[%get3A_6, %get3A_7] : memref<1x64xf32, #tpu.memory_space<vmem>>, vector<1x64xf32>
    %add3A = vector.broadcast %get3A_8 : vector<1x64xf32> to vector<2000x64xf32>
    %add3A_9 = arith.addf %dot_general3A_5, %add3A : vector<2000x64xf32>
    %ge3A = arith.constant 0.000000e+00 : f32
    %ge3A_10 = vector.broadcast %ge3A : f32 to vector<2000x64xf32>
    %ge3A_11 = arith.cmpf oge, %add3A_9, %ge3A_10 : vector<2000x64xf32>
    %mul3A = arith.constant 0.00999999977 : f32
    %mul3A_12 = vector.broadcast %mul3A : f32 to vector<2000x64xf32>
    %mul3A_13 = arith.mulf %mul3A_12, %add3A_9 : vector<2000x64xf32>
    %select_n3A = arith.select %ge3A_11, %add3A_9, %mul3A_13 : vector<2000x64xi1>, vector<2000x64xf32>
    %convert_element_type3A = arith.truncf %select_n3A : vector<2000x64xf32> to vector<2000x64xbf16>
    %bitcast_convert_type3A = tpu.bitcast %convert_element_type3A : vector<2000x64xbf16> -> vector<2000x64xi16>
    %convert_element_type3A_14 = arith.extui %bitcast_convert_type3A : vector<2000x64xi16> to vector<2000x64xi32>
    %slice3A = vector.extract_strided_slice %convert_element_type3A_14 {offsets = [0, 0], sizes = [2000, 32], strides = [1, 1]} : vector<2000x64xi32> to vector<2000x32xi32>
    %slice3A_15 = vector.extract_strided_slice %convert_element_type3A_14 {offsets = [0, 32], sizes = [2000, 32], strides = [1, 1]} : vector<2000x64xi32> to vector<2000x32xi32>
    %shift_left3A = arith.constant 16 : i32
    %shift_left3A_16 = vector.broadcast %shift_left3A : i32 to vector<2000x32xi32>
    %shift_left3A_17 = arith.shli %slice3A_15, %shift_left3A_16 : vector<2000x32xi32>
    %or3A = arith.ori %slice3A, %shift_left3A_17 : vector<2000x32xi32>
    %swap3A = arith.constant 0 : index
    %swap3A_18 = arith.constant 0 : index
    %swap3A_19 = vector.load %arg4[%swap3A, %swap3A_18] : memref<2000x32xi32, #tpu.memory_space<vmem>>, vector<2000x32xi32>
    tpu.vector_store %arg4[%swap3A, %swap3A_18], %or3A {strides = array<i32>} : memref<2000x32xi32, #tpu.memory_space<vmem>>, vector<2000x32xi32>,
    return
  }
  func.func @transform_0(%arg0: i32) -> (i32, i32) {
    %c0_i32 = arith.constant 0 : i32
    %c0_i32_0 = arith.constant 0 : i32
    return %arg0, %c0_i32 : i32, i32
  }
  func.func @transform_1(%arg0: i32) -> (i32, i32) {
    %c0_i32 = arith.constant 0 : i32
    %c0_i32_0 = arith.constant 0 : i32
    %c0_i32_1 = arith.constant 0 : i32
    return %c0_i32, %c0_i32_0 : i32, i32
  }
  func.func @transform_2(%arg0: i32) -> (i32, i32) {
    %c0_i32 = arith.constant 0 : i32
    %c0_i32_0 = arith.constant 0 : i32
    %c0_i32_1 = arith.constant 0 : i32
    return %c0_i32, %c0_i32_0 : i32, i32
  }
  func.func @transform_3(%arg0: i32) -> (i32, i32) {
    %c0_i32 = arith.constant 0 : i32
    %c0_i32_0 = arith.constant 0 : i32
    return %arg0, %c0_i32 : i32, i32
  }
}

module attributes {stable_mosaic.version = 14 : i64} {
  func.func @_out_body(%arg0: i32, %arg1: memref<1000x128xf32, #tpu.memory_space<vmem>>, %arg2: memref<1000x64xf32, #tpu.memory_space<vmem>>, %arg3: memref<1000x32xf32, #tpu.memory_space<vmem>>, %arg4: memref<128x192xf32, #tpu.memory_space<vmem>>, %arg5: memref<1x128xf32, #tpu.memory_space<vmem>>, %arg6: memref<1000x128xf32, #tpu.memory_space<vmem>>) attributes {dimension_semantics = [#tpu.dimension_semantics<arbitrary>], iteration_bounds = array<i64: 10>, scalar_prefetch = 0 : i64, scratch_operands = 0 : i64, tpu.core_type = #tpu.core_type<tc>, window_params = [{transform_indices = @transform_0, window_bounds = array<i64: 1000, 128>}, {transform_indices = @transform_1, window_bounds = array<i64: 1000, 64>}, {transform_indices = @transform_2, window_bounds = array<i64: 1000, 32>}, {pipeline_mode = #tpu.pipeline_mode<synchronous>, transform_indices = @transform_3, window_bounds = array<i64: 128, 192>}, {pipeline_mode = #tpu.pipeline_mode<synchronous>, transform_indices = @transform_4, window_bounds = array<i64: 1, 128>}, {transform_indices = @transform_5, window_bounds = array<i64: 1000, 128>}]} {
    %get3A = arith.constant 0 : index
    %get3A_0 = arith.constant 0 : index
    %get3A_1 = vector.load %arg3[%get3A, %get3A_0] : memref<1000x32xf32, #tpu.memory_space<vmem>>, vector<1000x32xf32>
    %reduce_sum3A = arith.constant dense<0.000000e+00> : vector<1000xf32>
    %reduce_sum3A_2 = vector.multi_reduction <add>, %get3A_1, %reduce_sum3A [1] : vector<1000x32xf32> to vector<1000xf32>
    %broadcast_in_dim3A = vector.shape_cast %reduce_sum3A_2 : vector<1000xf32> to vector<1000x1xf32>
    %eq3A = arith.constant 0.000000e+00 : f32
    %eq3A_3 = vector.broadcast %eq3A : f32 to vector<1000x1xf32>
    %eq3A_4 = arith.cmpf oeq, %broadcast_in_dim3A, %eq3A_3 : vector<1000x1xf32>
    %jit3A = arith.constant 1.000000e+00 : f32
    %broadcast_in_dim3A_5 = vector.broadcast %jit3A : f32 to vector<1000x1xf32>
    %select_n3A = arith.select %eq3A_4, %broadcast_in_dim3A_5, %broadcast_in_dim3A : vector<1000x1xi1>, vector<1000x1xf32>
    %get3A_6 = arith.constant 0 : index
    %get3A_7 = arith.constant 0 : index
    %get3A_8 = vector.load %arg2[%get3A_6, %get3A_7] : memref<1000x64xf32, #tpu.memory_space<vmem>>, vector<1000x64xf32>
    %div3A = vector.broadcast %select_n3A : vector<1000x1xf32> to vector<1000x64xf32>
    %div3A_9 = arith.divf %get3A_8, %div3A : vector<1000x64xf32>
    %get3A_10 = arith.constant 0 : index
    %get3A_11 = arith.constant 0 : index
    %get3A_12 = vector.load %arg4[%get3A_10, %get3A_11] : memref<128x192xf32, #tpu.memory_space<vmem>>, vector<128x192xf32>
    %get3A_13 = arith.constant 0 : index
    %get3A_14 = arith.constant 0 : index
    %get3A_15 = vector.load %arg1[%get3A_13, %get3A_14] : memref<1000x128xf32, #tpu.memory_space<vmem>>, vector<1000x128xf32>
    %slice3A = vector.extract_strided_slice %get3A_12 {offsets = [0, 0], sizes = [128, 128], strides = [1, 1]} : vector<128x192xf32> to vector<128x128xf32>
    %dot_general3A = arith.constant dense<0.000000e+00> : vector<1000x128xf32>
    %dot_general3A_16 = tpu.matmul %get3A_15, %slice3A, %dot_general3A {dimension_numbers = #tpu.dot_dimension_numbers<[1], [1], [0], [0], [0, 0, 1, 0], [], []>, transpose_lhs_hint = false} : vector<1000x128xf32>, vector<128x128xf32>, vector<1000x128xf32> -> vector<1000x128xf32>
    %slice3A_17 = vector.extract_strided_slice %get3A_12 {offsets = [0, 128], sizes = [128, 64], strides = [1, 1]} : vector<128x192xf32> to vector<128x64xf32>
    %dot_general3A_18 = arith.constant dense<0.000000e+00> : vector<1000x128xf32>
    %dot_general3A_19 = tpu.matmul %div3A_9, %slice3A_17, %dot_general3A_18 {dimension_numbers = #tpu.dot_dimension_numbers<[1], [1], [0], [0], [0, 0, 1, 0], [], []>, transpose_lhs_hint = false} : vector<1000x64xf32>, vector<128x64xf32>, vector<1000x128xf32> -> vector<1000x128xf32>
    %add3A = arith.addf %dot_general3A_16, %dot_general3A_19 : vector<1000x128xf32>
    %get3A_20 = arith.constant 0 : index
    %get3A_21 = arith.constant 0 : index
    %get3A_22 = vector.load %arg5[%get3A_20, %get3A_21] : memref<1x128xf32, #tpu.memory_space<vmem>>, vector<1x128xf32>
    %add3A_23 = vector.broadcast %get3A_22 : vector<1x128xf32> to vector<1000x128xf32>
    %add3A_24 = arith.addf %add3A, %add3A_23 : vector<1000x128xf32>
    %ge3A = arith.constant 0.000000e+00 : f32
    %ge3A_25 = vector.broadcast %ge3A : f32 to vector<1000x128xf32>
    %ge3A_26 = arith.cmpf oge, %add3A_24, %ge3A_25 : vector<1000x128xf32>
    %mul3A = arith.constant 0.00999999977 : f32
    %mul3A_27 = vector.broadcast %mul3A : f32 to vector<1000x128xf32>
    %mul3A_28 = arith.mulf %mul3A_27, %add3A_24 : vector<1000x128xf32>
    %select_n3A_29 = arith.select %ge3A_26, %add3A_24, %mul3A_28 : vector<1000x128xi1>, vector<1000x128xf32>
    %mul3A_30 = arith.mulf %select_n3A_29, %select_n3A_29 : vector<1000x128xf32>
    %reduce_sum3A_31 = arith.constant dense<0.000000e+00> : vector<1000xf32>
    %reduce_sum3A_32 = vector.multi_reduction <add>, %mul3A_30, %reduce_sum3A_31 [1] : vector<1000x128xf32> to vector<1000xf32>
    %broadcast_in_dim3A_33 = vector.shape_cast %reduce_sum3A_32 : vector<1000xf32> to vector<1000x1xf32>
    %sqrt3A = math.sqrt %broadcast_in_dim3A_33 : vector<1000x1xf32>
    %eq3A_34 = arith.constant 0.000000e+00 : f32
    %eq3A_35 = vector.broadcast %eq3A_34 : f32 to vector<1000x1xf32>
    %eq3A_36 = arith.cmpf oeq, %sqrt3A, %eq3A_35 : vector<1000x1xf32>
    %jit3A_37 = arith.constant 1.000000e+00 : f32
    %broadcast_in_dim3A_38 = vector.broadcast %jit3A_37 : f32 to vector<1000x1xf32>
    %select_n3A_39 = arith.select %eq3A_36, %broadcast_in_dim3A_38, %sqrt3A : vector<1000x1xi1>, vector<1000x1xf32>
    %div3A_40 = vector.broadcast %select_n3A_39 : vector<1000x1xf32> to vector<1000x128xf32>
    %div3A_41 = arith.divf %select_n3A_29, %div3A_40 : vector<1000x128xf32>
    %swap3A = arith.constant 0 : index
    %swap3A_42 = arith.constant 0 : index
    %swap3A_43 = vector.load %arg6[%swap3A, %swap3A_42] : memref<1000x128xf32, #tpu.memory_space<vmem>>, vector<1000x128xf32>
    tpu.vector_store %arg6[%swap3A, %swap3A_42], %div3A_41 {strides = array<i32>} : memref<1000x128xf32, #tpu.memory_space<vmem>>, vector<1000x128xf32>,
    return
  }
  func.func @transform_0(%arg0: i32) -> (i32, i32) {
    %c0_i32 = arith.constant 0 : i32
    %c0_i32_0 = arith.constant 0 : i32
    return %arg0, %c0_i32 : i32, i32
  }
  func.func @transform_1(%arg0: i32) -> (i32, i32) {
    %c0_i32 = arith.constant 0 : i32
    %c0_i32_0 = arith.constant 0 : i32
    return %arg0, %c0_i32 : i32, i32
  }
  func.func @transform_2(%arg0: i32) -> (i32, i32) {
    %c0_i32 = arith.constant 0 : i32
    %c0_i32_0 = arith.constant 0 : i32
    return %arg0, %c0_i32 : i32, i32
  }
  func.func @transform_3(%arg0: i32) -> (i32, i32) {
    %c0_i32 = arith.constant 0 : i32
    %c0_i32_0 = arith.constant 0 : i32
    %c0_i32_1 = arith.constant 0 : i32
    return %c0_i32, %c0_i32_0 : i32, i32
  }
  func.func @transform_4(%arg0: i32) -> (i32, i32) {
    %c0_i32 = arith.constant 0 : i32
    %c0_i32_0 = arith.constant 0 : i32
    %c0_i32_1 = arith.constant 0 : i32
    return %c0_i32, %c0_i32_0 : i32, i32
  }
  func.func @transform_5(%arg0: i32) -> (i32, i32) {
    %c0_i32 = arith.constant 0 : i32
    %c0_i32_0 = arith.constant 0 : i32
    return %arg0, %c0_i32 : i32, i32
  }
}

</mosaic_0001>

<sc_bundles>
// kernel: kernel.5.cloned.1.call-start
scs
__scs_entry_jumppad:
0x0: {  	(pc) =	sbr.rel $0x88, $3  }
0x1: {  	(tag) =	ssettag $0x0;
	lr =	simm.s32 $0x1  }
0x2: {  	[smem:$0x3F99] =	sst lr;
	_ =	strace $0xD0000000  }
0x3: {  	_ = 	snop  }
0x4: {  	_ = 	snop  }
0x5: {  	_ = 	snop  }
0x6: {  	_ = 	snop  }
0x7: {  	_ = 	snop  }
__scs_overlays_trampoline_lowered:
0x8: {  	[smem:$0x3FA8] =	sst s0  }
0x9: {  	[smem:$0x3FA9] =	sst s1  }
0xa: {  	[smem:$0x3FAA] =	sst s2  }
0xb: {  	[smem:$0x3FAB] =	sst s3  }
0xc: {  	[smem:$0x3FAC] =	sst s4  }
0xd: {  	[smem:$0x3FAD] =	sst s5  }
0xe: {  	[smem:$0x3FAE] =	sst s6  }
0xf: {  	[smem:$0x3FAF] =	sst s7  }
0x10: {  	[smem:$0x3FB0] =	sst s8  }
0x11: {  	[smem:$0x3FB1] =	sst s9;
	s0 =	simm.s32 @!p0 $0x0  }
0x12: {  	s1 =	sld [smem:$0x3F97];
	s0 =	simm.s32 @p0 $0x1  }
0x13: {  	[smem:$0x3FB2] =	sst s0;
	s0 =	simm.s32 @!p1 $0x0  }
0x14: {  	s2 =	sld [smem:$0x3F96];
	s0 =	simm.s32 @p1 $0x1  }
0x15: {  	[smem:$0x3FB3] =	sst s0;
	s0 =	simm.s32 @!p2 $0x0  }
0x16: {  	s3 =	sld [smem:$0x3FDB];
	s0 =	simm.s32 @p2 $0x1  }
0x17: {  	s4 =	simm.s32 $0x1BF5;
	[smem:$0x3FB5] =	sst s0  }
0x18: {  	s0 =	sld [smem:$0x3F98];
	_ =	swait.ge [sflag:s4], $0x0  }
0x19: {  	s7 =	sld [smem:$0x3F99]  }
0x1a: {  	s8 =	sadd.s32 $0xFFFFE003, lr  }
0x1b: {  	s9 =	sadd.s32 $0xFFFFFEF7, lr;
	s5 =	simm.s32 $0xFFFFFFFF;
	p2 =	slt.u32 s8, $0xFFFFF086  }
0x1c: {  	p1 =	slt.u32 s9, $0xF7A;
	s5 =	simm.s32 @!p2 $0x0  }
0x1d: {  	s5 =	simm.s32 @p1 $0x1;
	p0 =	seq.s32 s7, s2  }
0x1e: {  	s7 =	smul.u32 @!p0 $0xF7A, s2;
	p2 =	seq.s32 @!p0 s5, $0x0  }
0x1f: {  	s9 =	smul.u32 $0xF7A, s1;
	s8 =	simm.s32 @!p0 $0x1BF5;
	p2 =	por !p2, p0  }
0x20: {  	[sflag:s8] =	ssyncset.s32 @!p0 $0xFFFFF086;
	s6 =	sadd.s32 @!p0 s3, s7;
	s7 =	simm.s32 @!p0 $0x108  }
0x21: {  	s3 =	sadd.s32 s3, s9;
	s6 =	sadd.s32 @!p0 $0x88, s6;
	s7 =	simm.s32 @p2 $0x1082  }
0x22: {  	[simem:s7], [sflag:s8] =	dma.local @!p0 [hbm:s6], $0xF7A  }
0x23: {  	s9 =	sor.u32 $0xD0000000, s2;
	s6 =	simm.s32 $0x108;
	_ =	swait.ge @!p0 [sflag:s8], $0x0  }
0x24: {  	s3 =	sadd.s32 $0x88, s3;
	s6 =	simm.s32 @!p1 $0x1082;
	[sflag:s4] =	ssyncset.s32 $0xFFFFF086  }
0x25: {  	[simem:s6], [sflag:s4] =	dma.local [hbm:s3], $0xF7A  }
0x26: {  	[smem:$0x3F99] =	sst s1;
	(tag) =	ssettag s2;
	_ =	strace s9  }
0x27: {  	s1 =	sld [smem:$0x3FA9]  }
0x28: {  	s2 =	sld [smem:$0x3FAA]  }
0x29: {  	s4 =	sld [smem:$0x3FAC]  }
0x2a: {  	p0 =	seq.s32 s5, $0x0;
	s5 =	sld [smem:$0x3FAD]  }
0x2b: {  	s6 =	sld [smem:$0x3FAE]  }
0x2c: {  	s7 =	sld [smem:$0x3FAF]  }
0x2d: {  	s3 =	simm.s32 $0x108;
	s8 =	sld [smem:$0x3FB0]  }
0x2e: {  	s3 =	simm.s32 @!p0 $0x1082;
	s9 =	sld [smem:$0x3FB1]  }
0x2f: {  	lr =	sadd.s32 s0, s3;
	s0 =	sld [smem:$0x3FA8]  }
0x30: {  	s3 =	sld [smem:$0x3FAB]  }
0x31: {  	[smem:$0x3FB4] =	sst s10  }
0x32: {  	s10 =	sld [smem:$0x3FB2];
	_ =	sdelay $0x3  }
0x33: {  	p0 =	seq.s32 s10, $0x1;
	s10 =	sld [smem:$0x3FB4];
	_ =	sdelay $0x3  }
0x34: {  	[smem:$0x3FB4] =	sst s10  }
0x35: {  	s10 =	sld [smem:$0x3FB3];
	_ =	sdelay $0x3  }
0x36: {  	p1 =	seq.s32 s10, $0x1;
	s10 =	sld [smem:$0x3FB4];
	_ =	sdelay $0x3  }
0x37: {  	[smem:$0x3FB4] =	sst s10  }
0x38: {  	s10 =	sld [smem:$0x3FB5]  }
0x39: {  	_ = 	snop;
	(pc) =	sbr.ind lr, $3  }
0x3a: {  	_ = 	snop  }
0x3b: {  	_ = 	snop  }
0x3c: {  	p2 =	seq.s32 s10, $0x1;
	s10 =	sld [smem:$0x3FB4]  }
0x3d: {  	_ =	shalt  }
0x3e: {  	_ =	shalt  }
0x3f: {  	_ =	shalt  }
0x40: {  	_ =	shalt  }
0x41: {  	_ =	shalt  }
0x42: {  	_ =	shalt  }
0x43: {  	_ =	shalt  }
0x44: {  	_ =	shalt  }
0x45: {  	_ =	shalt  }
0x46: {  	_ =	shalt  }
0x47: {  	_ =	shalt  }
0x48: {  	_ =	shalt  }
0x49: {  	_ =	shalt  }
0x4a: {  	_ =	shalt  }
0x4b: {  	_ =	shalt  }
0x4c: {  	_ =	shalt  }
0x4d: {  	_ =	shalt  }
0x4e: {  	_ =	shalt  }
0x4f: {  	_ =	shalt  }
0x50: {  	_ =	shalt  }
0x51: {  	_ =	shalt  }
0x52: {  	_ =	shalt  }
0x53: {  	_ =	shalt  }
0x54: {  	_ =	shalt  }
0x55: {  	_ =	shalt  }
0x56: {  	_ =	shalt  }
0x57: {  	_ =	shalt  }
0x58: {  	_ =	shalt  }
0x59: {  	_ =	shalt  }
0x5a: {  	_ =	shalt  }
0x5b: {  	_ =	shalt  }
0x5c: {  	_ =	shalt  }
0x5d: {  	_ =	shalt  }
0x5e: {  	_ =	shalt  }
0x5f: {  	_ =	shalt  }
0x60: {  	_ =	shalt  }
0x61: {  	_ =	shalt  }
0x62: {  	_ =	shalt  }
0x63: {  	_ =	shalt  }
0x64: {  	_ =	shalt  }
0x65: {  	_ =	shalt  }
0x66: {  	_ =	shalt  }
0x67: {  	_ =	shalt  }
0x68: {  	_ =	shalt  }
0x69: {  	_ =	shalt  }
0x6a: {  	_ =	shalt  }
0x6b: {  	_ =	shalt  }
0x6c: {  	_ =	shalt  }
0x6d: {  	_ =	shalt  }
0x6e: {  	_ =	shalt  }
0x6f: {  	_ =	shalt  }
0x70: {  	_ =	shalt  }
0x71: {  	_ =	shalt  }
0x72: {  	_ =	shalt  }
0x73: {  	_ =	shalt  }
0x74: {  	_ =	shalt  }
0x75: {  	_ =	shalt  }
0x76: {  	_ =	shalt  }
0x77: {  	_ =	shalt  }
0x78: {  	_ =	shalt  }
0x79: {  	_ =	shalt  }
0x7a: {  	_ =	shalt  }
0x7b: {  	_ =	shalt  }
0x7c: {  	_ =	shalt  }
0x7d: {  	_ =	shalt  }
0x7e: {  	_ =	shalt  }
0x7f: {  	_ =	shalt  }
0x80: {  	_ =	shalt  }
0x81: {  	_ =	shalt  }
0x82: {  	_ =	shalt  }
0x83: {  	_ =	shalt  }
0x84: {  	_ =	shalt  }
0x85: {  	_ =	shalt  }
0x86: {  	_ =	shalt  }
0x87: {  	_ =	shalt  }
.Lfunc_end0:
.L_simem_size_0:
called_computation_lowered:
.L_overlay_start_0:
0x88: {  	s2 =	sld [smem:$0x3FD9]  }
0x89: {  	s3 =	sld [smem:$0x3FFE];
	_ =	sdelay $0x1  }
0x8a: {  	s1 =	srdreg.scid  }
0x8b: {  	s0 =	sand.u32 $0x1, s1  }
0x8c: {  	s17 =	sshll.u32 s0, $0xA;
	s2 =	sadd.s32 s3, s2  }
0x8d: {  	s2 =	sadd.s32 s2, s17  }
0x8e: {  	[smem:$0x3FC0] =	sst s2  }
0x8f: {  	_ = 	snop  }
0x90: {  	s2 =	sld [smem:$0x3FC9]  }
0x91: {  	s18 =	sld [smem:$0x3FD0];
	(tm) =	ssettm $0x1  }
0x92: {  	s4 =	sld [smem:$0x3FFB];
	_ =	sdelay $0x3  }
0x93: {  	_ =	strace s4  }
0x94: {  	s4 =	sld [smem:$0x3FFC];
	_ =	sdelay $0x3  }
0x95: {  	_ =	strace s4  }
0x96: {  	s4 =	sld [smem:$0x3FFD];
	_ =	sdelay $0x3  }
0x97: {  	_ =	strace s4  }
0x98: {  	_ =	strace $0x8FFFFFFF  }
0x99: {  	s19 =	sld [smem:$0x3FDB];
	_ =	sdelay $0x1  }
0x9a: {  	s5 =	simm.s32 $_scs_section_size  }
0x9b: {  	s6 =	simm.s32 $_size__tile_overlayer_lowered;
	s7 =	simm.s32 $_tile_overlayer_lowered  }
0x9c: {  	s22 =	simm.s32 $0x1BFF;
	s21 =	sshll.u32 s7, $0x1;
	s4 =	sadd.s32 s5, s19  }
0x9d: {  	s8 =	simm.s32 $0x0;
	s20 =	sshll.u32 s6, $0x1;
	s6 =	sadd.s32 s21, s4  }
0x9e: {  	[timem:s8], [sflag:s22] =	dma.local [hbm:s6], s20  }
0x9f: {  	_ =	swait.ge [sflag:s22], s20  }
0xa0: {  	s5 =	ssub.s32 $0x0, s20;
	[sflag:s22] =	ssyncset.done $0x0  }
0xa1: {  	[sflag:s22] =	ssyncadd.s32 s5;
	_ =	sdelay $0x1  }
0xa2: {  	s23 =	simm.s32 $0x1B8B  }
0xa3: {  	_ =	swait.ge [sflag:s23], $0x1  }
0xa4: {  	[sflag:s23] =	ssyncset.done $0x0  }
0xa5: {  	s25 =	simm.s32 $0x1B8E;
	s24 =	sld [smem:$0x3FFE];
	[sflag:s23] =	ssyncadd.s32 $0xFFFFFFFF  }
0xa6: {  	s26 =	simm.s32 $execute0_lowered;
	[smem:$0x3FD2] =	sst s25  }
0xa7: {  	s6 =	sshll.u32 s26, $0x1;
	_ =	strace $0x80000046;
	[dreg:$0x1] =	wrdreg $0xFFFFFFFF  }
0xa8: {  	s28 =	simm.s32 $_size_execute0_lowered;
	s4 =	sadd.s32 s4, s6;
	[dreg:$0x0] =	wrdreg $0x0  }
0xa9: {  	s6 =	sshll.u32 s28, $0x1;
	[dreg:$0x2] =	wrdreg s4  }
0xaa: {  	[dreg:$0x3] =	wrdreg s6  }
0xab: {  	[dreg:$0x4] =	wrdreg $0xC0  }
0xac: {  	_ =	task [dreg:s8], $0x5FFFF  }
0xad: {  	[dreg:$0x1] =	wrdreg $0xFFFFFFFF  }
0xae: {  	[dreg:$0x0] =	wrdreg $0x60  }
0xaf: {  	[dreg:$0x2] =	wrdreg s24  }
0xb0: {  	[dreg:$0x3] =	wrdreg s2  }
0xb1: {  	[dreg:$0x4] =	wrdreg s18  }
0xb2: {  	[dreg:$0x5] =	wrdreg $0x9  }
0xb3: {  	_ =	task.clear_ibuf [dreg:s8], $0x6FFFF;
	_ =	strace $0x90000046  }
0xb4: {  	s29 =	simm.s32 $0x9;
	_ =	strace $0x80000048  }
0xb5: {  	_ =	swait.ge [sflag:s29], $0x1  }
0xb6: {  	[sflag:s29] =	ssyncadd.s32 $0xFFFFFFFF  }
0xb7: {  	_ =	strace $0x90000048  }
0xb8: {  	_ =	sfence  }
0xb9: {  	s30 =	sld [smem:$0x0];
	_ =	sdelay $0x2  }
0xba: {  	s31 =	sshll.u32 s1, $0xD;
	s1 =	sshrl.u32 s1, $0x2  }
0xbb: {  	s3 =	sand.u32 $0x4000, s31;
	s1 =	sadd.s32 s1, s30  }
0xbc: {  	s0 =	sor.u32 s3, s0;
	s1 =	sshll.u32 s1, $0x11  }
0xbd: {  	s0 =	sor.u32 s1, s0  }
0xbe: {  	s0 =	sadd.s32 $0x8F2B, s0  }
0xbf: {  	[sflag:s0] =	ssyncadd.remote.s32 $0x1  }
0xc0: {  	_ =	sfence.sel $0xFFFF  }
0xc1: {  	[dreg:$0x0] =	wrdreg $0xFFFFFFFF;
	(pc) =	sbr.abs _section_cstart, $3  }
0xc2: {  	[dreg:$0x1] =	wrdreg $0xFFFFFFFF  }
0xc3: {  	_ =	task.clear_ibuf [dreg:s8], $0x2FFFF;
	_ =	strace $0x9FFFFFFF  }
0xc4: {  	(tm) =	ssettm $0x7FFFFFFF  }
0xc5: {  	_ =	shalt  }
tec
execute0_lowered:
.L_overlay_start_1:
0x0: {  	(tag) =	ssettag $0x1  }
0x1: {  	s0 =	rddreg [dreg:$0x0]  }
0x2: {  	s2 =	rddreg [dreg:$0x1]  }
0x3: {  	s1 =	srdreg.scid;
	s4 =	stileid.u32  }
0x4: {  	s3 =	rddreg [dreg:$0x2];
	s14 =	simm.s32 $0x6;
	s15 =	simm.s32 $0x80  }
0x5: {  	s28 =	simm.s32 $0xD000;
	s29 =	simm.s32 $0x2;
	s30 =	simm.s32 $0xD400  }
0x6: {  	s31 =	simm.s32 $0x3;
	s1 =	sand.u32 $0x1, s1;
	s5 =	sshll.u32 s4, $0x1  }
0x7: {  	s16 =	simm.s32 $0x20;
	s18 =	simm.s32 $0x11940;
	s6 =	sor.u32 s1, s5  }
0x8: {  	s19 =	simm.s32 $0x5;
	s4 =	simm.s32 $0x0;
	s7 =	smul.u32 $0x28, s6  }
0x9: {  	s17 =	simm.s32 $0x0;
	[smem:$0x7FF] =	sst s4;
	s8 =	smul.u32 $0x500, s6  }
0xa: {  	s5 =	sadd.s32 $0x188200, s0;
	s1 =	ssub.s32 $0x2, s1;
	s10 =	smul.u32 $0xA000, s6  }
0xb: {  	_ =	strace $0x80000047;
	s9 =	sshrl.u32 s1, $0x1;
	s23 =	smul.u32 $0x1400, s6  }
0xc: {  	s1 =	ssub.s32 s1, s9;
	s9 =	smul.u32 $0x5000, s6;
	s7 =	sadd.s32 s7, s0  }
0xd: {  	s8 =	sadd.s32 s8, s0;
	s0 =	sadd.s32 $0x15E00, s0;
	s26 =	smax.u32 s1, $0x1  }
0xe: {  	s10 =	sshrl.u32 s10, $0x3;
	s7 =	sadd.s32 $0xB800, s7;
	[dreg:$0x9] =	wrdreg s26  }
0xf: {  	s1 =	simm.s32 $0x4;
	s22 =	sadd.s32 $0x1800, s8;
	[dreg:$0x4] =	wrdreg s7  }
0x10: {  	s8 =	sadd.s32 $0xBE00, s8;
	s24 =	sadd.s32 s0, s10;
	[dreg:$0x5] =	wrdreg s22  }
0x11: {  	s0 =	sadd.s32 s0, s23;
	s23 =	simm.s32 $0xA000;
	[dreg:$0x6] =	wrdreg s8  }
0x12: {  	s26 =	simm.s32 $0x1;
	[dreg:$0x7] =	wrdreg s0;
	s25 =	sadd.s32 $0xA00, s24  }
0x13: {  	s7 =	simm.s32 $0xD800;
	s22 =	simm.s32 $0x9000;
	s24 =	simm.s32 $0xB000  }
0x14: {  	s0 =	simm.s32 $0xD940;
	[dreg:$0x8] =	wrdreg s25;
	s25 =	simm.s32 $0xC000  }
.LBB2_1:
0x15: {  	s6 =	rddreg [dreg:$0x4]  }
0x16: {  	[tilespmem:s7], [sflag:$0x6] =	stream.linear.gather [hbm4b:s6+s4], $0x140, $0x38;
	[tilespmem:$0x12940] =	vst v63  }
0x17: {  	_ =	swait.ge [sflag:s14], $0x140  }
0x18: {  	[sflag:s14] =	ssyncset.done $0x0  }
0x19: {  	s21 =	rddreg [dreg:$0x5];
	[sflag:s14] =	ssyncadd.s32 $0xFFFFFEC0  }
0x1a: {  	[tilespmem:s4], [sflag:$0x6] =	stream.linear.gather [hbm4b:s21+s4], $0x2800, $0x38;
	[tilespmem:$0x12940] =	vst v63  }
0x1b: {  	_ =	swait.ge [sflag:s14], $0x2800  }
0x1c: {  	[sflag:s14] =	ssyncset.done $0x0  }
0x1d: {  	s20 =	simm.s32 $0x2800;
	s7 =	rddreg [dreg:$0x6];
	[sflag:s14] =	ssyncadd.s32 $0xFFFFD800  }
0x1e: {  	[tilespmem:s20], [sflag:$0x6] =	stream.linear.gather [hbm4b:s7+s4], $0x2800, $0x38;
	[tilespmem:$0x12940] =	vst v63  }
0x1f: {  	_ =	swait.ge [sflag:s14], $0x2800  }
0x20: {  	[sflag:s14] =	ssyncset.done $0x0  }
0x21: {  	s8 =	simm.s32 $0x5000;
	[sflag:s14] =	ssyncadd.s32 $0xFFFFD800  }
0x22: {  	[tilespmem:s8], [sflag:$0x1] =	stream.indirect.gather [hbm4b:s5+s15], $0x20, s4, s15, $0xb8;
	[tilespmem:$0x12940] =	vst v63  }
0x23: {  	s10 =	simm.s32 $0x6000  }
0x24: {  	[tilespmem:s10], [sflag:$0x1] =	stream.indirect.gather [hbm4b:s5+s15], $0x20, s15, s15, $0xb8;
	[tilespmem:$0x12940] =	vst v63  }
0x25: {  	s11 =	simm.s32 $0x100;
	s12 =	simm.s32 $0x7000  }
0x26: {  	[tilespmem:s12], [sflag:$0x1] =	stream.indirect.gather [hbm4b:s5+s15], $0x20, s11, s15, $0xb8;
	[tilespmem:$0x12940] =	vst v63  }
0x27: {  	s13 =	simm.s32 $0x180;
	s21 =	simm.s32 $0x8000  }
0x28: {  	[tilespmem:s21], [sflag:$0x1] =	stream.indirect.gather [hbm4b:s5+s15], $0x20, s13, s15, $0xb8;
	[tilespmem:$0x12940] =	vst v63  }
0x29: {  	s21 =	simm.s32 $0x2A00;
	s13 =	simm.s32 $0x0  }
.LBB2_2:
0x2a: {  	s6 =	sshllo.u32 s13, $0x1  }
0x2b: {  	s7 =	sshll.u32 s6, $0x9  }
0x2c: {  	[tilespmem:s22], [sflag:$0x2] =	stream.indirect.gather [hbm4b:s5+s15], $0x20, s7, s15, $0xb8;
	[tilespmem:$0x12940] =	vst v63  }
0x2d: {  	s8 =	sor.u32 $0x80, s7  }
0x2e: {  	[tilespmem:s23], [sflag:$0x2] =	stream.indirect.gather [hbm4b:s5+s15], $0x20, s8, s15, $0xb8;
	[tilespmem:$0x12940] =	vst v63  }
0x2f: {  	s12 =	sor.u32 $0x100, s7  }
0x30: {  	[tilespmem:s24], [sflag:$0x2] =	stream.indirect.gather [hbm4b:s5+s15], $0x20, s12, s15, $0xb8;
	[tilespmem:$0x12940] =	vst v63  }
0x31: {  	p0 =	seq.s32 s13, $0x0;
	s7 =	sor.u32 $0x180, s7  }
0x32: {  	[tilespmem:s25], [sflag:$0x2] =	stream.indirect.gather [hbm4b:s5+s15], $0x20, s7, s15, $0xb8;
	[tilespmem:$0x12940] =	vst v63  }
0x33: {  	s7 =	simm.s32 @!p0 $0x3  }
0x34: {  	_ =	swait.ge @!p0 [sflag:s7], $0x400  }
0x35: {  	[sflag:s7] =	ssyncset.done @!p0 $0x0  }
0x36: {  	[sflag:s7] =	ssyncadd.s32 @!p0 $0xFFFFFC00  }
0x37: {  	_ =	swait.ge [sflag:s26], $0x1000  }
0x38: {  	[sflag:s26] =	ssyncset.done $0x0  }
0x39: {  	[sflag:s26] =	ssyncadd.s32 $0xFFFFF000  }
0x3a: {  	_ =	swait.ge [sflag:s26], $0x1000  }
0x3b: {  	[sflag:s26] =	ssyncset.done $0x0  }
0x3c: {  	[sflag:s26] =	ssyncadd.s32 $0xFFFFF000  }
0x3d: {  	_ =	swait.ge [sflag:s26], $0x1000  }
0x3e: {  	[sflag:s26] =	ssyncset.done $0x0  }
0x3f: {  	[sflag:s26] =	ssyncadd.s32 $0xFFFFF000  }
0x40: {  	_ =	swait.ge [sflag:s26], $0x1000  }
0x41: {  	s10 =	simm.s32 $0xD020;
	s11 =	simm.s32 $0x5200;
	[sflag:s26] =	ssyncset.done $0x0  }
0x42: {  	v0 =	vmov s20;
	s8 =	simm.s32 $0x0;
	s7 =	sshll.u32 s13, $0xC;
	[sflag:s26] =	ssyncadd.s32 $0xFFFFF000  }
.LBB2_3:
0x43: {  	v1 =	vld [tilespmem:s11+$0xFFFFFE00]  }
0x44: {  	v3 =	vld [tilespmem:s11+$0xFFFFFE10]  }
0x45: {  	v4 =	vld [tilespmem:s11+$0xFFFFFE20]  }
0x46: {  	v7 =	vld [tilespmem:s11+$0xFFFFFE30]  }
0x47: {  	v10 =	vld [tilespmem:s11+$0xFFFFFE40]  }
0x48: {  	v11 =	vld [tilespmem:s11+$0xFFFFFE50]  }
0x49: {  	v59 =	vld [tilespmem:s11+$0xFFFFFE60]  }
0x4a: {  	s12 =	sshra.s32 s8, $0x2;
	v63 =	vld [tilespmem:s11+$0xFFFFFE70]  }
0x4b: {  	v2 =	vld.idx.msk [tilespmem:v0+s12+$0x0 ss:$0x1], $0xffff  }
0x4c: {  	v6 =	vshll.u32 v1, $0x10;
	v1 =	vand.u32 $0xFFFF0000, v1;
	v8 =	vshll.u32 v3, $0x10  }
0x4d: {  	v17 =	vld [tilespmem:s11+$0xFFFFFE80];
	v3 =	vand.u32 $0xFFFF0000, v3;
	v55 =	vshll.u32 v4, $0x10;
	v4 =	vand.u32 $0xFFFF0000, v4  }
0x4e: {  	v56 =	vshll.u32 v7, $0x10;
	v7 =	vand.u32 $0xFFFF0000, v7;
	v58 =	vshll.u32 v10, $0x10  }
0x4f: {  	v23 =	vld [tilespmem:s11+$0xFFFFFE90];
	v60 =	vand.u32 $0xFFFF0000, v10;
	v62 =	vshll.u32 v11, $0x10;
	v16 =	vand.u32 $0xFFFF0000, v11  }
0x50: {  	v14 =	vld [tilespmem:s11+$0xFFFFFEA0];
	v20 =	vshll.u32 v59, $0x10;
	v24 =	vshll.u32 v63, $0x10;
	v5 =	vbroadcast v2, $0x0  }
0x51: {  	v10 =	vand.u32 $0xFFFF0000, v63;
	v9 =	vbroadcast v2, $0x1;
	v12 =	vbroadcast v2, $0x2  }
0x52: {  	v28 =	vld [tilespmem:s11+$0xFFFFFEB0];
	v25 =	vshll.u32 v17, $0x10;
	v19 =	vbroadcast v2, $0x3;
	v13 =	vbroadcast v2, $0x4  }
0x53: {  	v34 =	vld [tilespmem:s11+$0xFFFFFEC0];
	v27 =	vand.u32 $0xFFFF0000, v17;
	v31 =	vbroadcast v2, $0x5;
	v41 =	vbroadcast v2, $0x6  }
0x54: {  	v30 =	vshll.u32 v23, $0x10;
	v48 =	vbroadcast v2, $0x7;
	v6 =	vmul.f32 v6, v5  }
0x55: {  	v38 =	vld [tilespmem:s11+$0xFFFFFED0];
	v33 =	vshll.u32 v14, $0x10;
	v1 =	vmul.f32 v1, v5;
	v8 =	vmul.f32 v8, v5  }
0x56: {  	v39 =	vld [tilespmem:s11+$0xFFFFFEE0];
	v35 =	vand.u32 $0xFFFF0000, v14;
	v3 =	vmul.f32 v3, v5;
	v5 =	vmul.f32 v55, v9  }
0x57: {  	v37 =	vshll.u32 v28, $0x10;
	v4 =	vmul.f32 v4, v9;
	v57 =	vmul.f32 v7, v9  }
0x58: {  	v53 =	vld [tilespmem:s11+$0xFFFFFF10];
	v42 =	vshll.u32 v34, $0x10;
	v7 =	vmul.f32 v58, v12;
	v61 =	vmul.f32 v60, v12  }
0x59: {  	v46 =	vld [tilespmem:s11+$0xFFFFFEF0];
	v43 =	vand.u32 $0xFFFF0000, v34;
	v18 =	vmul.f32 v16, v12;
	v21 =	vmul.f32 v20, v19  }
0x5a: {  	v47 =	vshll.u32 v38, $0x10;
	v26 =	vmul.f32 v25, v13;
	v29 =	vmul.f32 v27, v13  }
0x5b: {  	v49 =	vshll.u32 v39, $0x10;
	v17 =	vld [tilespmem:s11+$0xFFFFFF40];
	v36 =	vmul.f32 v35, v31;
	v44 =	vmul.f32 v42, v41  }
0x5c: {  	v52 =	vand.u32 $0xFFFF0000, v39;
	v45 =	vmul.f32 v43, v41;
	v11 =	vmul.f32 v47, v41  }
0x5d: {  	v50 =	vld [tilespmem:s11+$0xFFFFFF00];
	v63 =	vshll.u32 v53, $0x10;
	v51 =	vmul.f32 v49, v48;
	v54 =	vmul.f32 v52, v48  }
0x5e: {  	v55 =	vshll.u32 v46, $0x10;
	v60 =	vld [tilespmem:s11+$0xFFFFFF20];
	v35 =	vbroadcast v2, $0xB;
	v6 =	vadd.f32 $0.0e+00, v6  }
0x5f: {  	v16 =	vld [tilespmem:s11+$0xFFFFFF30];
	v52 =	vbroadcast v2, $0xD;
	v1 =	vadd.f32 $0.0e+00, v1;
	v3 =	vadd.f32 $0.0e+00, v3  }
0x60: {  	v43 =	vld [tilespmem:s11+$0xFFFFFFA0];
	v8 =	vadd.f32 $0.0e+00, v8;
	v27 =	vshll.u32 v17, $0x10;
	v5 =	vadd.f32 v5, v6  }
0x61: {  	v6 =	vmul.f32 v56, v9;
	v1 =	vadd.f32 v4, v1;
	v3 =	vadd.f32 v57, v3  }
0x62: {  	v9 =	vand.u32 $0xFFFF0000, v59;
	v56 =	vand.u32 $0xFFFF0000, v46;
	v57 =	vbroadcast v2, $0x8  }
0x63: {  	v59 =	vshll.u32 v50, $0x10;
	v22 =	vmul.f32 v9, v19;
	v9 =	vand.u32 $0xFFFF0000, v23  }
0x64: {  	v58 =	vmul.f32 v56, v48;
	v20 =	vshll.u32 v60, $0x10;
	v25 =	vshll.u32 v16, $0x10  }
0x65: {  	v56 =	vand.u32 $0xFFFF0000, v43;
	v6 =	vadd.f32 v6, v8;
	v5 =	vadd.f32 v7, v5  }
0x66: {  	v8 =	vmul.f32 v62, v12;
	v1 =	vadd.f32 v61, v1;
	v12 =	vmul.f32 v24, v19  }
0x67: {  	v3 =	vadd.f32 v18, v3;
	v7 =	vmul.f32 v10, v19;
	v32 =	vmul.f32 v9, v13  }
0x68: {  	v9 =	vmul.f32 v33, v31;
	v61 =	vand.u32 $0xFFFF0000, v50;
	v19 =	vbroadcast v2, $0x9  }
0x69: {  	v62 =	vmul.f32 v61, v57;
	v6 =	vadd.f32 v8, v6;
	v4 =	vadd.f32 v21, v5  }
0x6a: {  	v24 =	vld [tilespmem:s11+$0xFFFFFF50];
	v61 =	vbroadcast v2, $0xE;
	v1 =	vadd.f32 v22, v1;
	v3 =	vadd.f32 v7, v3  }
0x6b: {  	v50 =	vld [tilespmem:s11+$0xFFFFFFB0];
	v7 =	vmul.f32 v30, v13;
	v8 =	vand.u32 $0xFFFF0000, v28;
	v21 =	vand.u32 $0xFFFF0000, v60  }
0x6c: {  	v22 =	vmul.f32 v20, v19;
	v30 =	vand.u32 $0xFFFF0000, v17;
	v40 =	vmul.f32 v8, v31  }
0x6d: {  	v23 =	vmul.f32 v21, v19;
	v6 =	vadd.f32 v12, v6;
	v4 =	vadd.f32 v26, v4  }
0x6e: {  	v1 =	vadd.f32 v29, v1;
	v3 =	vadd.f32 v32, v3;
	v12 =	vand.u32 $0xFFFF0000, v38  }
0x6f: {  	v28 =	vld [tilespmem:s11+$0xFFFFFF60];
	v26 =	vbroadcast v2, $0xA;
	v8 =	vmul.f32 v12, v41;
	v12 =	vand.u32 $0xFFFF0000, v16  }
0x70: {  	v33 =	vshll.u32 v24, $0x10;
	v34 =	vand.u32 $0xFFFF0000, v24;
	v60 =	vand.u32 $0xFFFF0000, v50  }
0x71: {  	v6 =	vadd.f32 v7, v6;
	v4 =	vadd.f32 v9, v4;
	v7 =	vmul.f32 v37, v31  }
0x72: {  	v1 =	vadd.f32 v36, v1;
	v9 =	vmul.f32 v59, v57;
	v29 =	vmul.f32 v27, v26  }
0x73: {  	v42 =	vld [tilespmem:s11+$0xFFFFFF90];
	v3 =	vadd.f32 v40, v3;
	v32 =	vmul.f32 v30, v26;
	v36 =	vmul.f32 v34, v26  }
0x74: {  	v38 =	vld [tilespmem:s11+$0xFFFFFF80];
	v59 =	vshll.u32 v50, $0x10;
	v37 =	vshll.u32 v28, $0x10;
	v6 =	vadd.f32 v7, v6  }
0x75: {  	v39 =	vand.u32 $0xFFFF0000, v28;
	v4 =	vadd.f32 v44, v4;
	v1 =	vadd.f32 v45, v1  }
0x76: {  	v3 =	vadd.f32 v8, v3;
	v7 =	vmul.f32 v55, v48;
	v40 =	vmul.f32 v39, v35  }
0x77: {  	v8 =	vand.u32 $0xFFFF0000, v53;
	v45 =	vbroadcast v2, $0xC;
	v2 =	vbroadcast v2, $0xF  }
0x78: {  	v53 =	vshll.u32 v43, $0x10;
	v18 =	vmul.f32 v8, v57;
	v8 =	vmul.f32 v12, v19  }
0x79: {  	v31 =	vld [tilespmem:s11+$0xFFFFFF70];
	v46 =	vshll.u32 v38, $0x10;
	v47 =	vand.u32 $0xFFFF0000, v38;
	v12 =	vand.u32 $0xFFFF0000, v42  }
0x7a: {  	v30 =	vld [tilespmem:s11+$0x20];
	v55 =	vmul.f32 v53, v52;
	v6 =	vadd.f32 v11, v6;
	v4 =	vadd.f32 v51, v4  }
0x7b: {  	v1 =	vadd.f32 v54, v1;
	v3 =	vadd.f32 v58, v3;
	v11 =	vmul.f32 v25, v19  }
0x7c: {  	v53 =	vld [tilespmem:s11+$0x80];
	v48 =	vmul.f32 v46, v45;
	v49 =	vmul.f32 v47, v45;
	v51 =	vshll.u32 v42, $0x10  }
0x7d: {  	v54 =	vld [tilespmem:s11+$0xFFFFFFC0];
	v58 =	vmul.f32 v56, v52;
	v6 =	vadd.f32 v7, v6;
	v7 =	vmul.f32 v63, v57  }
0x7e: {  	v19 =	vld [tilespmem:s11+$0x0];
	v41 =	vshll.u32 v31, $0x10;
	v4 =	vadd.f32 v9, v4;
	v1 =	vadd.f32 v62, v1  }
0x7f: {  	v25 =	vld [tilespmem:s11+$0x10];
	v38 =	vand.u32 $0xFFFF0000, v30;
	v3 =	vadd.f32 v18, v3;
	v6 =	vadd.f32 v7, v6  }
0x80: {  	v9 =	vmul.f32 v37, v35;
	v57 =	vld [tilespmem:s11+$0xFFFFFFD0];
	v4 =	vadd.f32 v22, v4;
	v1 =	vadd.f32 v23, v1  }
0x81: {  	v63 =	vld [tilespmem:s11+$0xFFFFFFE0];
	v3 =	vadd.f32 v8, v3;
	v7 =	vmul.f32 v33, v26;
	v8 =	vand.u32 $0xFFFF0000, v31  }
0x82: {  	v18 =	vld [tilespmem:s11+$0xFFFFFFF0];
	v15 =	vand.u32 $0xFFFF0000, v53;
	v44 =	vmul.f32 v8, v35;
	v8 =	vmul.f32 v12, v45  }
0x83: {  	v37 =	vld [tilespmem:s11+$0x40];
	v62 =	vshll.u32 v54, $0x10;
	v16 =	vand.u32 $0xFFFF0000, v54;
	v6 =	vadd.f32 v11, v6  }
0x84: {  	v33 =	vshll.u32 v25, $0x10;
	v4 =	vadd.f32 v29, v4;
	v1 =	vadd.f32 v32, v1  }
0x85: {  	v3 =	vadd.f32 v36, v3;
	v11 =	vmul.f32 v51, v45;
	v29 =	vshll.u32 v19, $0x10  }
0x86: {  	v36 =	vshll.u32 v30, $0x10;
	v17 =	vshll.u32 v57, $0x10;
	v21 =	vshll.u32 v63, $0x10  }
0x87: {  	v22 =	vand.u32 $0xFFFF0000, v63;
	v26 =	vshll.u32 v18, $0x10;
	v27 =	vand.u32 $0xFFFF0000, v18  }
0x88: {  	v42 =	vld [tilespmem:s11+$0x60];
	v45 =	vshll.u32 v37, $0x10;
	v46 =	vand.u32 $0xFFFF0000, v37;
	v6 =	vadd.f32 v7, v6  }
0x89: {  	v32 =	vld [tilespmem:s11+$0x30];
	v4 =	vadd.f32 v9, v4;
	v7 =	vmul.f32 v41, v35;
	v1 =	vadd.f32 v40, v1  }
0x8a: {  	v3 =	vadd.f32 v44, v3;
	v9 =	vmul.f32 v60, v52;
	v23 =	vmul.f32 v21, v2  }
0x8b: {  	v56 =	vld [tilespmem:s11+$0x90];
	v24 =	vmul.f32 v22, v2;
	v10 =	vmul.f32 v26, v2;
	v6 =	vadd.f32 v7, v6  }
0x8c: {  	v63 =	vld [tilespmem:s11+$0xA0];
	v2 =	vmul.f32 v27, v2;
	v4 =	vadd.f32 v48, v4;
	v1 =	vadd.f32 v49, v1  }
0x8d: {  	v18 =	vld [tilespmem:s11+$0xB0];
	v3 =	vadd.f32 v8, v3;
	v7 =	vmul.f32 v59, v52;
	v8 =	vand.u32 $0xFFFF0000, v57  }
0x8e: {  	v41 =	vld [tilespmem:s11+$0x50];
	v52 =	vshll.u32 v42, $0x10;
	v20 =	vmul.f32 v8, v61;
	v40 =	vshll.u32 v32, $0x10  }
0x8f: {  	v8 =	vand.u32 $0xFFFF0000, v32;
	v6 =	vadd.f32 v11, v6;
	v4 =	vadd.f32 v55, v4  }
0x90: {  	v5 =	vadd.f32 v58, v1;
	v1 =	vld.idx.msk [tilespmem:v0+s12+$0x10 ss:$0x1], $0xffff;
	v11 =	vmul.f32 v62, v61;
	v3 =	vadd.f32 v9, v3  }
0x91: {  	v9 =	vmul.f32 v17, v61;
	v55 =	vand.u32 $0xFFFF0000, v42;
	v62 =	vshll.u32 v53, $0x10  }
0x92: {  	v17 =	vshll.u32 v56, $0x10;
	v22 =	vshll.u32 v63, $0x10;
	v6 =	vadd.f32 v7, v6  }
0x93: {  	v27 =	vshll.u32 v18, $0x10;
	v50 =	vshll.u32 v41, $0x10;
	v4 =	vadd.f32 v11, v4  }
0x94: {  	v7 =	vmul.f32 v16, v61;
	v3 =	vadd.f32 v20, v3;
	v6 =	vadd.f32 v9, v6  }
0x95: {  	v4 =	vadd.f32 v23, v4;
	v28 =	vbroadcast v1, $0x0;
	v34 =	vbroadcast v1, $0x1  }
0x96: {  	v2 =	vadd.f32 v2, v3;
	v44 =	vbroadcast v1, $0x2;
	v51 =	vbroadcast v1, $0x3  }
0x97: {  	v30 =	vld [tilespmem:s11+$0xE0];
	v3 =	vand.u32 $0xFFFF0000, v19;
	v60 =	vbroadcast v1, $0x4;
	v21 =	vbroadcast v1, $0x5  }
0x98: {  	v49 =	vld [tilespmem:s11+$0x70];
	v23 =	vand.u32 $0xFFFF0000, v63;
	v37 =	vbroadcast v1, $0x7;
	v63 =	vbroadcast v1, $0xA  }
0x99: {  	v9 =	vand.u32 $0xFFFF0000, v25;
	v31 =	vmul.f32 v29, v28;
	v3 =	vmul.f32 v3, v28  }
0x9a: {  	v5 =	vadd.f32 v7, v5;
	v7 =	vmul.f32 v33, v28;
	v35 =	vmul.f32 v9, v28  }
0x9b: {  	v12 =	vand.u32 $0xFFFF0000, v41;
	v9 =	vmul.f32 v36, v34;
	v39 =	vmul.f32 v38, v34  }
0x9c: {  	v41 =	vand.u32 $0xFFFF0000, v30;
	v43 =	vmul.f32 v8, v34;
	v47 =	vmul.f32 v45, v44  }
0x9d: {  	v26 =	vld [tilespmem:s11+$0xD0];
	v58 =	vshll.u32 v49, $0x10;
	v48 =	vmul.f32 v46, v44;
	v11 =	vmul.f32 v50, v44  }
0x9e: {  	v59 =	vand.u32 $0xFFFF0000, v49;
	v8 =	vmul.f32 v12, v44;
	v54 =	vmul.f32 v52, v51  }
0x9f: {  	v19 =	vld [tilespmem:s11+$0xC0];
	v5 =	vadd.f32 v24, v5;
	v57 =	vmul.f32 v55, v51;
	v61 =	vmul.f32 v59, v51  }
0xa0: {  	v6 =	vadd.f32 v10, v6;
	v16 =	vmul.f32 v15, v60;
	v24 =	vmul.f32 v22, v21  }
0xa1: {  	v25 =	vmul.f32 v23, v21;
	v12 =	vand.u32 $0xFFFF0000, v18;
	v28 =	vbroadcast v1, $0x6;
	v33 =	vld [tilespmem:s11+$0xF0]  }
0xa2: {  	v36 =	vand.u32 $0xFFFF0000, v26;
	v44 =	vld [tilespmem:s11+$0x110];
	v4 =	vadd.f32 v31, v4;
	v3 =	vadd.f32 v3, v5  }
0xa3: {  	v42 =	vmul.f32 v41, v37;
	v45 =	vld [tilespmem:s11+$0x120];
	v6 =	vadd.f32 v7, v6;
	v2 =	vadd.f32 v35, v2  }
0xa4: {  	v52 =	vld [tilespmem:s11+$0x130];
	v7 =	vmul.f32 v40, v34;
	v29 =	vshll.u32 v19, $0x10;
	v32 =	vand.u32 $0xFFFF0000, v19  }
0xa5: {  	v18 =	vld [tilespmem:s11+$0x160];
	v35 =	vshll.u32 v26, $0x10;
	v38 =	vmul.f32 v36, v28;
	v31 =	vmul.f32 v29, v28  }
0xa6: {  	v23 =	vld [tilespmem:s11+$0x180];
	v34 =	vmul.f32 v32, v28;
	v4 =	vadd.f32 v9, v4;
	v3 =	vadd.f32 v39, v3  }
0xa7: {  	v32 =	vbroadcast v1, $0xC;
	v6 =	vadd.f32 v7, v6;
	v2 =	vadd.f32 v43, v2  }
0xa8: {  	v7 =	vmul.f32 v58, v51;
	v9 =	vmul.f32 v62, v60;
	v39 =	vshll.u32 v30, $0x10  }
0xa9: {  	v40 =	vld [tilespmem:s11+$0x100];
	v43 =	vshll.u32 v33, $0x10;
	v53 =	vshll.u32 v44, $0x10;
	v55 =	vshll.u32 v45, $0x10  }
0xaa: {  	v59 =	vld [tilespmem:s11+$0x150];
	v58 =	vand.u32 $0xFFFF0000, v45;
	v62 =	vand.u32 $0xFFFF0000, v52;
	v26 =	vshll.u32 v18, $0x10  }
0xab: {  	v36 =	vand.u32 $0xFFFF0000, v23;
	v4 =	vadd.f32 v47, v4;
	v3 =	vadd.f32 v48, v3  }
0xac: {  	v6 =	vadd.f32 v11, v6;
	v2 =	vadd.f32 v8, v2;
	v8 =	vand.u32 $0xFFFF0000, v56  }
0xad: {  	v11 =	vmul.f32 v27, v21;
	v47 =	vbroadcast v1, $0x8;
	v27 =	vand.u32 $0xFFFF0000, v18  }
0xae: {  	v41 =	vld [tilespmem:s11+$0x1B0];
	v20 =	vmul.f32 v8, v60;
	v8 =	vmul.f32 v12, v21;
	v48 =	vshll.u32 v40, $0x10  }
0xaf: {  	v49 =	vand.u32 $0xFFFF0000, v40;
	v12 =	vand.u32 $0xFFFF0000, v44;
	v21 =	vshll.u32 v59, $0x10  }
0xb0: {  	v40 =	vbroadcast v1, $0xD;
	v4 =	vadd.f32 v54, v4;
	v3 =	vadd.f32 v57, v3  }
0xb1: {  	v30 =	vld [tilespmem:s11+$0x190];
	v6 =	vadd.f32 v7, v6;
	v7 =	vmul.f32 v17, v60;
	v50 =	vmul.f32 v48, v47  }
0xb2: {  	v56 =	vld [tilespmem:s11+$0x140];
	v2 =	vadd.f32 v61, v2;
	v51 =	vmul.f32 v49, v47;
	v54 =	vbroadcast v1, $0x9  }
0xb3: {  	v61 =	vshll.u32 v52, $0x10;
	v48 =	vshll.u32 v41, $0x10;
	v49 =	vand.u32 $0xFFFF0000, v41  }
0xb4: {  	v5 =	vmul.f32 v48, v40;
	v4 =	vadd.f32 v9, v4;
	v3 =	vadd.f32 v16, v3  }
0xb5: {  	v6 =	vadd.f32 v7, v6;
	v7 =	vmul.f32 v35, v28;
	v9 =	vmul.f32 v39, v37  }
0xb6: {  	v44 =	vld [tilespmem:s11+$0x1C0];
	v2 =	vadd.f32 v20, v2;
	v57 =	vmul.f32 v55, v54;
	v60 =	vmul.f32 v58, v54  }
0xb7: {  	v22 =	vld [tilespmem:s11+$0x170];
	v16 =	vmul.f32 v62, v54;
	v39 =	vand.u32 $0xFFFF0000, v30;
	v17 =	vshll.u32 v56, $0x10  }
0xb8: {  	v19 =	vand.u32 $0xFFFF0000, v56;
	v4 =	vadd.f32 v24, v4;
	v3 =	vadd.f32 v25, v3  }
0xb9: {  	v6 =	vadd.f32 v11, v6;
	v2 =	vadd.f32 v8, v2;
	v11 =	vmul.f32 v53, v47  }
0xba: {  	v8 =	vand.u32 $0xFFFF0000, v33;
	v20 =	vmul.f32 v19, v63;
	v25 =	vbroadcast v1, $0xB  }
0xbb: {  	v33 =	vshll.u32 v23, $0x10;
	v52 =	vshll.u32 v44, $0x10;
	v53 =	vand.u32 $0xFFFF0000, v44  }
0xbc: {  	v55 =	vld [tilespmem:s11+$0x1F0];
	v46 =	vmul.f32 v8, v37;
	v8 =	vmul.f32 v12, v47;
	v12 =	vand.u32 $0xFFFF0000, v22  }
0xbd: {  	v35 =	vmul.f32 v33, v32;
	v4 =	vadd.f32 v31, v4;
	v3 =	vadd.f32 v34, v3  }
0xbe: {  	v6 =	vadd.f32 v7, v6;
	v2 =	vadd.f32 v38, v2;
	v7 =	vmul.f32 v43, v37  }
0xbf: {  	v28 =	vmul.f32 v26, v25;
	v29 =	vmul.f32 v27, v25;
	v31 =	vshll.u32 v22, $0x10  }
0xc0: {  	v47 =	vld [tilespmem:s11+$0x1D0];
	v37 =	vmul.f32 v36, v32;
	v38 =	vshll.u32 v30, $0x10;
	v4 =	vadd.f32 v9, v4  }
0xc1: {  	v62 =	vshll.u32 v55, $0x10;
	v3 =	vadd.f32 v42, v3;
	v6 =	vadd.f32 v7, v6  }
0xc2: {  	v34 =	vld [tilespmem:s11+$0x1A0];
	v2 =	vadd.f32 v46, v2;
	v7 =	vmul.f32 v61, v54;
	v4 =	vadd.f32 v50, v4  }
0xc3: {  	v9 =	vmul.f32 v17, v63;
	v3 =	vadd.f32 v51, v3;
	v6 =	vadd.f32 v11, v6  }
0xc4: {  	v2 =	vadd.f32 v8, v2;
	v8 =	vand.u32 $0xFFFF0000, v59;
	v11 =	vmul.f32 v31, v25  }
0xc5: {  	v50 =	vbroadcast v1, $0xE;
	v54 =	vshll.u32 v47, $0x10;
	v1 =	vbroadcast v1, $0xF  }
0xc6: {  	v59 =	vand.u32 $0xFFFF0000, v47;
	v24 =	vmul.f32 v8, v63;
	v8 =	vmul.f32 v12, v25  }
0xc7: {  	v42 =	vshll.u32 v34, $0x10;
	v43 =	vand.u32 $0xFFFF0000, v34;
	v4 =	vadd.f32 v57, v4  }
0xc8: {  	v51 =	vld [tilespmem:s11+$0x1E0];
	v3 =	vadd.f32 v60, v3;
	v6 =	vadd.f32 v7, v6;
	v7 =	vmul.f32 v21, v63  }
0xc9: {  	v2 =	vadd.f32 v16, v2;
	v45 =	vmul.f32 v42, v40;
	v46 =	vmul.f32 v43, v40  }
0xca: {  	v56 =	vmul.f32 v53, v50;
	v57 =	vmul.f32 v54, v50;
	v4 =	vadd.f32 v9, v4  }
0xcb: {  	v63 =	vand.u32 $0xFFFF0000, v55;
	v3 =	vadd.f32 v20, v3;
	v6 =	vadd.f32 v7, v6  }
0xcc: {  	v2 =	vadd.f32 v24, v2;
	v7 =	vmul.f32 v38, v32;
	v4 =	vadd.f32 v28, v4  }
0xcd: {  	v9 =	vmul.f32 v52, v50;
	v58 =	vshll.u32 v51, $0x10;
	v3 =	vadd.f32 v29, v3  }
0xce: {  	v60 =	vand.u32 $0xFFFF0000, v51;
	v6 =	vadd.f32 v11, v6;
	v4 =	vadd.f32 v35, v4  }
0xcf: {  	v2 =	vadd.f32 v8, v2;
	v8 =	vmul.f32 v39, v32;
	v3 =	vadd.f32 v37, v3  }
0xd0: {  	v61 =	vmul.f32 v60, v1;
	v6 =	vadd.f32 v7, v6;
	v4 =	vadd.f32 v45, v4  }
0xd1: {  	v2 =	vadd.f32 v8, v2;
	v7 =	vmul.f32 v49, v40;
	v3 =	vadd.f32 v46, v3  }
0xd2: {  	v5 =	vadd.f32 v5, v6;
	v6 =	vmul.f32 v58, v1;
	v4 =	vadd.f32 v9, v4  }
0xd3: {  	v2 =	vadd.f32 v7, v2;
	v7 =	vmul.f32 v59, v50;
	v3 =	vadd.f32 v56, v3  }
0xd4: {  	p0 =	sne.s32 s8, $0x780;
	v5 =	vadd.f32 v57, v5;
	v9 =	vmul.f32 v62, v1;
	v4 =	vadd.f32 v6, v4  }
.Ltmp0:
0xd5: {  	v2 =	vadd.f32 v7, v2;
	v1 =	vmul.f32 v63, v1;
	v3 =	vadd.f32 v61, v3;
	(pc) =	sbr.rel @p0 .LBB2_3-.Ltmp0, $4  }
0xd6: {  	v5 =	vadd.f32 v9, v5;
	[tilespmem:s10+$0xFFFFFFE0] =	vst v4  }
0xd7: {  	v1 =	vadd.f32 v1, v2;
	[tilespmem:s10+$0xFFFFFFF0] =	vst v3  }
0xd8: {  	[tilespmem:s10+$0x0] =	vst v5  }
0xd9: {  	s8 =	sadd.s32 $0x80, s8;
	s11 =	sadd.s32 $0x400, s11;
	[tilespmem:s10+$0x10] =	vst v1;
	s10 =	sadd.s32 $0x40, s10  }
0xda: {  	s8 =	sshll.u32 s13, $0xB  }
0xdb: {  	s8 =	sadd.s32 s9, s8  }
0xdc: {  	p0 =	seq.s32 s13, $0x9;
	s8 =	sshrl.u32 s8, $0x3  }
0xdd: {  	s7 =	sshrl.u32 @!p0 s7, $0x2;
	s8 =	sadd.s32 s3, s8  }
0xde: {  	[hbm4b:s8+s4] =	stream.linear.scatter [tilespmem:s28], [sflag:$0x3], $0x400, $0x38;
	[tilespmem:$0x12940] =	vst v63  }
0xdf: {  	s10 =	simm.s32 @!p0 $0x80;
	s11 =	simm.s32 @!p0 $0x5000;
	s8 =	sadd.s32 @!p0 $0x400, s7  }
0xe0: {  	[tilespmem:s11], [sflag:$0x1] =	stream.indirect.gather @!p0 [hbm4b:s5+s10], $0x20, s8, s10, $0xb8;
	[tilespmem:$0x12940] =	vst v63  }
0xe1: {  	s8 =	sadd.s32 @!p0 $0x480, s7;
	s11 =	simm.s32 @!p0 $0x6000  }
0xe2: {  	[tilespmem:s11], [sflag:$0x1] =	stream.indirect.gather @!p0 [hbm4b:s5+s10], $0x20, s8, s10, $0xb8;
	[tilespmem:$0x12940] =	vst v63  }
0xe3: {  	s8 =	sadd.s32 @!p0 $0x500, s7;
	s11 =	simm.s32 @!p0 $0x7000  }
0xe4: {  	[tilespmem:s11], [sflag:$0x1] =	stream.indirect.gather @!p0 [hbm4b:s5+s10], $0x20, s8, s10, $0xb8;
	[tilespmem:$0x12940] =	vst v63  }
0xe5: {  	p1 =	seq.s32 @!p0 s13, $0x0;
	s7 =	sadd.s32 @!p0 $0x580, s7;
	s8 =	simm.s32 @!p0 $0x8000  }
0xe6: {  	[tilespmem:s8], [sflag:$0x1] =	stream.indirect.gather @!p0 [hbm4b:s5+s10], $0x20, s7, s10, $0xb8;
	[tilespmem:$0x12940] =	vst v63  }
0xe7: {  	p0 =	por p0, !p1  }
0xe8: {  	_ =	swait.ge @p0 [sflag:s1], $0x400  }
0xe9: {  	[sflag:s1] =	ssyncset.done @p0 $0x0  }
0xea: {  	[sflag:s1] =	ssyncadd.s32 @p0 $0xFFFFFC00  }
0xeb: {  	_ =	swait.ge [sflag:s29], $0x1000  }
0xec: {  	[sflag:s29] =	ssyncset.done $0x0  }
0xed: {  	[sflag:s29] =	ssyncadd.s32 $0xFFFFF000  }
0xee: {  	_ =	swait.ge [sflag:s29], $0x1000  }
0xef: {  	[sflag:s29] =	ssyncset.done $0x0  }
0xf0: {  	[sflag:s29] =	ssyncadd.s32 $0xFFFFF000  }
0xf1: {  	_ =	swait.ge [sflag:s29], $0x1000  }
0xf2: {  	[sflag:s29] =	ssyncset.done $0x0  }
0xf3: {  	[sflag:s29] =	ssyncadd.s32 $0xFFFFF000  }
0xf4: {  	_ =	swait.ge [sflag:s29], $0x1000  }
0xf5: {  	s7 =	simm.s32 $0x0;
	[sflag:s29] =	ssyncset.done $0x0  }
0xf6: {  	v0 =	vmov s21;
	s8 =	simm.s32 $0xD420;
	s10 =	simm.s32 $0x9200;
	[sflag:s29] =	ssyncadd.s32 $0xFFFFF000  }
.LBB2_5:
0xf7: {  	v1 =	vld [tilespmem:s10+$0xFFFFFE00]  }
0xf8: {  	v3 =	vld [tilespmem:s10+$0xFFFFFE10]  }
0xf9: {  	v4 =	vld [tilespmem:s10+$0xFFFFFE20]  }
0xfa: {  	v7 =	vld [tilespmem:s10+$0xFFFFFE30]  }
0xfb: {  	v10 =	vld [tilespmem:s10+$0xFFFFFE40]  }
0xfc: {  	v11 =	vld [tilespmem:s10+$0xFFFFFE50]  }
0xfd: {  	v59 =	vld [tilespmem:s10+$0xFFFFFE60]  }
0xfe: {  	s11 =	sshra.s32 s7, $0x2;
	v63 =	vld [tilespmem:s10+$0xFFFFFE70]  }
0xff: {  	v2 =	vld.idx.msk [tilespmem:v0+s11+$0x0 ss:$0x1], $0xffff  }
0x100: {  	v6 =	vshll.u32 v1, $0x10;
	v1 =	vand.u32 $0xFFFF0000, v1;
	v8 =	vshll.u32 v3, $0x10  }
0x101: {  	v17 =	vld [tilespmem:s10+$0xFFFFFE80];
	v3 =	vand.u32 $0xFFFF0000, v3;
	v55 =	vshll.u32 v4, $0x10;
	v4 =	vand.u32 $0xFFFF0000, v4  }
0x102: {  	v56 =	vshll.u32 v7, $0x10;
	v7 =	vand.u32 $0xFFFF0000, v7;
	v58 =	vshll.u32 v10, $0x10  }
0x103: {  	v23 =	vld [tilespmem:s10+$0xFFFFFE90];
	v60 =	vand.u32 $0xFFFF0000, v10;
	v62 =	vshll.u32 v11, $0x10;
	v16 =	vand.u32 $0xFFFF0000, v11  }
0x104: {  	v14 =	vld [tilespmem:s10+$0xFFFFFEA0];
	v20 =	vshll.u32 v59, $0x10;
	v24 =	vshll.u32 v63, $0x10;
	v5 =	vbroadcast v2, $0x0  }
0x105: {  	v10 =	vand.u32 $0xFFFF0000, v63;
	v9 =	vbroadcast v2, $0x1;
	v12 =	vbroadcast v2, $0x2  }
0x106: {  	v28 =	vld [tilespmem:s10+$0xFFFFFEB0];
	v25 =	vshll.u32 v17, $0x10;
	v19 =	vbroadcast v2, $0x3;
	v13 =	vbroadcast v2, $0x4  }
0x107: {  	v34 =	vld [tilespmem:s10+$0xFFFFFEC0];
	v27 =	vand.u32 $0xFFFF0000, v17;
	v31 =	vbroadcast v2, $0x5;
	v41 =	vbroadcast v2, $0x6  }
0x108: {  	v30 =	vshll.u32 v23, $0x10;
	v48 =	vbroadcast v2, $0x7;
	v6 =	vmul.f32 v6, v5  }
0x109: {  	v38 =	vld [tilespmem:s10+$0xFFFFFED0];
	v33 =	vshll.u32 v14, $0x10;
	v1 =	vmul.f32 v1, v5;
	v8 =	vmul.f32 v8, v5  }
0x10a: {  	v39 =	vld [tilespmem:s10+$0xFFFFFEE0];
	v35 =	vand.u32 $0xFFFF0000, v14;
	v3 =	vmul.f32 v3, v5;
	v5 =	vmul.f32 v55, v9  }
0x10b: {  	v37 =	vshll.u32 v28, $0x10;
	v4 =	vmul.f32 v4, v9;
	v57 =	vmul.f32 v7, v9  }
0x10c: {  	v53 =	vld [tilespmem:s10+$0xFFFFFF10];
	v42 =	vshll.u32 v34, $0x10;
	v7 =	vmul.f32 v58, v12;
	v61 =	vmul.f32 v60, v12  }
0x10d: {  	v46 =	vld [tilespmem:s10+$0xFFFFFEF0];
	v43 =	vand.u32 $0xFFFF0000, v34;
	v18 =	vmul.f32 v16, v12;
	v21 =	vmul.f32 v20, v19  }
0x10e: {  	v47 =	vshll.u32 v38, $0x10;
	v26 =	vmul.f32 v25, v13;
	v29 =	vmul.f32 v27, v13  }
0x10f: {  	v49 =	vshll.u32 v39, $0x10;
	v17 =	vld [tilespmem:s10+$0xFFFFFF40];
	v36 =	vmul.f32 v35, v31;
	v44 =	vmul.f32 v42, v41  }
0x110: {  	v52 =	vand.u32 $0xFFFF0000, v39;
	v45 =	vmul.f32 v43, v41;
	v11 =	vmul.f32 v47, v41  }
0x111: {  	v50 =	vld [tilespmem:s10+$0xFFFFFF00];
	v63 =	vshll.u32 v53, $0x10;
	v51 =	vmul.f32 v49, v48;
	v54 =	vmul.f32 v52, v48  }
0x112: {  	v55 =	vshll.u32 v46, $0x10;
	v60 =	vld [tilespmem:s10+$0xFFFFFF20];
	v35 =	vbroadcast v2, $0xB;
	v6 =	vadd.f32 $0.0e+00, v6  }
0x113: {  	v16 =	vld [tilespmem:s10+$0xFFFFFF30];
	v52 =	vbroadcast v2, $0xD;
	v1 =	vadd.f32 $0.0e+00, v1;
	v3 =	vadd.f32 $0.0e+00, v3  }
0x114: {  	v43 =	vld [tilespmem:s10+$0xFFFFFFA0];
	v8 =	vadd.f32 $0.0e+00, v8;
	v27 =	vshll.u32 v17, $0x10;
	v5 =	vadd.f32 v5, v6  }
0x115: {  	v6 =	vmul.f32 v56, v9;
	v1 =	vadd.f32 v4, v1;
	v3 =	vadd.f32 v57, v3  }
0x116: {  	v9 =	vand.u32 $0xFFFF0000, v59;
	v56 =	vand.u32 $0xFFFF0000, v46;
	v57 =	vbroadcast v2, $0x8  }
0x117: {  	v59 =	vshll.u32 v50, $0x10;
	v22 =	vmul.f32 v9, v19;
	v9 =	vand.u32 $0xFFFF0000, v23  }
0x118: {  	v58 =	vmul.f32 v56, v48;
	v20 =	vshll.u32 v60, $0x10;
	v25 =	vshll.u32 v16, $0x10  }
0x119: {  	v56 =	vand.u32 $0xFFFF0000, v43;
	v6 =	vadd.f32 v6, v8;
	v5 =	vadd.f32 v7, v5  }
0x11a: {  	v8 =	vmul.f32 v62, v12;
	v1 =	vadd.f32 v61, v1;
	v12 =	vmul.f32 v24, v19  }
0x11b: {  	v3 =	vadd.f32 v18, v3;
	v7 =	vmul.f32 v10, v19;
	v32 =	vmul.f32 v9, v13  }
0x11c: {  	v9 =	vmul.f32 v33, v31;
	v61 =	vand.u32 $0xFFFF0000, v50;
	v19 =	vbroadcast v2, $0x9  }
0x11d: {  	v62 =	vmul.f32 v61, v57;
	v6 =	vadd.f32 v8, v6;
	v4 =	vadd.f32 v21, v5  }
0x11e: {  	v24 =	vld [tilespmem:s10+$0xFFFFFF50];
	v61 =	vbroadcast v2, $0xE;
	v1 =	vadd.f32 v22, v1;
	v3 =	vadd.f32 v7, v3  }
0x11f: {  	v50 =	vld [tilespmem:s10+$0xFFFFFFB0];
	v7 =	vmul.f32 v30, v13;
	v8 =	vand.u32 $0xFFFF0000, v28;
	v21 =	vand.u32 $0xFFFF0000, v60  }
0x120: {  	v22 =	vmul.f32 v20, v19;
	v30 =	vand.u32 $0xFFFF0000, v17;
	v40 =	vmul.f32 v8, v31  }
0x121: {  	v23 =	vmul.f32 v21, v19;
	v6 =	vadd.f32 v12, v6;
	v4 =	vadd.f32 v26, v4  }
0x122: {  	v1 =	vadd.f32 v29, v1;
	v3 =	vadd.f32 v32, v3;
	v12 =	vand.u32 $0xFFFF0000, v38  }
0x123: {  	v28 =	vld [tilespmem:s10+$0xFFFFFF60];
	v26 =	vbroadcast v2, $0xA;
	v8 =	vmul.f32 v12, v41;
	v12 =	vand.u32 $0xFFFF0000, v16  }
0x124: {  	v33 =	vshll.u32 v24, $0x10;
	v34 =	vand.u32 $0xFFFF0000, v24;
	v60 =	vand.u32 $0xFFFF0000, v50  }
0x125: {  	v6 =	vadd.f32 v7, v6;
	v4 =	vadd.f32 v9, v4;
	v7 =	vmul.f32 v37, v31  }
0x126: {  	v1 =	vadd.f32 v36, v1;
	v9 =	vmul.f32 v59, v57;
	v29 =	vmul.f32 v27, v26  }
0x127: {  	v42 =	vld [tilespmem:s10+$0xFFFFFF90];
	v3 =	vadd.f32 v40, v3;
	v32 =	vmul.f32 v30, v26;
	v36 =	vmul.f32 v34, v26  }
0x128: {  	v38 =	vld [tilespmem:s10+$0xFFFFFF80];
	v59 =	vshll.u32 v50, $0x10;
	v37 =	vshll.u32 v28, $0x10;
	v6 =	vadd.f32 v7, v6  }
0x129: {  	v39 =	vand.u32 $0xFFFF0000, v28;
	v4 =	vadd.f32 v44, v4;
	v1 =	vadd.f32 v45, v1  }
0x12a: {  	v3 =	vadd.f32 v8, v3;
	v7 =	vmul.f32 v55, v48;
	v40 =	vmul.f32 v39, v35  }
0x12b: {  	v8 =	vand.u32 $0xFFFF0000, v53;
	v45 =	vbroadcast v2, $0xC;
	v2 =	vbroadcast v2, $0xF  }
0x12c: {  	v53 =	vshll.u32 v43, $0x10;
	v18 =	vmul.f32 v8, v57;
	v8 =	vmul.f32 v12, v19  }
0x12d: {  	v31 =	vld [tilespmem:s10+$0xFFFFFF70];
	v46 =	vshll.u32 v38, $0x10;
	v47 =	vand.u32 $0xFFFF0000, v38;
	v12 =	vand.u32 $0xFFFF0000, v42  }
0x12e: {  	v30 =	vld [tilespmem:s10+$0x20];
	v55 =	vmul.f32 v53, v52;
	v6 =	vadd.f32 v11, v6;
	v4 =	vadd.f32 v51, v4  }
0x12f: {  	v1 =	vadd.f32 v54, v1;
	v3 =	vadd.f32 v58, v3;
	v11 =	vmul.f32 v25, v19  }
0x130: {  	v53 =	vld [tilespmem:s10+$0x80];
	v48 =	vmul.f32 v46, v45;
	v49 =	vmul.f32 v47, v45;
	v51 =	vshll.u32 v42, $0x10  }
0x131: {  	v54 =	vld [tilespmem:s10+$0xFFFFFFC0];
	v58 =	vmul.f32 v56, v52;
	v6 =	vadd.f32 v7, v6;
	v7 =	vmul.f32 v63, v57  }
0x132: {  	v19 =	vld [tilespmem:s10+$0x0];
	v41 =	vshll.u32 v31, $0x10;
	v4 =	vadd.f32 v9, v4;
	v1 =	vadd.f32 v62, v1  }
0x133: {  	v25 =	vld [tilespmem:s10+$0x10];
	v38 =	vand.u32 $0xFFFF0000, v30;
	v3 =	vadd.f32 v18, v3;
	v6 =	vadd.f32 v7, v6  }
0x134: {  	v9 =	vmul.f32 v37, v35;
	v57 =	vld [tilespmem:s10+$0xFFFFFFD0];
	v4 =	vadd.f32 v22, v4;
	v1 =	vadd.f32 v23, v1  }
0x135: {  	v63 =	vld [tilespmem:s10+$0xFFFFFFE0];
	v3 =	vadd.f32 v8, v3;
	v7 =	vmul.f32 v33, v26;
	v8 =	vand.u32 $0xFFFF0000, v31  }
0x136: {  	v18 =	vld [tilespmem:s10+$0xFFFFFFF0];
	v15 =	vand.u32 $0xFFFF0000, v53;
	v44 =	vmul.f32 v8, v35;
	v8 =	vmul.f32 v12, v45  }
0x137: {  	v37 =	vld [tilespmem:s10+$0x40];
	v62 =	vshll.u32 v54, $0x10;
	v16 =	vand.u32 $0xFFFF0000, v54;
	v6 =	vadd.f32 v11, v6  }
0x138: {  	v33 =	vshll.u32 v25, $0x10;
	v4 =	vadd.f32 v29, v4;
	v1 =	vadd.f32 v32, v1  }
0x139: {  	v3 =	vadd.f32 v36, v3;
	v11 =	vmul.f32 v51, v45;
	v29 =	vshll.u32 v19, $0x10  }
0x13a: {  	v36 =	vshll.u32 v30, $0x10;
	v17 =	vshll.u32 v57, $0x10;
	v21 =	vshll.u32 v63, $0x10  }
0x13b: {  	v22 =	vand.u32 $0xFFFF0000, v63;
	v26 =	vshll.u32 v18, $0x10;
	v27 =	vand.u32 $0xFFFF0000, v18  }
0x13c: {  	v42 =	vld [tilespmem:s10+$0x60];
	v45 =	vshll.u32 v37, $0x10;
	v46 =	vand.u32 $0xFFFF0000, v37;
	v6 =	vadd.f32 v7, v6  }
0x13d: {  	v32 =	vld [tilespmem:s10+$0x30];
	v4 =	vadd.f32 v9, v4;
	v7 =	vmul.f32 v41, v35;
	v1 =	vadd.f32 v40, v1  }
0x13e: {  	v3 =	vadd.f32 v44, v3;
	v9 =	vmul.f32 v60, v52;
	v23 =	vmul.f32 v21, v2  }
0x13f: {  	v56 =	vld [tilespmem:s10+$0x90];
	v24 =	vmul.f32 v22, v2;
	v10 =	vmul.f32 v26, v2;
	v6 =	vadd.f32 v7, v6  }
0x140: {  	v63 =	vld [tilespmem:s10+$0xA0];
	v2 =	vmul.f32 v27, v2;
	v4 =	vadd.f32 v48, v4;
	v1 =	vadd.f32 v49, v1  }
0x141: {  	v18 =	vld [tilespmem:s10+$0xB0];
	v3 =	vadd.f32 v8, v3;
	v7 =	vmul.f32 v59, v52;
	v8 =	vand.u32 $0xFFFF0000, v57  }
0x142: {  	v41 =	vld [tilespmem:s10+$0x50];
	v52 =	vshll.u32 v42, $0x10;
	v20 =	vmul.f32 v8, v61;
	v40 =	vshll.u32 v32, $0x10  }
0x143: {  	v8 =	vand.u32 $0xFFFF0000, v32;
	v6 =	vadd.f32 v11, v6;
	v4 =	vadd.f32 v55, v4  }
0x144: {  	v5 =	vadd.f32 v58, v1;
	v1 =	vld.idx.msk [tilespmem:v0+s11+$0x10 ss:$0x1], $0xffff;
	v11 =	vmul.f32 v62, v61;
	v3 =	vadd.f32 v9, v3  }
0x145: {  	v9 =	vmul.f32 v17, v61;
	v55 =	vand.u32 $0xFFFF0000, v42;
	v62 =	vshll.u32 v53, $0x10  }
0x146: {  	v17 =	vshll.u32 v56, $0x10;
	v22 =	vshll.u32 v63, $0x10;
	v6 =	vadd.f32 v7, v6  }
0x147: {  	v27 =	vshll.u32 v18, $0x10;
	v50 =	vshll.u32 v41, $0x10;
	v4 =	vadd.f32 v11, v4  }
0x148: {  	v7 =	vmul.f32 v16, v61;
	v3 =	vadd.f32 v20, v3;
	v6 =	vadd.f32 v9, v6  }
0x149: {  	v4 =	vadd.f32 v23, v4;
	v28 =	vbroadcast v1, $0x0;
	v34 =	vbroadcast v1, $0x1  }
0x14a: {  	v2 =	vadd.f32 v2, v3;
	v44 =	vbroadcast v1, $0x2;
	v51 =	vbroadcast v1, $0x3  }
0x14b: {  	v30 =	vld [tilespmem:s10+$0xE0];
	v3 =	vand.u32 $0xFFFF0000, v19;
	v60 =	vbroadcast v1, $0x4;
	v21 =	vbroadcast v1, $0x5  }
0x14c: {  	v49 =	vld [tilespmem:s10+$0x70];
	v23 =	vand.u32 $0xFFFF0000, v63;
	v37 =	vbroadcast v1, $0x7;
	v63 =	vbroadcast v1, $0xA  }
0x14d: {  	v9 =	vand.u32 $0xFFFF0000, v25;
	v31 =	vmul.f32 v29, v28;
	v3 =	vmul.f32 v3, v28  }
0x14e: {  	v5 =	vadd.f32 v7, v5;
	v7 =	vmul.f32 v33, v28;
	v35 =	vmul.f32 v9, v28  }
0x14f: {  	v12 =	vand.u32 $0xFFFF0000, v41;
	v9 =	vmul.f32 v36, v34;
	v39 =	vmul.f32 v38, v34  }
0x150: {  	v41 =	vand.u32 $0xFFFF0000, v30;
	v43 =	vmul.f32 v8, v34;
	v47 =	vmul.f32 v45, v44  }
0x151: {  	v26 =	vld [tilespmem:s10+$0xD0];
	v58 =	vshll.u32 v49, $0x10;
	v48 =	vmul.f32 v46, v44;
	v11 =	vmul.f32 v50, v44  }
0x152: {  	v59 =	vand.u32 $0xFFFF0000, v49;
	v8 =	vmul.f32 v12, v44;
	v54 =	vmul.f32 v52, v51  }
0x153: {  	v19 =	vld [tilespmem:s10+$0xC0];
	v5 =	vadd.f32 v24, v5;
	v57 =	vmul.f32 v55, v51;
	v61 =	vmul.f32 v59, v51  }
0x154: {  	v6 =	vadd.f32 v10, v6;
	v16 =	vmul.f32 v15, v60;
	v24 =	vmul.f32 v22, v21  }
0x155: {  	v25 =	vmul.f32 v23, v21;
	v12 =	vand.u32 $0xFFFF0000, v18;
	v28 =	vbroadcast v1, $0x6;
	v33 =	vld [tilespmem:s10+$0xF0]  }
0x156: {  	v36 =	vand.u32 $0xFFFF0000, v26;
	v44 =	vld [tilespmem:s10+$0x110];
	v4 =	vadd.f32 v31, v4;
	v3 =	vadd.f32 v3, v5  }
0x157: {  	v42 =	vmul.f32 v41, v37;
	v45 =	vld [tilespmem:s10+$0x120];
	v6 =	vadd.f32 v7, v6;
	v2 =	vadd.f32 v35, v2  }
0x158: {  	v52 =	vld [tilespmem:s10+$0x130];
	v7 =	vmul.f32 v40, v34;
	v29 =	vshll.u32 v19, $0x10;
	v32 =	vand.u32 $0xFFFF0000, v19  }
0x159: {  	v18 =	vld [tilespmem:s10+$0x160];
	v35 =	vshll.u32 v26, $0x10;
	v38 =	vmul.f32 v36, v28;
	v31 =	vmul.f32 v29, v28  }
0x15a: {  	v23 =	vld [tilespmem:s10+$0x180];
	v34 =	vmul.f32 v32, v28;
	v4 =	vadd.f32 v9, v4;
	v3 =	vadd.f32 v39, v3  }
0x15b: {  	v32 =	vbroadcast v1, $0xC;
	v6 =	vadd.f32 v7, v6;
	v2 =	vadd.f32 v43, v2  }
0x15c: {  	v7 =	vmul.f32 v58, v51;
	v9 =	vmul.f32 v62, v60;
	v39 =	vshll.u32 v30, $0x10  }
0x15d: {  	v40 =	vld [tilespmem:s10+$0x100];
	v43 =	vshll.u32 v33, $0x10;
	v53 =	vshll.u32 v44, $0x10;
	v55 =	vshll.u32 v45, $0x10  }
0x15e: {  	v59 =	vld [tilespmem:s10+$0x150];
	v58 =	vand.u32 $0xFFFF0000, v45;
	v62 =	vand.u32 $0xFFFF0000, v52;
	v26 =	vshll.u32 v18, $0x10  }
0x15f: {  	v36 =	vand.u32 $0xFFFF0000, v23;
	v4 =	vadd.f32 v47, v4;
	v3 =	vadd.f32 v48, v3  }
0x160: {  	v6 =	vadd.f32 v11, v6;
	v2 =	vadd.f32 v8, v2;
	v8 =	vand.u32 $0xFFFF0000, v56  }
0x161: {  	v11 =	vmul.f32 v27, v21;
	v47 =	vbroadcast v1, $0x8;
	v27 =	vand.u32 $0xFFFF0000, v18  }
0x162: {  	v41 =	vld [tilespmem:s10+$0x1B0];
	v20 =	vmul.f32 v8, v60;
	v8 =	vmul.f32 v12, v21;
	v48 =	vshll.u32 v40, $0x10  }
0x163: {  	v49 =	vand.u32 $0xFFFF0000, v40;
	v12 =	vand.u32 $0xFFFF0000, v44;
	v21 =	vshll.u32 v59, $0x10  }
0x164: {  	v40 =	vbroadcast v1, $0xD;
	v4 =	vadd.f32 v54, v4;
	v3 =	vadd.f32 v57, v3  }
0x165: {  	v30 =	vld [tilespmem:s10+$0x190];
	v6 =	vadd.f32 v7, v6;
	v7 =	vmul.f32 v17, v60;
	v50 =	vmul.f32 v48, v47  }
0x166: {  	v56 =	vld [tilespmem:s10+$0x140];
	v2 =	vadd.f32 v61, v2;
	v51 =	vmul.f32 v49, v47;
	v54 =	vbroadcast v1, $0x9  }
0x167: {  	v61 =	vshll.u32 v52, $0x10;
	v48 =	vshll.u32 v41, $0x10;
	v49 =	vand.u32 $0xFFFF0000, v41  }
0x168: {  	v5 =	vmul.f32 v48, v40;
	v4 =	vadd.f32 v9, v4;
	v3 =	vadd.f32 v16, v3  }
0x169: {  	v6 =	vadd.f32 v7, v6;
	v7 =	vmul.f32 v35, v28;
	v9 =	vmul.f32 v39, v37  }
0x16a: {  	v44 =	vld [tilespmem:s10+$0x1C0];
	v2 =	vadd.f32 v20, v2;
	v57 =	vmul.f32 v55, v54;
	v60 =	vmul.f32 v58, v54  }
0x16b: {  	v22 =	vld [tilespmem:s10+$0x170];
	v16 =	vmul.f32 v62, v54;
	v39 =	vand.u32 $0xFFFF0000, v30;
	v17 =	vshll.u32 v56, $0x10  }
0x16c: {  	v19 =	vand.u32 $0xFFFF0000, v56;
	v4 =	vadd.f32 v24, v4;
	v3 =	vadd.f32 v25, v3  }
0x16d: {  	v6 =	vadd.f32 v11, v6;
	v2 =	vadd.f32 v8, v2;
	v11 =	vmul.f32 v53, v47  }
0x16e: {  	v8 =	vand.u32 $0xFFFF0000, v33;
	v20 =	vmul.f32 v19, v63;
	v25 =	vbroadcast v1, $0xB  }
0x16f: {  	v33 =	vshll.u32 v23, $0x10;
	v52 =	vshll.u32 v44, $0x10;
	v53 =	vand.u32 $0xFFFF0000, v44  }
0x170: {  	v55 =	vld [tilespmem:s10+$0x1F0];
	v46 =	vmul.f32 v8, v37;
	v8 =	vmul.f32 v12, v47;
	v12 =	vand.u32 $0xFFFF0000, v22  }
0x171: {  	v35 =	vmul.f32 v33, v32;
	v4 =	vadd.f32 v31, v4;
	v3 =	vadd.f32 v34, v3  }
0x172: {  	v6 =	vadd.f32 v7, v6;
	v2 =	vadd.f32 v38, v2;
	v7 =	vmul.f32 v43, v37  }
0x173: {  	v28 =	vmul.f32 v26, v25;
	v29 =	vmul.f32 v27, v25;
	v31 =	vshll.u32 v22, $0x10  }
0x174: {  	v47 =	vld [tilespmem:s10+$0x1D0];
	v37 =	vmul.f32 v36, v32;
	v38 =	vshll.u32 v30, $0x10;
	v4 =	vadd.f32 v9, v4  }
0x175: {  	v62 =	vshll.u32 v55, $0x10;
	v3 =	vadd.f32 v42, v3;
	v6 =	vadd.f32 v7, v6  }
0x176: {  	v34 =	vld [tilespmem:s10+$0x1A0];
	v2 =	vadd.f32 v46, v2;
	v7 =	vmul.f32 v61, v54;
	v4 =	vadd.f32 v50, v4  }
0x177: {  	v9 =	vmul.f32 v17, v63;
	v3 =	vadd.f32 v51, v3;
	v6 =	vadd.f32 v11, v6  }
0x178: {  	v2 =	vadd.f32 v8, v2;
	v8 =	vand.u32 $0xFFFF0000, v59;
	v11 =	vmul.f32 v31, v25  }
0x179: {  	v50 =	vbroadcast v1, $0xE;
	v54 =	vshll.u32 v47, $0x10;
	v1 =	vbroadcast v1, $0xF  }
0x17a: {  	v59 =	vand.u32 $0xFFFF0000, v47;
	v24 =	vmul.f32 v8, v63;
	v8 =	vmul.f32 v12, v25  }
0x17b: {  	v42 =	vshll.u32 v34, $0x10;
	v43 =	vand.u32 $0xFFFF0000, v34;
	v4 =	vadd.f32 v57, v4  }
0x17c: {  	v51 =	vld [tilespmem:s10+$0x1E0];
	v3 =	vadd.f32 v60, v3;
	v6 =	vadd.f32 v7, v6;
	v7 =	vmul.f32 v21, v63  }
0x17d: {  	v2 =	vadd.f32 v16, v2;
	v45 =	vmul.f32 v42, v40;
	v46 =	vmul.f32 v43, v40  }
0x17e: {  	v56 =	vmul.f32 v53, v50;
	v57 =	vmul.f32 v54, v50;
	v4 =	vadd.f32 v9, v4  }
0x17f: {  	v63 =	vand.u32 $0xFFFF0000, v55;
	v3 =	vadd.f32 v20, v3;
	v6 =	vadd.f32 v7, v6  }
0x180: {  	v2 =	vadd.f32 v24, v2;
	v7 =	vmul.f32 v38, v32;
	v4 =	vadd.f32 v28, v4  }
0x181: {  	v9 =	vmul.f32 v52, v50;
	v58 =	vshll.u32 v51, $0x10;
	v3 =	vadd.f32 v29, v3  }
0x182: {  	v60 =	vand.u32 $0xFFFF0000, v51;
	v6 =	vadd.f32 v11, v6;
	v4 =	vadd.f32 v35, v4  }
0x183: {  	v2 =	vadd.f32 v8, v2;
	v8 =	vmul.f32 v39, v32;
	v3 =	vadd.f32 v37, v3  }
0x184: {  	v61 =	vmul.f32 v60, v1;
	v6 =	vadd.f32 v7, v6;
	v4 =	vadd.f32 v45, v4  }
0x185: {  	v2 =	vadd.f32 v8, v2;
	v7 =	vmul.f32 v49, v40;
	v3 =	vadd.f32 v46, v3  }
0x186: {  	v5 =	vadd.f32 v5, v6;
	v6 =	vmul.f32 v58, v1;
	v4 =	vadd.f32 v9, v4  }
0x187: {  	v2 =	vadd.f32 v7, v2;
	v7 =	vmul.f32 v59, v50;
	v3 =	vadd.f32 v56, v3  }
0x188: {  	p0 =	sne.s32 s7, $0x780;
	v5 =	vadd.f32 v57, v5;
	v9 =	vmul.f32 v62, v1;
	v4 =	vadd.f32 v6, v4  }
.Ltmp1:
0x189: {  	v2 =	vadd.f32 v7, v2;
	v1 =	vmul.f32 v63, v1;
	v3 =	vadd.f32 v61, v3;
	(pc) =	sbr.rel @p0 .LBB2_5-.Ltmp1, $4  }
0x18a: {  	v5 =	vadd.f32 v9, v5;
	[tilespmem:s8+$0xFFFFFFE0] =	vst v4  }
0x18b: {  	v1 =	vadd.f32 v1, v2;
	[tilespmem:s8+$0xFFFFFFF0] =	vst v3  }
0x18c: {  	[tilespmem:s8+$0x0] =	vst v5  }
0x18d: {  	s7 =	sadd.s32 $0x80, s7;
	s10 =	sadd.s32 $0x400, s10;
	[tilespmem:s8+$0x10] =	vst v1;
	s8 =	sadd.s32 $0x40, s8  }
0x18e: {  	s13 =	sadd.s32 $0x1, s13  }
0x18f: {  	p0 =	sne.s32 s13, $0xA  }
.Ltmp2:
0x190: {  	s6 =	sshll.u32 s6, $0xA;
	(pc) =	sbr.rel @p0 .LBB2_2-.Ltmp2, $4  }
0x191: {  	s6 =	sadd.s32 s9, s6  }
0x192: {  	s6 =	sshrl.u32 s6, $0x3  }
0x193: {  	s20 =	sadd.s32 $0x400, s20;
	s21 =	sadd.s32 $0x400, s21;
	s6 =	sadd.s32 s3, s6  }
0x194: {  	[hbm4b:s6+s4] =	stream.linear.scatter [tilespmem:s30], [sflag:$0x4], $0x400, $0x38;
	[tilespmem:$0x12940] =	vst v63  }
0x195: {  	_ =	swait.ge [sflag:s31], $0x400  }
0x196: {  	[sflag:s31] =	ssyncset.done $0x0  }
0x197: {  	[sflag:s31] =	ssyncadd.s32 $0xFFFFFC00  }
0x198: {  	_ =	swait.ge [sflag:s1], $0x400  }
0x199: {  	[sflag:s1] =	ssyncset.done $0x0  }
0x19a: {  	s7 =	simm.s32 $0xD800;
	[sflag:s1] =	ssyncadd.s32 $0xFFFFFC00  }
0x19b: {  	[tilespmem:s0], [sflag:$0x5] =	stream.indirect.gather [hbm4b:s2+s15], $0x80, s7, s15, $0xb8;
	[tilespmem:$0x12940] =	vst v63  }
0x19c: {  	s6 =	simm.s32 $0xD880  }
0x19d: {  	[tilespmem:s18], [sflag:$0x5] =	stream.indirect.gather [hbm4b:s2+s16], $0x80, s6, s16, $0xb8;
	[tilespmem:$0x12940] =	vst v63  }
0x19e: {  	_ =	swait.ge [sflag:s19], $0x4000  }
0x19f: {  	[sflag:s19] =	ssyncset.done $0x0  }
0x1a0: {  	[sflag:s19] =	ssyncadd.s32 $0xFFFFC000  }
0x1a1: {  	_ =	swait.ge [sflag:s19], $0x1000  }
0x1a2: {  	[sflag:s19] =	ssyncset.done $0x0  }
0x1a3: {  	s11 =	rddreg [dreg:$0x7];
	[sflag:s19] =	ssyncadd.s32 $0xFFFFF000  }
0x1a4: {  	[hbm4b:s11+s4] =	stream.linear.scatter [tilespmem:s0], [sflag:$0x6], $0x5000, $0x38;
	[tilespmem:$0x12940] =	vst v63  }
0x1a5: {  	_ =	swait.ge [sflag:s14], $0x5000  }
0x1a6: {  	[sflag:s14] =	ssyncset.done $0x0  }
0x1a7: {  	s12 =	simm.s32 $0xD8A0;
	[sflag:s14] =	ssyncadd.s32 $0xFFFFB000  }
0x1a8: {  	[tilespmem:s0], [sflag:$0x5] =	stream.indirect.gather [hbm4b:s2+s15], $0x80, s12, s15, $0xb8;
	[tilespmem:$0x12940] =	vst v63  }
0x1a9: {  	s13 =	simm.s32 $0xD920  }
0x1aa: {  	[tilespmem:s18], [sflag:$0x5] =	stream.indirect.gather [hbm4b:s2+s16], $0x80, s13, s16, $0xb8;
	[tilespmem:$0x12940] =	vst v63  }
0x1ab: {  	_ =	swait.ge [sflag:s19], $0x4000  }
0x1ac: {  	[sflag:s19] =	ssyncset.done $0x0  }
0x1ad: {  	[sflag:s19] =	ssyncadd.s32 $0xFFFFC000  }
0x1ae: {  	_ =	swait.ge [sflag:s19], $0x1000  }
0x1af: {  	[sflag:s19] =	ssyncset.done $0x0  }
0x1b0: {  	s20 =	rddreg [dreg:$0x8];
	[sflag:s19] =	ssyncadd.s32 $0xFFFFF000  }
0x1b1: {  	[hbm4b:s20+s4] =	stream.linear.scatter [tilespmem:s0], [sflag:$0x6], $0x5000, $0x38;
	[tilespmem:$0x12940] =	vst v63  }
0x1b2: {  	_ =	swait.ge [sflag:s14], $0x5000  }
0x1b3: {  	s17 =	sadd.s32 $0x1, s17;
	s21 =	rddreg [dreg:$0x9]  }
0x1b4: {  	p0 =	sne.s32 s17, s21  }
.Ltmp3:
0x1b5: {  	_ = 	snop;
	(pc) =	sbr.rel @p0 .LBB2_1-.Ltmp3, $3  }
0x1b6: {  	_ =	sdelay $0x1  }
0x1b7: {  	[sflag:s14] =	ssyncset.done $0x0  }
0x1b8: {  	[sflag:s14] =	ssyncadd.s32 $0xFFFFB000  }
0x1b9: {  	_ =	sfence.sel $0x180000  }
0x1ba: {  	[bflag:$0x0] =	sbarrier.arrive $0xFFFF  }
0x1bb: {  	_ =	strace $0x90000047  }
0x1bc: {  	s0 =	stileid.u32;
	[bflag:$0x2] =	sbarrier.arrive $0xFFFF  }
0x1bd: {  	p0 =	sne.s32 s0, $0x0;
	s0 =	rddreg [dreg:$0x3]  }
0x1be: {  	s0 =	sadd.s32 @!p0 $0x100000, s0  }
0x1bf: {  	[sflag:s0] =	ssyncadd.tile.s32 @!p0 $0x1;
	_ =	shalt  }
.Lfunc_end2:
_tile_overlayer_lowered:
.L_overlay_start_2:
0x1c0: {  	(tag) =	ssettag $0x2  }
0x1c1: {  	s0 =	rddreg [dreg:$0x0];
	s2 =	stileid.u32  }
0x1c2: {  	s1 =	rddreg [dreg:$0x1];
	p0 =	sne.s32 s2, $0x0  }
0x1c3: {  	s3 =	rddreg [dreg:$0x2];
	[bflag:$0x3] =	sbarrier.arrive $0xFFFF;
	s2 =	simm.s32 @!p0 $0x1C06  }
0x1c4: {  	[timem:s3], [sflag:s2] =	dma.local @!p0 [hbm:s0], s1  }
0x1c5: {  	s0 =	simm.s32 @!p0 $0x6  }
0x1c6: {  	_ =	swait.ge @!p0 [sflag:s0], s1  }
0x1c7: {  	s1 =	ssub.s32 @!p0 $0x0, s1;
	[sflag:s0] =	ssyncset.done @!p0 $0x0  }
0x1c8: {  	[sflag:s0] =	ssyncadd.s32 @!p0 s1  }
0x1c9: {  	[bflag:$0x3] =	sbarrier.arrive $0xFFFF  }
0x1ca: {  	_ =	shalt  }

</sc_bundles>
